<compile_context>
chip_gen: v7x
topology: tpu7x:2x2x1
jax: 0.10.2.dev20260603
libtpu: 0.0.44.dev20260713+nightly
codegen_flags: <defaults>
</compile_context>

<pallas_src>
import functools

import jax
import jax.numpy as jnp
from jax import lax
from jax.experimental import pallas as pl
from jax.experimental.pallas import tpu as pltpu
from jax.experimental.pallas import tpu_sc as plsc

B, F, D = 4096, 26, 16
SEG = 100000
SEGP = SEG + 96
HSEG = SEGP // 2
TOTAL = F * SEG
NW = 32
FD = F * D
TPW = FD // NW
H1, H2 = 256, 128
BLK = 2048


def _sc_gather(xt, emb_t, lin_t):
    mesh = plsc.VectorSubcoreMesh(core_axis_name="c", subcore_axis_name="s")

    @functools.partial(
        pl.kernel,
        mesh=mesh,
        out_type=[
            jax.ShapeDtypeStruct((FD, B), jnp.float32),
            jax.ShapeDtypeStruct((F, B), jnp.float32),
        ],
        scratch_types=[
            pltpu.VMEM((B,), jnp.int32),
            [pltpu.VMEM((HSEG,), jnp.float32) for _ in range(2)],
            [pltpu.VMEM((B,), jnp.float32) for _ in range(2)],
            [pltpu.SemaphoreType.DMA for _ in range(4)],
        ],
        compiler_params=pltpu.CompilerParams(needs_layout_passes=False),
    )
    def k(xt_hbm, emb_hbm, lin_hbm, emb_out, lin_out, ids_v, segs, outs,
          sems):
        wid = lax.axis_index("s") * 2 + lax.axis_index("c")

        def pick_half0(shift, seg, out):
            def body(i, _):
                idx = ids_v[pl.ds(i * 16, 16)] + shift
                i0 = jnp.minimum(idx, HSEG - 1)
                out[pl.ds(i * 16, 16)] = plsc.load_gather(seg, [i0])
                return 0
            lax.fori_loop(0, B // 16, body, 0)

        def pick_half1(shift, seg, out):
            def body(i, _):
                sl = pl.ds(i * 16, 16)
                idx = ids_v[sl] + shift
                i1 = jnp.maximum(idx - HSEG, 0)
                g1 = plsc.load_gather(seg, [i1])
                out[sl] = jnp.where(idx >= HSEG, g1, out[sl])
                return 0
            lax.fori_loop(0, B // 16, body, 0)

        def task_params(j):
            t = wid * TPW + j
            f = t // D
            d = lax.rem(t, D)
            a = f * SEG
            sa = pl.multiple_of(a - lax.rem(a, 128), 128)
            return t, f, d, sa, a - sa

        def issue(j, h):
            _, _, d, sa, _ = task_params(j)
            return pltpu.async_copy(
                emb_hbm.at[d, pl.ds(sa + h * HSEG, HSEG)], segs[h], sems[h])

        seg_cp = [issue(0, 0), issue(0, 1)]
        out_cp = [None, None]
        for j in range(TPW):
            t, f, d, _, shift = task_params(j)
            if j == 0:
                pltpu.sync_copy(xt_hbm.at[f], ids_v)
            else:
                @pl.when(d == 0)
                def _():
                    pltpu.sync_copy(xt_hbm.at[f], ids_v)
            if out_cp[j % 2] is not None:
                out_cp[j % 2].wait()
            out_v = outs[j % 2]
            seg_cp[0].wait()
            pick_half0(shift, segs[0], out_v)
            if j + 1 < TPW:
                seg_cp[0] = issue(j + 1, 0)
            seg_cp[1].wait()
            pick_half1(shift, segs[1], out_v)
            if j + 1 < TPW:
                seg_cp[1] = issue(j + 1, 1)
            out_cp[j % 2] = pltpu.async_copy(out_v, emb_out.at[t],
                                             sems[2 + j % 2])
        out_cp[0].wait()
        out_cp[1].wait()

        @pl.when(wid < F)
        def _():
            a = wid * SEG
            sa = pl.multiple_of(a - lax.rem(a, 128), 128)
            shift = a - sa
            pltpu.sync_copy(xt_hbm.at[wid], ids_v)
            pltpu.sync_copy(lin_hbm.at[0, pl.ds(sa, HSEG)], segs[0])
            pltpu.sync_copy(lin_hbm.at[0, pl.ds(sa + HSEG, HSEG)], segs[1])
            pick_half0(shift, segs[0], outs[0])
            pick_half1(shift, segs[1], outs[0])
            pltpu.sync_copy(outs[0], lin_out.at[wid])

    return k(xt, emb_t, lin_t)


def _tc_body(emb_ref, lin_ref, W1_ref, s1_ref, t1_ref, W2_ref, s2_ref,
             t2_ref, w3_ref, cb_ref, out_ref):
    et = emb_ref[...]
    r = lax.broadcasted_iota(jnp.int32, (D, FD), 1)
    c = lax.broadcasted_iota(jnp.int32, (D, FD), 0)
    sel = jnp.where((r % D) == c, 1.0, 0.0)
    sum_e = jnp.dot(sel, et, preferred_element_type=jnp.float32)
    t1 = jnp.sum(sum_e * sum_e, axis=0, keepdims=True)
    t2 = jnp.sum(et * et, axis=0, keepdims=True)
    second = 0.5 * (t1 - t2)
    first = jnp.sum(lin_ref[...], axis=0, keepdims=True)
    dn = (((0,), (0,)), ((), ()))
    h = lax.dot_general(W1_ref[...], et, dn,
                        preferred_element_type=jnp.float32)
    h = jnp.maximum(h * s1_ref[...] + t1_ref[...], 0.0)
    h = lax.dot_general(W2_ref[...], h, dn,
                        preferred_element_type=jnp.float32)
    h = jnp.maximum(h * s2_ref[...] + t2_ref[...], 0.0)
    deep = lax.dot_general(w3_ref[...], h, dn,
                           preferred_element_type=jnp.float32)
    out_ref[...] = first + second + deep + cb_ref[0, 0]


def _tc_dense(emb_t, lin_t, W1, s1, t1, W2, s2, t2, w3, cb):
    grid = (B // BLK,)
    full = lambda shape: pl.BlockSpec(shape, lambda i: (0, 0))
    return pl.pallas_call(
        _tc_body,
        grid=grid,
        in_specs=[
            pl.BlockSpec((FD, BLK), lambda i: (0, i)),
            pl.BlockSpec((F, BLK), lambda i: (0, i)),
            full((FD, H1)),
            full((H1, 1)),
            full((H1, 1)),
            full((H1, H2)),
            full((H2, 1)),
            full((H2, 1)),
            full((H2, 1)),
            full((1, 1)),
        ],
        out_specs=pl.BlockSpec((1, BLK), lambda i: (0, i)),
        out_shape=jax.ShapeDtypeStruct((1, B), jnp.float32),
    )(emb_t, lin_t, W1, s1, t1, W2, s2, t2, w3, cb)


def kernel(x, lin_w, lin_b, emb_w, W1, b1, g1, be1, W2, b2, g2, be2, W3, b3):
    xt = x.T
    emb_t = emb_w.T
    lin_t = lin_w.T

    emb_feat, lin_feat = _sc_gather(xt, emb_t, lin_t)

    inv = 1.0 / jnp.sqrt(jnp.float32(1.0 + 1e-5))
    s1 = (g1 * inv).reshape(H1, 1)
    t1 = (b1 * g1 * inv + be1).reshape(H1, 1)
    s2 = (g2 * inv).reshape(H2, 1)
    t2 = (b2 * g2 * inv + be2).reshape(H2, 1)
    w3 = W3
    cb = (lin_b + b3).reshape(1, 1)

    out = _tc_dense(emb_feat, lin_feat, W1, s1, t1, W2, s2, t2, w3, cb)
    return out.reshape(B)

# --- scband reference (transcript-rebuilt; emitter-appended) ---
"""Pipeline reference for scband-deep-fm-38963943309997 (READ-ONLY COPY).

The authoritative reference and input builder live on the scoring server;
editing this copy changes nothing except your own understanding.
"""

import jax, jax.numpy as jnp
import numpy as np

B, F, D = 4096, 26, 16
FIELD_DIMS = [100000] * 26
TOTAL = sum(FIELD_DIMS)
MLP_DIMS = [256, 128]


def setup_inputs(seed: int = 0) -> dict:
    key = jax.random.key(seed)
    ks = jax.random.split(key, 16)
    x = jax.random.randint(ks[0], (B, F), 0, 100000, dtype=jnp.int32)
    lin_w = jax.random.normal(ks[1], (TOTAL, 1), dtype=jnp.float32) * 0.01
    lin_b = jnp.zeros((1,), dtype=jnp.float32)
    emb_w = jax.random.normal(ks[2], (TOTAL, D), dtype=jnp.float32) * 0.01
    in_dim = F * D
    W1 = jax.random.normal(ks[3], (in_dim, MLP_DIMS[0]), dtype=jnp.float32) * (1.0 / np.sqrt(in_dim))
    b1 = jnp.zeros((MLP_DIMS[0],), dtype=jnp.float32)
    g1 = jnp.ones((MLP_DIMS[0],), dtype=jnp.float32)
    be1 = jnp.zeros((MLP_DIMS[0],), dtype=jnp.float32)
    W2 = jax.random.normal(ks[4], (MLP_DIMS[0], MLP_DIMS[1]), dtype=jnp.float32) * (1.0 / np.sqrt(MLP_DIMS[0]))
    b2 = jnp.zeros((MLP_DIMS[1],), dtype=jnp.float32)
    g2 = jnp.ones((MLP_DIMS[1],), dtype=jnp.float32)
    be2 = jnp.zeros((MLP_DIMS[1],), dtype=jnp.float32)
    W3 = jax.random.normal(ks[5], (MLP_DIMS[1], 1), dtype=jnp.float32) * (1.0 / np.sqrt(MLP_DIMS[1]))
    b3 = jnp.zeros((1,), dtype=jnp.float32)
    return {"x": x, "lin_w": lin_w, "lin_b": lin_b, "emb_w": emb_w,
            "W1": W1, "b1": b1, "g1": g1, "be1": be1,
            "W2": W2, "b2": b2, "g2": g2, "be2": be2,
            "W3": W3, "b3": b3}


def reference(x, lin_w, lin_b, emb_w, W1, b1, g1, be1, W2, b2, g2, be2, W3, b3):
    field_dims = np.array(FIELD_DIMS, dtype=np.int64)
    offsets = np.concatenate([[0], np.cumsum(field_dims)[:-1]]).astype(np.int32)
    xi = x + offsets[None, :]
    # FeaturesLinear: first-order term
    first = jnp.take(lin_w, xi, axis=0).sum(axis=1) + lin_b  # [B, 1]
    first = first.squeeze(1)  # [B]
    # FeaturesEmbedding
    emb = jnp.take(emb_w, xi, axis=0)  # [B, F, D]
    # FMLayer_Dense: 0.5 * sum(square_of_sum - sum_of_square)
    sum_e = emb.sum(axis=1)                 # [B, D]
    square_of_sum = sum_e ** 2              # [B, D]
    sum_of_square = (emb ** 2).sum(axis=1)  # [B, D]
    second = 0.5 * (square_of_sum - sum_of_square).sum(axis=1)  # [B]
    # MLP_Base (batchnorm in eval mode: running_mean=0, running_var=1; dropout inactive)
    eps = 1e-5
    h = emb.reshape(emb.shape[0], F * D)
    h = h @ W1 + b1
    h = (h / jnp.sqrt(1.0 + eps)) * g1 + be1
    h = jax.nn.relu(h)
    h = h @ W2 + b2
    h = (h / jnp.sqrt(1.0 + eps)) * g2 + be2
    h = jax.nn.relu(h)
    deep = (h @ W3 + b3).squeeze(1)  # [B]
    return first + second + deep

if __name__ == "__main__":
    import jax
    _d = setup_inputs()
    print(jax.jit(kernel)(*tuple(_d.values())))

</pallas_src>

<mosaic_0001>
#map = affine_map<(d0, d1) -> (0, 0)>
module attributes {stable_mosaic.version = 14 : i64} {
  func.func @k(%arg0: i32, %arg1: i32, %arg2: memref<26x4096xi32, #tpu.memory_space<hbm>>, %arg3: memref<16x2600000xf32, #tpu.memory_space<hbm>>, %arg4: memref<1x2600000xf32, #tpu.memory_space<hbm>>, %arg5: memref<416x4096xf32, #tpu.memory_space<hbm>>, %arg6: memref<26x4096xf32, #tpu.memory_space<hbm>>, %arg7: memref<4096xi32, #tpu.memory_space<vmem>>, %arg8: memref<50048xf32, #tpu.memory_space<vmem>>, %arg9: memref<50048xf32, #tpu.memory_space<vmem>>, %arg10: memref<4096xf32, #tpu.memory_space<vmem>>, %arg11: memref<4096xf32, #tpu.memory_space<vmem>>, %arg12: memref<!tpu.dma_semaphore, #tpu.memory_space<semaphore_mem>>, %arg13: memref<!tpu.dma_semaphore, #tpu.memory_space<semaphore_mem>>, %arg14: memref<!tpu.dma_semaphore, #tpu.memory_space<semaphore_mem>>, %arg15: memref<!tpu.dma_semaphore, #tpu.memory_space<semaphore_mem>>) attributes {dimension_semantics = [#tpu.dimension_semantics<core_parallel>, #tpu.dimension_semantics<subcore_parallel>], iteration_bounds = array<i64: 2, 16>, scalar_prefetch = 0 : i64, scratch_operands = 9 : i64, tpu.core_type = #tpu.core_type<sc_vector_subcore>, window_params = [{transform_indices = #map}, {transform_indices = #map}, {transform_indices = #map}, {transform_indices = #map}, {transform_indices = #map}]} {
    %mul3A = arith.constant 2 : i32
    %mul3A_0 = arith.muli %arg1, %mul3A : i32
    %add3A = arith.addi %mul3A_0, %arg0 : i32
    %mul3A_1 = arith.constant 13 : i32
    %mul3A_2 = arith.muli %add3A, %mul3A_1 : i32
    %add3A_3 = arith.constant 0 : i32
    %add3A_4 = arith.addi %mul3A_2, %add3A_3 : i32
    %jit3A = arith.constant 16 : i32
    %div3A = arith.divsi %add3A_4, %jit3A : i32
    %sign3A = arith.constant 0 : i32
    %sign3A_5 = arith.cmpi sgt, %add3A_4, %sign3A : i32
    %sign3A_6 = arith.extui %sign3A_5 : i1 to i32
    %sign3A_7 = arith.constant 0 : i32
    %sign3A_8 = arith.cmpi slt, %add3A_4, %sign3A_7 : i32
    %sign3A_9 = arith.extui %sign3A_8 : i1 to i32
    %sign3A_10 = arith.subi %sign3A_6, %sign3A_9 : i32
    %sign3A_11 = arith.constant 0 : i32
    %sign3A_12 = arith.cmpi sgt, %jit3A, %sign3A_11 : i32
    %sign3A_13 = arith.extui %sign3A_12 : i1 to i32
    %sign3A_14 = arith.constant 0 : i32
    %sign3A_15 = arith.cmpi slt, %jit3A, %sign3A_14 : i32
    %sign3A_16 = arith.extui %sign3A_15 : i1 to i32
    %sign3A_17 = arith.subi %sign3A_13, %sign3A_16 : i32
    %ne3A = arith.cmpi ne, %sign3A_10, %sign3A_17 : i32
    %rem3A = arith.remsi %add3A_4, %jit3A : i32
    %ne3A_18 = arith.constant 0 : i32
    %ne3A_19 = arith.cmpi ne, %rem3A, %ne3A_18 : i32
    %and3A = arith.andi %ne3A, %ne3A_19 : i1
    %sub3A = arith.constant 1 : i32
    %sub3A_20 = arith.subi %div3A, %sub3A : i32
    %select_n3A = arith.select %and3A, %sub3A_20, %div3A : i32
    %rem3A_21 = arith.constant 16 : i32
    %rem3A_22 = arith.remsi %add3A_4, %rem3A_21 : i32
    %mul3A_23 = arith.constant 100000 : i32
    %mul3A_24 = arith.muli %select_n3A, %mul3A_23 : i32
    %rem3A_25 = arith.constant 128 : i32
    %rem3A_26 = arith.remsi %mul3A_24, %rem3A_25 : i32
    %sub3A_27 = arith.subi %mul3A_24, %rem3A_26 : i32
    %multiple_of3A = tpu.assume_multiple %sub3A_27, 128 : i32
    %sub3A_28 = arith.subi %mul3A_24, %multiple_of3A : i32
    %add3A_29 = arith.constant 0 : i32
    %add3A_30 = arith.addi %multiple_of3A, %add3A_29 : i32
    %dma_start3A = tpu.memref_slice %arg3[%rem3A_22, %add3A_30] : memref<16x2600000xf32, #tpu.memory_space<hbm>> -> memref<1x50048xf32, #tpu.memory_space<hbm>>
    %dma_start3A_31 = tpu.memref_squeeze %dma_start3A : memref<1x50048xf32, #tpu.memory_space<hbm>> -> memref<50048xf32, #tpu.memory_space<hbm>>
    %dma_start3A_32 = tpu.memref_slice %arg3[%rem3A_22, %add3A_30] : memref<16x2600000xf32, #tpu.memory_space<hbm>> -> memref<1x50048xf32, #tpu.memory_space<hbm>>
    %dma_start3A_33 = tpu.memref_squeeze %dma_start3A_32 : memref<1x50048xf32, #tpu.memory_space<hbm>> -> memref<50048xf32, #tpu.memory_space<hbm>>
    tpu.enqueue_dma source(%dma_start3A_33 : memref<50048xf32, #tpu.memory_space<hbm>>) target(%arg8 : memref<50048xf32, #tpu.memory_space<vmem>>) target_semaphore(%arg12 : memref<!tpu.dma_semaphore, #tpu.memory_space<semaphore_mem>>)
    %mul3A_34 = arith.constant 13 : i32
    %mul3A_35 = arith.muli %add3A, %mul3A_34 : i32
    %add3A_36 = arith.constant 0 : i32
    %add3A_37 = arith.addi %mul3A_35, %add3A_36 : i32
    %jit3A_38 = arith.constant 16 : i32
    %div3A_39 = arith.divsi %add3A_37, %jit3A_38 : i32
    %sign3A_40 = arith.constant 0 : i32
    %sign3A_41 = arith.cmpi sgt, %add3A_37, %sign3A_40 : i32
    %sign3A_42 = arith.extui %sign3A_41 : i1 to i32
    %sign3A_43 = arith.constant 0 : i32
    %sign3A_44 = arith.cmpi slt, %add3A_37, %sign3A_43 : i32
    %sign3A_45 = arith.extui %sign3A_44 : i1 to i32
    %sign3A_46 = arith.subi %sign3A_42, %sign3A_45 : i32
    %sign3A_47 = arith.constant 0 : i32
    %sign3A_48 = arith.cmpi sgt, %jit3A_38, %sign3A_47 : i32
    %sign3A_49 = arith.extui %sign3A_48 : i1 to i32
    %sign3A_50 = arith.constant 0 : i32
    %sign3A_51 = arith.cmpi slt, %jit3A_38, %sign3A_50 : i32
    %sign3A_52 = arith.extui %sign3A_51 : i1 to i32
    %sign3A_53 = arith.subi %sign3A_49, %sign3A_52 : i32
    %ne3A_54 = arith.cmpi ne, %sign3A_46, %sign3A_53 : i32
    %rem3A_55 = arith.remsi %add3A_37, %jit3A_38 : i32
    %ne3A_56 = arith.constant 0 : i32
    %ne3A_57 = arith.cmpi ne, %rem3A_55, %ne3A_56 : i32
    %and3A_58 = arith.andi %ne3A_54, %ne3A_57 : i1
    %sub3A_59 = arith.constant 1 : i32
    %sub3A_60 = arith.subi %div3A_39, %sub3A_59 : i32
    %select_n3A_61 = arith.select %and3A_58, %sub3A_60, %div3A_39 : i32
    %rem3A_62 = arith.constant 16 : i32
    %rem3A_63 = arith.remsi %add3A_37, %rem3A_62 : i32
    %mul3A_64 = arith.constant 100000 : i32
    %mul3A_65 = arith.muli %select_n3A_61, %mul3A_64 : i32
    %rem3A_66 = arith.constant 128 : i32
    %rem3A_67 = arith.remsi %mul3A_65, %rem3A_66 : i32
    %sub3A_68 = arith.subi %mul3A_65, %rem3A_67 : i32
    %multiple_of3A_69 = tpu.assume_multiple %sub3A_68, 128 : i32
    %sub3A_70 = arith.subi %mul3A_65, %multiple_of3A_69 : i32
    %add3A_71 = arith.constant 50048 : i32
    %add3A_72 = arith.addi %multiple_of3A_69, %add3A_71 : i32
    %dma_start3A_73 = tpu.memref_slice %arg3[%rem3A_63, %add3A_72] : memref<16x2600000xf32, #tpu.memory_space<hbm>> -> memref<1x50048xf32, #tpu.memory_space<hbm>>
    %dma_start3A_74 = tpu.memref_squeeze %dma_start3A_73 : memref<1x50048xf32, #tpu.memory_space<hbm>> -> memref<50048xf32, #tpu.memory_space<hbm>>
    %dma_start3A_75 = tpu.memref_slice %arg3[%rem3A_63, %add3A_72] : memref<16x2600000xf32, #tpu.memory_space<hbm>> -> memref<1x50048xf32, #tpu.memory_space<hbm>>
    %dma_start3A_76 = tpu.memref_squeeze %dma_start3A_75 : memref<1x50048xf32, #tpu.memory_space<hbm>> -> memref<50048xf32, #tpu.memory_space<hbm>>
    tpu.enqueue_dma source(%dma_start3A_76 : memref<50048xf32, #tpu.memory_space<hbm>>) target(%arg9 : memref<50048xf32, #tpu.memory_space<vmem>>) target_semaphore(%arg13 : memref<!tpu.dma_semaphore, #tpu.memory_space<semaphore_mem>>)
    %mul3A_77 = arith.constant 13 : i32
    %mul3A_78 = arith.muli %add3A, %mul3A_77 : i32
    %add3A_79 = arith.constant 0 : i32
    %add3A_80 = arith.addi %mul3A_78, %add3A_79 : i32
    %jit3A_81 = arith.constant 16 : i32
    %div3A_82 = arith.divsi %add3A_80, %jit3A_81 : i32
    %sign3A_83 = arith.constant 0 : i32
    %sign3A_84 = arith.cmpi sgt, %add3A_80, %sign3A_83 : i32
    %sign3A_85 = arith.extui %sign3A_84 : i1 to i32
    %sign3A_86 = arith.constant 0 : i32
    %sign3A_87 = arith.cmpi slt, %add3A_80, %sign3A_86 : i32
    %sign3A_88 = arith.extui %sign3A_87 : i1 to i32
    %sign3A_89 = arith.subi %sign3A_85, %sign3A_88 : i32
    %sign3A_90 = arith.constant 0 : i32
    %sign3A_91 = arith.cmpi sgt, %jit3A_81, %sign3A_90 : i32
    %sign3A_92 = arith.extui %sign3A_91 : i1 to i32
    %sign3A_93 = arith.constant 0 : i32
    %sign3A_94 = arith.cmpi slt, %jit3A_81, %sign3A_93 : i32
    %sign3A_95 = arith.extui %sign3A_94 : i1 to i32
    %sign3A_96 = arith.subi %sign3A_92, %sign3A_95 : i32
    %ne3A_97 = arith.cmpi ne, %sign3A_89, %sign3A_96 : i32
    %rem3A_98 = arith.remsi %add3A_80, %jit3A_81 : i32
    %ne3A_99 = arith.constant 0 : i32
    %ne3A_100 = arith.cmpi ne, %rem3A_98, %ne3A_99 : i32
    %and3A_101 = arith.andi %ne3A_97, %ne3A_100 : i1
    %sub3A_102 = arith.constant 1 : i32
    %sub3A_103 = arith.subi %div3A_82, %sub3A_102 : i32
    %select_n3A_104 = arith.select %and3A_101, %sub3A_103, %div3A_82 : i32
    %rem3A_105 = arith.constant 16 : i32
    %rem3A_106 = arith.remsi %add3A_80, %rem3A_105 : i32
    %mul3A_107 = arith.constant 100000 : i32
    %mul3A_108 = arith.muli %select_n3A_104, %mul3A_107 : i32
    %rem3A_109 = arith.constant 128 : i32
    %rem3A_110 = arith.remsi %mul3A_108, %rem3A_109 : i32
    %sub3A_111 = arith.subi %mul3A_108, %rem3A_110 : i32
    %multiple_of3A_112 = tpu.assume_multiple %sub3A_111, 128 : i32
    %sub3A_113 = arith.subi %mul3A_108, %multiple_of3A_112 : i32
    "tpu.region"() ({
      %run_scoped3A = tpu.sem_alloc : memref<!tpu.dma_semaphore, #tpu.memory_space<semaphore_mem>>
      %dma_start3A_2091 = arith.constant 0 : i32
      %dma_start3A_2092 = tpu.memref_slice %arg2[%select_n3A_104, %dma_start3A_2091] : memref<26x4096xi32, #tpu.memory_space<hbm>> -> memref<1x4096xi32, #tpu.memory_space<hbm>>
      %dma_start3A_2093 = tpu.memref_squeeze %dma_start3A_2092 : memref<1x4096xi32, #tpu.memory_space<hbm>> -> memref<4096xi32, #tpu.memory_space<hbm>>
      %dma_start3A_2094 = arith.constant 0 : i32
      %dma_start3A_2095 = tpu.memref_slice %arg2[%select_n3A_104, %dma_start3A_2094] : memref<26x4096xi32, #tpu.memory_space<hbm>> -> memref<1x4096xi32, #tpu.memory_space<hbm>>
      %dma_start3A_2096 = tpu.memref_squeeze %dma_start3A_2095 : memref<1x4096xi32, #tpu.memory_space<hbm>> -> memref<4096xi32, #tpu.memory_space<hbm>>
      tpu.enqueue_dma source(%dma_start3A_2096 : memref<4096xi32, #tpu.memory_space<hbm>>) target(%arg7 : memref<4096xi32, #tpu.memory_space<vmem>>) target_semaphore(%run_scoped3A : memref<!tpu.dma_semaphore, #tpu.memory_space<semaphore_mem>>)
      %dma_wait3A_2097 = arith.constant 0 : i32
      %dma_wait3A_2098 = tpu.memref_slice %arg2[%select_n3A_104, %dma_wait3A_2097] : memref<26x4096xi32, #tpu.memory_space<hbm>> -> memref<1x4096xi32, #tpu.memory_space<hbm>>
      %dma_wait3A_2099 = tpu.memref_squeeze %dma_wait3A_2098 : memref<1x4096xi32, #tpu.memory_space<hbm>> -> memref<4096xi32, #tpu.memory_space<hbm>>
      %dma_wait3A_2100 = arith.constant 0 : i32
      %dma_wait3A_2101 = tpu.memref_slice %arg2[%select_n3A_104, %dma_wait3A_2100] : memref<26x4096xi32, #tpu.memory_space<hbm>> -> memref<1x4096xi32, #tpu.memory_space<hbm>>
      %dma_wait3A_2102 = tpu.memref_squeeze %dma_wait3A_2101 : memref<1x4096xi32, #tpu.memory_space<hbm>> -> memref<4096xi32, #tpu.memory_space<hbm>>
      tpu.wait_dma2 semaphore(%run_scoped3A : memref<!tpu.dma_semaphore, #tpu.memory_space<semaphore_mem>>) src(%dma_wait3A_2102 : memref<4096xi32, #tpu.memory_space<hbm>>) dst(%arg7 : memref<4096xi32, #tpu.memory_space<vmem>>)
      tpu.yield
    }) : () -> ()
    %dma_wait3A = tpu.memref_slice %arg3[%rem3A_22, %add3A_30] : memref<16x2600000xf32, #tpu.memory_space<hbm>> -> memref<1x50048xf32, #tpu.memory_space<hbm>>
    %dma_wait3A_114 = tpu.memref_squeeze %dma_wait3A : memref<1x50048xf32, #tpu.memory_space<hbm>> -> memref<50048xf32, #tpu.memory_space<hbm>>
    %dma_wait3A_115 = tpu.memref_slice %arg3[%rem3A_22, %add3A_30] : memref<16x2600000xf32, #tpu.memory_space<hbm>> -> memref<1x50048xf32, #tpu.memory_space<hbm>>
    %dma_wait3A_116 = tpu.memref_squeeze %dma_wait3A_115 : memref<1x50048xf32, #tpu.memory_space<hbm>> -> memref<50048xf32, #tpu.memory_space<hbm>>
    tpu.wait_dma2 semaphore(%arg12 : memref<!tpu.dma_semaphore, #tpu.memory_space<semaphore_mem>>) src(%dma_wait3A_116 : memref<50048xf32, #tpu.memory_space<hbm>>) dst(%arg8 : memref<50048xf32, #tpu.memory_space<vmem>>)
    %scan3A = arith.constant 0 : i32
    %scan3A_117 = arith.constant 0 : i32
    %scan3A_118 = arith.constant 256 : i32
    %scan3A_119 = arith.addi %scan3A_117, %scan3A_118 : i32
    %scan3A_120 = arith.constant 1 : i32
    %scan3A_121 = scf.for %scan3A_2091 = %scan3A_117 to %scan3A_119 step %scan3A_120 iter_args(%scan3A_2092 = %scan3A) -> (i32)  : i32 {
      %mul3A_2093 = arith.constant 16 : i32
      %mul3A_2094 = arith.muli %scan3A_2091, %mul3A_2093 : i32
      %get3A = arith.index_cast %mul3A_2094 : i32 to index
      %get3A_2095 = tpu.vector_load %arg7[%get3A] {strides = array<i32>} : memref<4096xi32, #tpu.memory_space<vmem>>, vector<16xi32>,
      %add3A_2096 = vector.broadcast %sub3A_113 : i32 to vector<16xi32>
      %add3A_2097 = arith.addi %get3A_2095, %add3A_2096 : vector<16xi32>
      %min3A = arith.constant 50047 : i32
      %min3A_2098 = vector.broadcast %min3A : i32 to vector<16xi32>
      %min3A_2099 = arith.minsi %add3A_2097, %min3A_2098 : vector<16xi32>
      %gather3A = tpu.vector_load_idx %arg8[%min3A_2099] : memref<50048xf32, #tpu.memory_space<vmem>>[vector<16xi32>], vector<16xf32>,
      %mul3A_2100 = arith.constant 16 : i32
      %mul3A_2101 = arith.muli %scan3A_2091, %mul3A_2100 : i32
      %swap3A = arith.index_cast %mul3A_2101 : i32 to index
      %swap3A_2102 = tpu.vector_load %arg10[%swap3A] {strides = array<i32>} : memref<4096xf32, #tpu.memory_space<vmem>>, vector<16xf32>,
      tpu.vector_store %arg10[%swap3A], %gather3A {strides = array<i32>} : memref<4096xf32, #tpu.memory_space<vmem>>, vector<16xf32>,
      %scan3A_2103 = arith.constant 0 : i32
      scf.yield %scan3A_2103 : i32
    }
    %scan3A_122 = arith.constant 256 : i32
    %mul3A_123 = arith.constant 13 : i32
    %mul3A_124 = arith.muli %add3A, %mul3A_123 : i32
    %add3A_125 = arith.constant 1 : i32
    %add3A_126 = arith.addi %mul3A_124, %add3A_125 : i32
    %jit3A_127 = arith.constant 16 : i32
    %div3A_128 = arith.divsi %add3A_126, %jit3A_127 : i32
    %sign3A_129 = arith.constant 0 : i32
    %sign3A_130 = arith.cmpi sgt, %add3A_126, %sign3A_129 : i32
    %sign3A_131 = arith.extui %sign3A_130 : i1 to i32
    %sign3A_132 = arith.constant 0 : i32
    %sign3A_133 = arith.cmpi slt, %add3A_126, %sign3A_132 : i32
    %sign3A_134 = arith.extui %sign3A_133 : i1 to i32
    %sign3A_135 = arith.subi %sign3A_131, %sign3A_134 : i32
    %sign3A_136 = arith.constant 0 : i32
    %sign3A_137 = arith.cmpi sgt, %jit3A_127, %sign3A_136 : i32
    %sign3A_138 = arith.extui %sign3A_137 : i1 to i32
    %sign3A_139 = arith.constant 0 : i32
    %sign3A_140 = arith.cmpi slt, %jit3A_127, %sign3A_139 : i32
    %sign3A_141 = arith.extui %sign3A_140 : i1 to i32
    %sign3A_142 = arith.subi %sign3A_138, %sign3A_141 : i32
    %ne3A_143 = arith.cmpi ne, %sign3A_135, %sign3A_142 : i32
    %rem3A_144 = arith.remsi %add3A_126, %jit3A_127 : i32
    %ne3A_145 = arith.constant 0 : i32
    %ne3A_146 = arith.cmpi ne, %rem3A_144, %ne3A_145 : i32
    %and3A_147 = arith.andi %ne3A_143, %ne3A_146 : i1
    %sub3A_148 = arith.constant 1 : i32
    %sub3A_149 = arith.subi %div3A_128, %sub3A_148 : i32
    %select_n3A_150 = arith.select %and3A_147, %sub3A_149, %div3A_128 : i32
    %rem3A_151 = arith.constant 16 : i32
    %rem3A_152 = arith.remsi %add3A_126, %rem3A_151 : i32
    %mul3A_153 = arith.constant 100000 : i32
    %mul3A_154 = arith.muli %select_n3A_150, %mul3A_153 : i32
    %rem3A_155 = arith.constant 128 : i32
    %rem3A_156 = arith.remsi %mul3A_154, %rem3A_155 : i32
    %sub3A_157 = arith.subi %mul3A_154, %rem3A_156 : i32
    %multiple_of3A_158 = tpu.assume_multiple %sub3A_157, 128 : i32
    %sub3A_159 = arith.subi %mul3A_154, %multiple_of3A_158 : i32
    %add3A_160 = arith.constant 0 : i32
    %add3A_161 = arith.addi %multiple_of3A_158, %add3A_160 : i32
    %dma_start3A_162 = tpu.memref_slice %arg3[%rem3A_152, %add3A_161] : memref<16x2600000xf32, #tpu.memory_space<hbm>> -> memref<1x50048xf32, #tpu.memory_space<hbm>>
    %dma_start3A_163 = tpu.memref_squeeze %dma_start3A_162 : memref<1x50048xf32, #tpu.memory_space<hbm>> -> memref<50048xf32, #tpu.memory_space<hbm>>
    %dma_start3A_164 = tpu.memref_slice %arg3[%rem3A_152, %add3A_161] : memref<16x2600000xf32, #tpu.memory_space<hbm>> -> memref<1x50048xf32, #tpu.memory_space<hbm>>
    %dma_start3A_165 = tpu.memref_squeeze %dma_start3A_164 : memref<1x50048xf32, #tpu.memory_space<hbm>> -> memref<50048xf32, #tpu.memory_space<hbm>>
    tpu.enqueue_dma source(%dma_start3A_165 : memref<50048xf32, #tpu.memory_space<hbm>>) target(%arg8 : memref<50048xf32, #tpu.memory_space<vmem>>) target_semaphore(%arg12 : memref<!tpu.dma_semaphore, #tpu.memory_space<semaphore_mem>>)
    %dma_wait3A_166 = tpu.memref_slice %arg3[%rem3A_63, %add3A_72] : memref<16x2600000xf32, #tpu.memory_space<hbm>> -> memref<1x50048xf32, #tpu.memory_space<hbm>>
    %dma_wait3A_167 = tpu.memref_squeeze %dma_wait3A_166 : memref<1x50048xf32, #tpu.memory_space<hbm>> -> memref<50048xf32, #tpu.memory_space<hbm>>
    %dma_wait3A_168 = tpu.memref_slice %arg3[%rem3A_63, %add3A_72] : memref<16x2600000xf32, #tpu.memory_space<hbm>> -> memref<1x50048xf32, #tpu.memory_space<hbm>>
    %dma_wait3A_169 = tpu.memref_squeeze %dma_wait3A_168 : memref<1x50048xf32, #tpu.memory_space<hbm>> -> memref<50048xf32, #tpu.memory_space<hbm>>
    tpu.wait_dma2 semaphore(%arg13 : memref<!tpu.dma_semaphore, #tpu.memory_space<semaphore_mem>>) src(%dma_wait3A_169 : memref<50048xf32, #tpu.memory_space<hbm>>) dst(%arg9 : memref<50048xf32, #tpu.memory_space<vmem>>)
    %scan3A_170 = arith.constant 0 : i32
    %scan3A_171 = arith.constant 0 : i32
    %scan3A_172 = arith.constant 256 : i32
    %scan3A_173 = arith.addi %scan3A_171, %scan3A_172 : i32
    %scan3A_174 = arith.constant 1 : i32
    %scan3A_175 = scf.for %scan3A_2091 = %scan3A_171 to %scan3A_173 step %scan3A_174 iter_args(%scan3A_2092 = %scan3A_170) -> (i32)  : i32 {
      %mul3A_2093 = arith.constant 16 : i32
      %mul3A_2094 = arith.muli %scan3A_2091, %mul3A_2093 : i32
      %get3A = arith.index_cast %mul3A_2094 : i32 to index
      %get3A_2095 = tpu.vector_load %arg7[%get3A] {strides = array<i32>} : memref<4096xi32, #tpu.memory_space<vmem>>, vector<16xi32>,
      %add3A_2096 = vector.broadcast %sub3A_113 : i32 to vector<16xi32>
      %add3A_2097 = arith.addi %get3A_2095, %add3A_2096 : vector<16xi32>
      %sub3A_2098 = arith.constant 50048 : i32
      %sub3A_2099 = vector.broadcast %sub3A_2098 : i32 to vector<16xi32>
      %sub3A_2100 = arith.subi %add3A_2097, %sub3A_2099 : vector<16xi32>
      %max3A = arith.constant 0 : i32
      %max3A_2101 = vector.broadcast %max3A : i32 to vector<16xi32>
      %max3A_2102 = arith.maxsi %sub3A_2100, %max3A_2101 : vector<16xi32>
      %gather3A = tpu.vector_load_idx %arg9[%max3A_2102] : memref<50048xf32, #tpu.memory_space<vmem>>[vector<16xi32>], vector<16xf32>,
      %ge3A = arith.constant 50048 : i32
      %ge3A_2103 = vector.broadcast %ge3A : i32 to vector<16xi32>
      %ge3A_2104 = arith.cmpi sge, %add3A_2097, %ge3A_2103 : vector<16xi32>
      %get3A_2105 = arith.index_cast %mul3A_2094 : i32 to index
      %get3A_2106 = tpu.vector_load %arg10[%get3A_2105] {strides = array<i32>} : memref<4096xf32, #tpu.memory_space<vmem>>, vector<16xf32>,
      %select_n3A_2107 = arith.select %ge3A_2104, %gather3A, %get3A_2106 : vector<16xi1>, vector<16xf32>
      %swap3A = arith.index_cast %mul3A_2094 : i32 to index
      %swap3A_2108 = tpu.vector_load %arg10[%swap3A] {strides = array<i32>} : memref<4096xf32, #tpu.memory_space<vmem>>, vector<16xf32>,
      tpu.vector_store %arg10[%swap3A], %select_n3A_2107 {strides = array<i32>} : memref<4096xf32, #tpu.memory_space<vmem>>, vector<16xf32>,
      %scan3A_2109 = arith.constant 0 : i32
      scf.yield %scan3A_2109 : i32
    }
    %scan3A_176 = arith.constant 256 : i32
    %mul3A_177 = arith.constant 13 : i32
    %mul3A_178 = arith.muli %add3A, %mul3A_177 : i32
    %add3A_179 = arith.constant 1 : i32
    %add3A_180 = arith.addi %mul3A_178, %add3A_179 : i32
    %jit3A_181 = arith.constant 16 : i32
    %div3A_182 = arith.divsi %add3A_180, %jit3A_181 : i32
    %sign3A_183 = arith.constant 0 : i32
    %sign3A_184 = arith.cmpi sgt, %add3A_180, %sign3A_183 : i32
    %sign3A_185 = arith.extui %sign3A_184 : i1 to i32
    %sign3A_186 = arith.constant 0 : i32
    %sign3A_187 = arith.cmpi slt, %add3A_180, %sign3A_186 : i32
    %sign3A_188 = arith.extui %sign3A_187 : i1 to i32
    %sign3A_189 = arith.subi %sign3A_185, %sign3A_188 : i32
    %sign3A_190 = arith.constant 0 : i32
    %sign3A_191 = arith.cmpi sgt, %jit3A_181, %sign3A_190 : i32
    %sign3A_192 = arith.extui %sign3A_191 : i1 to i32
    %sign3A_193 = arith.constant 0 : i32
    %sign3A_194 = arith.cmpi slt, %jit3A_181, %sign3A_193 : i32
    %sign3A_195 = arith.extui %sign3A_194 : i1 to i32
    %sign3A_196 = arith.subi %sign3A_192, %sign3A_195 : i32
    %ne3A_197 = arith.cmpi ne, %sign3A_189, %sign3A_196 : i32
    %rem3A_198 = arith.remsi %add3A_180, %jit3A_181 : i32
    %ne3A_199 = arith.constant 0 : i32
    %ne3A_200 = arith.cmpi ne, %rem3A_198, %ne3A_199 : i32
    %and3A_201 = arith.andi %ne3A_197, %ne3A_200 : i1
    %sub3A_202 = arith.constant 1 : i32
    %sub3A_203 = arith.subi %div3A_182, %sub3A_202 : i32
    %select_n3A_204 = arith.select %and3A_201, %sub3A_203, %div3A_182 : i32
    %rem3A_205 = arith.constant 16 : i32
    %rem3A_206 = arith.remsi %add3A_180, %rem3A_205 : i32
    %mul3A_207 = arith.constant 100000 : i32
    %mul3A_208 = arith.muli %select_n3A_204, %mul3A_207 : i32
    %rem3A_209 = arith.constant 128 : i32
    %rem3A_210 = arith.remsi %mul3A_208, %rem3A_209 : i32
    %sub3A_211 = arith.subi %mul3A_208, %rem3A_210 : i32
    %multiple_of3A_212 = tpu.assume_multiple %sub3A_211, 128 : i32
    %sub3A_213 = arith.subi %mul3A_208, %multiple_of3A_212 : i32
    %add3A_214 = arith.constant 50048 : i32
    %add3A_215 = arith.addi %multiple_of3A_212, %add3A_214 : i32
    %dma_start3A_216 = tpu.memref_slice %arg3[%rem3A_206, %add3A_215] : memref<16x2600000xf32, #tpu.memory_space<hbm>> -> memref<1x50048xf32, #tpu.memory_space<hbm>>
    %dma_start3A_217 = tpu.memref_squeeze %dma_start3A_216 : memref<1x50048xf32, #tpu.memory_space<hbm>> -> memref<50048xf32, #tpu.memory_space<hbm>>
    %dma_start3A_218 = tpu.memref_slice %arg3[%rem3A_206, %add3A_215] : memref<16x2600000xf32, #tpu.memory_space<hbm>> -> memref<1x50048xf32, #tpu.memory_space<hbm>>
    %dma_start3A_219 = tpu.memref_squeeze %dma_start3A_218 : memref<1x50048xf32, #tpu.memory_space<hbm>> -> memref<50048xf32, #tpu.memory_space<hbm>>
    tpu.enqueue_dma source(%dma_start3A_219 : memref<50048xf32, #tpu.memory_space<hbm>>) target(%arg9 : memref<50048xf32, #tpu.memory_space<vmem>>) target_semaphore(%arg13 : memref<!tpu.dma_semaphore, #tpu.memory_space<semaphore_mem>>)
    %dma_start3A_220 = arith.constant 0 : i32
    %dma_start3A_221 = tpu.memref_slice %arg5[%add3A_80, %dma_start3A_220] : memref<416x4096xf32, #tpu.memory_space<hbm>> -> memref<1x4096xf32, #tpu.memory_space<hbm>>
    %dma_start3A_222 = tpu.memref_squeeze %dma_start3A_221 : memref<1x4096xf32, #tpu.memory_space<hbm>> -> memref<4096xf32, #tpu.memory_space<hbm>>
    %dma_start3A_223 = arith.constant 0 : i32
    %dma_start3A_224 = tpu.memref_slice %arg5[%add3A_80, %dma_start3A_223] : memref<416x4096xf32, #tpu.memory_space<hbm>> -> memref<1x4096xf32, #tpu.memory_space<hbm>>
    %dma_start3A_225 = tpu.memref_squeeze %dma_start3A_224 : memref<1x4096xf32, #tpu.memory_space<hbm>> -> memref<4096xf32, #tpu.memory_space<hbm>>
    tpu.enqueue_dma source(%arg10 : memref<4096xf32, #tpu.memory_space<vmem>>) target(%dma_start3A_225 : memref<4096xf32, #tpu.memory_space<hbm>>) target_semaphore(%arg14 : memref<!tpu.dma_semaphore, #tpu.memory_space<semaphore_mem>>)
    %mul3A_226 = arith.constant 13 : i32
    %mul3A_227 = arith.muli %add3A, %mul3A_226 : i32
    %add3A_228 = arith.constant 1 : i32
    %add3A_229 = arith.addi %mul3A_227, %add3A_228 : i32
    %jit3A_230 = arith.constant 16 : i32
    %div3A_231 = arith.divsi %add3A_229, %jit3A_230 : i32
    %sign3A_232 = arith.constant 0 : i32
    %sign3A_233 = arith.cmpi sgt, %add3A_229, %sign3A_232 : i32
    %sign3A_234 = arith.extui %sign3A_233 : i1 to i32
    %sign3A_235 = arith.constant 0 : i32
    %sign3A_236 = arith.cmpi slt, %add3A_229, %sign3A_235 : i32
    %sign3A_237 = arith.extui %sign3A_236 : i1 to i32
    %sign3A_238 = arith.subi %sign3A_234, %sign3A_237 : i32
    %sign3A_239 = arith.constant 0 : i32
    %sign3A_240 = arith.cmpi sgt, %jit3A_230, %sign3A_239 : i32
    %sign3A_241 = arith.extui %sign3A_240 : i1 to i32
    %sign3A_242 = arith.constant 0 : i32
    %sign3A_243 = arith.cmpi slt, %jit3A_230, %sign3A_242 : i32
    %sign3A_244 = arith.extui %sign3A_243 : i1 to i32
    %sign3A_245 = arith.subi %sign3A_241, %sign3A_244 : i32
    %ne3A_246 = arith.cmpi ne, %sign3A_238, %sign3A_245 : i32
    %rem3A_247 = arith.remsi %add3A_229, %jit3A_230 : i32
    %ne3A_248 = arith.constant 0 : i32
    %ne3A_249 = arith.cmpi ne, %rem3A_247, %ne3A_248 : i32
    %and3A_250 = arith.andi %ne3A_246, %ne3A_249 : i1
    %sub3A_251 = arith.constant 1 : i32
    %sub3A_252 = arith.subi %div3A_231, %sub3A_251 : i32
    %select_n3A_253 = arith.select %and3A_250, %sub3A_252, %div3A_231 : i32
    %rem3A_254 = arith.constant 16 : i32
    %rem3A_255 = arith.remsi %add3A_229, %rem3A_254 : i32
    %mul3A_256 = arith.constant 100000 : i32
    %mul3A_257 = arith.muli %select_n3A_253, %mul3A_256 : i32
    %rem3A_258 = arith.constant 128 : i32
    %rem3A_259 = arith.remsi %mul3A_257, %rem3A_258 : i32
    %sub3A_260 = arith.subi %mul3A_257, %rem3A_259 : i32
    %multiple_of3A_261 = tpu.assume_multiple %sub3A_260, 128 : i32
    %sub3A_262 = arith.subi %mul3A_257, %multiple_of3A_261 : i32
    %eq3A = arith.constant 0 : i32
    %eq3A_263 = arith.cmpi eq, %rem3A_255, %eq3A : i32
    %convert_element_type3A = arith.extui %eq3A_263 : i1 to i32
    %cond3A = arith.constant 0 : i32
    %cond3A_264 = arith.cmpi ne, %convert_element_type3A, %cond3A : i32
    scf.if %cond3A_264 {
      "tpu.region"() ({
        %run_scoped3A = tpu.sem_alloc : memref<!tpu.dma_semaphore, #tpu.memory_space<semaphore_mem>>
        %dma_start3A_2091 = arith.constant 0 : i32
        %dma_start3A_2092 = tpu.memref_slice %arg2[%select_n3A_253, %dma_start3A_2091] : memref<26x4096xi32, #tpu.memory_space<hbm>> -> memref<1x4096xi32, #tpu.memory_space<hbm>>
        %dma_start3A_2093 = tpu.memref_squeeze %dma_start3A_2092 : memref<1x4096xi32, #tpu.memory_space<hbm>> -> memref<4096xi32, #tpu.memory_space<hbm>>
        %dma_start3A_2094 = arith.constant 0 : i32
        %dma_start3A_2095 = tpu.memref_slice %arg2[%select_n3A_253, %dma_start3A_2094] : memref<26x4096xi32, #tpu.memory_space<hbm>> -> memref<1x4096xi32, #tpu.memory_space<hbm>>
        %dma_start3A_2096 = tpu.memref_squeeze %dma_start3A_2095 : memref<1x4096xi32, #tpu.memory_space<hbm>> -> memref<4096xi32, #tpu.memory_space<hbm>>
        tpu.enqueue_dma source(%dma_start3A_2096 : memref<4096xi32, #tpu.memory_space<hbm>>) target(%arg7 : memref<4096xi32, #tpu.memory_space<vmem>>) target_semaphore(%run_scoped3A : memref<!tpu.dma_semaphore, #tpu.memory_space<semaphore_mem>>)
        %dma_wait3A_2097 = arith.constant 0 : i32
        %dma_wait3A_2098 = tpu.memref_slice %arg2[%select_n3A_253, %dma_wait3A_2097] : memref<26x4096xi32, #tpu.memory_space<hbm>> -> memref<1x4096xi32, #tpu.memory_space<hbm>>
        %dma_wait3A_2099 = tpu.memref_squeeze %dma_wait3A_2098 : memref<1x4096xi32, #tpu.memory_space<hbm>> -> memref<4096xi32, #tpu.memory_space<hbm>>
        %dma_wait3A_2100 = arith.constant 0 : i32
        %dma_wait3A_2101 = tpu.memref_slice %arg2[%select_n3A_253, %dma_wait3A_2100] : memref<26x4096xi32, #tpu.memory_space<hbm>> -> memref<1x4096xi32, #tpu.memory_space<hbm>>
        %dma_wait3A_2102 = tpu.memref_squeeze %dma_wait3A_2101 : memref<1x4096xi32, #tpu.memory_space<hbm>> -> memref<4096xi32, #tpu.memory_space<hbm>>
        tpu.wait_dma2 semaphore(%run_scoped3A : memref<!tpu.dma_semaphore, #tpu.memory_space<semaphore_mem>>) src(%dma_wait3A_2102 : memref<4096xi32, #tpu.memory_space<hbm>>) dst(%arg7 : memref<4096xi32, #tpu.memory_space<vmem>>)
        tpu.yield
      }) : () -> ()
    } else {
    }
    %dma_wait3A_265 = tpu.memref_slice %arg3[%rem3A_152, %add3A_161] : memref<16x2600000xf32, #tpu.memory_space<hbm>> -> memref<1x50048xf32, #tpu.memory_space<hbm>>
    %dma_wait3A_266 = tpu.memref_squeeze %dma_wait3A_265 : memref<1x50048xf32, #tpu.memory_space<hbm>> -> memref<50048xf32, #tpu.memory_space<hbm>>
    %dma_wait3A_267 = tpu.memref_slice %arg3[%rem3A_152, %add3A_161] : memref<16x2600000xf32, #tpu.memory_space<hbm>> -> memref<1x50048xf32, #tpu.memory_space<hbm>>
    %dma_wait3A_268 = tpu.memref_squeeze %dma_wait3A_267 : memref<1x50048xf32, #tpu.memory_space<hbm>> -> memref<50048xf32, #tpu.memory_space<hbm>>
    tpu.wait_dma2 semaphore(%arg12 : memref<!tpu.dma_semaphore, #tpu.memory_space<semaphore_mem>>) src(%dma_wait3A_268 : memref<50048xf32, #tpu.memory_space<hbm>>) dst(%arg8 : memref<50048xf32, #tpu.memory_space<vmem>>)
    %scan3A_269 = arith.constant 0 : i32
    %scan3A_270 = arith.constant 0 : i32
    %scan3A_271 = arith.constant 256 : i32
    %scan3A_272 = arith.addi %scan3A_270, %scan3A_271 : i32
    %scan3A_273 = arith.constant 1 : i32
    %scan3A_274 = scf.for %scan3A_2091 = %scan3A_270 to %scan3A_272 step %scan3A_273 iter_args(%scan3A_2092 = %scan3A_269) -> (i32)  : i32 {
      %mul3A_2093 = arith.constant 16 : i32
      %mul3A_2094 = arith.muli %scan3A_2091, %mul3A_2093 : i32
      %get3A = arith.index_cast %mul3A_2094 : i32 to index
      %get3A_2095 = tpu.vector_load %arg7[%get3A] {strides = array<i32>} : memref<4096xi32, #tpu.memory_space<vmem>>, vector<16xi32>,
      %add3A_2096 = vector.broadcast %sub3A_262 : i32 to vector<16xi32>
      %add3A_2097 = arith.addi %get3A_2095, %add3A_2096 : vector<16xi32>
      %min3A = arith.constant 50047 : i32
      %min3A_2098 = vector.broadcast %min3A : i32 to vector<16xi32>
      %min3A_2099 = arith.minsi %add3A_2097, %min3A_2098 : vector<16xi32>
      %gather3A = tpu.vector_load_idx %arg8[%min3A_2099] : memref<50048xf32, #tpu.memory_space<vmem>>[vector<16xi32>], vector<16xf32>,
      %mul3A_2100 = arith.constant 16 : i32
      %mul3A_2101 = arith.muli %scan3A_2091, %mul3A_2100 : i32
      %swap3A = arith.index_cast %mul3A_2101 : i32 to index
      %swap3A_2102 = tpu.vector_load %arg11[%swap3A] {strides = array<i32>} : memref<4096xf32, #tpu.memory_space<vmem>>, vector<16xf32>,
      tpu.vector_store %arg11[%swap3A], %gather3A {strides = array<i32>} : memref<4096xf32, #tpu.memory_space<vmem>>, vector<16xf32>,
      %scan3A_2103 = arith.constant 0 : i32
      scf.yield %scan3A_2103 : i32
    }
    %scan3A_275 = arith.constant 256 : i32
    %mul3A_276 = arith.constant 13 : i32
    %mul3A_277 = arith.muli %add3A, %mul3A_276 : i32
    %add3A_278 = arith.constant 2 : i32
    %add3A_279 = arith.addi %mul3A_277, %add3A_278 : i32
    %jit3A_280 = arith.constant 16 : i32
    %div3A_281 = arith.divsi %add3A_279, %jit3A_280 : i32
    %sign3A_282 = arith.constant 0 : i32
    %sign3A_283 = arith.cmpi sgt, %add3A_279, %sign3A_282 : i32
    %sign3A_284 = arith.extui %sign3A_283 : i1 to i32
    %sign3A_285 = arith.constant 0 : i32
    %sign3A_286 = arith.cmpi slt, %add3A_279, %sign3A_285 : i32
    %sign3A_287 = arith.extui %sign3A_286 : i1 to i32
    %sign3A_288 = arith.subi %sign3A_284, %sign3A_287 : i32
    %sign3A_289 = arith.constant 0 : i32
    %sign3A_290 = arith.cmpi sgt, %jit3A_280, %sign3A_289 : i32
    %sign3A_291 = arith.extui %sign3A_290 : i1 to i32
    %sign3A_292 = arith.constant 0 : i32
    %sign3A_293 = arith.cmpi slt, %jit3A_280, %sign3A_292 : i32
    %sign3A_294 = arith.extui %sign3A_293 : i1 to i32
    %sign3A_295 = arith.subi %sign3A_291, %sign3A_294 : i32
    %ne3A_296 = arith.cmpi ne, %sign3A_288, %sign3A_295 : i32
    %rem3A_297 = arith.remsi %add3A_279, %jit3A_280 : i32
    %ne3A_298 = arith.constant 0 : i32
    %ne3A_299 = arith.cmpi ne, %rem3A_297, %ne3A_298 : i32
    %and3A_300 = arith.andi %ne3A_296, %ne3A_299 : i1
    %sub3A_301 = arith.constant 1 : i32
    %sub3A_302 = arith.subi %div3A_281, %sub3A_301 : i32
    %select_n3A_303 = arith.select %and3A_300, %sub3A_302, %div3A_281 : i32
    %rem3A_304 = arith.constant 16 : i32
    %rem3A_305 = arith.remsi %add3A_279, %rem3A_304 : i32
    %mul3A_306 = arith.constant 100000 : i32
    %mul3A_307 = arith.muli %select_n3A_303, %mul3A_306 : i32
    %rem3A_308 = arith.constant 128 : i32
    %rem3A_309 = arith.remsi %mul3A_307, %rem3A_308 : i32
    %sub3A_310 = arith.subi %mul3A_307, %rem3A_309 : i32
    %multiple_of3A_311 = tpu.assume_multiple %sub3A_310, 128 : i32
    %sub3A_312 = arith.subi %mul3A_307, %multiple_of3A_311 : i32
    %add3A_313 = arith.constant 0 : i32
    %add3A_314 = arith.addi %multiple_of3A_311, %add3A_313 : i32
    %dma_start3A_315 = tpu.memref_slice %arg3[%rem3A_305, %add3A_314] : memref<16x2600000xf32, #tpu.memory_space<hbm>> -> memref<1x50048xf32, #tpu.memory_space<hbm>>
    %dma_start3A_316 = tpu.memref_squeeze %dma_start3A_315 : memref<1x50048xf32, #tpu.memory_space<hbm>> -> memref<50048xf32, #tpu.memory_space<hbm>>
    %dma_start3A_317 = tpu.memref_slice %arg3[%rem3A_305, %add3A_314] : memref<16x2600000xf32, #tpu.memory_space<hbm>> -> memref<1x50048xf32, #tpu.memory_space<hbm>>
    %dma_start3A_318 = tpu.memref_squeeze %dma_start3A_317 : memref<1x50048xf32, #tpu.memory_space<hbm>> -> memref<50048xf32, #tpu.memory_space<hbm>>
    tpu.enqueue_dma source(%dma_start3A_318 : memref<50048xf32, #tpu.memory_space<hbm>>) target(%arg8 : memref<50048xf32, #tpu.memory_space<vmem>>) target_semaphore(%arg12 : memref<!tpu.dma_semaphore, #tpu.memory_space<semaphore_mem>>)
    %dma_wait3A_319 = tpu.memref_slice %arg3[%rem3A_206, %add3A_215] : memref<16x2600000xf32, #tpu.memory_space<hbm>> -> memref<1x50048xf32, #tpu.memory_space<hbm>>
    %dma_wait3A_320 = tpu.memref_squeeze %dma_wait3A_319 : memref<1x50048xf32, #tpu.memory_space<hbm>> -> memref<50048xf32, #tpu.memory_space<hbm>>
    %dma_wait3A_321 = tpu.memref_slice %arg3[%rem3A_206, %add3A_215] : memref<16x2600000xf32, #tpu.memory_space<hbm>> -> memref<1x50048xf32, #tpu.memory_space<hbm>>
    %dma_wait3A_322 = tpu.memref_squeeze %dma_wait3A_321 : memref<1x50048xf32, #tpu.memory_space<hbm>> -> memref<50048xf32, #tpu.memory_space<hbm>>
    tpu.wait_dma2 semaphore(%arg13 : memref<!tpu.dma_semaphore, #tpu.memory_space<semaphore_mem>>) src(%dma_wait3A_322 : memref<50048xf32, #tpu.memory_space<hbm>>) dst(%arg9 : memref<50048xf32, #tpu.memory_space<vmem>>)
    %scan3A_323 = arith.constant 0 : i32
    %scan3A_324 = arith.constant 0 : i32
    %scan3A_325 = arith.constant 256 : i32
    %scan3A_326 = arith.addi %scan3A_324, %scan3A_325 : i32
    %scan3A_327 = arith.constant 1 : i32
    %scan3A_328 = scf.for %scan3A_2091 = %scan3A_324 to %scan3A_326 step %scan3A_327 iter_args(%scan3A_2092 = %scan3A_323) -> (i32)  : i32 {
      %mul3A_2093 = arith.constant 16 : i32
      %mul3A_2094 = arith.muli %scan3A_2091, %mul3A_2093 : i32
      %get3A = arith.index_cast %mul3A_2094 : i32 to index
      %get3A_2095 = tpu.vector_load %arg7[%get3A] {strides = array<i32>} : memref<4096xi32, #tpu.memory_space<vmem>>, vector<16xi32>,
      %add3A_2096 = vector.broadcast %sub3A_262 : i32 to vector<16xi32>
      %add3A_2097 = arith.addi %get3A_2095, %add3A_2096 : vector<16xi32>
      %sub3A_2098 = arith.constant 50048 : i32
      %sub3A_2099 = vector.broadcast %sub3A_2098 : i32 to vector<16xi32>
      %sub3A_2100 = arith.subi %add3A_2097, %sub3A_2099 : vector<16xi32>
      %max3A = arith.constant 0 : i32
      %max3A_2101 = vector.broadcast %max3A : i32 to vector<16xi32>
      %max3A_2102 = arith.maxsi %sub3A_2100, %max3A_2101 : vector<16xi32>
      %gather3A = tpu.vector_load_idx %arg9[%max3A_2102] : memref<50048xf32, #tpu.memory_space<vmem>>[vector<16xi32>], vector<16xf32>,
      %ge3A = arith.constant 50048 : i32
      %ge3A_2103 = vector.broadcast %ge3A : i32 to vector<16xi32>
      %ge3A_2104 = arith.cmpi sge, %add3A_2097, %ge3A_2103 : vector<16xi32>
      %get3A_2105 = arith.index_cast %mul3A_2094 : i32 to index
      %get3A_2106 = tpu.vector_load %arg11[%get3A_2105] {strides = array<i32>} : memref<4096xf32, #tpu.memory_space<vmem>>, vector<16xf32>,
      %select_n3A_2107 = arith.select %ge3A_2104, %gather3A, %get3A_2106 : vector<16xi1>, vector<16xf32>
      %swap3A = arith.index_cast %mul3A_2094 : i32 to index
      %swap3A_2108 = tpu.vector_load %arg11[%swap3A] {strides = array<i32>} : memref<4096xf32, #tpu.memory_space<vmem>>, vector<16xf32>,
      tpu.vector_store %arg11[%swap3A], %select_n3A_2107 {strides = array<i32>} : memref<4096xf32, #tpu.memory_space<vmem>>, vector<16xf32>,
      %scan3A_2109 = arith.constant 0 : i32
      scf.yield %scan3A_2109 : i32
    }
    %scan3A_329 = arith.constant 256 : i32
    %mul3A_330 = arith.constant 13 : i32
    %mul3A_331 = arith.muli %add3A, %mul3A_330 : i32
    %add3A_332 = arith.constant 2 : i32
    %add3A_333 = arith.addi %mul3A_331, %add3A_332 : i32
    %jit3A_334 = arith.constant 16 : i32
    %div3A_335 = arith.divsi %add3A_333, %jit3A_334 : i32
    %sign3A_336 = arith.constant 0 : i32
    %sign3A_337 = arith.cmpi sgt, %add3A_333, %sign3A_336 : i32
    %sign3A_338 = arith.extui %sign3A_337 : i1 to i32
    %sign3A_339 = arith.constant 0 : i32
    %sign3A_340 = arith.cmpi slt, %add3A_333, %sign3A_339 : i32
    %sign3A_341 = arith.extui %sign3A_340 : i1 to i32
    %sign3A_342 = arith.subi %sign3A_338, %sign3A_341 : i32
    %sign3A_343 = arith.constant 0 : i32
    %sign3A_344 = arith.cmpi sgt, %jit3A_334, %sign3A_343 : i32
    %sign3A_345 = arith.extui %sign3A_344 : i1 to i32
    %sign3A_346 = arith.constant 0 : i32
    %sign3A_347 = arith.cmpi slt, %jit3A_334, %sign3A_346 : i32
    %sign3A_348 = arith.extui %sign3A_347 : i1 to i32
    %sign3A_349 = arith.subi %sign3A_345, %sign3A_348 : i32
    %ne3A_350 = arith.cmpi ne, %sign3A_342, %sign3A_349 : i32
    %rem3A_351 = arith.remsi %add3A_333, %jit3A_334 : i32
    %ne3A_352 = arith.constant 0 : i32
    %ne3A_353 = arith.cmpi ne, %rem3A_351, %ne3A_352 : i32
    %and3A_354 = arith.andi %ne3A_350, %ne3A_353 : i1
    %sub3A_355 = arith.constant 1 : i32
    %sub3A_356 = arith.subi %div3A_335, %sub3A_355 : i32
    %select_n3A_357 = arith.select %and3A_354, %sub3A_356, %div3A_335 : i32
    %rem3A_358 = arith.constant 16 : i32
    %rem3A_359 = arith.remsi %add3A_333, %rem3A_358 : i32
    %mul3A_360 = arith.constant 100000 : i32
    %mul3A_361 = arith.muli %select_n3A_357, %mul3A_360 : i32
    %rem3A_362 = arith.constant 128 : i32
    %rem3A_363 = arith.remsi %mul3A_361, %rem3A_362 : i32
    %sub3A_364 = arith.subi %mul3A_361, %rem3A_363 : i32
    %multiple_of3A_365 = tpu.assume_multiple %sub3A_364, 128 : i32
    %sub3A_366 = arith.subi %mul3A_361, %multiple_of3A_365 : i32
    %add3A_367 = arith.constant 50048 : i32
    %add3A_368 = arith.addi %multiple_of3A_365, %add3A_367 : i32
    %dma_start3A_369 = tpu.memref_slice %arg3[%rem3A_359, %add3A_368] : memref<16x2600000xf32, #tpu.memory_space<hbm>> -> memref<1x50048xf32, #tpu.memory_space<hbm>>
    %dma_start3A_370 = tpu.memref_squeeze %dma_start3A_369 : memref<1x50048xf32, #tpu.memory_space<hbm>> -> memref<50048xf32, #tpu.memory_space<hbm>>
    %dma_start3A_371 = tpu.memref_slice %arg3[%rem3A_359, %add3A_368] : memref<16x2600000xf32, #tpu.memory_space<hbm>> -> memref<1x50048xf32, #tpu.memory_space<hbm>>
    %dma_start3A_372 = tpu.memref_squeeze %dma_start3A_371 : memref<1x50048xf32, #tpu.memory_space<hbm>> -> memref<50048xf32, #tpu.memory_space<hbm>>
    tpu.enqueue_dma source(%dma_start3A_372 : memref<50048xf32, #tpu.memory_space<hbm>>) target(%arg9 : memref<50048xf32, #tpu.memory_space<vmem>>) target_semaphore(%arg13 : memref<!tpu.dma_semaphore, #tpu.memory_space<semaphore_mem>>)
    %dma_start3A_373 = arith.constant 0 : i32
    %dma_start3A_374 = tpu.memref_slice %arg5[%add3A_229, %dma_start3A_373] : memref<416x4096xf32, #tpu.memory_space<hbm>> -> memref<1x4096xf32, #tpu.memory_space<hbm>>
    %dma_start3A_375 = tpu.memref_squeeze %dma_start3A_374 : memref<1x4096xf32, #tpu.memory_space<hbm>> -> memref<4096xf32, #tpu.memory_space<hbm>>
    %dma_start3A_376 = arith.constant 0 : i32
    %dma_start3A_377 = tpu.memref_slice %arg5[%add3A_229, %dma_start3A_376] : memref<416x4096xf32, #tpu.memory_space<hbm>> -> memref<1x4096xf32, #tpu.memory_space<hbm>>
    %dma_start3A_378 = tpu.memref_squeeze %dma_start3A_377 : memref<1x4096xf32, #tpu.memory_space<hbm>> -> memref<4096xf32, #tpu.memory_space<hbm>>
    tpu.enqueue_dma source(%arg11 : memref<4096xf32, #tpu.memory_space<vmem>>) target(%dma_start3A_378 : memref<4096xf32, #tpu.memory_space<hbm>>) target_semaphore(%arg15 : memref<!tpu.dma_semaphore, #tpu.memory_space<semaphore_mem>>)
    %mul3A_379 = arith.constant 13 : i32
    %mul3A_380 = arith.muli %add3A, %mul3A_379 : i32
    %add3A_381 = arith.constant 2 : i32
    %add3A_382 = arith.addi %mul3A_380, %add3A_381 : i32
    %jit3A_383 = arith.constant 16 : i32
    %div3A_384 = arith.divsi %add3A_382, %jit3A_383 : i32
    %sign3A_385 = arith.constant 0 : i32
    %sign3A_386 = arith.cmpi sgt, %add3A_382, %sign3A_385 : i32
    %sign3A_387 = arith.extui %sign3A_386 : i1 to i32
    %sign3A_388 = arith.constant 0 : i32
    %sign3A_389 = arith.cmpi slt, %add3A_382, %sign3A_388 : i32
    %sign3A_390 = arith.extui %sign3A_389 : i1 to i32
    %sign3A_391 = arith.subi %sign3A_387, %sign3A_390 : i32
    %sign3A_392 = arith.constant 0 : i32
    %sign3A_393 = arith.cmpi sgt, %jit3A_383, %sign3A_392 : i32
    %sign3A_394 = arith.extui %sign3A_393 : i1 to i32
    %sign3A_395 = arith.constant 0 : i32
    %sign3A_396 = arith.cmpi slt, %jit3A_383, %sign3A_395 : i32
    %sign3A_397 = arith.extui %sign3A_396 : i1 to i32
    %sign3A_398 = arith.subi %sign3A_394, %sign3A_397 : i32
    %ne3A_399 = arith.cmpi ne, %sign3A_391, %sign3A_398 : i32
    %rem3A_400 = arith.remsi %add3A_382, %jit3A_383 : i32
    %ne3A_401 = arith.constant 0 : i32
    %ne3A_402 = arith.cmpi ne, %rem3A_400, %ne3A_401 : i32
    %and3A_403 = arith.andi %ne3A_399, %ne3A_402 : i1
    %sub3A_404 = arith.constant 1 : i32
    %sub3A_405 = arith.subi %div3A_384, %sub3A_404 : i32
    %select_n3A_406 = arith.select %and3A_403, %sub3A_405, %div3A_384 : i32
    %rem3A_407 = arith.constant 16 : i32
    %rem3A_408 = arith.remsi %add3A_382, %rem3A_407 : i32
    %mul3A_409 = arith.constant 100000 : i32
    %mul3A_410 = arith.muli %select_n3A_406, %mul3A_409 : i32
    %rem3A_411 = arith.constant 128 : i32
    %rem3A_412 = arith.remsi %mul3A_410, %rem3A_411 : i32
    %sub3A_413 = arith.subi %mul3A_410, %rem3A_412 : i32
    %multiple_of3A_414 = tpu.assume_multiple %sub3A_413, 128 : i32
    %sub3A_415 = arith.subi %mul3A_410, %multiple_of3A_414 : i32
    %eq3A_416 = arith.constant 0 : i32
    %eq3A_417 = arith.cmpi eq, %rem3A_408, %eq3A_416 : i32
    %convert_element_type3A_418 = arith.extui %eq3A_417 : i1 to i32
    %cond3A_419 = arith.constant 0 : i32
    %cond3A_420 = arith.cmpi ne, %convert_element_type3A_418, %cond3A_419 : i32
    scf.if %cond3A_420 {
      "tpu.region"() ({
        %run_scoped3A = tpu.sem_alloc : memref<!tpu.dma_semaphore, #tpu.memory_space<semaphore_mem>>
        %dma_start3A_2091 = arith.constant 0 : i32
        %dma_start3A_2092 = tpu.memref_slice %arg2[%select_n3A_406, %dma_start3A_2091] : memref<26x4096xi32, #tpu.memory_space<hbm>> -> memref<1x4096xi32, #tpu.memory_space<hbm>>
        %dma_start3A_2093 = tpu.memref_squeeze %dma_start3A_2092 : memref<1x4096xi32, #tpu.memory_space<hbm>> -> memref<4096xi32, #tpu.memory_space<hbm>>
        %dma_start3A_2094 = arith.constant 0 : i32
        %dma_start3A_2095 = tpu.memref_slice %arg2[%select_n3A_406, %dma_start3A_2094] : memref<26x4096xi32, #tpu.memory_space<hbm>> -> memref<1x4096xi32, #tpu.memory_space<hbm>>
        %dma_start3A_2096 = tpu.memref_squeeze %dma_start3A_2095 : memref<1x4096xi32, #tpu.memory_space<hbm>> -> memref<4096xi32, #tpu.memory_space<hbm>>
        tpu.enqueue_dma source(%dma_start3A_2096 : memref<4096xi32, #tpu.memory_space<hbm>>) target(%arg7 : memref<4096xi32, #tpu.memory_space<vmem>>) target_semaphore(%run_scoped3A : memref<!tpu.dma_semaphore, #tpu.memory_space<semaphore_mem>>)
        %dma_wait3A_2097 = arith.constant 0 : i32
        %dma_wait3A_2098 = tpu.memref_slice %arg2[%select_n3A_406, %dma_wait3A_2097] : memref<26x4096xi32, #tpu.memory_space<hbm>> -> memref<1x4096xi32, #tpu.memory_space<hbm>>
        %dma_wait3A_2099 = tpu.memref_squeeze %dma_wait3A_2098 : memref<1x4096xi32, #tpu.memory_space<hbm>> -> memref<4096xi32, #tpu.memory_space<hbm>>
        %dma_wait3A_2100 = arith.constant 0 : i32
        %dma_wait3A_2101 = tpu.memref_slice %arg2[%select_n3A_406, %dma_wait3A_2100] : memref<26x4096xi32, #tpu.memory_space<hbm>> -> memref<1x4096xi32, #tpu.memory_space<hbm>>
        %dma_wait3A_2102 = tpu.memref_squeeze %dma_wait3A_2101 : memref<1x4096xi32, #tpu.memory_space<hbm>> -> memref<4096xi32, #tpu.memory_space<hbm>>
        tpu.wait_dma2 semaphore(%run_scoped3A : memref<!tpu.dma_semaphore, #tpu.memory_space<semaphore_mem>>) src(%dma_wait3A_2102 : memref<4096xi32, #tpu.memory_space<hbm>>) dst(%arg7 : memref<4096xi32, #tpu.memory_space<vmem>>)
        tpu.yield
      }) : () -> ()
    } else {
    }
    %dma_wait3A_421 = arith.constant 0 : i32
    %dma_wait3A_422 = tpu.memref_slice %arg5[%add3A_80, %dma_wait3A_421] : memref<416x4096xf32, #tpu.memory_space<hbm>> -> memref<1x4096xf32, #tpu.memory_space<hbm>>
    %dma_wait3A_423 = tpu.memref_squeeze %dma_wait3A_422 : memref<1x4096xf32, #tpu.memory_space<hbm>> -> memref<4096xf32, #tpu.memory_space<hbm>>
    %dma_wait3A_424 = arith.constant 0 : i32
    %dma_wait3A_425 = tpu.memref_slice %arg5[%add3A_80, %dma_wait3A_424] : memref<416x4096xf32, #tpu.memory_space<hbm>> -> memref<1x4096xf32, #tpu.memory_space<hbm>>
    %dma_wait3A_426 = tpu.memref_squeeze %dma_wait3A_425 : memref<1x4096xf32, #tpu.memory_space<hbm>> -> memref<4096xf32, #tpu.memory_space<hbm>>
    tpu.wait_dma2 semaphore(%arg14 : memref<!tpu.dma_semaphore, #tpu.memory_space<semaphore_mem>>) src(%arg10 : memref<4096xf32, #tpu.memory_space<vmem>>) dst(%dma_wait3A_426 : memref<4096xf32, #tpu.memory_space<hbm>>)
    %dma_wait3A_427 = tpu.memref_slice %arg3[%rem3A_305, %add3A_314] : memref<16x2600000xf32, #tpu.memory_space<hbm>> -> memref<1x50048xf32, #tpu.memory_space<hbm>>
    %dma_wait3A_428 = tpu.memref_squeeze %dma_wait3A_427 : memref<1x50048xf32, #tpu.memory_space<hbm>> -> memref<50048xf32, #tpu.memory_space<hbm>>
    %dma_wait3A_429 = tpu.memref_slice %arg3[%rem3A_305, %add3A_314] : memref<16x2600000xf32, #tpu.memory_space<hbm>> -> memref<1x50048xf32, #tpu.memory_space<hbm>>
    %dma_wait3A_430 = tpu.memref_squeeze %dma_wait3A_429 : memref<1x50048xf32, #tpu.memory_space<hbm>> -> memref<50048xf32, #tpu.memory_space<hbm>>
    tpu.wait_dma2 semaphore(%arg12 : memref<!tpu.dma_semaphore, #tpu.memory_space<semaphore_mem>>) src(%dma_wait3A_430 : memref<50048xf32, #tpu.memory_space<hbm>>) dst(%arg8 : memref<50048xf32, #tpu.memory_space<vmem>>)
    %scan3A_431 = arith.constant 0 : i32
    %scan3A_432 = arith.constant 0 : i32
    %scan3A_433 = arith.constant 256 : i32
    %scan3A_434 = arith.addi %scan3A_432, %scan3A_433 : i32
    %scan3A_435 = arith.constant 1 : i32
    %scan3A_436 = scf.for %scan3A_2091 = %scan3A_432 to %scan3A_434 step %scan3A_435 iter_args(%scan3A_2092 = %scan3A_431) -> (i32)  : i32 {
      %mul3A_2093 = arith.constant 16 : i32
      %mul3A_2094 = arith.muli %scan3A_2091, %mul3A_2093 : i32
      %get3A = arith.index_cast %mul3A_2094 : i32 to index
      %get3A_2095 = tpu.vector_load %arg7[%get3A] {strides = array<i32>} : memref<4096xi32, #tpu.memory_space<vmem>>, vector<16xi32>,
      %add3A_2096 = vector.broadcast %sub3A_415 : i32 to vector<16xi32>
      %add3A_2097 = arith.addi %get3A_2095, %add3A_2096 : vector<16xi32>
      %min3A = arith.constant 50047 : i32
      %min3A_2098 = vector.broadcast %min3A : i32 to vector<16xi32>
      %min3A_2099 = arith.minsi %add3A_2097, %min3A_2098 : vector<16xi32>
      %gather3A = tpu.vector_load_idx %arg8[%min3A_2099] : memref<50048xf32, #tpu.memory_space<vmem>>[vector<16xi32>], vector<16xf32>,
      %mul3A_2100 = arith.constant 16 : i32
      %mul3A_2101 = arith.muli %scan3A_2091, %mul3A_2100 : i32
      %swap3A = arith.index_cast %mul3A_2101 : i32 to index
      %swap3A_2102 = tpu.vector_load %arg10[%swap3A] {strides = array<i32>} : memref<4096xf32, #tpu.memory_space<vmem>>, vector<16xf32>,
      tpu.vector_store %arg10[%swap3A], %gather3A {strides = array<i32>} : memref<4096xf32, #tpu.memory_space<vmem>>, vector<16xf32>,
      %scan3A_2103 = arith.constant 0 : i32
      scf.yield %scan3A_2103 : i32
    }
    %scan3A_437 = arith.constant 256 : i32
    %mul3A_438 = arith.constant 13 : i32
    %mul3A_439 = arith.muli %add3A, %mul3A_438 : i32
    %add3A_440 = arith.constant 3 : i32
    %add3A_441 = arith.addi %mul3A_439, %add3A_440 : i32
    %jit3A_442 = arith.constant 16 : i32
    %div3A_443 = arith.divsi %add3A_441, %jit3A_442 : i32
    %sign3A_444 = arith.constant 0 : i32
    %sign3A_445 = arith.cmpi sgt, %add3A_441, %sign3A_444 : i32
    %sign3A_446 = arith.extui %sign3A_445 : i1 to i32
    %sign3A_447 = arith.constant 0 : i32
    %sign3A_448 = arith.cmpi slt, %add3A_441, %sign3A_447 : i32
    %sign3A_449 = arith.extui %sign3A_448 : i1 to i32
    %sign3A_450 = arith.subi %sign3A_446, %sign3A_449 : i32
    %sign3A_451 = arith.constant 0 : i32
    %sign3A_452 = arith.cmpi sgt, %jit3A_442, %sign3A_451 : i32
    %sign3A_453 = arith.extui %sign3A_452 : i1 to i32
    %sign3A_454 = arith.constant 0 : i32
    %sign3A_455 = arith.cmpi slt, %jit3A_442, %sign3A_454 : i32
    %sign3A_456 = arith.extui %sign3A_455 : i1 to i32
    %sign3A_457 = arith.subi %sign3A_453, %sign3A_456 : i32
    %ne3A_458 = arith.cmpi ne, %sign3A_450, %sign3A_457 : i32
    %rem3A_459 = arith.remsi %add3A_441, %jit3A_442 : i32
    %ne3A_460 = arith.constant 0 : i32
    %ne3A_461 = arith.cmpi ne, %rem3A_459, %ne3A_460 : i32
    %and3A_462 = arith.andi %ne3A_458, %ne3A_461 : i1
    %sub3A_463 = arith.constant 1 : i32
    %sub3A_464 = arith.subi %div3A_443, %sub3A_463 : i32
    %select_n3A_465 = arith.select %and3A_462, %sub3A_464, %div3A_443 : i32
    %rem3A_466 = arith.constant 16 : i32
    %rem3A_467 = arith.remsi %add3A_441, %rem3A_466 : i32
    %mul3A_468 = arith.constant 100000 : i32
    %mul3A_469 = arith.muli %select_n3A_465, %mul3A_468 : i32
    %rem3A_470 = arith.constant 128 : i32
    %rem3A_471 = arith.remsi %mul3A_469, %rem3A_470 : i32
    %sub3A_472 = arith.subi %mul3A_469, %rem3A_471 : i32
    %multiple_of3A_473 = tpu.assume_multiple %sub3A_472, 128 : i32
    %sub3A_474 = arith.subi %mul3A_469, %multiple_of3A_473 : i32
    %add3A_475 = arith.constant 0 : i32
    %add3A_476 = arith.addi %multiple_of3A_473, %add3A_475 : i32
    %dma_start3A_477 = tpu.memref_slice %arg3[%rem3A_467, %add3A_476] : memref<16x2600000xf32, #tpu.memory_space<hbm>> -> memref<1x50048xf32, #tpu.memory_space<hbm>>
    %dma_start3A_478 = tpu.memref_squeeze %dma_start3A_477 : memref<1x50048xf32, #tpu.memory_space<hbm>> -> memref<50048xf32, #tpu.memory_space<hbm>>
    %dma_start3A_479 = tpu.memref_slice %arg3[%rem3A_467, %add3A_476] : memref<16x2600000xf32, #tpu.memory_space<hbm>> -> memref<1x50048xf32, #tpu.memory_space<hbm>>
    %dma_start3A_480 = tpu.memref_squeeze %dma_start3A_479 : memref<1x50048xf32, #tpu.memory_space<hbm>> -> memref<50048xf32, #tpu.memory_space<hbm>>
    tpu.enqueue_dma source(%dma_start3A_480 : memref<50048xf32, #tpu.memory_space<hbm>>) target(%arg8 : memref<50048xf32, #tpu.memory_space<vmem>>) target_semaphore(%arg12 : memref<!tpu.dma_semaphore, #tpu.memory_space<semaphore_mem>>)
    %dma_wait3A_481 = tpu.memref_slice %arg3[%rem3A_359, %add3A_368] : memref<16x2600000xf32, #tpu.memory_space<hbm>> -> memref<1x50048xf32, #tpu.memory_space<hbm>>
    %dma_wait3A_482 = tpu.memref_squeeze %dma_wait3A_481 : memref<1x50048xf32, #tpu.memory_space<hbm>> -> memref<50048xf32, #tpu.memory_space<hbm>>
    %dma_wait3A_483 = tpu.memref_slice %arg3[%rem3A_359, %add3A_368] : memref<16x2600000xf32, #tpu.memory_space<hbm>> -> memref<1x50048xf32, #tpu.memory_space<hbm>>
    %dma_wait3A_484 = tpu.memref_squeeze %dma_wait3A_483 : memref<1x50048xf32, #tpu.memory_space<hbm>> -> memref<50048xf32, #tpu.memory_space<hbm>>
    tpu.wait_dma2 semaphore(%arg13 : memref<!tpu.dma_semaphore, #tpu.memory_space<semaphore_mem>>) src(%dma_wait3A_484 : memref<50048xf32, #tpu.memory_space<hbm>>) dst(%arg9 : memref<50048xf32, #tpu.memory_space<vmem>>)
    %scan3A_485 = arith.constant 0 : i32
    %scan3A_486 = arith.constant 0 : i32
    %scan3A_487 = arith.constant 256 : i32
    %scan3A_488 = arith.addi %scan3A_486, %scan3A_487 : i32
    %scan3A_489 = arith.constant 1 : i32
    %scan3A_490 = scf.for %scan3A_2091 = %scan3A_486 to %scan3A_488 step %scan3A_489 iter_args(%scan3A_2092 = %scan3A_485) -> (i32)  : i32 {
      %mul3A_2093 = arith.constant 16 : i32
      %mul3A_2094 = arith.muli %scan3A_2091, %mul3A_2093 : i32
      %get3A = arith.index_cast %mul3A_2094 : i32 to index
      %get3A_2095 = tpu.vector_load %arg7[%get3A] {strides = array<i32>} : memref<4096xi32, #tpu.memory_space<vmem>>, vector<16xi32>,
      %add3A_2096 = vector.broadcast %sub3A_415 : i32 to vector<16xi32>
      %add3A_2097 = arith.addi %get3A_2095, %add3A_2096 : vector<16xi32>
      %sub3A_2098 = arith.constant 50048 : i32
      %sub3A_2099 = vector.broadcast %sub3A_2098 : i32 to vector<16xi32>
      %sub3A_2100 = arith.subi %add3A_2097, %sub3A_2099 : vector<16xi32>
      %max3A = arith.constant 0 : i32
      %max3A_2101 = vector.broadcast %max3A : i32 to vector<16xi32>
      %max3A_2102 = arith.maxsi %sub3A_2100, %max3A_2101 : vector<16xi32>
      %gather3A = tpu.vector_load_idx %arg9[%max3A_2102] : memref<50048xf32, #tpu.memory_space<vmem>>[vector<16xi32>], vector<16xf32>,
      %ge3A = arith.constant 50048 : i32
      %ge3A_2103 = vector.broadcast %ge3A : i32 to vector<16xi32>
      %ge3A_2104 = arith.cmpi sge, %add3A_2097, %ge3A_2103 : vector<16xi32>
      %get3A_2105 = arith.index_cast %mul3A_2094 : i32 to index
      %get3A_2106 = tpu.vector_load %arg10[%get3A_2105] {strides = array<i32>} : memref<4096xf32, #tpu.memory_space<vmem>>, vector<16xf32>,
      %select_n3A_2107 = arith.select %ge3A_2104, %gather3A, %get3A_2106 : vector<16xi1>, vector<16xf32>
      %swap3A = arith.index_cast %mul3A_2094 : i32 to index
      %swap3A_2108 = tpu.vector_load %arg10[%swap3A] {strides = array<i32>} : memref<4096xf32, #tpu.memory_space<vmem>>, vector<16xf32>,
      tpu.vector_store %arg10[%swap3A], %select_n3A_2107 {strides = array<i32>} : memref<4096xf32, #tpu.memory_space<vmem>>, vector<16xf32>,
      %scan3A_2109 = arith.constant 0 : i32
      scf.yield %scan3A_2109 : i32
    }
    %scan3A_491 = arith.constant 256 : i32
    %mul3A_492 = arith.constant 13 : i32
    %mul3A_493 = arith.muli %add3A, %mul3A_492 : i32
    %add3A_494 = arith.constant 3 : i32
    %add3A_495 = arith.addi %mul3A_493, %add3A_494 : i32
    %jit3A_496 = arith.constant 16 : i32
    %div3A_497 = arith.divsi %add3A_495, %jit3A_496 : i32
    %sign3A_498 = arith.constant 0 : i32
    %sign3A_499 = arith.cmpi sgt, %add3A_495, %sign3A_498 : i32
    %sign3A_500 = arith.extui %sign3A_499 : i1 to i32
    %sign3A_501 = arith.constant 0 : i32
    %sign3A_502 = arith.cmpi slt, %add3A_495, %sign3A_501 : i32
    %sign3A_503 = arith.extui %sign3A_502 : i1 to i32
    %sign3A_504 = arith.subi %sign3A_500, %sign3A_503 : i32
    %sign3A_505 = arith.constant 0 : i32
    %sign3A_506 = arith.cmpi sgt, %jit3A_496, %sign3A_505 : i32
    %sign3A_507 = arith.extui %sign3A_506 : i1 to i32
    %sign3A_508 = arith.constant 0 : i32
    %sign3A_509 = arith.cmpi slt, %jit3A_496, %sign3A_508 : i32
    %sign3A_510 = arith.extui %sign3A_509 : i1 to i32
    %sign3A_511 = arith.subi %sign3A_507, %sign3A_510 : i32
    %ne3A_512 = arith.cmpi ne, %sign3A_504, %sign3A_511 : i32
    %rem3A_513 = arith.remsi %add3A_495, %jit3A_496 : i32
    %ne3A_514 = arith.constant 0 : i32
    %ne3A_515 = arith.cmpi ne, %rem3A_513, %ne3A_514 : i32
    %and3A_516 = arith.andi %ne3A_512, %ne3A_515 : i1
    %sub3A_517 = arith.constant 1 : i32
    %sub3A_518 = arith.subi %div3A_497, %sub3A_517 : i32
    %select_n3A_519 = arith.select %and3A_516, %sub3A_518, %div3A_497 : i32
    %rem3A_520 = arith.constant 16 : i32
    %rem3A_521 = arith.remsi %add3A_495, %rem3A_520 : i32
    %mul3A_522 = arith.constant 100000 : i32
    %mul3A_523 = arith.muli %select_n3A_519, %mul3A_522 : i32
    %rem3A_524 = arith.constant 128 : i32
    %rem3A_525 = arith.remsi %mul3A_523, %rem3A_524 : i32
    %sub3A_526 = arith.subi %mul3A_523, %rem3A_525 : i32
    %multiple_of3A_527 = tpu.assume_multiple %sub3A_526, 128 : i32
    %sub3A_528 = arith.subi %mul3A_523, %multiple_of3A_527 : i32
    %add3A_529 = arith.constant 50048 : i32
    %add3A_530 = arith.addi %multiple_of3A_527, %add3A_529 : i32
    %dma_start3A_531 = tpu.memref_slice %arg3[%rem3A_521, %add3A_530] : memref<16x2600000xf32, #tpu.memory_space<hbm>> -> memref<1x50048xf32, #tpu.memory_space<hbm>>
    %dma_start3A_532 = tpu.memref_squeeze %dma_start3A_531 : memref<1x50048xf32, #tpu.memory_space<hbm>> -> memref<50048xf32, #tpu.memory_space<hbm>>
    %dma_start3A_533 = tpu.memref_slice %arg3[%rem3A_521, %add3A_530] : memref<16x2600000xf32, #tpu.memory_space<hbm>> -> memref<1x50048xf32, #tpu.memory_space<hbm>>
    %dma_start3A_534 = tpu.memref_squeeze %dma_start3A_533 : memref<1x50048xf32, #tpu.memory_space<hbm>> -> memref<50048xf32, #tpu.memory_space<hbm>>
    tpu.enqueue_dma source(%dma_start3A_534 : memref<50048xf32, #tpu.memory_space<hbm>>) target(%arg9 : memref<50048xf32, #tpu.memory_space<vmem>>) target_semaphore(%arg13 : memref<!tpu.dma_semaphore, #tpu.memory_space<semaphore_mem>>)
    %dma_start3A_535 = arith.constant 0 : i32
    %dma_start3A_536 = tpu.memref_slice %arg5[%add3A_382, %dma_start3A_535] : memref<416x4096xf32, #tpu.memory_space<hbm>> -> memref<1x4096xf32, #tpu.memory_space<hbm>>
    %dma_start3A_537 = tpu.memref_squeeze %dma_start3A_536 : memref<1x4096xf32, #tpu.memory_space<hbm>> -> memref<4096xf32, #tpu.memory_space<hbm>>
    %dma_start3A_538 = arith.constant 0 : i32
    %dma_start3A_539 = tpu.memref_slice %arg5[%add3A_382, %dma_start3A_538] : memref<416x4096xf32, #tpu.memory_space<hbm>> -> memref<1x4096xf32, #tpu.memory_space<hbm>>
    %dma_start3A_540 = tpu.memref_squeeze %dma_start3A_539 : memref<1x4096xf32, #tpu.memory_space<hbm>> -> memref<4096xf32, #tpu.memory_space<hbm>>
    tpu.enqueue_dma source(%arg10 : memref<4096xf32, #tpu.memory_space<vmem>>) target(%dma_start3A_540 : memref<4096xf32, #tpu.memory_space<hbm>>) target_semaphore(%arg14 : memref<!tpu.dma_semaphore, #tpu.memory_space<semaphore_mem>>)
    %mul3A_541 = arith.constant 13 : i32
    %mul3A_542 = arith.muli %add3A, %mul3A_541 : i32
    %add3A_543 = arith.constant 3 : i32
    %add3A_544 = arith.addi %mul3A_542, %add3A_543 : i32
    %jit3A_545 = arith.constant 16 : i32
    %div3A_546 = arith.divsi %add3A_544, %jit3A_545 : i32
    %sign3A_547 = arith.constant 0 : i32
    %sign3A_548 = arith.cmpi sgt, %add3A_544, %sign3A_547 : i32
    %sign3A_549 = arith.extui %sign3A_548 : i1 to i32
    %sign3A_550 = arith.constant 0 : i32
    %sign3A_551 = arith.cmpi slt, %add3A_544, %sign3A_550 : i32
    %sign3A_552 = arith.extui %sign3A_551 : i1 to i32
    %sign3A_553 = arith.subi %sign3A_549, %sign3A_552 : i32
    %sign3A_554 = arith.constant 0 : i32
    %sign3A_555 = arith.cmpi sgt, %jit3A_545, %sign3A_554 : i32
    %sign3A_556 = arith.extui %sign3A_555 : i1 to i32
    %sign3A_557 = arith.constant 0 : i32
    %sign3A_558 = arith.cmpi slt, %jit3A_545, %sign3A_557 : i32
    %sign3A_559 = arith.extui %sign3A_558 : i1 to i32
    %sign3A_560 = arith.subi %sign3A_556, %sign3A_559 : i32
    %ne3A_561 = arith.cmpi ne, %sign3A_553, %sign3A_560 : i32
    %rem3A_562 = arith.remsi %add3A_544, %jit3A_545 : i32
    %ne3A_563 = arith.constant 0 : i32
    %ne3A_564 = arith.cmpi ne, %rem3A_562, %ne3A_563 : i32
    %and3A_565 = arith.andi %ne3A_561, %ne3A_564 : i1
    %sub3A_566 = arith.constant 1 : i32
    %sub3A_567 = arith.subi %div3A_546, %sub3A_566 : i32
    %select_n3A_568 = arith.select %and3A_565, %sub3A_567, %div3A_546 : i32
    %rem3A_569 = arith.constant 16 : i32
    %rem3A_570 = arith.remsi %add3A_544, %rem3A_569 : i32
    %mul3A_571 = arith.constant 100000 : i32
    %mul3A_572 = arith.muli %select_n3A_568, %mul3A_571 : i32
    %rem3A_573 = arith.constant 128 : i32
    %rem3A_574 = arith.remsi %mul3A_572, %rem3A_573 : i32
    %sub3A_575 = arith.subi %mul3A_572, %rem3A_574 : i32
    %multiple_of3A_576 = tpu.assume_multiple %sub3A_575, 128 : i32
    %sub3A_577 = arith.subi %mul3A_572, %multiple_of3A_576 : i32
    %eq3A_578 = arith.constant 0 : i32
    %eq3A_579 = arith.cmpi eq, %rem3A_570, %eq3A_578 : i32
    %convert_element_type3A_580 = arith.extui %eq3A_579 : i1 to i32
    %cond3A_581 = arith.constant 0 : i32
    %cond3A_582 = arith.cmpi ne, %convert_element_type3A_580, %cond3A_581 : i32
    scf.if %cond3A_582 {
      "tpu.region"() ({
        %run_scoped3A = tpu.sem_alloc : memref<!tpu.dma_semaphore, #tpu.memory_space<semaphore_mem>>
        %dma_start3A_2091 = arith.constant 0 : i32
        %dma_start3A_2092 = tpu.memref_slice %arg2[%select_n3A_568, %dma_start3A_2091] : memref<26x4096xi32, #tpu.memory_space<hbm>> -> memref<1x4096xi32, #tpu.memory_space<hbm>>
        %dma_start3A_2093 = tpu.memref_squeeze %dma_start3A_2092 : memref<1x4096xi32, #tpu.memory_space<hbm>> -> memref<4096xi32, #tpu.memory_space<hbm>>
        %dma_start3A_2094 = arith.constant 0 : i32
        %dma_start3A_2095 = tpu.memref_slice %arg2[%select_n3A_568, %dma_start3A_2094] : memref<26x4096xi32, #tpu.memory_space<hbm>> -> memref<1x4096xi32, #tpu.memory_space<hbm>>
        %dma_start3A_2096 = tpu.memref_squeeze %dma_start3A_2095 : memref<1x4096xi32, #tpu.memory_space<hbm>> -> memref<4096xi32, #tpu.memory_space<hbm>>
        tpu.enqueue_dma source(%dma_start3A_2096 : memref<4096xi32, #tpu.memory_space<hbm>>) target(%arg7 : memref<4096xi32, #tpu.memory_space<vmem>>) target_semaphore(%run_scoped3A : memref<!tpu.dma_semaphore, #tpu.memory_space<semaphore_mem>>)
        %dma_wait3A_2097 = arith.constant 0 : i32
        %dma_wait3A_2098 = tpu.memref_slice %arg2[%select_n3A_568, %dma_wait3A_2097] : memref<26x4096xi32, #tpu.memory_space<hbm>> -> memref<1x4096xi32, #tpu.memory_space<hbm>>
        %dma_wait3A_2099 = tpu.memref_squeeze %dma_wait3A_2098 : memref<1x4096xi32, #tpu.memory_space<hbm>> -> memref<4096xi32, #tpu.memory_space<hbm>>
        %dma_wait3A_2100 = arith.constant 0 : i32
        %dma_wait3A_2101 = tpu.memref_slice %arg2[%select_n3A_568, %dma_wait3A_2100] : memref<26x4096xi32, #tpu.memory_space<hbm>> -> memref<1x4096xi32, #tpu.memory_space<hbm>>
        %dma_wait3A_2102 = tpu.memref_squeeze %dma_wait3A_2101 : memref<1x4096xi32, #tpu.memory_space<hbm>> -> memref<4096xi32, #tpu.memory_space<hbm>>
        tpu.wait_dma2 semaphore(%run_scoped3A : memref<!tpu.dma_semaphore, #tpu.memory_space<semaphore_mem>>) src(%dma_wait3A_2102 : memref<4096xi32, #tpu.memory_space<hbm>>) dst(%arg7 : memref<4096xi32, #tpu.memory_space<vmem>>)
        tpu.yield
      }) : () -> ()
    } else {
    }
    %dma_wait3A_583 = arith.constant 0 : i32
    %dma_wait3A_584 = tpu.memref_slice %arg5[%add3A_229, %dma_wait3A_583] : memref<416x4096xf32, #tpu.memory_space<hbm>> -> memref<1x4096xf32, #tpu.memory_space<hbm>>
    %dma_wait3A_585 = tpu.memref_squeeze %dma_wait3A_584 : memref<1x4096xf32, #tpu.memory_space<hbm>> -> memref<4096xf32, #tpu.memory_space<hbm>>
    %dma_wait3A_586 = arith.constant 0 : i32
    %dma_wait3A_587 = tpu.memref_slice %arg5[%add3A_229, %dma_wait3A_586] : memref<416x4096xf32, #tpu.memory_space<hbm>> -> memref<1x4096xf32, #tpu.memory_space<hbm>>
    %dma_wait3A_588 = tpu.memref_squeeze %dma_wait3A_587 : memref<1x4096xf32, #tpu.memory_space<hbm>> -> memref<4096xf32, #tpu.memory_space<hbm>>
    tpu.wait_dma2 semaphore(%arg15 : memref<!tpu.dma_semaphore, #tpu.memory_space<semaphore_mem>>) src(%arg11 : memref<4096xf32, #tpu.memory_space<vmem>>) dst(%dma_wait3A_588 : memref<4096xf32, #tpu.memory_space<hbm>>)
    %dma_wait3A_589 = tpu.memref_slice %arg3[%rem3A_467, %add3A_476] : memref<16x2600000xf32, #tpu.memory_space<hbm>> -> memref<1x50048xf32, #tpu.memory_space<hbm>>
    %dma_wait3A_590 = tpu.memref_squeeze %dma_wait3A_589 : memref<1x50048xf32, #tpu.memory_space<hbm>> -> memref<50048xf32, #tpu.memory_space<hbm>>
    %dma_wait3A_591 = tpu.memref_slice %arg3[%rem3A_467, %add3A_476] : memref<16x2600000xf32, #tpu.memory_space<hbm>> -> memref<1x50048xf32, #tpu.memory_space<hbm>>
    %dma_wait3A_592 = tpu.memref_squeeze %dma_wait3A_591 : memref<1x50048xf32, #tpu.memory_space<hbm>> -> memref<50048xf32, #tpu.memory_space<hbm>>
    tpu.wait_dma2 semaphore(%arg12 : memref<!tpu.dma_semaphore, #tpu.memory_space<semaphore_mem>>) src(%dma_wait3A_592 : memref<50048xf32, #tpu.memory_space<hbm>>) dst(%arg8 : memref<50048xf32, #tpu.memory_space<vmem>>)
    %scan3A_593 = arith.constant 0 : i32
    %scan3A_594 = arith.constant 0 : i32
    %scan3A_595 = arith.constant 256 : i32
    %scan3A_596 = arith.addi %scan3A_594, %scan3A_595 : i32
    %scan3A_597 = arith.constant 1 : i32
    %scan3A_598 = scf.for %scan3A_2091 = %scan3A_594 to %scan3A_596 step %scan3A_597 iter_args(%scan3A_2092 = %scan3A_593) -> (i32)  : i32 {
      %mul3A_2093 = arith.constant 16 : i32
      %mul3A_2094 = arith.muli %scan3A_2091, %mul3A_2093 : i32
      %get3A = arith.index_cast %mul3A_2094 : i32 to index
      %get3A_2095 = tpu.vector_load %arg7[%get3A] {strides = array<i32>} : memref<4096xi32, #tpu.memory_space<vmem>>, vector<16xi32>,
      %add3A_2096 = vector.broadcast %sub3A_577 : i32 to vector<16xi32>
      %add3A_2097 = arith.addi %get3A_2095, %add3A_2096 : vector<16xi32>
      %min3A = arith.constant 50047 : i32
      %min3A_2098 = vector.broadcast %min3A : i32 to vector<16xi32>
      %min3A_2099 = arith.minsi %add3A_2097, %min3A_2098 : vector<16xi32>
      %gather3A = tpu.vector_load_idx %arg8[%min3A_2099] : memref<50048xf32, #tpu.memory_space<vmem>>[vector<16xi32>], vector<16xf32>,
      %mul3A_2100 = arith.constant 16 : i32
      %mul3A_2101 = arith.muli %scan3A_2091, %mul3A_2100 : i32
      %swap3A = arith.index_cast %mul3A_2101 : i32 to index
      %swap3A_2102 = tpu.vector_load %arg11[%swap3A] {strides = array<i32>} : memref<4096xf32, #tpu.memory_space<vmem>>, vector<16xf32>,
      tpu.vector_store %arg11[%swap3A], %gather3A {strides = array<i32>} : memref<4096xf32, #tpu.memory_space<vmem>>, vector<16xf32>,
      %scan3A_2103 = arith.constant 0 : i32
      scf.yield %scan3A_2103 : i32
    }
    %scan3A_599 = arith.constant 256 : i32
    %mul3A_600 = arith.constant 13 : i32
    %mul3A_601 = arith.muli %add3A, %mul3A_600 : i32
    %add3A_602 = arith.constant 4 : i32
    %add3A_603 = arith.addi %mul3A_601, %add3A_602 : i32
    %jit3A_604 = arith.constant 16 : i32
    %div3A_605 = arith.divsi %add3A_603, %jit3A_604 : i32
    %sign3A_606 = arith.constant 0 : i32
    %sign3A_607 = arith.cmpi sgt, %add3A_603, %sign3A_606 : i32
    %sign3A_608 = arith.extui %sign3A_607 : i1 to i32
    %sign3A_609 = arith.constant 0 : i32
    %sign3A_610 = arith.cmpi slt, %add3A_603, %sign3A_609 : i32
    %sign3A_611 = arith.extui %sign3A_610 : i1 to i32
    %sign3A_612 = arith.subi %sign3A_608, %sign3A_611 : i32
    %sign3A_613 = arith.constant 0 : i32
    %sign3A_614 = arith.cmpi sgt, %jit3A_604, %sign3A_613 : i32
    %sign3A_615 = arith.extui %sign3A_614 : i1 to i32
    %sign3A_616 = arith.constant 0 : i32
    %sign3A_617 = arith.cmpi slt, %jit3A_604, %sign3A_616 : i32
    %sign3A_618 = arith.extui %sign3A_617 : i1 to i32
    %sign3A_619 = arith.subi %sign3A_615, %sign3A_618 : i32
    %ne3A_620 = arith.cmpi ne, %sign3A_612, %sign3A_619 : i32
    %rem3A_621 = arith.remsi %add3A_603, %jit3A_604 : i32
    %ne3A_622 = arith.constant 0 : i32
    %ne3A_623 = arith.cmpi ne, %rem3A_621, %ne3A_622 : i32
    %and3A_624 = arith.andi %ne3A_620, %ne3A_623 : i1
    %sub3A_625 = arith.constant 1 : i32
    %sub3A_626 = arith.subi %div3A_605, %sub3A_625 : i32
    %select_n3A_627 = arith.select %and3A_624, %sub3A_626, %div3A_605 : i32
    %rem3A_628 = arith.constant 16 : i32
    %rem3A_629 = arith.remsi %add3A_603, %rem3A_628 : i32
    %mul3A_630 = arith.constant 100000 : i32
    %mul3A_631 = arith.muli %select_n3A_627, %mul3A_630 : i32
    %rem3A_632 = arith.constant 128 : i32
    %rem3A_633 = arith.remsi %mul3A_631, %rem3A_632 : i32
    %sub3A_634 = arith.subi %mul3A_631, %rem3A_633 : i32
    %multiple_of3A_635 = tpu.assume_multiple %sub3A_634, 128 : i32
    %sub3A_636 = arith.subi %mul3A_631, %multiple_of3A_635 : i32
    %add3A_637 = arith.constant 0 : i32
    %add3A_638 = arith.addi %multiple_of3A_635, %add3A_637 : i32
    %dma_start3A_639 = tpu.memref_slice %arg3[%rem3A_629, %add3A_638] : memref<16x2600000xf32, #tpu.memory_space<hbm>> -> memref<1x50048xf32, #tpu.memory_space<hbm>>
    %dma_start3A_640 = tpu.memref_squeeze %dma_start3A_639 : memref<1x50048xf32, #tpu.memory_space<hbm>> -> memref<50048xf32, #tpu.memory_space<hbm>>
    %dma_start3A_641 = tpu.memref_slice %arg3[%rem3A_629, %add3A_638] : memref<16x2600000xf32, #tpu.memory_space<hbm>> -> memref<1x50048xf32, #tpu.memory_space<hbm>>
    %dma_start3A_642 = tpu.memref_squeeze %dma_start3A_641 : memref<1x50048xf32, #tpu.memory_space<hbm>> -> memref<50048xf32, #tpu.memory_space<hbm>>
    tpu.enqueue_dma source(%dma_start3A_642 : memref<50048xf32, #tpu.memory_space<hbm>>) target(%arg8 : memref<50048xf32, #tpu.memory_space<vmem>>) target_semaphore(%arg12 : memref<!tpu.dma_semaphore, #tpu.memory_space<semaphore_mem>>)
    %dma_wait3A_643 = tpu.memref_slice %arg3[%rem3A_521, %add3A_530] : memref<16x2600000xf32, #tpu.memory_space<hbm>> -> memref<1x50048xf32, #tpu.memory_space<hbm>>
    %dma_wait3A_644 = tpu.memref_squeeze %dma_wait3A_643 : memref<1x50048xf32, #tpu.memory_space<hbm>> -> memref<50048xf32, #tpu.memory_space<hbm>>
    %dma_wait3A_645 = tpu.memref_slice %arg3[%rem3A_521, %add3A_530] : memref<16x2600000xf32, #tpu.memory_space<hbm>> -> memref<1x50048xf32, #tpu.memory_space<hbm>>
    %dma_wait3A_646 = tpu.memref_squeeze %dma_wait3A_645 : memref<1x50048xf32, #tpu.memory_space<hbm>> -> memref<50048xf32, #tpu.memory_space<hbm>>
    tpu.wait_dma2 semaphore(%arg13 : memref<!tpu.dma_semaphore, #tpu.memory_space<semaphore_mem>>) src(%dma_wait3A_646 : memref<50048xf32, #tpu.memory_space<hbm>>) dst(%arg9 : memref<50048xf32, #tpu.memory_space<vmem>>)
    %scan3A_647 = arith.constant 0 : i32
    %scan3A_648 = arith.constant 0 : i32
    %scan3A_649 = arith.constant 256 : i32
    %scan3A_650 = arith.addi %scan3A_648, %scan3A_649 : i32
    %scan3A_651 = arith.constant 1 : i32
    %scan3A_652 = scf.for %scan3A_2091 = %scan3A_648 to %scan3A_650 step %scan3A_651 iter_args(%scan3A_2092 = %scan3A_647) -> (i32)  : i32 {
      %mul3A_2093 = arith.constant 16 : i32
      %mul3A_2094 = arith.muli %scan3A_2091, %mul3A_2093 : i32
      %get3A = arith.index_cast %mul3A_2094 : i32 to index
      %get3A_2095 = tpu.vector_load %arg7[%get3A] {strides = array<i32>} : memref<4096xi32, #tpu.memory_space<vmem>>, vector<16xi32>,
      %add3A_2096 = vector.broadcast %sub3A_577 : i32 to vector<16xi32>
      %add3A_2097 = arith.addi %get3A_2095, %add3A_2096 : vector<16xi32>
      %sub3A_2098 = arith.constant 50048 : i32
      %sub3A_2099 = vector.broadcast %sub3A_2098 : i32 to vector<16xi32>
      %sub3A_2100 = arith.subi %add3A_2097, %sub3A_2099 : vector<16xi32>
      %max3A = arith.constant 0 : i32
      %max3A_2101 = vector.broadcast %max3A : i32 to vector<16xi32>
      %max3A_2102 = arith.maxsi %sub3A_2100, %max3A_2101 : vector<16xi32>
      %gather3A = tpu.vector_load_idx %arg9[%max3A_2102] : memref<50048xf32, #tpu.memory_space<vmem>>[vector<16xi32>], vector<16xf32>,
      %ge3A = arith.constant 50048 : i32
      %ge3A_2103 = vector.broadcast %ge3A : i32 to vector<16xi32>
      %ge3A_2104 = arith.cmpi sge, %add3A_2097, %ge3A_2103 : vector<16xi32>
      %get3A_2105 = arith.index_cast %mul3A_2094 : i32 to index
      %get3A_2106 = tpu.vector_load %arg11[%get3A_2105] {strides = array<i32>} : memref<4096xf32, #tpu.memory_space<vmem>>, vector<16xf32>,
      %select_n3A_2107 = arith.select %ge3A_2104, %gather3A, %get3A_2106 : vector<16xi1>, vector<16xf32>
      %swap3A = arith.index_cast %mul3A_2094 : i32 to index
      %swap3A_2108 = tpu.vector_load %arg11[%swap3A] {strides = array<i32>} : memref<4096xf32, #tpu.memory_space<vmem>>, vector<16xf32>,
      tpu.vector_store %arg11[%swap3A], %select_n3A_2107 {strides = array<i32>} : memref<4096xf32, #tpu.memory_space<vmem>>, vector<16xf32>,
      %scan3A_2109 = arith.constant 0 : i32
      scf.yield %scan3A_2109 : i32
    }
    %scan3A_653 = arith.constant 256 : i32
    %mul3A_654 = arith.constant 13 : i32
    %mul3A_655 = arith.muli %add3A, %mul3A_654 : i32
    %add3A_656 = arith.constant 4 : i32
    %add3A_657 = arith.addi %mul3A_655, %add3A_656 : i32
    %jit3A_658 = arith.constant 16 : i32
    %div3A_659 = arith.divsi %add3A_657, %jit3A_658 : i32
    %sign3A_660 = arith.constant 0 : i32
    %sign3A_661 = arith.cmpi sgt, %add3A_657, %sign3A_660 : i32
    %sign3A_662 = arith.extui %sign3A_661 : i1 to i32
    %sign3A_663 = arith.constant 0 : i32
    %sign3A_664 = arith.cmpi slt, %add3A_657, %sign3A_663 : i32
    %sign3A_665 = arith.extui %sign3A_664 : i1 to i32
    %sign3A_666 = arith.subi %sign3A_662, %sign3A_665 : i32
    %sign3A_667 = arith.constant 0 : i32
    %sign3A_668 = arith.cmpi sgt, %jit3A_658, %sign3A_667 : i32
    %sign3A_669 = arith.extui %sign3A_668 : i1 to i32
    %sign3A_670 = arith.constant 0 : i32
    %sign3A_671 = arith.cmpi slt, %jit3A_658, %sign3A_670 : i32
    %sign3A_672 = arith.extui %sign3A_671 : i1 to i32
    %sign3A_673 = arith.subi %sign3A_669, %sign3A_672 : i32
    %ne3A_674 = arith.cmpi ne, %sign3A_666, %sign3A_673 : i32
    %rem3A_675 = arith.remsi %add3A_657, %jit3A_658 : i32
    %ne3A_676 = arith.constant 0 : i32
    %ne3A_677 = arith.cmpi ne, %rem3A_675, %ne3A_676 : i32
    %and3A_678 = arith.andi %ne3A_674, %ne3A_677 : i1
    %sub3A_679 = arith.constant 1 : i32
    %sub3A_680 = arith.subi %div3A_659, %sub3A_679 : i32
    %select_n3A_681 = arith.select %and3A_678, %sub3A_680, %div3A_659 : i32
    %rem3A_682 = arith.constant 16 : i32
    %rem3A_683 = arith.remsi %add3A_657, %rem3A_682 : i32
    %mul3A_684 = arith.constant 100000 : i32
    %mul3A_685 = arith.muli %select_n3A_681, %mul3A_684 : i32
    %rem3A_686 = arith.constant 128 : i32
    %rem3A_687 = arith.remsi %mul3A_685, %rem3A_686 : i32
    %sub3A_688 = arith.subi %mul3A_685, %rem3A_687 : i32
    %multiple_of3A_689 = tpu.assume_multiple %sub3A_688, 128 : i32
    %sub3A_690 = arith.subi %mul3A_685, %multiple_of3A_689 : i32
    %add3A_691 = arith.constant 50048 : i32
    %add3A_692 = arith.addi %multiple_of3A_689, %add3A_691 : i32
    %dma_start3A_693 = tpu.memref_slice %arg3[%rem3A_683, %add3A_692] : memref<16x2600000xf32, #tpu.memory_space<hbm>> -> memref<1x50048xf32, #tpu.memory_space<hbm>>
    %dma_start3A_694 = tpu.memref_squeeze %dma_start3A_693 : memref<1x50048xf32, #tpu.memory_space<hbm>> -> memref<50048xf32, #tpu.memory_space<hbm>>
    %dma_start3A_695 = tpu.memref_slice %arg3[%rem3A_683, %add3A_692] : memref<16x2600000xf32, #tpu.memory_space<hbm>> -> memref<1x50048xf32, #tpu.memory_space<hbm>>
    %dma_start3A_696 = tpu.memref_squeeze %dma_start3A_695 : memref<1x50048xf32, #tpu.memory_space<hbm>> -> memref<50048xf32, #tpu.memory_space<hbm>>
    tpu.enqueue_dma source(%dma_start3A_696 : memref<50048xf32, #tpu.memory_space<hbm>>) target(%arg9 : memref<50048xf32, #tpu.memory_space<vmem>>) target_semaphore(%arg13 : memref<!tpu.dma_semaphore, #tpu.memory_space<semaphore_mem>>)
    %dma_start3A_697 = arith.constant 0 : i32
    %dma_start3A_698 = tpu.memref_slice %arg5[%add3A_544, %dma_start3A_697] : memref<416x4096xf32, #tpu.memory_space<hbm>> -> memref<1x4096xf32, #tpu.memory_space<hbm>>
    %dma_start3A_699 = tpu.memref_squeeze %dma_start3A_698 : memref<1x4096xf32, #tpu.memory_space<hbm>> -> memref<4096xf32, #tpu.memory_space<hbm>>
    %dma_start3A_700 = arith.constant 0 : i32
    %dma_start3A_701 = tpu.memref_slice %arg5[%add3A_544, %dma_start3A_700] : memref<416x4096xf32, #tpu.memory_space<hbm>> -> memref<1x4096xf32, #tpu.memory_space<hbm>>
    %dma_start3A_702 = tpu.memref_squeeze %dma_start3A_701 : memref<1x4096xf32, #tpu.memory_space<hbm>> -> memref<4096xf32, #tpu.memory_space<hbm>>
    tpu.enqueue_dma source(%arg11 : memref<4096xf32, #tpu.memory_space<vmem>>) target(%dma_start3A_702 : memref<4096xf32, #tpu.memory_space<hbm>>) target_semaphore(%arg15 : memref<!tpu.dma_semaphore, #tpu.memory_space<semaphore_mem>>)
    %mul3A_703 = arith.constant 13 : i32
    %mul3A_704 = arith.muli %add3A, %mul3A_703 : i32
    %add3A_705 = arith.constant 4 : i32
    %add3A_706 = arith.addi %mul3A_704, %add3A_705 : i32
    %jit3A_707 = arith.constant 16 : i32
    %div3A_708 = arith.divsi %add3A_706, %jit3A_707 : i32
    %sign3A_709 = arith.constant 0 : i32
    %sign3A_710 = arith.cmpi sgt, %add3A_706, %sign3A_709 : i32
    %sign3A_711 = arith.extui %sign3A_710 : i1 to i32
    %sign3A_712 = arith.constant 0 : i32
    %sign3A_713 = arith.cmpi slt, %add3A_706, %sign3A_712 : i32
    %sign3A_714 = arith.extui %sign3A_713 : i1 to i32
    %sign3A_715 = arith.subi %sign3A_711, %sign3A_714 : i32
    %sign3A_716 = arith.constant 0 : i32
    %sign3A_717 = arith.cmpi sgt, %jit3A_707, %sign3A_716 : i32
    %sign3A_718 = arith.extui %sign3A_717 : i1 to i32
    %sign3A_719 = arith.constant 0 : i32
    %sign3A_720 = arith.cmpi slt, %jit3A_707, %sign3A_719 : i32
    %sign3A_721 = arith.extui %sign3A_720 : i1 to i32
    %sign3A_722 = arith.subi %sign3A_718, %sign3A_721 : i32
    %ne3A_723 = arith.cmpi ne, %sign3A_715, %sign3A_722 : i32
    %rem3A_724 = arith.remsi %add3A_706, %jit3A_707 : i32
    %ne3A_725 = arith.constant 0 : i32
    %ne3A_726 = arith.cmpi ne, %rem3A_724, %ne3A_725 : i32
    %and3A_727 = arith.andi %ne3A_723, %ne3A_726 : i1
    %sub3A_728 = arith.constant 1 : i32
    %sub3A_729 = arith.subi %div3A_708, %sub3A_728 : i32
    %select_n3A_730 = arith.select %and3A_727, %sub3A_729, %div3A_708 : i32
    %rem3A_731 = arith.constant 16 : i32
    %rem3A_732 = arith.remsi %add3A_706, %rem3A_731 : i32
    %mul3A_733 = arith.constant 100000 : i32
    %mul3A_734 = arith.muli %select_n3A_730, %mul3A_733 : i32
    %rem3A_735 = arith.constant 128 : i32
    %rem3A_736 = arith.remsi %mul3A_734, %rem3A_735 : i32
    %sub3A_737 = arith.subi %mul3A_734, %rem3A_736 : i32
    %multiple_of3A_738 = tpu.assume_multiple %sub3A_737, 128 : i32
    %sub3A_739 = arith.subi %mul3A_734, %multiple_of3A_738 : i32
    %eq3A_740 = arith.constant 0 : i32
    %eq3A_741 = arith.cmpi eq, %rem3A_732, %eq3A_740 : i32
    %convert_element_type3A_742 = arith.extui %eq3A_741 : i1 to i32
    %cond3A_743 = arith.constant 0 : i32
    %cond3A_744 = arith.cmpi ne, %convert_element_type3A_742, %cond3A_743 : i32
    scf.if %cond3A_744 {
      "tpu.region"() ({
        %run_scoped3A = tpu.sem_alloc : memref<!tpu.dma_semaphore, #tpu.memory_space<semaphore_mem>>
        %dma_start3A_2091 = arith.constant 0 : i32
        %dma_start3A_2092 = tpu.memref_slice %arg2[%select_n3A_730, %dma_start3A_2091] : memref<26x4096xi32, #tpu.memory_space<hbm>> -> memref<1x4096xi32, #tpu.memory_space<hbm>>
        %dma_start3A_2093 = tpu.memref_squeeze %dma_start3A_2092 : memref<1x4096xi32, #tpu.memory_space<hbm>> -> memref<4096xi32, #tpu.memory_space<hbm>>
        %dma_start3A_2094 = arith.constant 0 : i32
        %dma_start3A_2095 = tpu.memref_slice %arg2[%select_n3A_730, %dma_start3A_2094] : memref<26x4096xi32, #tpu.memory_space<hbm>> -> memref<1x4096xi32, #tpu.memory_space<hbm>>
        %dma_start3A_2096 = tpu.memref_squeeze %dma_start3A_2095 : memref<1x4096xi32, #tpu.memory_space<hbm>> -> memref<4096xi32, #tpu.memory_space<hbm>>
        tpu.enqueue_dma source(%dma_start3A_2096 : memref<4096xi32, #tpu.memory_space<hbm>>) target(%arg7 : memref<4096xi32, #tpu.memory_space<vmem>>) target_semaphore(%run_scoped3A : memref<!tpu.dma_semaphore, #tpu.memory_space<semaphore_mem>>)
        %dma_wait3A_2097 = arith.constant 0 : i32
        %dma_wait3A_2098 = tpu.memref_slice %arg2[%select_n3A_730, %dma_wait3A_2097] : memref<26x4096xi32, #tpu.memory_space<hbm>> -> memref<1x4096xi32, #tpu.memory_space<hbm>>
        %dma_wait3A_2099 = tpu.memref_squeeze %dma_wait3A_2098 : memref<1x4096xi32, #tpu.memory_space<hbm>> -> memref<4096xi32, #tpu.memory_space<hbm>>
        %dma_wait3A_2100 = arith.constant 0 : i32
        %dma_wait3A_2101 = tpu.memref_slice %arg2[%select_n3A_730, %dma_wait3A_2100] : memref<26x4096xi32, #tpu.memory_space<hbm>> -> memref<1x4096xi32, #tpu.memory_space<hbm>>
        %dma_wait3A_2102 = tpu.memref_squeeze %dma_wait3A_2101 : memref<1x4096xi32, #tpu.memory_space<hbm>> -> memref<4096xi32, #tpu.memory_space<hbm>>
        tpu.wait_dma2 semaphore(%run_scoped3A : memref<!tpu.dma_semaphore, #tpu.memory_space<semaphore_mem>>) src(%dma_wait3A_2102 : memref<4096xi32, #tpu.memory_space<hbm>>) dst(%arg7 : memref<4096xi32, #tpu.memory_space<vmem>>)
        tpu.yield
      }) : () -> ()
    } else {
    }
    %dma_wait3A_745 = arith.constant 0 : i32
    %dma_wait3A_746 = tpu.memref_slice %arg5[%add3A_382, %dma_wait3A_745] : memref<416x4096xf32, #tpu.memory_space<hbm>> -> memref<1x4096xf32, #tpu.memory_space<hbm>>
    %dma_wait3A_747 = tpu.memref_squeeze %dma_wait3A_746 : memref<1x4096xf32, #tpu.memory_space<hbm>> -> memref<4096xf32, #tpu.memory_space<hbm>>
    %dma_wait3A_748 = arith.constant 0 : i32
    %dma_wait3A_749 = tpu.memref_slice %arg5[%add3A_382, %dma_wait3A_748] : memref<416x4096xf32, #tpu.memory_space<hbm>> -> memref<1x4096xf32, #tpu.memory_space<hbm>>
    %dma_wait3A_750 = tpu.memref_squeeze %dma_wait3A_749 : memref<1x4096xf32, #tpu.memory_space<hbm>> -> memref<4096xf32, #tpu.memory_space<hbm>>
    tpu.wait_dma2 semaphore(%arg14 : memref<!tpu.dma_semaphore, #tpu.memory_space<semaphore_mem>>) src(%arg10 : memref<4096xf32, #tpu.memory_space<vmem>>) dst(%dma_wait3A_750 : memref<4096xf32, #tpu.memory_space<hbm>>)
    %dma_wait3A_751 = tpu.memref_slice %arg3[%rem3A_629, %add3A_638] : memref<16x2600000xf32, #tpu.memory_space<hbm>> -> memref<1x50048xf32, #tpu.memory_space<hbm>>
    %dma_wait3A_752 = tpu.memref_squeeze %dma_wait3A_751 : memref<1x50048xf32, #tpu.memory_space<hbm>> -> memref<50048xf32, #tpu.memory_space<hbm>>
    %dma_wait3A_753 = tpu.memref_slice %arg3[%rem3A_629, %add3A_638] : memref<16x2600000xf32, #tpu.memory_space<hbm>> -> memref<1x50048xf32, #tpu.memory_space<hbm>>
    %dma_wait3A_754 = tpu.memref_squeeze %dma_wait3A_753 : memref<1x50048xf32, #tpu.memory_space<hbm>> -> memref<50048xf32, #tpu.memory_space<hbm>>
    tpu.wait_dma2 semaphore(%arg12 : memref<!tpu.dma_semaphore, #tpu.memory_space<semaphore_mem>>) src(%dma_wait3A_754 : memref<50048xf32, #tpu.memory_space<hbm>>) dst(%arg8 : memref<50048xf32, #tpu.memory_space<vmem>>)
    %scan3A_755 = arith.constant 0 : i32
    %scan3A_756 = arith.constant 0 : i32
    %scan3A_757 = arith.constant 256 : i32
    %scan3A_758 = arith.addi %scan3A_756, %scan3A_757 : i32
    %scan3A_759 = arith.constant 1 : i32
    %scan3A_760 = scf.for %scan3A_2091 = %scan3A_756 to %scan3A_758 step %scan3A_759 iter_args(%scan3A_2092 = %scan3A_755) -> (i32)  : i32 {
      %mul3A_2093 = arith.constant 16 : i32
      %mul3A_2094 = arith.muli %scan3A_2091, %mul3A_2093 : i32
      %get3A = arith.index_cast %mul3A_2094 : i32 to index
      %get3A_2095 = tpu.vector_load %arg7[%get3A] {strides = array<i32>} : memref<4096xi32, #tpu.memory_space<vmem>>, vector<16xi32>,
      %add3A_2096 = vector.broadcast %sub3A_739 : i32 to vector<16xi32>
      %add3A_2097 = arith.addi %get3A_2095, %add3A_2096 : vector<16xi32>
      %min3A = arith.constant 50047 : i32
      %min3A_2098 = vector.broadcast %min3A : i32 to vector<16xi32>
      %min3A_2099 = arith.minsi %add3A_2097, %min3A_2098 : vector<16xi32>
      %gather3A = tpu.vector_load_idx %arg8[%min3A_2099] : memref<50048xf32, #tpu.memory_space<vmem>>[vector<16xi32>], vector<16xf32>,
      %mul3A_2100 = arith.constant 16 : i32
      %mul3A_2101 = arith.muli %scan3A_2091, %mul3A_2100 : i32
      %swap3A = arith.index_cast %mul3A_2101 : i32 to index
      %swap3A_2102 = tpu.vector_load %arg10[%swap3A] {strides = array<i32>} : memref<4096xf32, #tpu.memory_space<vmem>>, vector<16xf32>,
      tpu.vector_store %arg10[%swap3A], %gather3A {strides = array<i32>} : memref<4096xf32, #tpu.memory_space<vmem>>, vector<16xf32>,
      %scan3A_2103 = arith.constant 0 : i32
      scf.yield %scan3A_2103 : i32
    }
    %scan3A_761 = arith.constant 256 : i32
    %mul3A_762 = arith.constant 13 : i32
    %mul3A_763 = arith.muli %add3A, %mul3A_762 : i32
    %add3A_764 = arith.constant 5 : i32
    %add3A_765 = arith.addi %mul3A_763, %add3A_764 : i32
    %jit3A_766 = arith.constant 16 : i32
    %div3A_767 = arith.divsi %add3A_765, %jit3A_766 : i32
    %sign3A_768 = arith.constant 0 : i32
    %sign3A_769 = arith.cmpi sgt, %add3A_765, %sign3A_768 : i32
    %sign3A_770 = arith.extui %sign3A_769 : i1 to i32
    %sign3A_771 = arith.constant 0 : i32
    %sign3A_772 = arith.cmpi slt, %add3A_765, %sign3A_771 : i32
    %sign3A_773 = arith.extui %sign3A_772 : i1 to i32
    %sign3A_774 = arith.subi %sign3A_770, %sign3A_773 : i32
    %sign3A_775 = arith.constant 0 : i32
    %sign3A_776 = arith.cmpi sgt, %jit3A_766, %sign3A_775 : i32
    %sign3A_777 = arith.extui %sign3A_776 : i1 to i32
    %sign3A_778 = arith.constant 0 : i32
    %sign3A_779 = arith.cmpi slt, %jit3A_766, %sign3A_778 : i32
    %sign3A_780 = arith.extui %sign3A_779 : i1 to i32
    %sign3A_781 = arith.subi %sign3A_777, %sign3A_780 : i32
    %ne3A_782 = arith.cmpi ne, %sign3A_774, %sign3A_781 : i32
    %rem3A_783 = arith.remsi %add3A_765, %jit3A_766 : i32
    %ne3A_784 = arith.constant 0 : i32
    %ne3A_785 = arith.cmpi ne, %rem3A_783, %ne3A_784 : i32
    %and3A_786 = arith.andi %ne3A_782, %ne3A_785 : i1
    %sub3A_787 = arith.constant 1 : i32
    %sub3A_788 = arith.subi %div3A_767, %sub3A_787 : i32
    %select_n3A_789 = arith.select %and3A_786, %sub3A_788, %div3A_767 : i32
    %rem3A_790 = arith.constant 16 : i32
    %rem3A_791 = arith.remsi %add3A_765, %rem3A_790 : i32
    %mul3A_792 = arith.constant 100000 : i32
    %mul3A_793 = arith.muli %select_n3A_789, %mul3A_792 : i32
    %rem3A_794 = arith.constant 128 : i32
    %rem3A_795 = arith.remsi %mul3A_793, %rem3A_794 : i32
    %sub3A_796 = arith.subi %mul3A_793, %rem3A_795 : i32
    %multiple_of3A_797 = tpu.assume_multiple %sub3A_796, 128 : i32
    %sub3A_798 = arith.subi %mul3A_793, %multiple_of3A_797 : i32
    %add3A_799 = arith.constant 0 : i32
    %add3A_800 = arith.addi %multiple_of3A_797, %add3A_799 : i32
    %dma_start3A_801 = tpu.memref_slice %arg3[%rem3A_791, %add3A_800] : memref<16x2600000xf32, #tpu.memory_space<hbm>> -> memref<1x50048xf32, #tpu.memory_space<hbm>>
    %dma_start3A_802 = tpu.memref_squeeze %dma_start3A_801 : memref<1x50048xf32, #tpu.memory_space<hbm>> -> memref<50048xf32, #tpu.memory_space<hbm>>
    %dma_start3A_803 = tpu.memref_slice %arg3[%rem3A_791, %add3A_800] : memref<16x2600000xf32, #tpu.memory_space<hbm>> -> memref<1x50048xf32, #tpu.memory_space<hbm>>
    %dma_start3A_804 = tpu.memref_squeeze %dma_start3A_803 : memref<1x50048xf32, #tpu.memory_space<hbm>> -> memref<50048xf32, #tpu.memory_space<hbm>>
    tpu.enqueue_dma source(%dma_start3A_804 : memref<50048xf32, #tpu.memory_space<hbm>>) target(%arg8 : memref<50048xf32, #tpu.memory_space<vmem>>) target_semaphore(%arg12 : memref<!tpu.dma_semaphore, #tpu.memory_space<semaphore_mem>>)
    %dma_wait3A_805 = tpu.memref_slice %arg3[%rem3A_683, %add3A_692] : memref<16x2600000xf32, #tpu.memory_space<hbm>> -> memref<1x50048xf32, #tpu.memory_space<hbm>>
    %dma_wait3A_806 = tpu.memref_squeeze %dma_wait3A_805 : memref<1x50048xf32, #tpu.memory_space<hbm>> -> memref<50048xf32, #tpu.memory_space<hbm>>
    %dma_wait3A_807 = tpu.memref_slice %arg3[%rem3A_683, %add3A_692] : memref<16x2600000xf32, #tpu.memory_space<hbm>> -> memref<1x50048xf32, #tpu.memory_space<hbm>>
    %dma_wait3A_808 = tpu.memref_squeeze %dma_wait3A_807 : memref<1x50048xf32, #tpu.memory_space<hbm>> -> memref<50048xf32, #tpu.memory_space<hbm>>
    tpu.wait_dma2 semaphore(%arg13 : memref<!tpu.dma_semaphore, #tpu.memory_space<semaphore_mem>>) src(%dma_wait3A_808 : memref<50048xf32, #tpu.memory_space<hbm>>) dst(%arg9 : memref<50048xf32, #tpu.memory_space<vmem>>)
    %scan3A_809 = arith.constant 0 : i32
    %scan3A_810 = arith.constant 0 : i32
    %scan3A_811 = arith.constant 256 : i32
    %scan3A_812 = arith.addi %scan3A_810, %scan3A_811 : i32
    %scan3A_813 = arith.constant 1 : i32
    %scan3A_814 = scf.for %scan3A_2091 = %scan3A_810 to %scan3A_812 step %scan3A_813 iter_args(%scan3A_2092 = %scan3A_809) -> (i32)  : i32 {
      %mul3A_2093 = arith.constant 16 : i32
      %mul3A_2094 = arith.muli %scan3A_2091, %mul3A_2093 : i32
      %get3A = arith.index_cast %mul3A_2094 : i32 to index
      %get3A_2095 = tpu.vector_load %arg7[%get3A] {strides = array<i32>} : memref<4096xi32, #tpu.memory_space<vmem>>, vector<16xi32>,
      %add3A_2096 = vector.broadcast %sub3A_739 : i32 to vector<16xi32>
      %add3A_2097 = arith.addi %get3A_2095, %add3A_2096 : vector<16xi32>
      %sub3A_2098 = arith.constant 50048 : i32
      %sub3A_2099 = vector.broadcast %sub3A_2098 : i32 to vector<16xi32>
      %sub3A_2100 = arith.subi %add3A_2097, %sub3A_2099 : vector<16xi32>
      %max3A = arith.constant 0 : i32
      %max3A_2101 = vector.broadcast %max3A : i32 to vector<16xi32>
      %max3A_2102 = arith.maxsi %sub3A_2100, %max3A_2101 : vector<16xi32>
      %gather3A = tpu.vector_load_idx %arg9[%max3A_2102] : memref<50048xf32, #tpu.memory_space<vmem>>[vector<16xi32>], vector<16xf32>,
      %ge3A = arith.constant 50048 : i32
      %ge3A_2103 = vector.broadcast %ge3A : i32 to vector<16xi32>
      %ge3A_2104 = arith.cmpi sge, %add3A_2097, %ge3A_2103 : vector<16xi32>
      %get3A_2105 = arith.index_cast %mul3A_2094 : i32 to index
      %get3A_2106 = tpu.vector_load %arg10[%get3A_2105] {strides = array<i32>} : memref<4096xf32, #tpu.memory_space<vmem>>, vector<16xf32>,
      %select_n3A_2107 = arith.select %ge3A_2104, %gather3A, %get3A_2106 : vector<16xi1>, vector<16xf32>
      %swap3A = arith.index_cast %mul3A_2094 : i32 to index
      %swap3A_2108 = tpu.vector_load %arg10[%swap3A] {strides = array<i32>} : memref<4096xf32, #tpu.memory_space<vmem>>, vector<16xf32>,
      tpu.vector_store %arg10[%swap3A], %select_n3A_2107 {strides = array<i32>} : memref<4096xf32, #tpu.memory_space<vmem>>, vector<16xf32>,
      %scan3A_2109 = arith.constant 0 : i32
      scf.yield %scan3A_2109 : i32
    }
    %scan3A_815 = arith.constant 256 : i32
    %mul3A_816 = arith.constant 13 : i32
    %mul3A_817 = arith.muli %add3A, %mul3A_816 : i32
    %add3A_818 = arith.constant 5 : i32
    %add3A_819 = arith.addi %mul3A_817, %add3A_818 : i32
    %jit3A_820 = arith.constant 16 : i32
    %div3A_821 = arith.divsi %add3A_819, %jit3A_820 : i32
    %sign3A_822 = arith.constant 0 : i32
    %sign3A_823 = arith.cmpi sgt, %add3A_819, %sign3A_822 : i32
    %sign3A_824 = arith.extui %sign3A_823 : i1 to i32
    %sign3A_825 = arith.constant 0 : i32
    %sign3A_826 = arith.cmpi slt, %add3A_819, %sign3A_825 : i32
    %sign3A_827 = arith.extui %sign3A_826 : i1 to i32
    %sign3A_828 = arith.subi %sign3A_824, %sign3A_827 : i32
    %sign3A_829 = arith.constant 0 : i32
    %sign3A_830 = arith.cmpi sgt, %jit3A_820, %sign3A_829 : i32
    %sign3A_831 = arith.extui %sign3A_830 : i1 to i32
    %sign3A_832 = arith.constant 0 : i32
    %sign3A_833 = arith.cmpi slt, %jit3A_820, %sign3A_832 : i32
    %sign3A_834 = arith.extui %sign3A_833 : i1 to i32
    %sign3A_835 = arith.subi %sign3A_831, %sign3A_834 : i32
    %ne3A_836 = arith.cmpi ne, %sign3A_828, %sign3A_835 : i32
    %rem3A_837 = arith.remsi %add3A_819, %jit3A_820 : i32
    %ne3A_838 = arith.constant 0 : i32
    %ne3A_839 = arith.cmpi ne, %rem3A_837, %ne3A_838 : i32
    %and3A_840 = arith.andi %ne3A_836, %ne3A_839 : i1
    %sub3A_841 = arith.constant 1 : i32
    %sub3A_842 = arith.subi %div3A_821, %sub3A_841 : i32
    %select_n3A_843 = arith.select %and3A_840, %sub3A_842, %div3A_821 : i32
    %rem3A_844 = arith.constant 16 : i32
    %rem3A_845 = arith.remsi %add3A_819, %rem3A_844 : i32
    %mul3A_846 = arith.constant 100000 : i32
    %mul3A_847 = arith.muli %select_n3A_843, %mul3A_846 : i32
    %rem3A_848 = arith.constant 128 : i32
    %rem3A_849 = arith.remsi %mul3A_847, %rem3A_848 : i32
    %sub3A_850 = arith.subi %mul3A_847, %rem3A_849 : i32
    %multiple_of3A_851 = tpu.assume_multiple %sub3A_850, 128 : i32
    %sub3A_852 = arith.subi %mul3A_847, %multiple_of3A_851 : i32
    %add3A_853 = arith.constant 50048 : i32
    %add3A_854 = arith.addi %multiple_of3A_851, %add3A_853 : i32
    %dma_start3A_855 = tpu.memref_slice %arg3[%rem3A_845, %add3A_854] : memref<16x2600000xf32, #tpu.memory_space<hbm>> -> memref<1x50048xf32, #tpu.memory_space<hbm>>
    %dma_start3A_856 = tpu.memref_squeeze %dma_start3A_855 : memref<1x50048xf32, #tpu.memory_space<hbm>> -> memref<50048xf32, #tpu.memory_space<hbm>>
    %dma_start3A_857 = tpu.memref_slice %arg3[%rem3A_845, %add3A_854] : memref<16x2600000xf32, #tpu.memory_space<hbm>> -> memref<1x50048xf32, #tpu.memory_space<hbm>>
    %dma_start3A_858 = tpu.memref_squeeze %dma_start3A_857 : memref<1x50048xf32, #tpu.memory_space<hbm>> -> memref<50048xf32, #tpu.memory_space<hbm>>
    tpu.enqueue_dma source(%dma_start3A_858 : memref<50048xf32, #tpu.memory_space<hbm>>) target(%arg9 : memref<50048xf32, #tpu.memory_space<vmem>>) target_semaphore(%arg13 : memref<!tpu.dma_semaphore, #tpu.memory_space<semaphore_mem>>)
    %dma_start3A_859 = arith.constant 0 : i32
    %dma_start3A_860 = tpu.memref_slice %arg5[%add3A_706, %dma_start3A_859] : memref<416x4096xf32, #tpu.memory_space<hbm>> -> memref<1x4096xf32, #tpu.memory_space<hbm>>
    %dma_start3A_861 = tpu.memref_squeeze %dma_start3A_860 : memref<1x4096xf32, #tpu.memory_space<hbm>> -> memref<4096xf32, #tpu.memory_space<hbm>>
    %dma_start3A_862 = arith.constant 0 : i32
    %dma_start3A_863 = tpu.memref_slice %arg5[%add3A_706, %dma_start3A_862] : memref<416x4096xf32, #tpu.memory_space<hbm>> -> memref<1x4096xf32, #tpu.memory_space<hbm>>
    %dma_start3A_864 = tpu.memref_squeeze %dma_start3A_863 : memref<1x4096xf32, #tpu.memory_space<hbm>> -> memref<4096xf32, #tpu.memory_space<hbm>>
    tpu.enqueue_dma source(%arg10 : memref<4096xf32, #tpu.memory_space<vmem>>) target(%dma_start3A_864 : memref<4096xf32, #tpu.memory_space<hbm>>) target_semaphore(%arg14 : memref<!tpu.dma_semaphore, #tpu.memory_space<semaphore_mem>>)
    %mul3A_865 = arith.constant 13 : i32
    %mul3A_866 = arith.muli %add3A, %mul3A_865 : i32
    %add3A_867 = arith.constant 5 : i32
    %add3A_868 = arith.addi %mul3A_866, %add3A_867 : i32
    %jit3A_869 = arith.constant 16 : i32
    %div3A_870 = arith.divsi %add3A_868, %jit3A_869 : i32
    %sign3A_871 = arith.constant 0 : i32
    %sign3A_872 = arith.cmpi sgt, %add3A_868, %sign3A_871 : i32
    %sign3A_873 = arith.extui %sign3A_872 : i1 to i32
    %sign3A_874 = arith.constant 0 : i32
    %sign3A_875 = arith.cmpi slt, %add3A_868, %sign3A_874 : i32
    %sign3A_876 = arith.extui %sign3A_875 : i1 to i32
    %sign3A_877 = arith.subi %sign3A_873, %sign3A_876 : i32
    %sign3A_878 = arith.constant 0 : i32
    %sign3A_879 = arith.cmpi sgt, %jit3A_869, %sign3A_878 : i32
    %sign3A_880 = arith.extui %sign3A_879 : i1 to i32
    %sign3A_881 = arith.constant 0 : i32
    %sign3A_882 = arith.cmpi slt, %jit3A_869, %sign3A_881 : i32
    %sign3A_883 = arith.extui %sign3A_882 : i1 to i32
    %sign3A_884 = arith.subi %sign3A_880, %sign3A_883 : i32
    %ne3A_885 = arith.cmpi ne, %sign3A_877, %sign3A_884 : i32
    %rem3A_886 = arith.remsi %add3A_868, %jit3A_869 : i32
    %ne3A_887 = arith.constant 0 : i32
    %ne3A_888 = arith.cmpi ne, %rem3A_886, %ne3A_887 : i32
    %and3A_889 = arith.andi %ne3A_885, %ne3A_888 : i1
    %sub3A_890 = arith.constant 1 : i32
    %sub3A_891 = arith.subi %div3A_870, %sub3A_890 : i32
    %select_n3A_892 = arith.select %and3A_889, %sub3A_891, %div3A_870 : i32
    %rem3A_893 = arith.constant 16 : i32
    %rem3A_894 = arith.remsi %add3A_868, %rem3A_893 : i32
    %mul3A_895 = arith.constant 100000 : i32
    %mul3A_896 = arith.muli %select_n3A_892, %mul3A_895 : i32
    %rem3A_897 = arith.constant 128 : i32
    %rem3A_898 = arith.remsi %mul3A_896, %rem3A_897 : i32
    %sub3A_899 = arith.subi %mul3A_896, %rem3A_898 : i32
    %multiple_of3A_900 = tpu.assume_multiple %sub3A_899, 128 : i32
    %sub3A_901 = arith.subi %mul3A_896, %multiple_of3A_900 : i32
    %eq3A_902 = arith.constant 0 : i32
    %eq3A_903 = arith.cmpi eq, %rem3A_894, %eq3A_902 : i32
    %convert_element_type3A_904 = arith.extui %eq3A_903 : i1 to i32
    %cond3A_905 = arith.constant 0 : i32
    %cond3A_906 = arith.cmpi ne, %convert_element_type3A_904, %cond3A_905 : i32
    scf.if %cond3A_906 {
      "tpu.region"() ({
        %run_scoped3A = tpu.sem_alloc : memref<!tpu.dma_semaphore, #tpu.memory_space<semaphore_mem>>
        %dma_start3A_2091 = arith.constant 0 : i32
        %dma_start3A_2092 = tpu.memref_slice %arg2[%select_n3A_892, %dma_start3A_2091] : memref<26x4096xi32, #tpu.memory_space<hbm>> -> memref<1x4096xi32, #tpu.memory_space<hbm>>
        %dma_start3A_2093 = tpu.memref_squeeze %dma_start3A_2092 : memref<1x4096xi32, #tpu.memory_space<hbm>> -> memref<4096xi32, #tpu.memory_space<hbm>>
        %dma_start3A_2094 = arith.constant 0 : i32
        %dma_start3A_2095 = tpu.memref_slice %arg2[%select_n3A_892, %dma_start3A_2094] : memref<26x4096xi32, #tpu.memory_space<hbm>> -> memref<1x4096xi32, #tpu.memory_space<hbm>>
        %dma_start3A_2096 = tpu.memref_squeeze %dma_start3A_2095 : memref<1x4096xi32, #tpu.memory_space<hbm>> -> memref<4096xi32, #tpu.memory_space<hbm>>
        tpu.enqueue_dma source(%dma_start3A_2096 : memref<4096xi32, #tpu.memory_space<hbm>>) target(%arg7 : memref<4096xi32, #tpu.memory_space<vmem>>) target_semaphore(%run_scoped3A : memref<!tpu.dma_semaphore, #tpu.memory_space<semaphore_mem>>)
        %dma_wait3A_2097 = arith.constant 0 : i32
        %dma_wait3A_2098 = tpu.memref_slice %arg2[%select_n3A_892, %dma_wait3A_2097] : memref<26x4096xi32, #tpu.memory_space<hbm>> -> memref<1x4096xi32, #tpu.memory_space<hbm>>
        %dma_wait3A_2099 = tpu.memref_squeeze %dma_wait3A_2098 : memref<1x4096xi32, #tpu.memory_space<hbm>> -> memref<4096xi32, #tpu.memory_space<hbm>>
        %dma_wait3A_2100 = arith.constant 0 : i32
        %dma_wait3A_2101 = tpu.memref_slice %arg2[%select_n3A_892, %dma_wait3A_2100] : memref<26x4096xi32, #tpu.memory_space<hbm>> -> memref<1x4096xi32, #tpu.memory_space<hbm>>
        %dma_wait3A_2102 = tpu.memref_squeeze %dma_wait3A_2101 : memref<1x4096xi32, #tpu.memory_space<hbm>> -> memref<4096xi32, #tpu.memory_space<hbm>>
        tpu.wait_dma2 semaphore(%run_scoped3A : memref<!tpu.dma_semaphore, #tpu.memory_space<semaphore_mem>>) src(%dma_wait3A_2102 : memref<4096xi32, #tpu.memory_space<hbm>>) dst(%arg7 : memref<4096xi32, #tpu.memory_space<vmem>>)
        tpu.yield
      }) : () -> ()
    } else {
    }
    %dma_wait3A_907 = arith.constant 0 : i32
    %dma_wait3A_908 = tpu.memref_slice %arg5[%add3A_544, %dma_wait3A_907] : memref<416x4096xf32, #tpu.memory_space<hbm>> -> memref<1x4096xf32, #tpu.memory_space<hbm>>
    %dma_wait3A_909 = tpu.memref_squeeze %dma_wait3A_908 : memref<1x4096xf32, #tpu.memory_space<hbm>> -> memref<4096xf32, #tpu.memory_space<hbm>>
    %dma_wait3A_910 = arith.constant 0 : i32
    %dma_wait3A_911 = tpu.memref_slice %arg5[%add3A_544, %dma_wait3A_910] : memref<416x4096xf32, #tpu.memory_space<hbm>> -> memref<1x4096xf32, #tpu.memory_space<hbm>>
    %dma_wait3A_912 = tpu.memref_squeeze %dma_wait3A_911 : memref<1x4096xf32, #tpu.memory_space<hbm>> -> memref<4096xf32, #tpu.memory_space<hbm>>
    tpu.wait_dma2 semaphore(%arg15 : memref<!tpu.dma_semaphore, #tpu.memory_space<semaphore_mem>>) src(%arg11 : memref<4096xf32, #tpu.memory_space<vmem>>) dst(%dma_wait3A_912 : memref<4096xf32, #tpu.memory_space<hbm>>)
    %dma_wait3A_913 = tpu.memref_slice %arg3[%rem3A_791, %add3A_800] : memref<16x2600000xf32, #tpu.memory_space<hbm>> -> memref<1x50048xf32, #tpu.memory_space<hbm>>
    %dma_wait3A_914 = tpu.memref_squeeze %dma_wait3A_913 : memref<1x50048xf32, #tpu.memory_space<hbm>> -> memref<50048xf32, #tpu.memory_space<hbm>>
    %dma_wait3A_915 = tpu.memref_slice %arg3[%rem3A_791, %add3A_800] : memref<16x2600000xf32, #tpu.memory_space<hbm>> -> memref<1x50048xf32, #tpu.memory_space<hbm>>
    %dma_wait3A_916 = tpu.memref_squeeze %dma_wait3A_915 : memref<1x50048xf32, #tpu.memory_space<hbm>> -> memref<50048xf32, #tpu.memory_space<hbm>>
    tpu.wait_dma2 semaphore(%arg12 : memref<!tpu.dma_semaphore, #tpu.memory_space<semaphore_mem>>) src(%dma_wait3A_916 : memref<50048xf32, #tpu.memory_space<hbm>>) dst(%arg8 : memref<50048xf32, #tpu.memory_space<vmem>>)
    %scan3A_917 = arith.constant 0 : i32
    %scan3A_918 = arith.constant 0 : i32
    %scan3A_919 = arith.constant 256 : i32
    %scan3A_920 = arith.addi %scan3A_918, %scan3A_919 : i32
    %scan3A_921 = arith.constant 1 : i32
    %scan3A_922 = scf.for %scan3A_2091 = %scan3A_918 to %scan3A_920 step %scan3A_921 iter_args(%scan3A_2092 = %scan3A_917) -> (i32)  : i32 {
      %mul3A_2093 = arith.constant 16 : i32
      %mul3A_2094 = arith.muli %scan3A_2091, %mul3A_2093 : i32
      %get3A = arith.index_cast %mul3A_2094 : i32 to index
      %get3A_2095 = tpu.vector_load %arg7[%get3A] {strides = array<i32>} : memref<4096xi32, #tpu.memory_space<vmem>>, vector<16xi32>,
      %add3A_2096 = vector.broadcast %sub3A_901 : i32 to vector<16xi32>
      %add3A_2097 = arith.addi %get3A_2095, %add3A_2096 : vector<16xi32>
      %min3A = arith.constant 50047 : i32
      %min3A_2098 = vector.broadcast %min3A : i32 to vector<16xi32>
      %min3A_2099 = arith.minsi %add3A_2097, %min3A_2098 : vector<16xi32>
      %gather3A = tpu.vector_load_idx %arg8[%min3A_2099] : memref<50048xf32, #tpu.memory_space<vmem>>[vector<16xi32>], vector<16xf32>,
      %mul3A_2100 = arith.constant 16 : i32
      %mul3A_2101 = arith.muli %scan3A_2091, %mul3A_2100 : i32
      %swap3A = arith.index_cast %mul3A_2101 : i32 to index
      %swap3A_2102 = tpu.vector_load %arg11[%swap3A] {strides = array<i32>} : memref<4096xf32, #tpu.memory_space<vmem>>, vector<16xf32>,
      tpu.vector_store %arg11[%swap3A], %gather3A {strides = array<i32>} : memref<4096xf32, #tpu.memory_space<vmem>>, vector<16xf32>,
      %scan3A_2103 = arith.constant 0 : i32
      scf.yield %scan3A_2103 : i32
    }
    %scan3A_923 = arith.constant 256 : i32
    %mul3A_924 = arith.constant 13 : i32
    %mul3A_925 = arith.muli %add3A, %mul3A_924 : i32
    %add3A_926 = arith.constant 6 : i32
    %add3A_927 = arith.addi %mul3A_925, %add3A_926 : i32
    %jit3A_928 = arith.constant 16 : i32
    %div3A_929 = arith.divsi %add3A_927, %jit3A_928 : i32
    %sign3A_930 = arith.constant 0 : i32
    %sign3A_931 = arith.cmpi sgt, %add3A_927, %sign3A_930 : i32
    %sign3A_932 = arith.extui %sign3A_931 : i1 to i32
    %sign3A_933 = arith.constant 0 : i32
    %sign3A_934 = arith.cmpi slt, %add3A_927, %sign3A_933 : i32
    %sign3A_935 = arith.extui %sign3A_934 : i1 to i32
    %sign3A_936 = arith.subi %sign3A_932, %sign3A_935 : i32
    %sign3A_937 = arith.constant 0 : i32
    %sign3A_938 = arith.cmpi sgt, %jit3A_928, %sign3A_937 : i32
    %sign3A_939 = arith.extui %sign3A_938 : i1 to i32
    %sign3A_940 = arith.constant 0 : i32
    %sign3A_941 = arith.cmpi slt, %jit3A_928, %sign3A_940 : i32
    %sign3A_942 = arith.extui %sign3A_941 : i1 to i32
    %sign3A_943 = arith.subi %sign3A_939, %sign3A_942 : i32
    %ne3A_944 = arith.cmpi ne, %sign3A_936, %sign3A_943 : i32
    %rem3A_945 = arith.remsi %add3A_927, %jit3A_928 : i32
    %ne3A_946 = arith.constant 0 : i32
    %ne3A_947 = arith.cmpi ne, %rem3A_945, %ne3A_946 : i32
    %and3A_948 = arith.andi %ne3A_944, %ne3A_947 : i1
    %sub3A_949 = arith.constant 1 : i32
    %sub3A_950 = arith.subi %div3A_929, %sub3A_949 : i32
    %select_n3A_951 = arith.select %and3A_948, %sub3A_950, %div3A_929 : i32
    %rem3A_952 = arith.constant 16 : i32
    %rem3A_953 = arith.remsi %add3A_927, %rem3A_952 : i32
    %mul3A_954 = arith.constant 100000 : i32
    %mul3A_955 = arith.muli %select_n3A_951, %mul3A_954 : i32
    %rem3A_956 = arith.constant 128 : i32
    %rem3A_957 = arith.remsi %mul3A_955, %rem3A_956 : i32
    %sub3A_958 = arith.subi %mul3A_955, %rem3A_957 : i32
    %multiple_of3A_959 = tpu.assume_multiple %sub3A_958, 128 : i32
    %sub3A_960 = arith.subi %mul3A_955, %multiple_of3A_959 : i32
    %add3A_961 = arith.constant 0 : i32
    %add3A_962 = arith.addi %multiple_of3A_959, %add3A_961 : i32
    %dma_start3A_963 = tpu.memref_slice %arg3[%rem3A_953, %add3A_962] : memref<16x2600000xf32, #tpu.memory_space<hbm>> -> memref<1x50048xf32, #tpu.memory_space<hbm>>
    %dma_start3A_964 = tpu.memref_squeeze %dma_start3A_963 : memref<1x50048xf32, #tpu.memory_space<hbm>> -> memref<50048xf32, #tpu.memory_space<hbm>>
    %dma_start3A_965 = tpu.memref_slice %arg3[%rem3A_953, %add3A_962] : memref<16x2600000xf32, #tpu.memory_space<hbm>> -> memref<1x50048xf32, #tpu.memory_space<hbm>>
    %dma_start3A_966 = tpu.memref_squeeze %dma_start3A_965 : memref<1x50048xf32, #tpu.memory_space<hbm>> -> memref<50048xf32, #tpu.memory_space<hbm>>
    tpu.enqueue_dma source(%dma_start3A_966 : memref<50048xf32, #tpu.memory_space<hbm>>) target(%arg8 : memref<50048xf32, #tpu.memory_space<vmem>>) target_semaphore(%arg12 : memref<!tpu.dma_semaphore, #tpu.memory_space<semaphore_mem>>)
    %dma_wait3A_967 = tpu.memref_slice %arg3[%rem3A_845, %add3A_854] : memref<16x2600000xf32, #tpu.memory_space<hbm>> -> memref<1x50048xf32, #tpu.memory_space<hbm>>
    %dma_wait3A_968 = tpu.memref_squeeze %dma_wait3A_967 : memref<1x50048xf32, #tpu.memory_space<hbm>> -> memref<50048xf32, #tpu.memory_space<hbm>>
    %dma_wait3A_969 = tpu.memref_slice %arg3[%rem3A_845, %add3A_854] : memref<16x2600000xf32, #tpu.memory_space<hbm>> -> memref<1x50048xf32, #tpu.memory_space<hbm>>
    %dma_wait3A_970 = tpu.memref_squeeze %dma_wait3A_969 : memref<1x50048xf32, #tpu.memory_space<hbm>> -> memref<50048xf32, #tpu.memory_space<hbm>>
    tpu.wait_dma2 semaphore(%arg13 : memref<!tpu.dma_semaphore, #tpu.memory_space<semaphore_mem>>) src(%dma_wait3A_970 : memref<50048xf32, #tpu.memory_space<hbm>>) dst(%arg9 : memref<50048xf32, #tpu.memory_space<vmem>>)
    %scan3A_971 = arith.constant 0 : i32
    %scan3A_972 = arith.constant 0 : i32
    %scan3A_973 = arith.constant 256 : i32
    %scan3A_974 = arith.addi %scan3A_972, %scan3A_973 : i32
    %scan3A_975 = arith.constant 1 : i32
    %scan3A_976 = scf.for %scan3A_2091 = %scan3A_972 to %scan3A_974 step %scan3A_975 iter_args(%scan3A_2092 = %scan3A_971) -> (i32)  : i32 {
      %mul3A_2093 = arith.constant 16 : i32
      %mul3A_2094 = arith.muli %scan3A_2091, %mul3A_2093 : i32
      %get3A = arith.index_cast %mul3A_2094 : i32 to index
      %get3A_2095 = tpu.vector_load %arg7[%get3A] {strides = array<i32>} : memref<4096xi32, #tpu.memory_space<vmem>>, vector<16xi32>,
      %add3A_2096 = vector.broadcast %sub3A_901 : i32 to vector<16xi32>
      %add3A_2097 = arith.addi %get3A_2095, %add3A_2096 : vector<16xi32>
      %sub3A_2098 = arith.constant 50048 : i32
      %sub3A_2099 = vector.broadcast %sub3A_2098 : i32 to vector<16xi32>
      %sub3A_2100 = arith.subi %add3A_2097, %sub3A_2099 : vector<16xi32>
      %max3A = arith.constant 0 : i32
      %max3A_2101 = vector.broadcast %max3A : i32 to vector<16xi32>
      %max3A_2102 = arith.maxsi %sub3A_2100, %max3A_2101 : vector<16xi32>
      %gather3A = tpu.vector_load_idx %arg9[%max3A_2102] : memref<50048xf32, #tpu.memory_space<vmem>>[vector<16xi32>], vector<16xf32>,
      %ge3A = arith.constant 50048 : i32
      %ge3A_2103 = vector.broadcast %ge3A : i32 to vector<16xi32>
      %ge3A_2104 = arith.cmpi sge, %add3A_2097, %ge3A_2103 : vector<16xi32>
      %get3A_2105 = arith.index_cast %mul3A_2094 : i32 to index
      %get3A_2106 = tpu.vector_load %arg11[%get3A_2105] {strides = array<i32>} : memref<4096xf32, #tpu.memory_space<vmem>>, vector<16xf32>,
      %select_n3A_2107 = arith.select %ge3A_2104, %gather3A, %get3A_2106 : vector<16xi1>, vector<16xf32>
      %swap3A = arith.index_cast %mul3A_2094 : i32 to index
      %swap3A_2108 = tpu.vector_load %arg11[%swap3A] {strides = array<i32>} : memref<4096xf32, #tpu.memory_space<vmem>>, vector<16xf32>,
      tpu.vector_store %arg11[%swap3A], %select_n3A_2107 {strides = array<i32>} : memref<4096xf32, #tpu.memory_space<vmem>>, vector<16xf32>,
      %scan3A_2109 = arith.constant 0 : i32
      scf.yield %scan3A_2109 : i32
    }
    %scan3A_977 = arith.constant 256 : i32
    %mul3A_978 = arith.constant 13 : i32
    %mul3A_979 = arith.muli %add3A, %mul3A_978 : i32
    %add3A_980 = arith.constant 6 : i32
    %add3A_981 = arith.addi %mul3A_979, %add3A_980 : i32
    %jit3A_982 = arith.constant 16 : i32
    %div3A_983 = arith.divsi %add3A_981, %jit3A_982 : i32
    %sign3A_984 = arith.constant 0 : i32
    %sign3A_985 = arith.cmpi sgt, %add3A_981, %sign3A_984 : i32
    %sign3A_986 = arith.extui %sign3A_985 : i1 to i32
    %sign3A_987 = arith.constant 0 : i32
    %sign3A_988 = arith.cmpi slt, %add3A_981, %sign3A_987 : i32
    %sign3A_989 = arith.extui %sign3A_988 : i1 to i32
    %sign3A_990 = arith.subi %sign3A_986, %sign3A_989 : i32
    %sign3A_991 = arith.constant 0 : i32
    %sign3A_992 = arith.cmpi sgt, %jit3A_982, %sign3A_991 : i32
    %sign3A_993 = arith.extui %sign3A_992 : i1 to i32
    %sign3A_994 = arith.constant 0 : i32
    %sign3A_995 = arith.cmpi slt, %jit3A_982, %sign3A_994 : i32
    %sign3A_996 = arith.extui %sign3A_995 : i1 to i32
    %sign3A_997 = arith.subi %sign3A_993, %sign3A_996 : i32
    %ne3A_998 = arith.cmpi ne, %sign3A_990, %sign3A_997 : i32
    %rem3A_999 = arith.remsi %add3A_981, %jit3A_982 : i32
    %ne3A_1000 = arith.constant 0 : i32
    %ne3A_1001 = arith.cmpi ne, %rem3A_999, %ne3A_1000 : i32
    %and3A_1002 = arith.andi %ne3A_998, %ne3A_1001 : i1
    %sub3A_1003 = arith.constant 1 : i32
    %sub3A_1004 = arith.subi %div3A_983, %sub3A_1003 : i32
    %select_n3A_1005 = arith.select %and3A_1002, %sub3A_1004, %div3A_983 : i32
    %rem3A_1006 = arith.constant 16 : i32
    %rem3A_1007 = arith.remsi %add3A_981, %rem3A_1006 : i32
    %mul3A_1008 = arith.constant 100000 : i32
    %mul3A_1009 = arith.muli %select_n3A_1005, %mul3A_1008 : i32
    %rem3A_1010 = arith.constant 128 : i32
    %rem3A_1011 = arith.remsi %mul3A_1009, %rem3A_1010 : i32
    %sub3A_1012 = arith.subi %mul3A_1009, %rem3A_1011 : i32
    %multiple_of3A_1013 = tpu.assume_multiple %sub3A_1012, 128 : i32
    %sub3A_1014 = arith.subi %mul3A_1009, %multiple_of3A_1013 : i32
    %add3A_1015 = arith.constant 50048 : i32
    %add3A_1016 = arith.addi %multiple_of3A_1013, %add3A_1015 : i32
    %dma_start3A_1017 = tpu.memref_slice %arg3[%rem3A_1007, %add3A_1016] : memref<16x2600000xf32, #tpu.memory_space<hbm>> -> memref<1x50048xf32, #tpu.memory_space<hbm>>
    %dma_start3A_1018 = tpu.memref_squeeze %dma_start3A_1017 : memref<1x50048xf32, #tpu.memory_space<hbm>> -> memref<50048xf32, #tpu.memory_space<hbm>>
    %dma_start3A_1019 = tpu.memref_slice %arg3[%rem3A_1007, %add3A_1016] : memref<16x2600000xf32, #tpu.memory_space<hbm>> -> memref<1x50048xf32, #tpu.memory_space<hbm>>
    %dma_start3A_1020 = tpu.memref_squeeze %dma_start3A_1019 : memref<1x50048xf32, #tpu.memory_space<hbm>> -> memref<50048xf32, #tpu.memory_space<hbm>>
    tpu.enqueue_dma source(%dma_start3A_1020 : memref<50048xf32, #tpu.memory_space<hbm>>) target(%arg9 : memref<50048xf32, #tpu.memory_space<vmem>>) target_semaphore(%arg13 : memref<!tpu.dma_semaphore, #tpu.memory_space<semaphore_mem>>)
    %dma_start3A_1021 = arith.constant 0 : i32
    %dma_start3A_1022 = tpu.memref_slice %arg5[%add3A_868, %dma_start3A_1021] : memref<416x4096xf32, #tpu.memory_space<hbm>> -> memref<1x4096xf32, #tpu.memory_space<hbm>>
    %dma_start3A_1023 = tpu.memref_squeeze %dma_start3A_1022 : memref<1x4096xf32, #tpu.memory_space<hbm>> -> memref<4096xf32, #tpu.memory_space<hbm>>
    %dma_start3A_1024 = arith.constant 0 : i32
    %dma_start3A_1025 = tpu.memref_slice %arg5[%add3A_868, %dma_start3A_1024] : memref<416x4096xf32, #tpu.memory_space<hbm>> -> memref<1x4096xf32, #tpu.memory_space<hbm>>
    %dma_start3A_1026 = tpu.memref_squeeze %dma_start3A_1025 : memref<1x4096xf32, #tpu.memory_space<hbm>> -> memref<4096xf32, #tpu.memory_space<hbm>>
    tpu.enqueue_dma source(%arg11 : memref<4096xf32, #tpu.memory_space<vmem>>) target(%dma_start3A_1026 : memref<4096xf32, #tpu.memory_space<hbm>>) target_semaphore(%arg15 : memref<!tpu.dma_semaphore, #tpu.memory_space<semaphore_mem>>)
    %mul3A_1027 = arith.constant 13 : i32
    %mul3A_1028 = arith.muli %add3A, %mul3A_1027 : i32
    %add3A_1029 = arith.constant 6 : i32
    %add3A_1030 = arith.addi %mul3A_1028, %add3A_1029 : i32
    %jit3A_1031 = arith.constant 16 : i32
    %div3A_1032 = arith.divsi %add3A_1030, %jit3A_1031 : i32
    %sign3A_1033 = arith.constant 0 : i32
    %sign3A_1034 = arith.cmpi sgt, %add3A_1030, %sign3A_1033 : i32
    %sign3A_1035 = arith.extui %sign3A_1034 : i1 to i32
    %sign3A_1036 = arith.constant 0 : i32
    %sign3A_1037 = arith.cmpi slt, %add3A_1030, %sign3A_1036 : i32
    %sign3A_1038 = arith.extui %sign3A_1037 : i1 to i32
    %sign3A_1039 = arith.subi %sign3A_1035, %sign3A_1038 : i32
    %sign3A_1040 = arith.constant 0 : i32
    %sign3A_1041 = arith.cmpi sgt, %jit3A_1031, %sign3A_1040 : i32
    %sign3A_1042 = arith.extui %sign3A_1041 : i1 to i32
    %sign3A_1043 = arith.constant 0 : i32
    %sign3A_1044 = arith.cmpi slt, %jit3A_1031, %sign3A_1043 : i32
    %sign3A_1045 = arith.extui %sign3A_1044 : i1 to i32
    %sign3A_1046 = arith.subi %sign3A_1042, %sign3A_1045 : i32
    %ne3A_1047 = arith.cmpi ne, %sign3A_1039, %sign3A_1046 : i32
    %rem3A_1048 = arith.remsi %add3A_1030, %jit3A_1031 : i32
    %ne3A_1049 = arith.constant 0 : i32
    %ne3A_1050 = arith.cmpi ne, %rem3A_1048, %ne3A_1049 : i32
    %and3A_1051 = arith.andi %ne3A_1047, %ne3A_1050 : i1
    %sub3A_1052 = arith.constant 1 : i32
    %sub3A_1053 = arith.subi %div3A_1032, %sub3A_1052 : i32
    %select_n3A_1054 = arith.select %and3A_1051, %sub3A_1053, %div3A_1032 : i32
    %rem3A_1055 = arith.constant 16 : i32
    %rem3A_1056 = arith.remsi %add3A_1030, %rem3A_1055 : i32
    %mul3A_1057 = arith.constant 100000 : i32
    %mul3A_1058 = arith.muli %select_n3A_1054, %mul3A_1057 : i32
    %rem3A_1059 = arith.constant 128 : i32
    %rem3A_1060 = arith.remsi %mul3A_1058, %rem3A_1059 : i32
    %sub3A_1061 = arith.subi %mul3A_1058, %rem3A_1060 : i32
    %multiple_of3A_1062 = tpu.assume_multiple %sub3A_1061, 128 : i32
    %sub3A_1063 = arith.subi %mul3A_1058, %multiple_of3A_1062 : i32
    %eq3A_1064 = arith.constant 0 : i32
    %eq3A_1065 = arith.cmpi eq, %rem3A_1056, %eq3A_1064 : i32
    %convert_element_type3A_1066 = arith.extui %eq3A_1065 : i1 to i32
    %cond3A_1067 = arith.constant 0 : i32
    %cond3A_1068 = arith.cmpi ne, %convert_element_type3A_1066, %cond3A_1067 : i32
    scf.if %cond3A_1068 {
      "tpu.region"() ({
        %run_scoped3A = tpu.sem_alloc : memref<!tpu.dma_semaphore, #tpu.memory_space<semaphore_mem>>
        %dma_start3A_2091 = arith.constant 0 : i32
        %dma_start3A_2092 = tpu.memref_slice %arg2[%select_n3A_1054, %dma_start3A_2091] : memref<26x4096xi32, #tpu.memory_space<hbm>> -> memref<1x4096xi32, #tpu.memory_space<hbm>>
        %dma_start3A_2093 = tpu.memref_squeeze %dma_start3A_2092 : memref<1x4096xi32, #tpu.memory_space<hbm>> -> memref<4096xi32, #tpu.memory_space<hbm>>
        %dma_start3A_2094 = arith.constant 0 : i32
        %dma_start3A_2095 = tpu.memref_slice %arg2[%select_n3A_1054, %dma_start3A_2094] : memref<26x4096xi32, #tpu.memory_space<hbm>> -> memref<1x4096xi32, #tpu.memory_space<hbm>>
        %dma_start3A_2096 = tpu.memref_squeeze %dma_start3A_2095 : memref<1x4096xi32, #tpu.memory_space<hbm>> -> memref<4096xi32, #tpu.memory_space<hbm>>
        tpu.enqueue_dma source(%dma_start3A_2096 : memref<4096xi32, #tpu.memory_space<hbm>>) target(%arg7 : memref<4096xi32, #tpu.memory_space<vmem>>) target_semaphore(%run_scoped3A : memref<!tpu.dma_semaphore, #tpu.memory_space<semaphore_mem>>)
        %dma_wait3A_2097 = arith.constant 0 : i32
        %dma_wait3A_2098 = tpu.memref_slice %arg2[%select_n3A_1054, %dma_wait3A_2097] : memref<26x4096xi32, #tpu.memory_space<hbm>> -> memref<1x4096xi32, #tpu.memory_space<hbm>>
        %dma_wait3A_2099 = tpu.memref_squeeze %dma_wait3A_2098 : memref<1x4096xi32, #tpu.memory_space<hbm>> -> memref<4096xi32, #tpu.memory_space<hbm>>
        %dma_wait3A_2100 = arith.constant 0 : i32
        %dma_wait3A_2101 = tpu.memref_slice %arg2[%select_n3A_1054, %dma_wait3A_2100] : memref<26x4096xi32, #tpu.memory_space<hbm>> -> memref<1x4096xi32, #tpu.memory_space<hbm>>
        %dma_wait3A_2102 = tpu.memref_squeeze %dma_wait3A_2101 : memref<1x4096xi32, #tpu.memory_space<hbm>> -> memref<4096xi32, #tpu.memory_space<hbm>>
        tpu.wait_dma2 semaphore(%run_scoped3A : memref<!tpu.dma_semaphore, #tpu.memory_space<semaphore_mem>>) src(%dma_wait3A_2102 : memref<4096xi32, #tpu.memory_space<hbm>>) dst(%arg7 : memref<4096xi32, #tpu.memory_space<vmem>>)
        tpu.yield
      }) : () -> ()
    } else {
    }
    %dma_wait3A_1069 = arith.constant 0 : i32
    %dma_wait3A_1070 = tpu.memref_slice %arg5[%add3A_706, %dma_wait3A_1069] : memref<416x4096xf32, #tpu.memory_space<hbm>> -> memref<1x4096xf32, #tpu.memory_space<hbm>>
    %dma_wait3A_1071 = tpu.memref_squeeze %dma_wait3A_1070 : memref<1x4096xf32, #tpu.memory_space<hbm>> -> memref<4096xf32, #tpu.memory_space<hbm>>
    %dma_wait3A_1072 = arith.constant 0 : i32
    %dma_wait3A_1073 = tpu.memref_slice %arg5[%add3A_706, %dma_wait3A_1072] : memref<416x4096xf32, #tpu.memory_space<hbm>> -> memref<1x4096xf32, #tpu.memory_space<hbm>>
    %dma_wait3A_1074 = tpu.memref_squeeze %dma_wait3A_1073 : memref<1x4096xf32, #tpu.memory_space<hbm>> -> memref<4096xf32, #tpu.memory_space<hbm>>
    tpu.wait_dma2 semaphore(%arg14 : memref<!tpu.dma_semaphore, #tpu.memory_space<semaphore_mem>>) src(%arg10 : memref<4096xf32, #tpu.memory_space<vmem>>) dst(%dma_wait3A_1074 : memref<4096xf32, #tpu.memory_space<hbm>>)
    %dma_wait3A_1075 = tpu.memref_slice %arg3[%rem3A_953, %add3A_962] : memref<16x2600000xf32, #tpu.memory_space<hbm>> -> memref<1x50048xf32, #tpu.memory_space<hbm>>
    %dma_wait3A_1076 = tpu.memref_squeeze %dma_wait3A_1075 : memref<1x50048xf32, #tpu.memory_space<hbm>> -> memref<50048xf32, #tpu.memory_space<hbm>>
    %dma_wait3A_1077 = tpu.memref_slice %arg3[%rem3A_953, %add3A_962] : memref<16x2600000xf32, #tpu.memory_space<hbm>> -> memref<1x50048xf32, #tpu.memory_space<hbm>>
    %dma_wait3A_1078 = tpu.memref_squeeze %dma_wait3A_1077 : memref<1x50048xf32, #tpu.memory_space<hbm>> -> memref<50048xf32, #tpu.memory_space<hbm>>
    tpu.wait_dma2 semaphore(%arg12 : memref<!tpu.dma_semaphore, #tpu.memory_space<semaphore_mem>>) src(%dma_wait3A_1078 : memref<50048xf32, #tpu.memory_space<hbm>>) dst(%arg8 : memref<50048xf32, #tpu.memory_space<vmem>>)
    %scan3A_1079 = arith.constant 0 : i32
    %scan3A_1080 = arith.constant 0 : i32
    %scan3A_1081 = arith.constant 256 : i32
    %scan3A_1082 = arith.addi %scan3A_1080, %scan3A_1081 : i32
    %scan3A_1083 = arith.constant 1 : i32
    %scan3A_1084 = scf.for %scan3A_2091 = %scan3A_1080 to %scan3A_1082 step %scan3A_1083 iter_args(%scan3A_2092 = %scan3A_1079) -> (i32)  : i32 {
      %mul3A_2093 = arith.constant 16 : i32
      %mul3A_2094 = arith.muli %scan3A_2091, %mul3A_2093 : i32
      %get3A = arith.index_cast %mul3A_2094 : i32 to index
      %get3A_2095 = tpu.vector_load %arg7[%get3A] {strides = array<i32>} : memref<4096xi32, #tpu.memory_space<vmem>>, vector<16xi32>,
      %add3A_2096 = vector.broadcast %sub3A_1063 : i32 to vector<16xi32>
      %add3A_2097 = arith.addi %get3A_2095, %add3A_2096 : vector<16xi32>
      %min3A = arith.constant 50047 : i32
      %min3A_2098 = vector.broadcast %min3A : i32 to vector<16xi32>
      %min3A_2099 = arith.minsi %add3A_2097, %min3A_2098 : vector<16xi32>
      %gather3A = tpu.vector_load_idx %arg8[%min3A_2099] : memref<50048xf32, #tpu.memory_space<vmem>>[vector<16xi32>], vector<16xf32>,
      %mul3A_2100 = arith.constant 16 : i32
      %mul3A_2101 = arith.muli %scan3A_2091, %mul3A_2100 : i32
      %swap3A = arith.index_cast %mul3A_2101 : i32 to index
      %swap3A_2102 = tpu.vector_load %arg10[%swap3A] {strides = array<i32>} : memref<4096xf32, #tpu.memory_space<vmem>>, vector<16xf32>,
      tpu.vector_store %arg10[%swap3A], %gather3A {strides = array<i32>} : memref<4096xf32, #tpu.memory_space<vmem>>, vector<16xf32>,
      %scan3A_2103 = arith.constant 0 : i32
      scf.yield %scan3A_2103 : i32
    }
    %scan3A_1085 = arith.constant 256 : i32
    %mul3A_1086 = arith.constant 13 : i32
    %mul3A_1087 = arith.muli %add3A, %mul3A_1086 : i32
    %add3A_1088 = arith.constant 7 : i32
    %add3A_1089 = arith.addi %mul3A_1087, %add3A_1088 : i32
    %jit3A_1090 = arith.constant 16 : i32
    %div3A_1091 = arith.divsi %add3A_1089, %jit3A_1090 : i32
    %sign3A_1092 = arith.constant 0 : i32
    %sign3A_1093 = arith.cmpi sgt, %add3A_1089, %sign3A_1092 : i32
    %sign3A_1094 = arith.extui %sign3A_1093 : i1 to i32
    %sign3A_1095 = arith.constant 0 : i32
    %sign3A_1096 = arith.cmpi slt, %add3A_1089, %sign3A_1095 : i32
    %sign3A_1097 = arith.extui %sign3A_1096 : i1 to i32
    %sign3A_1098 = arith.subi %sign3A_1094, %sign3A_1097 : i32
    %sign3A_1099 = arith.constant 0 : i32
    %sign3A_1100 = arith.cmpi sgt, %jit3A_1090, %sign3A_1099 : i32
    %sign3A_1101 = arith.extui %sign3A_1100 : i1 to i32
    %sign3A_1102 = arith.constant 0 : i32
    %sign3A_1103 = arith.cmpi slt, %jit3A_1090, %sign3A_1102 : i32
    %sign3A_1104 = arith.extui %sign3A_1103 : i1 to i32
    %sign3A_1105 = arith.subi %sign3A_1101, %sign3A_1104 : i32
    %ne3A_1106 = arith.cmpi ne, %sign3A_1098, %sign3A_1105 : i32
    %rem3A_1107 = arith.remsi %add3A_1089, %jit3A_1090 : i32
    %ne3A_1108 = arith.constant 0 : i32
    %ne3A_1109 = arith.cmpi ne, %rem3A_1107, %ne3A_1108 : i32
    %and3A_1110 = arith.andi %ne3A_1106, %ne3A_1109 : i1
    %sub3A_1111 = arith.constant 1 : i32
    %sub3A_1112 = arith.subi %div3A_1091, %sub3A_1111 : i32
    %select_n3A_1113 = arith.select %and3A_1110, %sub3A_1112, %div3A_1091 : i32
    %rem3A_1114 = arith.constant 16 : i32
    %rem3A_1115 = arith.remsi %add3A_1089, %rem3A_1114 : i32
    %mul3A_1116 = arith.constant 100000 : i32
    %mul3A_1117 = arith.muli %select_n3A_1113, %mul3A_1116 : i32
    %rem3A_1118 = arith.constant 128 : i32
    %rem3A_1119 = arith.remsi %mul3A_1117, %rem3A_1118 : i32
    %sub3A_1120 = arith.subi %mul3A_1117, %rem3A_1119 : i32
    %multiple_of3A_1121 = tpu.assume_multiple %sub3A_1120, 128 : i32
    %sub3A_1122 = arith.subi %mul3A_1117, %multiple_of3A_1121 : i32
    %add3A_1123 = arith.constant 0 : i32
    %add3A_1124 = arith.addi %multiple_of3A_1121, %add3A_1123 : i32
    %dma_start3A_1125 = tpu.memref_slice %arg3[%rem3A_1115, %add3A_1124] : memref<16x2600000xf32, #tpu.memory_space<hbm>> -> memref<1x50048xf32, #tpu.memory_space<hbm>>
    %dma_start3A_1126 = tpu.memref_squeeze %dma_start3A_1125 : memref<1x50048xf32, #tpu.memory_space<hbm>> -> memref<50048xf32, #tpu.memory_space<hbm>>
    %dma_start3A_1127 = tpu.memref_slice %arg3[%rem3A_1115, %add3A_1124] : memref<16x2600000xf32, #tpu.memory_space<hbm>> -> memref<1x50048xf32, #tpu.memory_space<hbm>>
    %dma_start3A_1128 = tpu.memref_squeeze %dma_start3A_1127 : memref<1x50048xf32, #tpu.memory_space<hbm>> -> memref<50048xf32, #tpu.memory_space<hbm>>
    tpu.enqueue_dma source(%dma_start3A_1128 : memref<50048xf32, #tpu.memory_space<hbm>>) target(%arg8 : memref<50048xf32, #tpu.memory_space<vmem>>) target_semaphore(%arg12 : memref<!tpu.dma_semaphore, #tpu.memory_space<semaphore_mem>>)
    %dma_wait3A_1129 = tpu.memref_slice %arg3[%rem3A_1007, %add3A_1016] : memref<16x2600000xf32, #tpu.memory_space<hbm>> -> memref<1x50048xf32, #tpu.memory_space<hbm>>
    %dma_wait3A_1130 = tpu.memref_squeeze %dma_wait3A_1129 : memref<1x50048xf32, #tpu.memory_space<hbm>> -> memref<50048xf32, #tpu.memory_space<hbm>>
    %dma_wait3A_1131 = tpu.memref_slice %arg3[%rem3A_1007, %add3A_1016] : memref<16x2600000xf32, #tpu.memory_space<hbm>> -> memref<1x50048xf32, #tpu.memory_space<hbm>>
    %dma_wait3A_1132 = tpu.memref_squeeze %dma_wait3A_1131 : memref<1x50048xf32, #tpu.memory_space<hbm>> -> memref<50048xf32, #tpu.memory_space<hbm>>
    tpu.wait_dma2 semaphore(%arg13 : memref<!tpu.dma_semaphore, #tpu.memory_space<semaphore_mem>>) src(%dma_wait3A_1132 : memref<50048xf32, #tpu.memory_space<hbm>>) dst(%arg9 : memref<50048xf32, #tpu.memory_space<vmem>>)
    %scan3A_1133 = arith.constant 0 : i32
    %scan3A_1134 = arith.constant 0 : i32
    %scan3A_1135 = arith.constant 256 : i32
    %scan3A_1136 = arith.addi %scan3A_1134, %scan3A_1135 : i32
    %scan3A_1137 = arith.constant 1 : i32
    %scan3A_1138 = scf.for %scan3A_2091 = %scan3A_1134 to %scan3A_1136 step %scan3A_1137 iter_args(%scan3A_2092 = %scan3A_1133) -> (i32)  : i32 {
      %mul3A_2093 = arith.constant 16 : i32
      %mul3A_2094 = arith.muli %scan3A_2091, %mul3A_2093 : i32
      %get3A = arith.index_cast %mul3A_2094 : i32 to index
      %get3A_2095 = tpu.vector_load %arg7[%get3A] {strides = array<i32>} : memref<4096xi32, #tpu.memory_space<vmem>>, vector<16xi32>,
      %add3A_2096 = vector.broadcast %sub3A_1063 : i32 to vector<16xi32>
      %add3A_2097 = arith.addi %get3A_2095, %add3A_2096 : vector<16xi32>
      %sub3A_2098 = arith.constant 50048 : i32
      %sub3A_2099 = vector.broadcast %sub3A_2098 : i32 to vector<16xi32>
      %sub3A_2100 = arith.subi %add3A_2097, %sub3A_2099 : vector<16xi32>
      %max3A = arith.constant 0 : i32
      %max3A_2101 = vector.broadcast %max3A : i32 to vector<16xi32>
      %max3A_2102 = arith.maxsi %sub3A_2100, %max3A_2101 : vector<16xi32>
      %gather3A = tpu.vector_load_idx %arg9[%max3A_2102] : memref<50048xf32, #tpu.memory_space<vmem>>[vector<16xi32>], vector<16xf32>,
      %ge3A = arith.constant 50048 : i32
      %ge3A_2103 = vector.broadcast %ge3A : i32 to vector<16xi32>
      %ge3A_2104 = arith.cmpi sge, %add3A_2097, %ge3A_2103 : vector<16xi32>
      %get3A_2105 = arith.index_cast %mul3A_2094 : i32 to index
      %get3A_2106 = tpu.vector_load %arg10[%get3A_2105] {strides = array<i32>} : memref<4096xf32, #tpu.memory_space<vmem>>, vector<16xf32>,
      %select_n3A_2107 = arith.select %ge3A_2104, %gather3A, %get3A_2106 : vector<16xi1>, vector<16xf32>
      %swap3A = arith.index_cast %mul3A_2094 : i32 to index
      %swap3A_2108 = tpu.vector_load %arg10[%swap3A] {strides = array<i32>} : memref<4096xf32, #tpu.memory_space<vmem>>, vector<16xf32>,
      tpu.vector_store %arg10[%swap3A], %select_n3A_2107 {strides = array<i32>} : memref<4096xf32, #tpu.memory_space<vmem>>, vector<16xf32>,
      %scan3A_2109 = arith.constant 0 : i32
      scf.yield %scan3A_2109 : i32
    }
    %scan3A_1139 = arith.constant 256 : i32
    %mul3A_1140 = arith.constant 13 : i32
    %mul3A_1141 = arith.muli %add3A, %mul3A_1140 : i32
    %add3A_1142 = arith.constant 7 : i32
    %add3A_1143 = arith.addi %mul3A_1141, %add3A_1142 : i32
    %jit3A_1144 = arith.constant 16 : i32
    %div3A_1145 = arith.divsi %add3A_1143, %jit3A_1144 : i32
    %sign3A_1146 = arith.constant 0 : i32
    %sign3A_1147 = arith.cmpi sgt, %add3A_1143, %sign3A_1146 : i32
    %sign3A_1148 = arith.extui %sign3A_1147 : i1 to i32
    %sign3A_1149 = arith.constant 0 : i32
    %sign3A_1150 = arith.cmpi slt, %add3A_1143, %sign3A_1149 : i32
    %sign3A_1151 = arith.extui %sign3A_1150 : i1 to i32
    %sign3A_1152 = arith.subi %sign3A_1148, %sign3A_1151 : i32
    %sign3A_1153 = arith.constant 0 : i32
    %sign3A_1154 = arith.cmpi sgt, %jit3A_1144, %sign3A_1153 : i32
    %sign3A_1155 = arith.extui %sign3A_1154 : i1 to i32
    %sign3A_1156 = arith.constant 0 : i32
    %sign3A_1157 = arith.cmpi slt, %jit3A_1144, %sign3A_1156 : i32
    %sign3A_1158 = arith.extui %sign3A_1157 : i1 to i32
    %sign3A_1159 = arith.subi %sign3A_1155, %sign3A_1158 : i32
    %ne3A_1160 = arith.cmpi ne, %sign3A_1152, %sign3A_1159 : i32
    %rem3A_1161 = arith.remsi %add3A_1143, %jit3A_1144 : i32
    %ne3A_1162 = arith.constant 0 : i32
    %ne3A_1163 = arith.cmpi ne, %rem3A_1161, %ne3A_1162 : i32
    %and3A_1164 = arith.andi %ne3A_1160, %ne3A_1163 : i1
    %sub3A_1165 = arith.constant 1 : i32
    %sub3A_1166 = arith.subi %div3A_1145, %sub3A_1165 : i32
    %select_n3A_1167 = arith.select %and3A_1164, %sub3A_1166, %div3A_1145 : i32
    %rem3A_1168 = arith.constant 16 : i32
    %rem3A_1169 = arith.remsi %add3A_1143, %rem3A_1168 : i32
    %mul3A_1170 = arith.constant 100000 : i32
    %mul3A_1171 = arith.muli %select_n3A_1167, %mul3A_1170 : i32
    %rem3A_1172 = arith.constant 128 : i32
    %rem3A_1173 = arith.remsi %mul3A_1171, %rem3A_1172 : i32
    %sub3A_1174 = arith.subi %mul3A_1171, %rem3A_1173 : i32
    %multiple_of3A_1175 = tpu.assume_multiple %sub3A_1174, 128 : i32
    %sub3A_1176 = arith.subi %mul3A_1171, %multiple_of3A_1175 : i32
    %add3A_1177 = arith.constant 50048 : i32
    %add3A_1178 = arith.addi %multiple_of3A_1175, %add3A_1177 : i32
    %dma_start3A_1179 = tpu.memref_slice %arg3[%rem3A_1169, %add3A_1178] : memref<16x2600000xf32, #tpu.memory_space<hbm>> -> memref<1x50048xf32, #tpu.memory_space<hbm>>
    %dma_start3A_1180 = tpu.memref_squeeze %dma_start3A_1179 : memref<1x50048xf32, #tpu.memory_space<hbm>> -> memref<50048xf32, #tpu.memory_space<hbm>>
    %dma_start3A_1181 = tpu.memref_slice %arg3[%rem3A_1169, %add3A_1178] : memref<16x2600000xf32, #tpu.memory_space<hbm>> -> memref<1x50048xf32, #tpu.memory_space<hbm>>
    %dma_start3A_1182 = tpu.memref_squeeze %dma_start3A_1181 : memref<1x50048xf32, #tpu.memory_space<hbm>> -> memref<50048xf32, #tpu.memory_space<hbm>>
    tpu.enqueue_dma source(%dma_start3A_1182 : memref<50048xf32, #tpu.memory_space<hbm>>) target(%arg9 : memref<50048xf32, #tpu.memory_space<vmem>>) target_semaphore(%arg13 : memref<!tpu.dma_semaphore, #tpu.memory_space<semaphore_mem>>)
    %dma_start3A_1183 = arith.constant 0 : i32
    %dma_start3A_1184 = tpu.memref_slice %arg5[%add3A_1030, %dma_start3A_1183] : memref<416x4096xf32, #tpu.memory_space<hbm>> -> memref<1x4096xf32, #tpu.memory_space<hbm>>
    %dma_start3A_1185 = tpu.memref_squeeze %dma_start3A_1184 : memref<1x4096xf32, #tpu.memory_space<hbm>> -> memref<4096xf32, #tpu.memory_space<hbm>>
    %dma_start3A_1186 = arith.constant 0 : i32
    %dma_start3A_1187 = tpu.memref_slice %arg5[%add3A_1030, %dma_start3A_1186] : memref<416x4096xf32, #tpu.memory_space<hbm>> -> memref<1x4096xf32, #tpu.memory_space<hbm>>
    %dma_start3A_1188 = tpu.memref_squeeze %dma_start3A_1187 : memref<1x4096xf32, #tpu.memory_space<hbm>> -> memref<4096xf32, #tpu.memory_space<hbm>>
    tpu.enqueue_dma source(%arg10 : memref<4096xf32, #tpu.memory_space<vmem>>) target(%dma_start3A_1188 : memref<4096xf32, #tpu.memory_space<hbm>>) target_semaphore(%arg14 : memref<!tpu.dma_semaphore, #tpu.memory_space<semaphore_mem>>)
    %mul3A_1189 = arith.constant 13 : i32
    %mul3A_1190 = arith.muli %add3A, %mul3A_1189 : i32
    %add3A_1191 = arith.constant 7 : i32
    %add3A_1192 = arith.addi %mul3A_1190, %add3A_1191 : i32
    %jit3A_1193 = arith.constant 16 : i32
    %div3A_1194 = arith.divsi %add3A_1192, %jit3A_1193 : i32
    %sign3A_1195 = arith.constant 0 : i32
    %sign3A_1196 = arith.cmpi sgt, %add3A_1192, %sign3A_1195 : i32
    %sign3A_1197 = arith.extui %sign3A_1196 : i1 to i32
    %sign3A_1198 = arith.constant 0 : i32
    %sign3A_1199 = arith.cmpi slt, %add3A_1192, %sign3A_1198 : i32
    %sign3A_1200 = arith.extui %sign3A_1199 : i1 to i32
    %sign3A_1201 = arith.subi %sign3A_1197, %sign3A_1200 : i32
    %sign3A_1202 = arith.constant 0 : i32
    %sign3A_1203 = arith.cmpi sgt, %jit3A_1193, %sign3A_1202 : i32
    %sign3A_1204 = arith.extui %sign3A_1203 : i1 to i32
    %sign3A_1205 = arith.constant 0 : i32
    %sign3A_1206 = arith.cmpi slt, %jit3A_1193, %sign3A_1205 : i32
    %sign3A_1207 = arith.extui %sign3A_1206 : i1 to i32
    %sign3A_1208 = arith.subi %sign3A_1204, %sign3A_1207 : i32
    %ne3A_1209 = arith.cmpi ne, %sign3A_1201, %sign3A_1208 : i32
    %rem3A_1210 = arith.remsi %add3A_1192, %jit3A_1193 : i32
    %ne3A_1211 = arith.constant 0 : i32
    %ne3A_1212 = arith.cmpi ne, %rem3A_1210, %ne3A_1211 : i32
    %and3A_1213 = arith.andi %ne3A_1209, %ne3A_1212 : i1
    %sub3A_1214 = arith.constant 1 : i32
    %sub3A_1215 = arith.subi %div3A_1194, %sub3A_1214 : i32
    %select_n3A_1216 = arith.select %and3A_1213, %sub3A_1215, %div3A_1194 : i32
    %rem3A_1217 = arith.constant 16 : i32
    %rem3A_1218 = arith.remsi %add3A_1192, %rem3A_1217 : i32
    %mul3A_1219 = arith.constant 100000 : i32
    %mul3A_1220 = arith.muli %select_n3A_1216, %mul3A_1219 : i32
    %rem3A_1221 = arith.constant 128 : i32
    %rem3A_1222 = arith.remsi %mul3A_1220, %rem3A_1221 : i32
    %sub3A_1223 = arith.subi %mul3A_1220, %rem3A_1222 : i32
    %multiple_of3A_1224 = tpu.assume_multiple %sub3A_1223, 128 : i32
    %sub3A_1225 = arith.subi %mul3A_1220, %multiple_of3A_1224 : i32
    %eq3A_1226 = arith.constant 0 : i32
    %eq3A_1227 = arith.cmpi eq, %rem3A_1218, %eq3A_1226 : i32
    %convert_element_type3A_1228 = arith.extui %eq3A_1227 : i1 to i32
    %cond3A_1229 = arith.constant 0 : i32
    %cond3A_1230 = arith.cmpi ne, %convert_element_type3A_1228, %cond3A_1229 : i32
    scf.if %cond3A_1230 {
      "tpu.region"() ({
        %run_scoped3A = tpu.sem_alloc : memref<!tpu.dma_semaphore, #tpu.memory_space<semaphore_mem>>
        %dma_start3A_2091 = arith.constant 0 : i32
        %dma_start3A_2092 = tpu.memref_slice %arg2[%select_n3A_1216, %dma_start3A_2091] : memref<26x4096xi32, #tpu.memory_space<hbm>> -> memref<1x4096xi32, #tpu.memory_space<hbm>>
        %dma_start3A_2093 = tpu.memref_squeeze %dma_start3A_2092 : memref<1x4096xi32, #tpu.memory_space<hbm>> -> memref<4096xi32, #tpu.memory_space<hbm>>
        %dma_start3A_2094 = arith.constant 0 : i32
        %dma_start3A_2095 = tpu.memref_slice %arg2[%select_n3A_1216, %dma_start3A_2094] : memref<26x4096xi32, #tpu.memory_space<hbm>> -> memref<1x4096xi32, #tpu.memory_space<hbm>>
        %dma_start3A_2096 = tpu.memref_squeeze %dma_start3A_2095 : memref<1x4096xi32, #tpu.memory_space<hbm>> -> memref<4096xi32, #tpu.memory_space<hbm>>
        tpu.enqueue_dma source(%dma_start3A_2096 : memref<4096xi32, #tpu.memory_space<hbm>>) target(%arg7 : memref<4096xi32, #tpu.memory_space<vmem>>) target_semaphore(%run_scoped3A : memref<!tpu.dma_semaphore, #tpu.memory_space<semaphore_mem>>)
        %dma_wait3A_2097 = arith.constant 0 : i32
        %dma_wait3A_2098 = tpu.memref_slice %arg2[%select_n3A_1216, %dma_wait3A_2097] : memref<26x4096xi32, #tpu.memory_space<hbm>> -> memref<1x4096xi32, #tpu.memory_space<hbm>>
        %dma_wait3A_2099 = tpu.memref_squeeze %dma_wait3A_2098 : memref<1x4096xi32, #tpu.memory_space<hbm>> -> memref<4096xi32, #tpu.memory_space<hbm>>
        %dma_wait3A_2100 = arith.constant 0 : i32
        %dma_wait3A_2101 = tpu.memref_slice %arg2[%select_n3A_1216, %dma_wait3A_2100] : memref<26x4096xi32, #tpu.memory_space<hbm>> -> memref<1x4096xi32, #tpu.memory_space<hbm>>
        %dma_wait3A_2102 = tpu.memref_squeeze %dma_wait3A_2101 : memref<1x4096xi32, #tpu.memory_space<hbm>> -> memref<4096xi32, #tpu.memory_space<hbm>>
        tpu.wait_dma2 semaphore(%run_scoped3A : memref<!tpu.dma_semaphore, #tpu.memory_space<semaphore_mem>>) src(%dma_wait3A_2102 : memref<4096xi32, #tpu.memory_space<hbm>>) dst(%arg7 : memref<4096xi32, #tpu.memory_space<vmem>>)
        tpu.yield
      }) : () -> ()
    } else {
    }
    %dma_wait3A_1231 = arith.constant 0 : i32
    %dma_wait3A_1232 = tpu.memref_slice %arg5[%add3A_868, %dma_wait3A_1231] : memref<416x4096xf32, #tpu.memory_space<hbm>> -> memref<1x4096xf32, #tpu.memory_space<hbm>>
    %dma_wait3A_1233 = tpu.memref_squeeze %dma_wait3A_1232 : memref<1x4096xf32, #tpu.memory_space<hbm>> -> memref<4096xf32, #tpu.memory_space<hbm>>
    %dma_wait3A_1234 = arith.constant 0 : i32
    %dma_wait3A_1235 = tpu.memref_slice %arg5[%add3A_868, %dma_wait3A_1234] : memref<416x4096xf32, #tpu.memory_space<hbm>> -> memref<1x4096xf32, #tpu.memory_space<hbm>>
    %dma_wait3A_1236 = tpu.memref_squeeze %dma_wait3A_1235 : memref<1x4096xf32, #tpu.memory_space<hbm>> -> memref<4096xf32, #tpu.memory_space<hbm>>
    tpu.wait_dma2 semaphore(%arg15 : memref<!tpu.dma_semaphore, #tpu.memory_space<semaphore_mem>>) src(%arg11 : memref<4096xf32, #tpu.memory_space<vmem>>) dst(%dma_wait3A_1236 : memref<4096xf32, #tpu.memory_space<hbm>>)
    %dma_wait3A_1237 = tpu.memref_slice %arg3[%rem3A_1115, %add3A_1124] : memref<16x2600000xf32, #tpu.memory_space<hbm>> -> memref<1x50048xf32, #tpu.memory_space<hbm>>
    %dma_wait3A_1238 = tpu.memref_squeeze %dma_wait3A_1237 : memref<1x50048xf32, #tpu.memory_space<hbm>> -> memref<50048xf32, #tpu.memory_space<hbm>>
    %dma_wait3A_1239 = tpu.memref_slice %arg3[%rem3A_1115, %add3A_1124] : memref<16x2600000xf32, #tpu.memory_space<hbm>> -> memref<1x50048xf32, #tpu.memory_space<hbm>>
    %dma_wait3A_1240 = tpu.memref_squeeze %dma_wait3A_1239 : memref<1x50048xf32, #tpu.memory_space<hbm>> -> memref<50048xf32, #tpu.memory_space<hbm>>
    tpu.wait_dma2 semaphore(%arg12 : memref<!tpu.dma_semaphore, #tpu.memory_space<semaphore_mem>>) src(%dma_wait3A_1240 : memref<50048xf32, #tpu.memory_space<hbm>>) dst(%arg8 : memref<50048xf32, #tpu.memory_space<vmem>>)
    %scan3A_1241 = arith.constant 0 : i32
    %scan3A_1242 = arith.constant 0 : i32
    %scan3A_1243 = arith.constant 256 : i32
    %scan3A_1244 = arith.addi %scan3A_1242, %scan3A_1243 : i32
    %scan3A_1245 = arith.constant 1 : i32
    %scan3A_1246 = scf.for %scan3A_2091 = %scan3A_1242 to %scan3A_1244 step %scan3A_1245 iter_args(%scan3A_2092 = %scan3A_1241) -> (i32)  : i32 {
      %mul3A_2093 = arith.constant 16 : i32
      %mul3A_2094 = arith.muli %scan3A_2091, %mul3A_2093 : i32
      %get3A = arith.index_cast %mul3A_2094 : i32 to index
      %get3A_2095 = tpu.vector_load %arg7[%get3A] {strides = array<i32>} : memref<4096xi32, #tpu.memory_space<vmem>>, vector<16xi32>,
      %add3A_2096 = vector.broadcast %sub3A_1225 : i32 to vector<16xi32>
      %add3A_2097 = arith.addi %get3A_2095, %add3A_2096 : vector<16xi32>
      %min3A = arith.constant 50047 : i32
      %min3A_2098 = vector.broadcast %min3A : i32 to vector<16xi32>
      %min3A_2099 = arith.minsi %add3A_2097, %min3A_2098 : vector<16xi32>
      %gather3A = tpu.vector_load_idx %arg8[%min3A_2099] : memref<50048xf32, #tpu.memory_space<vmem>>[vector<16xi32>], vector<16xf32>,
      %mul3A_2100 = arith.constant 16 : i32
      %mul3A_2101 = arith.muli %scan3A_2091, %mul3A_2100 : i32
      %swap3A = arith.index_cast %mul3A_2101 : i32 to index
      %swap3A_2102 = tpu.vector_load %arg11[%swap3A] {strides = array<i32>} : memref<4096xf32, #tpu.memory_space<vmem>>, vector<16xf32>,
      tpu.vector_store %arg11[%swap3A], %gather3A {strides = array<i32>} : memref<4096xf32, #tpu.memory_space<vmem>>, vector<16xf32>,
      %scan3A_2103 = arith.constant 0 : i32
      scf.yield %scan3A_2103 : i32
    }
    %scan3A_1247 = arith.constant 256 : i32
    %mul3A_1248 = arith.constant 13 : i32
    %mul3A_1249 = arith.muli %add3A, %mul3A_1248 : i32
    %add3A_1250 = arith.constant 8 : i32
    %add3A_1251 = arith.addi %mul3A_1249, %add3A_1250 : i32
    %jit3A_1252 = arith.constant 16 : i32
    %div3A_1253 = arith.divsi %add3A_1251, %jit3A_1252 : i32
    %sign3A_1254 = arith.constant 0 : i32
    %sign3A_1255 = arith.cmpi sgt, %add3A_1251, %sign3A_1254 : i32
    %sign3A_1256 = arith.extui %sign3A_1255 : i1 to i32
    %sign3A_1257 = arith.constant 0 : i32
    %sign3A_1258 = arith.cmpi slt, %add3A_1251, %sign3A_1257 : i32
    %sign3A_1259 = arith.extui %sign3A_1258 : i1 to i32
    %sign3A_1260 = arith.subi %sign3A_1256, %sign3A_1259 : i32
    %sign3A_1261 = arith.constant 0 : i32
    %sign3A_1262 = arith.cmpi sgt, %jit3A_1252, %sign3A_1261 : i32
    %sign3A_1263 = arith.extui %sign3A_1262 : i1 to i32
    %sign3A_1264 = arith.constant 0 : i32
    %sign3A_1265 = arith.cmpi slt, %jit3A_1252, %sign3A_1264 : i32
    %sign3A_1266 = arith.extui %sign3A_1265 : i1 to i32
    %sign3A_1267 = arith.subi %sign3A_1263, %sign3A_1266 : i32
    %ne3A_1268 = arith.cmpi ne, %sign3A_1260, %sign3A_1267 : i32
    %rem3A_1269 = arith.remsi %add3A_1251, %jit3A_1252 : i32
    %ne3A_1270 = arith.constant 0 : i32
    %ne3A_1271 = arith.cmpi ne, %rem3A_1269, %ne3A_1270 : i32
    %and3A_1272 = arith.andi %ne3A_1268, %ne3A_1271 : i1
    %sub3A_1273 = arith.constant 1 : i32
    %sub3A_1274 = arith.subi %div3A_1253, %sub3A_1273 : i32
    %select_n3A_1275 = arith.select %and3A_1272, %sub3A_1274, %div3A_1253 : i32
    %rem3A_1276 = arith.constant 16 : i32
    %rem3A_1277 = arith.remsi %add3A_1251, %rem3A_1276 : i32
    %mul3A_1278 = arith.constant 100000 : i32
    %mul3A_1279 = arith.muli %select_n3A_1275, %mul3A_1278 : i32
    %rem3A_1280 = arith.constant 128 : i32
    %rem3A_1281 = arith.remsi %mul3A_1279, %rem3A_1280 : i32
    %sub3A_1282 = arith.subi %mul3A_1279, %rem3A_1281 : i32
    %multiple_of3A_1283 = tpu.assume_multiple %sub3A_1282, 128 : i32
    %sub3A_1284 = arith.subi %mul3A_1279, %multiple_of3A_1283 : i32
    %add3A_1285 = arith.constant 0 : i32
    %add3A_1286 = arith.addi %multiple_of3A_1283, %add3A_1285 : i32
    %dma_start3A_1287 = tpu.memref_slice %arg3[%rem3A_1277, %add3A_1286] : memref<16x2600000xf32, #tpu.memory_space<hbm>> -> memref<1x50048xf32, #tpu.memory_space<hbm>>
    %dma_start3A_1288 = tpu.memref_squeeze %dma_start3A_1287 : memref<1x50048xf32, #tpu.memory_space<hbm>> -> memref<50048xf32, #tpu.memory_space<hbm>>
    %dma_start3A_1289 = tpu.memref_slice %arg3[%rem3A_1277, %add3A_1286] : memref<16x2600000xf32, #tpu.memory_space<hbm>> -> memref<1x50048xf32, #tpu.memory_space<hbm>>
    %dma_start3A_1290 = tpu.memref_squeeze %dma_start3A_1289 : memref<1x50048xf32, #tpu.memory_space<hbm>> -> memref<50048xf32, #tpu.memory_space<hbm>>
    tpu.enqueue_dma source(%dma_start3A_1290 : memref<50048xf32, #tpu.memory_space<hbm>>) target(%arg8 : memref<50048xf32, #tpu.memory_space<vmem>>) target_semaphore(%arg12 : memref<!tpu.dma_semaphore, #tpu.memory_space<semaphore_mem>>)
    %dma_wait3A_1291 = tpu.memref_slice %arg3[%rem3A_1169, %add3A_1178] : memref<16x2600000xf32, #tpu.memory_space<hbm>> -> memref<1x50048xf32, #tpu.memory_space<hbm>>
    %dma_wait3A_1292 = tpu.memref_squeeze %dma_wait3A_1291 : memref<1x50048xf32, #tpu.memory_space<hbm>> -> memref<50048xf32, #tpu.memory_space<hbm>>
    %dma_wait3A_1293 = tpu.memref_slice %arg3[%rem3A_1169, %add3A_1178] : memref<16x2600000xf32, #tpu.memory_space<hbm>> -> memref<1x50048xf32, #tpu.memory_space<hbm>>
    %dma_wait3A_1294 = tpu.memref_squeeze %dma_wait3A_1293 : memref<1x50048xf32, #tpu.memory_space<hbm>> -> memref<50048xf32, #tpu.memory_space<hbm>>
    tpu.wait_dma2 semaphore(%arg13 : memref<!tpu.dma_semaphore, #tpu.memory_space<semaphore_mem>>) src(%dma_wait3A_1294 : memref<50048xf32, #tpu.memory_space<hbm>>) dst(%arg9 : memref<50048xf32, #tpu.memory_space<vmem>>)
    %scan3A_1295 = arith.constant 0 : i32
    %scan3A_1296 = arith.constant 0 : i32
    %scan3A_1297 = arith.constant 256 : i32
    %scan3A_1298 = arith.addi %scan3A_1296, %scan3A_1297 : i32
    %scan3A_1299 = arith.constant 1 : i32
    %scan3A_1300 = scf.for %scan3A_2091 = %scan3A_1296 to %scan3A_1298 step %scan3A_1299 iter_args(%scan3A_2092 = %scan3A_1295) -> (i32)  : i32 {
      %mul3A_2093 = arith.constant 16 : i32
      %mul3A_2094 = arith.muli %scan3A_2091, %mul3A_2093 : i32
      %get3A = arith.index_cast %mul3A_2094 : i32 to index
      %get3A_2095 = tpu.vector_load %arg7[%get3A] {strides = array<i32>} : memref<4096xi32, #tpu.memory_space<vmem>>, vector<16xi32>,
      %add3A_2096 = vector.broadcast %sub3A_1225 : i32 to vector<16xi32>
      %add3A_2097 = arith.addi %get3A_2095, %add3A_2096 : vector<16xi32>
      %sub3A_2098 = arith.constant 50048 : i32
      %sub3A_2099 = vector.broadcast %sub3A_2098 : i32 to vector<16xi32>
      %sub3A_2100 = arith.subi %add3A_2097, %sub3A_2099 : vector<16xi32>
      %max3A = arith.constant 0 : i32
      %max3A_2101 = vector.broadcast %max3A : i32 to vector<16xi32>
      %max3A_2102 = arith.maxsi %sub3A_2100, %max3A_2101 : vector<16xi32>
      %gather3A = tpu.vector_load_idx %arg9[%max3A_2102] : memref<50048xf32, #tpu.memory_space<vmem>>[vector<16xi32>], vector<16xf32>,
      %ge3A = arith.constant 50048 : i32
      %ge3A_2103 = vector.broadcast %ge3A : i32 to vector<16xi32>
      %ge3A_2104 = arith.cmpi sge, %add3A_2097, %ge3A_2103 : vector<16xi32>
      %get3A_2105 = arith.index_cast %mul3A_2094 : i32 to index
      %get3A_2106 = tpu.vector_load %arg11[%get3A_2105] {strides = array<i32>} : memref<4096xf32, #tpu.memory_space<vmem>>, vector<16xf32>,
      %select_n3A_2107 = arith.select %ge3A_2104, %gather3A, %get3A_2106 : vector<16xi1>, vector<16xf32>
      %swap3A = arith.index_cast %mul3A_2094 : i32 to index
      %swap3A_2108 = tpu.vector_load %arg11[%swap3A] {strides = array<i32>} : memref<4096xf32, #tpu.memory_space<vmem>>, vector<16xf32>,
      tpu.vector_store %arg11[%swap3A], %select_n3A_2107 {strides = array<i32>} : memref<4096xf32, #tpu.memory_space<vmem>>, vector<16xf32>,
      %scan3A_2109 = arith.constant 0 : i32
      scf.yield %scan3A_2109 : i32
    }
    %scan3A_1301 = arith.constant 256 : i32
    %mul3A_1302 = arith.constant 13 : i32
    %mul3A_1303 = arith.muli %add3A, %mul3A_1302 : i32
    %add3A_1304 = arith.constant 8 : i32
    %add3A_1305 = arith.addi %mul3A_1303, %add3A_1304 : i32
    %jit3A_1306 = arith.constant 16 : i32
    %div3A_1307 = arith.divsi %add3A_1305, %jit3A_1306 : i32
    %sign3A_1308 = arith.constant 0 : i32
    %sign3A_1309 = arith.cmpi sgt, %add3A_1305, %sign3A_1308 : i32
    %sign3A_1310 = arith.extui %sign3A_1309 : i1 to i32
    %sign3A_1311 = arith.constant 0 : i32
    %sign3A_1312 = arith.cmpi slt, %add3A_1305, %sign3A_1311 : i32
    %sign3A_1313 = arith.extui %sign3A_1312 : i1 to i32
    %sign3A_1314 = arith.subi %sign3A_1310, %sign3A_1313 : i32
    %sign3A_1315 = arith.constant 0 : i32
    %sign3A_1316 = arith.cmpi sgt, %jit3A_1306, %sign3A_1315 : i32
    %sign3A_1317 = arith.extui %sign3A_1316 : i1 to i32
    %sign3A_1318 = arith.constant 0 : i32
    %sign3A_1319 = arith.cmpi slt, %jit3A_1306, %sign3A_1318 : i32
    %sign3A_1320 = arith.extui %sign3A_1319 : i1 to i32
    %sign3A_1321 = arith.subi %sign3A_1317, %sign3A_1320 : i32
    %ne3A_1322 = arith.cmpi ne, %sign3A_1314, %sign3A_1321 : i32
    %rem3A_1323 = arith.remsi %add3A_1305, %jit3A_1306 : i32
    %ne3A_1324 = arith.constant 0 : i32
    %ne3A_1325 = arith.cmpi ne, %rem3A_1323, %ne3A_1324 : i32
    %and3A_1326 = arith.andi %ne3A_1322, %ne3A_1325 : i1
    %sub3A_1327 = arith.constant 1 : i32
    %sub3A_1328 = arith.subi %div3A_1307, %sub3A_1327 : i32
    %select_n3A_1329 = arith.select %and3A_1326, %sub3A_1328, %div3A_1307 : i32
    %rem3A_1330 = arith.constant 16 : i32
    %rem3A_1331 = arith.remsi %add3A_1305, %rem3A_1330 : i32
    %mul3A_1332 = arith.constant 100000 : i32
    %mul3A_1333 = arith.muli %select_n3A_1329, %mul3A_1332 : i32
    %rem3A_1334 = arith.constant 128 : i32
    %rem3A_1335 = arith.remsi %mul3A_1333, %rem3A_1334 : i32
    %sub3A_1336 = arith.subi %mul3A_1333, %rem3A_1335 : i32
    %multiple_of3A_1337 = tpu.assume_multiple %sub3A_1336, 128 : i32
    %sub3A_1338 = arith.subi %mul3A_1333, %multiple_of3A_1337 : i32
    %add3A_1339 = arith.constant 50048 : i32
    %add3A_1340 = arith.addi %multiple_of3A_1337, %add3A_1339 : i32
    %dma_start3A_1341 = tpu.memref_slice %arg3[%rem3A_1331, %add3A_1340] : memref<16x2600000xf32, #tpu.memory_space<hbm>> -> memref<1x50048xf32, #tpu.memory_space<hbm>>
    %dma_start3A_1342 = tpu.memref_squeeze %dma_start3A_1341 : memref<1x50048xf32, #tpu.memory_space<hbm>> -> memref<50048xf32, #tpu.memory_space<hbm>>
    %dma_start3A_1343 = tpu.memref_slice %arg3[%rem3A_1331, %add3A_1340] : memref<16x2600000xf32, #tpu.memory_space<hbm>> -> memref<1x50048xf32, #tpu.memory_space<hbm>>
    %dma_start3A_1344 = tpu.memref_squeeze %dma_start3A_1343 : memref<1x50048xf32, #tpu.memory_space<hbm>> -> memref<50048xf32, #tpu.memory_space<hbm>>
    tpu.enqueue_dma source(%dma_start3A_1344 : memref<50048xf32, #tpu.memory_space<hbm>>) target(%arg9 : memref<50048xf32, #tpu.memory_space<vmem>>) target_semaphore(%arg13 : memref<!tpu.dma_semaphore, #tpu.memory_space<semaphore_mem>>)
    %dma_start3A_1345 = arith.constant 0 : i32
    %dma_start3A_1346 = tpu.memref_slice %arg5[%add3A_1192, %dma_start3A_1345] : memref<416x4096xf32, #tpu.memory_space<hbm>> -> memref<1x4096xf32, #tpu.memory_space<hbm>>
    %dma_start3A_1347 = tpu.memref_squeeze %dma_start3A_1346 : memref<1x4096xf32, #tpu.memory_space<hbm>> -> memref<4096xf32, #tpu.memory_space<hbm>>
    %dma_start3A_1348 = arith.constant 0 : i32
    %dma_start3A_1349 = tpu.memref_slice %arg5[%add3A_1192, %dma_start3A_1348] : memref<416x4096xf32, #tpu.memory_space<hbm>> -> memref<1x4096xf32, #tpu.memory_space<hbm>>
    %dma_start3A_1350 = tpu.memref_squeeze %dma_start3A_1349 : memref<1x4096xf32, #tpu.memory_space<hbm>> -> memref<4096xf32, #tpu.memory_space<hbm>>
    tpu.enqueue_dma source(%arg11 : memref<4096xf32, #tpu.memory_space<vmem>>) target(%dma_start3A_1350 : memref<4096xf32, #tpu.memory_space<hbm>>) target_semaphore(%arg15 : memref<!tpu.dma_semaphore, #tpu.memory_space<semaphore_mem>>)
    %mul3A_1351 = arith.constant 13 : i32
    %mul3A_1352 = arith.muli %add3A, %mul3A_1351 : i32
    %add3A_1353 = arith.constant 8 : i32
    %add3A_1354 = arith.addi %mul3A_1352, %add3A_1353 : i32
    %jit3A_1355 = arith.constant 16 : i32
    %div3A_1356 = arith.divsi %add3A_1354, %jit3A_1355 : i32
    %sign3A_1357 = arith.constant 0 : i32
    %sign3A_1358 = arith.cmpi sgt, %add3A_1354, %sign3A_1357 : i32
    %sign3A_1359 = arith.extui %sign3A_1358 : i1 to i32
    %sign3A_1360 = arith.constant 0 : i32
    %sign3A_1361 = arith.cmpi slt, %add3A_1354, %sign3A_1360 : i32
    %sign3A_1362 = arith.extui %sign3A_1361 : i1 to i32
    %sign3A_1363 = arith.subi %sign3A_1359, %sign3A_1362 : i32
    %sign3A_1364 = arith.constant 0 : i32
    %sign3A_1365 = arith.cmpi sgt, %jit3A_1355, %sign3A_1364 : i32
    %sign3A_1366 = arith.extui %sign3A_1365 : i1 to i32
    %sign3A_1367 = arith.constant 0 : i32
    %sign3A_1368 = arith.cmpi slt, %jit3A_1355, %sign3A_1367 : i32
    %sign3A_1369 = arith.extui %sign3A_1368 : i1 to i32
    %sign3A_1370 = arith.subi %sign3A_1366, %sign3A_1369 : i32
    %ne3A_1371 = arith.cmpi ne, %sign3A_1363, %sign3A_1370 : i32
    %rem3A_1372 = arith.remsi %add3A_1354, %jit3A_1355 : i32
    %ne3A_1373 = arith.constant 0 : i32
    %ne3A_1374 = arith.cmpi ne, %rem3A_1372, %ne3A_1373 : i32
    %and3A_1375 = arith.andi %ne3A_1371, %ne3A_1374 : i1
    %sub3A_1376 = arith.constant 1 : i32
    %sub3A_1377 = arith.subi %div3A_1356, %sub3A_1376 : i32
    %select_n3A_1378 = arith.select %and3A_1375, %sub3A_1377, %div3A_1356 : i32
    %rem3A_1379 = arith.constant 16 : i32
    %rem3A_1380 = arith.remsi %add3A_1354, %rem3A_1379 : i32
    %mul3A_1381 = arith.constant 100000 : i32
    %mul3A_1382 = arith.muli %select_n3A_1378, %mul3A_1381 : i32
    %rem3A_1383 = arith.constant 128 : i32
    %rem3A_1384 = arith.remsi %mul3A_1382, %rem3A_1383 : i32
    %sub3A_1385 = arith.subi %mul3A_1382, %rem3A_1384 : i32
    %multiple_of3A_1386 = tpu.assume_multiple %sub3A_1385, 128 : i32
    %sub3A_1387 = arith.subi %mul3A_1382, %multiple_of3A_1386 : i32
    %eq3A_1388 = arith.constant 0 : i32
    %eq3A_1389 = arith.cmpi eq, %rem3A_1380, %eq3A_1388 : i32
    %convert_element_type3A_1390 = arith.extui %eq3A_1389 : i1 to i32
    %cond3A_1391 = arith.constant 0 : i32
    %cond3A_1392 = arith.cmpi ne, %convert_element_type3A_1390, %cond3A_1391 : i32
    scf.if %cond3A_1392 {
      "tpu.region"() ({
        %run_scoped3A = tpu.sem_alloc : memref<!tpu.dma_semaphore, #tpu.memory_space<semaphore_mem>>
        %dma_start3A_2091 = arith.constant 0 : i32
        %dma_start3A_2092 = tpu.memref_slice %arg2[%select_n3A_1378, %dma_start3A_2091] : memref<26x4096xi32, #tpu.memory_space<hbm>> -> memref<1x4096xi32, #tpu.memory_space<hbm>>
        %dma_start3A_2093 = tpu.memref_squeeze %dma_start3A_2092 : memref<1x4096xi32, #tpu.memory_space<hbm>> -> memref<4096xi32, #tpu.memory_space<hbm>>
        %dma_start3A_2094 = arith.constant 0 : i32
        %dma_start3A_2095 = tpu.memref_slice %arg2[%select_n3A_1378, %dma_start3A_2094] : memref<26x4096xi32, #tpu.memory_space<hbm>> -> memref<1x4096xi32, #tpu.memory_space<hbm>>
        %dma_start3A_2096 = tpu.memref_squeeze %dma_start3A_2095 : memref<1x4096xi32, #tpu.memory_space<hbm>> -> memref<4096xi32, #tpu.memory_space<hbm>>
        tpu.enqueue_dma source(%dma_start3A_2096 : memref<4096xi32, #tpu.memory_space<hbm>>) target(%arg7 : memref<4096xi32, #tpu.memory_space<vmem>>) target_semaphore(%run_scoped3A : memref<!tpu.dma_semaphore, #tpu.memory_space<semaphore_mem>>)
        %dma_wait3A_2097 = arith.constant 0 : i32
        %dma_wait3A_2098 = tpu.memref_slice %arg2[%select_n3A_1378, %dma_wait3A_2097] : memref<26x4096xi32, #tpu.memory_space<hbm>> -> memref<1x4096xi32, #tpu.memory_space<hbm>>
        %dma_wait3A_2099 = tpu.memref_squeeze %dma_wait3A_2098 : memref<1x4096xi32, #tpu.memory_space<hbm>> -> memref<4096xi32, #tpu.memory_space<hbm>>
        %dma_wait3A_2100 = arith.constant 0 : i32
        %dma_wait3A_2101 = tpu.memref_slice %arg2[%select_n3A_1378, %dma_wait3A_2100] : memref<26x4096xi32, #tpu.memory_space<hbm>> -> memref<1x4096xi32, #tpu.memory_space<hbm>>
        %dma_wait3A_2102 = tpu.memref_squeeze %dma_wait3A_2101 : memref<1x4096xi32, #tpu.memory_space<hbm>> -> memref<4096xi32, #tpu.memory_space<hbm>>
        tpu.wait_dma2 semaphore(%run_scoped3A : memref<!tpu.dma_semaphore, #tpu.memory_space<semaphore_mem>>) src(%dma_wait3A_2102 : memref<4096xi32, #tpu.memory_space<hbm>>) dst(%arg7 : memref<4096xi32, #tpu.memory_space<vmem>>)
        tpu.yield
      }) : () -> ()
    } else {
    }
    %dma_wait3A_1393 = arith.constant 0 : i32
    %dma_wait3A_1394 = tpu.memref_slice %arg5[%add3A_1030, %dma_wait3A_1393] : memref<416x4096xf32, #tpu.memory_space<hbm>> -> memref<1x4096xf32, #tpu.memory_space<hbm>>
    %dma_wait3A_1395 = tpu.memref_squeeze %dma_wait3A_1394 : memref<1x4096xf32, #tpu.memory_space<hbm>> -> memref<4096xf32, #tpu.memory_space<hbm>>
    %dma_wait3A_1396 = arith.constant 0 : i32
    %dma_wait3A_1397 = tpu.memref_slice %arg5[%add3A_1030, %dma_wait3A_1396] : memref<416x4096xf32, #tpu.memory_space<hbm>> -> memref<1x4096xf32, #tpu.memory_space<hbm>>
    %dma_wait3A_1398 = tpu.memref_squeeze %dma_wait3A_1397 : memref<1x4096xf32, #tpu.memory_space<hbm>> -> memref<4096xf32, #tpu.memory_space<hbm>>
    tpu.wait_dma2 semaphore(%arg14 : memref<!tpu.dma_semaphore, #tpu.memory_space<semaphore_mem>>) src(%arg10 : memref<4096xf32, #tpu.memory_space<vmem>>) dst(%dma_wait3A_1398 : memref<4096xf32, #tpu.memory_space<hbm>>)
    %dma_wait3A_1399 = tpu.memref_slice %arg3[%rem3A_1277, %add3A_1286] : memref<16x2600000xf32, #tpu.memory_space<hbm>> -> memref<1x50048xf32, #tpu.memory_space<hbm>>
    %dma_wait3A_1400 = tpu.memref_squeeze %dma_wait3A_1399 : memref<1x50048xf32, #tpu.memory_space<hbm>> -> memref<50048xf32, #tpu.memory_space<hbm>>
    %dma_wait3A_1401 = tpu.memref_slice %arg3[%rem3A_1277, %add3A_1286] : memref<16x2600000xf32, #tpu.memory_space<hbm>> -> memref<1x50048xf32, #tpu.memory_space<hbm>>
    %dma_wait3A_1402 = tpu.memref_squeeze %dma_wait3A_1401 : memref<1x50048xf32, #tpu.memory_space<hbm>> -> memref<50048xf32, #tpu.memory_space<hbm>>
    tpu.wait_dma2 semaphore(%arg12 : memref<!tpu.dma_semaphore, #tpu.memory_space<semaphore_mem>>) src(%dma_wait3A_1402 : memref<50048xf32, #tpu.memory_space<hbm>>) dst(%arg8 : memref<50048xf32, #tpu.memory_space<vmem>>)
    %scan3A_1403 = arith.constant 0 : i32
    %scan3A_1404 = arith.constant 0 : i32
    %scan3A_1405 = arith.constant 256 : i32
    %scan3A_1406 = arith.addi %scan3A_1404, %scan3A_1405 : i32
    %scan3A_1407 = arith.constant 1 : i32
    %scan3A_1408 = scf.for %scan3A_2091 = %scan3A_1404 to %scan3A_1406 step %scan3A_1407 iter_args(%scan3A_2092 = %scan3A_1403) -> (i32)  : i32 {
      %mul3A_2093 = arith.constant 16 : i32
      %mul3A_2094 = arith.muli %scan3A_2091, %mul3A_2093 : i32
      %get3A = arith.index_cast %mul3A_2094 : i32 to index
      %get3A_2095 = tpu.vector_load %arg7[%get3A] {strides = array<i32>} : memref<4096xi32, #tpu.memory_space<vmem>>, vector<16xi32>,
      %add3A_2096 = vector.broadcast %sub3A_1387 : i32 to vector<16xi32>
      %add3A_2097 = arith.addi %get3A_2095, %add3A_2096 : vector<16xi32>
      %min3A = arith.constant 50047 : i32
      %min3A_2098 = vector.broadcast %min3A : i32 to vector<16xi32>
      %min3A_2099 = arith.minsi %add3A_2097, %min3A_2098 : vector<16xi32>
      %gather3A = tpu.vector_load_idx %arg8[%min3A_2099] : memref<50048xf32, #tpu.memory_space<vmem>>[vector<16xi32>], vector<16xf32>,
      %mul3A_2100 = arith.constant 16 : i32
      %mul3A_2101 = arith.muli %scan3A_2091, %mul3A_2100 : i32
      %swap3A = arith.index_cast %mul3A_2101 : i32 to index
      %swap3A_2102 = tpu.vector_load %arg10[%swap3A] {strides = array<i32>} : memref<4096xf32, #tpu.memory_space<vmem>>, vector<16xf32>,
      tpu.vector_store %arg10[%swap3A], %gather3A {strides = array<i32>} : memref<4096xf32, #tpu.memory_space<vmem>>, vector<16xf32>,
      %scan3A_2103 = arith.constant 0 : i32
      scf.yield %scan3A_2103 : i32
    }
    %scan3A_1409 = arith.constant 256 : i32
    %mul3A_1410 = arith.constant 13 : i32
    %mul3A_1411 = arith.muli %add3A, %mul3A_1410 : i32
    %add3A_1412 = arith.constant 9 : i32
    %add3A_1413 = arith.addi %mul3A_1411, %add3A_1412 : i32
    %jit3A_1414 = arith.constant 16 : i32
    %div3A_1415 = arith.divsi %add3A_1413, %jit3A_1414 : i32
    %sign3A_1416 = arith.constant 0 : i32
    %sign3A_1417 = arith.cmpi sgt, %add3A_1413, %sign3A_1416 : i32
    %sign3A_1418 = arith.extui %sign3A_1417 : i1 to i32
    %sign3A_1419 = arith.constant 0 : i32
    %sign3A_1420 = arith.cmpi slt, %add3A_1413, %sign3A_1419 : i32
    %sign3A_1421 = arith.extui %sign3A_1420 : i1 to i32
    %sign3A_1422 = arith.subi %sign3A_1418, %sign3A_1421 : i32
    %sign3A_1423 = arith.constant 0 : i32
    %sign3A_1424 = arith.cmpi sgt, %jit3A_1414, %sign3A_1423 : i32
    %sign3A_1425 = arith.extui %sign3A_1424 : i1 to i32
    %sign3A_1426 = arith.constant 0 : i32
    %sign3A_1427 = arith.cmpi slt, %jit3A_1414, %sign3A_1426 : i32
    %sign3A_1428 = arith.extui %sign3A_1427 : i1 to i32
    %sign3A_1429 = arith.subi %sign3A_1425, %sign3A_1428 : i32
    %ne3A_1430 = arith.cmpi ne, %sign3A_1422, %sign3A_1429 : i32
    %rem3A_1431 = arith.remsi %add3A_1413, %jit3A_1414 : i32
    %ne3A_1432 = arith.constant 0 : i32
    %ne3A_1433 = arith.cmpi ne, %rem3A_1431, %ne3A_1432 : i32
    %and3A_1434 = arith.andi %ne3A_1430, %ne3A_1433 : i1
    %sub3A_1435 = arith.constant 1 : i32
    %sub3A_1436 = arith.subi %div3A_1415, %sub3A_1435 : i32
    %select_n3A_1437 = arith.select %and3A_1434, %sub3A_1436, %div3A_1415 : i32
    %rem3A_1438 = arith.constant 16 : i32
    %rem3A_1439 = arith.remsi %add3A_1413, %rem3A_1438 : i32
    %mul3A_1440 = arith.constant 100000 : i32
    %mul3A_1441 = arith.muli %select_n3A_1437, %mul3A_1440 : i32
    %rem3A_1442 = arith.constant 128 : i32
    %rem3A_1443 = arith.remsi %mul3A_1441, %rem3A_1442 : i32
    %sub3A_1444 = arith.subi %mul3A_1441, %rem3A_1443 : i32
    %multiple_of3A_1445 = tpu.assume_multiple %sub3A_1444, 128 : i32
    %sub3A_1446 = arith.subi %mul3A_1441, %multiple_of3A_1445 : i32
    %add3A_1447 = arith.constant 0 : i32
    %add3A_1448 = arith.addi %multiple_of3A_1445, %add3A_1447 : i32
    %dma_start3A_1449 = tpu.memref_slice %arg3[%rem3A_1439, %add3A_1448] : memref<16x2600000xf32, #tpu.memory_space<hbm>> -> memref<1x50048xf32, #tpu.memory_space<hbm>>
    %dma_start3A_1450 = tpu.memref_squeeze %dma_start3A_1449 : memref<1x50048xf32, #tpu.memory_space<hbm>> -> memref<50048xf32, #tpu.memory_space<hbm>>
    %dma_start3A_1451 = tpu.memref_slice %arg3[%rem3A_1439, %add3A_1448] : memref<16x2600000xf32, #tpu.memory_space<hbm>> -> memref<1x50048xf32, #tpu.memory_space<hbm>>
    %dma_start3A_1452 = tpu.memref_squeeze %dma_start3A_1451 : memref<1x50048xf32, #tpu.memory_space<hbm>> -> memref<50048xf32, #tpu.memory_space<hbm>>
    tpu.enqueue_dma source(%dma_start3A_1452 : memref<50048xf32, #tpu.memory_space<hbm>>) target(%arg8 : memref<50048xf32, #tpu.memory_space<vmem>>) target_semaphore(%arg12 : memref<!tpu.dma_semaphore, #tpu.memory_space<semaphore_mem>>)
    %dma_wait3A_1453 = tpu.memref_slice %arg3[%rem3A_1331, %add3A_1340] : memref<16x2600000xf32, #tpu.memory_space<hbm>> -> memref<1x50048xf32, #tpu.memory_space<hbm>>
    %dma_wait3A_1454 = tpu.memref_squeeze %dma_wait3A_1453 : memref<1x50048xf32, #tpu.memory_space<hbm>> -> memref<50048xf32, #tpu.memory_space<hbm>>
    %dma_wait3A_1455 = tpu.memref_slice %arg3[%rem3A_1331, %add3A_1340] : memref<16x2600000xf32, #tpu.memory_space<hbm>> -> memref<1x50048xf32, #tpu.memory_space<hbm>>
    %dma_wait3A_1456 = tpu.memref_squeeze %dma_wait3A_1455 : memref<1x50048xf32, #tpu.memory_space<hbm>> -> memref<50048xf32, #tpu.memory_space<hbm>>
    tpu.wait_dma2 semaphore(%arg13 : memref<!tpu.dma_semaphore, #tpu.memory_space<semaphore_mem>>) src(%dma_wait3A_1456 : memref<50048xf32, #tpu.memory_space<hbm>>) dst(%arg9 : memref<50048xf32, #tpu.memory_space<vmem>>)
    %scan3A_1457 = arith.constant 0 : i32
    %scan3A_1458 = arith.constant 0 : i32
    %scan3A_1459 = arith.constant 256 : i32
    %scan3A_1460 = arith.addi %scan3A_1458, %scan3A_1459 : i32
    %scan3A_1461 = arith.constant 1 : i32
    %scan3A_1462 = scf.for %scan3A_2091 = %scan3A_1458 to %scan3A_1460 step %scan3A_1461 iter_args(%scan3A_2092 = %scan3A_1457) -> (i32)  : i32 {
      %mul3A_2093 = arith.constant 16 : i32
      %mul3A_2094 = arith.muli %scan3A_2091, %mul3A_2093 : i32
      %get3A = arith.index_cast %mul3A_2094 : i32 to index
      %get3A_2095 = tpu.vector_load %arg7[%get3A] {strides = array<i32>} : memref<4096xi32, #tpu.memory_space<vmem>>, vector<16xi32>,
      %add3A_2096 = vector.broadcast %sub3A_1387 : i32 to vector<16xi32>
      %add3A_2097 = arith.addi %get3A_2095, %add3A_2096 : vector<16xi32>
      %sub3A_2098 = arith.constant 50048 : i32
      %sub3A_2099 = vector.broadcast %sub3A_2098 : i32 to vector<16xi32>
      %sub3A_2100 = arith.subi %add3A_2097, %sub3A_2099 : vector<16xi32>
      %max3A = arith.constant 0 : i32
      %max3A_2101 = vector.broadcast %max3A : i32 to vector<16xi32>
      %max3A_2102 = arith.maxsi %sub3A_2100, %max3A_2101 : vector<16xi32>
      %gather3A = tpu.vector_load_idx %arg9[%max3A_2102] : memref<50048xf32, #tpu.memory_space<vmem>>[vector<16xi32>], vector<16xf32>,
      %ge3A = arith.constant 50048 : i32
      %ge3A_2103 = vector.broadcast %ge3A : i32 to vector<16xi32>
      %ge3A_2104 = arith.cmpi sge, %add3A_2097, %ge3A_2103 : vector<16xi32>
      %get3A_2105 = arith.index_cast %mul3A_2094 : i32 to index
      %get3A_2106 = tpu.vector_load %arg10[%get3A_2105] {strides = array<i32>} : memref<4096xf32, #tpu.memory_space<vmem>>, vector<16xf32>,
      %select_n3A_2107 = arith.select %ge3A_2104, %gather3A, %get3A_2106 : vector<16xi1>, vector<16xf32>
      %swap3A = arith.index_cast %mul3A_2094 : i32 to index
      %swap3A_2108 = tpu.vector_load %arg10[%swap3A] {strides = array<i32>} : memref<4096xf32, #tpu.memory_space<vmem>>, vector<16xf32>,
      tpu.vector_store %arg10[%swap3A], %select_n3A_2107 {strides = array<i32>} : memref<4096xf32, #tpu.memory_space<vmem>>, vector<16xf32>,
      %scan3A_2109 = arith.constant 0 : i32
      scf.yield %scan3A_2109 : i32
    }
    %scan3A_1463 = arith.constant 256 : i32
    %mul3A_1464 = arith.constant 13 : i32
    %mul3A_1465 = arith.muli %add3A, %mul3A_1464 : i32
    %add3A_1466 = arith.constant 9 : i32
    %add3A_1467 = arith.addi %mul3A_1465, %add3A_1466 : i32
    %jit3A_1468 = arith.constant 16 : i32
    %div3A_1469 = arith.divsi %add3A_1467, %jit3A_1468 : i32
    %sign3A_1470 = arith.constant 0 : i32
    %sign3A_1471 = arith.cmpi sgt, %add3A_1467, %sign3A_1470 : i32
    %sign3A_1472 = arith.extui %sign3A_1471 : i1 to i32
    %sign3A_1473 = arith.constant 0 : i32
    %sign3A_1474 = arith.cmpi slt, %add3A_1467, %sign3A_1473 : i32
    %sign3A_1475 = arith.extui %sign3A_1474 : i1 to i32
    %sign3A_1476 = arith.subi %sign3A_1472, %sign3A_1475 : i32
    %sign3A_1477 = arith.constant 0 : i32
    %sign3A_1478 = arith.cmpi sgt, %jit3A_1468, %sign3A_1477 : i32
    %sign3A_1479 = arith.extui %sign3A_1478 : i1 to i32
    %sign3A_1480 = arith.constant 0 : i32
    %sign3A_1481 = arith.cmpi slt, %jit3A_1468, %sign3A_1480 : i32
    %sign3A_1482 = arith.extui %sign3A_1481 : i1 to i32
    %sign3A_1483 = arith.subi %sign3A_1479, %sign3A_1482 : i32
    %ne3A_1484 = arith.cmpi ne, %sign3A_1476, %sign3A_1483 : i32
    %rem3A_1485 = arith.remsi %add3A_1467, %jit3A_1468 : i32
    %ne3A_1486 = arith.constant 0 : i32
    %ne3A_1487 = arith.cmpi ne, %rem3A_1485, %ne3A_1486 : i32
    %and3A_1488 = arith.andi %ne3A_1484, %ne3A_1487 : i1
    %sub3A_1489 = arith.constant 1 : i32
    %sub3A_1490 = arith.subi %div3A_1469, %sub3A_1489 : i32
    %select_n3A_1491 = arith.select %and3A_1488, %sub3A_1490, %div3A_1469 : i32
    %rem3A_1492 = arith.constant 16 : i32
    %rem3A_1493 = arith.remsi %add3A_1467, %rem3A_1492 : i32
    %mul3A_1494 = arith.constant 100000 : i32
    %mul3A_1495 = arith.muli %select_n3A_1491, %mul3A_1494 : i32
    %rem3A_1496 = arith.constant 128 : i32
    %rem3A_1497 = arith.remsi %mul3A_1495, %rem3A_1496 : i32
    %sub3A_1498 = arith.subi %mul3A_1495, %rem3A_1497 : i32
    %multiple_of3A_1499 = tpu.assume_multiple %sub3A_1498, 128 : i32
    %sub3A_1500 = arith.subi %mul3A_1495, %multiple_of3A_1499 : i32
    %add3A_1501 = arith.constant 50048 : i32
    %add3A_1502 = arith.addi %multiple_of3A_1499, %add3A_1501 : i32
    %dma_start3A_1503 = tpu.memref_slice %arg3[%rem3A_1493, %add3A_1502] : memref<16x2600000xf32, #tpu.memory_space<hbm>> -> memref<1x50048xf32, #tpu.memory_space<hbm>>
    %dma_start3A_1504 = tpu.memref_squeeze %dma_start3A_1503 : memref<1x50048xf32, #tpu.memory_space<hbm>> -> memref<50048xf32, #tpu.memory_space<hbm>>
    %dma_start3A_1505 = tpu.memref_slice %arg3[%rem3A_1493, %add3A_1502] : memref<16x2600000xf32, #tpu.memory_space<hbm>> -> memref<1x50048xf32, #tpu.memory_space<hbm>>
    %dma_start3A_1506 = tpu.memref_squeeze %dma_start3A_1505 : memref<1x50048xf32, #tpu.memory_space<hbm>> -> memref<50048xf32, #tpu.memory_space<hbm>>
    tpu.enqueue_dma source(%dma_start3A_1506 : memref<50048xf32, #tpu.memory_space<hbm>>) target(%arg9 : memref<50048xf32, #tpu.memory_space<vmem>>) target_semaphore(%arg13 : memref<!tpu.dma_semaphore, #tpu.memory_space<semaphore_mem>>)
    %dma_start3A_1507 = arith.constant 0 : i32
    %dma_start3A_1508 = tpu.memref_slice %arg5[%add3A_1354, %dma_start3A_1507] : memref<416x4096xf32, #tpu.memory_space<hbm>> -> memref<1x4096xf32, #tpu.memory_space<hbm>>
    %dma_start3A_1509 = tpu.memref_squeeze %dma_start3A_1508 : memref<1x4096xf32, #tpu.memory_space<hbm>> -> memref<4096xf32, #tpu.memory_space<hbm>>
    %dma_start3A_1510 = arith.constant 0 : i32
    %dma_start3A_1511 = tpu.memref_slice %arg5[%add3A_1354, %dma_start3A_1510] : memref<416x4096xf32, #tpu.memory_space<hbm>> -> memref<1x4096xf32, #tpu.memory_space<hbm>>
    %dma_start3A_1512 = tpu.memref_squeeze %dma_start3A_1511 : memref<1x4096xf32, #tpu.memory_space<hbm>> -> memref<4096xf32, #tpu.memory_space<hbm>>
    tpu.enqueue_dma source(%arg10 : memref<4096xf32, #tpu.memory_space<vmem>>) target(%dma_start3A_1512 : memref<4096xf32, #tpu.memory_space<hbm>>) target_semaphore(%arg14 : memref<!tpu.dma_semaphore, #tpu.memory_space<semaphore_mem>>)
    %mul3A_1513 = arith.constant 13 : i32
    %mul3A_1514 = arith.muli %add3A, %mul3A_1513 : i32
    %add3A_1515 = arith.constant 9 : i32
    %add3A_1516 = arith.addi %mul3A_1514, %add3A_1515 : i32
    %jit3A_1517 = arith.constant 16 : i32
    %div3A_1518 = arith.divsi %add3A_1516, %jit3A_1517 : i32
    %sign3A_1519 = arith.constant 0 : i32
    %sign3A_1520 = arith.cmpi sgt, %add3A_1516, %sign3A_1519 : i32
    %sign3A_1521 = arith.extui %sign3A_1520 : i1 to i32
    %sign3A_1522 = arith.constant 0 : i32
    %sign3A_1523 = arith.cmpi slt, %add3A_1516, %sign3A_1522 : i32
    %sign3A_1524 = arith.extui %sign3A_1523 : i1 to i32
    %sign3A_1525 = arith.subi %sign3A_1521, %sign3A_1524 : i32
    %sign3A_1526 = arith.constant 0 : i32
    %sign3A_1527 = arith.cmpi sgt, %jit3A_1517, %sign3A_1526 : i32
    %sign3A_1528 = arith.extui %sign3A_1527 : i1 to i32
    %sign3A_1529 = arith.constant 0 : i32
    %sign3A_1530 = arith.cmpi slt, %jit3A_1517, %sign3A_1529 : i32
    %sign3A_1531 = arith.extui %sign3A_1530 : i1 to i32
    %sign3A_1532 = arith.subi %sign3A_1528, %sign3A_1531 : i32
    %ne3A_1533 = arith.cmpi ne, %sign3A_1525, %sign3A_1532 : i32
    %rem3A_1534 = arith.remsi %add3A_1516, %jit3A_1517 : i32
    %ne3A_1535 = arith.constant 0 : i32
    %ne3A_1536 = arith.cmpi ne, %rem3A_1534, %ne3A_1535 : i32
    %and3A_1537 = arith.andi %ne3A_1533, %ne3A_1536 : i1
    %sub3A_1538 = arith.constant 1 : i32
    %sub3A_1539 = arith.subi %div3A_1518, %sub3A_1538 : i32
    %select_n3A_1540 = arith.select %and3A_1537, %sub3A_1539, %div3A_1518 : i32
    %rem3A_1541 = arith.constant 16 : i32
    %rem3A_1542 = arith.remsi %add3A_1516, %rem3A_1541 : i32
    %mul3A_1543 = arith.constant 100000 : i32
    %mul3A_1544 = arith.muli %select_n3A_1540, %mul3A_1543 : i32
    %rem3A_1545 = arith.constant 128 : i32
    %rem3A_1546 = arith.remsi %mul3A_1544, %rem3A_1545 : i32
    %sub3A_1547 = arith.subi %mul3A_1544, %rem3A_1546 : i32
    %multiple_of3A_1548 = tpu.assume_multiple %sub3A_1547, 128 : i32
    %sub3A_1549 = arith.subi %mul3A_1544, %multiple_of3A_1548 : i32
    %eq3A_1550 = arith.constant 0 : i32
    %eq3A_1551 = arith.cmpi eq, %rem3A_1542, %eq3A_1550 : i32
    %convert_element_type3A_1552 = arith.extui %eq3A_1551 : i1 to i32
    %cond3A_1553 = arith.constant 0 : i32
    %cond3A_1554 = arith.cmpi ne, %convert_element_type3A_1552, %cond3A_1553 : i32
    scf.if %cond3A_1554 {
      "tpu.region"() ({
        %run_scoped3A = tpu.sem_alloc : memref<!tpu.dma_semaphore, #tpu.memory_space<semaphore_mem>>
        %dma_start3A_2091 = arith.constant 0 : i32
        %dma_start3A_2092 = tpu.memref_slice %arg2[%select_n3A_1540, %dma_start3A_2091] : memref<26x4096xi32, #tpu.memory_space<hbm>> -> memref<1x4096xi32, #tpu.memory_space<hbm>>
        %dma_start3A_2093 = tpu.memref_squeeze %dma_start3A_2092 : memref<1x4096xi32, #tpu.memory_space<hbm>> -> memref<4096xi32, #tpu.memory_space<hbm>>
        %dma_start3A_2094 = arith.constant 0 : i32
        %dma_start3A_2095 = tpu.memref_slice %arg2[%select_n3A_1540, %dma_start3A_2094] : memref<26x4096xi32, #tpu.memory_space<hbm>> -> memref<1x4096xi32, #tpu.memory_space<hbm>>
        %dma_start3A_2096 = tpu.memref_squeeze %dma_start3A_2095 : memref<1x4096xi32, #tpu.memory_space<hbm>> -> memref<4096xi32, #tpu.memory_space<hbm>>
        tpu.enqueue_dma source(%dma_start3A_2096 : memref<4096xi32, #tpu.memory_space<hbm>>) target(%arg7 : memref<4096xi32, #tpu.memory_space<vmem>>) target_semaphore(%run_scoped3A : memref<!tpu.dma_semaphore, #tpu.memory_space<semaphore_mem>>)
        %dma_wait3A_2097 = arith.constant 0 : i32
        %dma_wait3A_2098 = tpu.memref_slice %arg2[%select_n3A_1540, %dma_wait3A_2097] : memref<26x4096xi32, #tpu.memory_space<hbm>> -> memref<1x4096xi32, #tpu.memory_space<hbm>>
        %dma_wait3A_2099 = tpu.memref_squeeze %dma_wait3A_2098 : memref<1x4096xi32, #tpu.memory_space<hbm>> -> memref<4096xi32, #tpu.memory_space<hbm>>
        %dma_wait3A_2100 = arith.constant 0 : i32
        %dma_wait3A_2101 = tpu.memref_slice %arg2[%select_n3A_1540, %dma_wait3A_2100] : memref<26x4096xi32, #tpu.memory_space<hbm>> -> memref<1x4096xi32, #tpu.memory_space<hbm>>
        %dma_wait3A_2102 = tpu.memref_squeeze %dma_wait3A_2101 : memref<1x4096xi32, #tpu.memory_space<hbm>> -> memref<4096xi32, #tpu.memory_space<hbm>>
        tpu.wait_dma2 semaphore(%run_scoped3A : memref<!tpu.dma_semaphore, #tpu.memory_space<semaphore_mem>>) src(%dma_wait3A_2102 : memref<4096xi32, #tpu.memory_space<hbm>>) dst(%arg7 : memref<4096xi32, #tpu.memory_space<vmem>>)
        tpu.yield
      }) : () -> ()
    } else {
    }
    %dma_wait3A_1555 = arith.constant 0 : i32
    %dma_wait3A_1556 = tpu.memref_slice %arg5[%add3A_1192, %dma_wait3A_1555] : memref<416x4096xf32, #tpu.memory_space<hbm>> -> memref<1x4096xf32, #tpu.memory_space<hbm>>
    %dma_wait3A_1557 = tpu.memref_squeeze %dma_wait3A_1556 : memref<1x4096xf32, #tpu.memory_space<hbm>> -> memref<4096xf32, #tpu.memory_space<hbm>>
    %dma_wait3A_1558 = arith.constant 0 : i32
    %dma_wait3A_1559 = tpu.memref_slice %arg5[%add3A_1192, %dma_wait3A_1558] : memref<416x4096xf32, #tpu.memory_space<hbm>> -> memref<1x4096xf32, #tpu.memory_space<hbm>>
    %dma_wait3A_1560 = tpu.memref_squeeze %dma_wait3A_1559 : memref<1x4096xf32, #tpu.memory_space<hbm>> -> memref<4096xf32, #tpu.memory_space<hbm>>
    tpu.wait_dma2 semaphore(%arg15 : memref<!tpu.dma_semaphore, #tpu.memory_space<semaphore_mem>>) src(%arg11 : memref<4096xf32, #tpu.memory_space<vmem>>) dst(%dma_wait3A_1560 : memref<4096xf32, #tpu.memory_space<hbm>>)
    %dma_wait3A_1561 = tpu.memref_slice %arg3[%rem3A_1439, %add3A_1448] : memref<16x2600000xf32, #tpu.memory_space<hbm>> -> memref<1x50048xf32, #tpu.memory_space<hbm>>
    %dma_wait3A_1562 = tpu.memref_squeeze %dma_wait3A_1561 : memref<1x50048xf32, #tpu.memory_space<hbm>> -> memref<50048xf32, #tpu.memory_space<hbm>>
    %dma_wait3A_1563 = tpu.memref_slice %arg3[%rem3A_1439, %add3A_1448] : memref<16x2600000xf32, #tpu.memory_space<hbm>> -> memref<1x50048xf32, #tpu.memory_space<hbm>>
    %dma_wait3A_1564 = tpu.memref_squeeze %dma_wait3A_1563 : memref<1x50048xf32, #tpu.memory_space<hbm>> -> memref<50048xf32, #tpu.memory_space<hbm>>
    tpu.wait_dma2 semaphore(%arg12 : memref<!tpu.dma_semaphore, #tpu.memory_space<semaphore_mem>>) src(%dma_wait3A_1564 : memref<50048xf32, #tpu.memory_space<hbm>>) dst(%arg8 : memref<50048xf32, #tpu.memory_space<vmem>>)
    %scan3A_1565 = arith.constant 0 : i32
    %scan3A_1566 = arith.constant 0 : i32
    %scan3A_1567 = arith.constant 256 : i32
    %scan3A_1568 = arith.addi %scan3A_1566, %scan3A_1567 : i32
    %scan3A_1569 = arith.constant 1 : i32
    %scan3A_1570 = scf.for %scan3A_2091 = %scan3A_1566 to %scan3A_1568 step %scan3A_1569 iter_args(%scan3A_2092 = %scan3A_1565) -> (i32)  : i32 {
      %mul3A_2093 = arith.constant 16 : i32
      %mul3A_2094 = arith.muli %scan3A_2091, %mul3A_2093 : i32
      %get3A = arith.index_cast %mul3A_2094 : i32 to index
      %get3A_2095 = tpu.vector_load %arg7[%get3A] {strides = array<i32>} : memref<4096xi32, #tpu.memory_space<vmem>>, vector<16xi32>,
      %add3A_2096 = vector.broadcast %sub3A_1549 : i32 to vector<16xi32>
      %add3A_2097 = arith.addi %get3A_2095, %add3A_2096 : vector<16xi32>
      %min3A = arith.constant 50047 : i32
      %min3A_2098 = vector.broadcast %min3A : i32 to vector<16xi32>
      %min3A_2099 = arith.minsi %add3A_2097, %min3A_2098 : vector<16xi32>
      %gather3A = tpu.vector_load_idx %arg8[%min3A_2099] : memref<50048xf32, #tpu.memory_space<vmem>>[vector<16xi32>], vector<16xf32>,
      %mul3A_2100 = arith.constant 16 : i32
      %mul3A_2101 = arith.muli %scan3A_2091, %mul3A_2100 : i32
      %swap3A = arith.index_cast %mul3A_2101 : i32 to index
      %swap3A_2102 = tpu.vector_load %arg11[%swap3A] {strides = array<i32>} : memref<4096xf32, #tpu.memory_space<vmem>>, vector<16xf32>,
      tpu.vector_store %arg11[%swap3A], %gather3A {strides = array<i32>} : memref<4096xf32, #tpu.memory_space<vmem>>, vector<16xf32>,
      %scan3A_2103 = arith.constant 0 : i32
      scf.yield %scan3A_2103 : i32
    }
    %scan3A_1571 = arith.constant 256 : i32
    %mul3A_1572 = arith.constant 13 : i32
    %mul3A_1573 = arith.muli %add3A, %mul3A_1572 : i32
    %add3A_1574 = arith.constant 10 : i32
    %add3A_1575 = arith.addi %mul3A_1573, %add3A_1574 : i32
    %jit3A_1576 = arith.constant 16 : i32
    %div3A_1577 = arith.divsi %add3A_1575, %jit3A_1576 : i32
    %sign3A_1578 = arith.constant 0 : i32
    %sign3A_1579 = arith.cmpi sgt, %add3A_1575, %sign3A_1578 : i32
    %sign3A_1580 = arith.extui %sign3A_1579 : i1 to i32
    %sign3A_1581 = arith.constant 0 : i32
    %sign3A_1582 = arith.cmpi slt, %add3A_1575, %sign3A_1581 : i32
    %sign3A_1583 = arith.extui %sign3A_1582 : i1 to i32
    %sign3A_1584 = arith.subi %sign3A_1580, %sign3A_1583 : i32
    %sign3A_1585 = arith.constant 0 : i32
    %sign3A_1586 = arith.cmpi sgt, %jit3A_1576, %sign3A_1585 : i32
    %sign3A_1587 = arith.extui %sign3A_1586 : i1 to i32
    %sign3A_1588 = arith.constant 0 : i32
    %sign3A_1589 = arith.cmpi slt, %jit3A_1576, %sign3A_1588 : i32
    %sign3A_1590 = arith.extui %sign3A_1589 : i1 to i32
    %sign3A_1591 = arith.subi %sign3A_1587, %sign3A_1590 : i32
    %ne3A_1592 = arith.cmpi ne, %sign3A_1584, %sign3A_1591 : i32
    %rem3A_1593 = arith.remsi %add3A_1575, %jit3A_1576 : i32
    %ne3A_1594 = arith.constant 0 : i32
    %ne3A_1595 = arith.cmpi ne, %rem3A_1593, %ne3A_1594 : i32
    %and3A_1596 = arith.andi %ne3A_1592, %ne3A_1595 : i1
    %sub3A_1597 = arith.constant 1 : i32
    %sub3A_1598 = arith.subi %div3A_1577, %sub3A_1597 : i32
    %select_n3A_1599 = arith.select %and3A_1596, %sub3A_1598, %div3A_1577 : i32
    %rem3A_1600 = arith.constant 16 : i32
    %rem3A_1601 = arith.remsi %add3A_1575, %rem3A_1600 : i32
    %mul3A_1602 = arith.constant 100000 : i32
    %mul3A_1603 = arith.muli %select_n3A_1599, %mul3A_1602 : i32
    %rem3A_1604 = arith.constant 128 : i32
    %rem3A_1605 = arith.remsi %mul3A_1603, %rem3A_1604 : i32
    %sub3A_1606 = arith.subi %mul3A_1603, %rem3A_1605 : i32
    %multiple_of3A_1607 = tpu.assume_multiple %sub3A_1606, 128 : i32
    %sub3A_1608 = arith.subi %mul3A_1603, %multiple_of3A_1607 : i32
    %add3A_1609 = arith.constant 0 : i32
    %add3A_1610 = arith.addi %multiple_of3A_1607, %add3A_1609 : i32
    %dma_start3A_1611 = tpu.memref_slice %arg3[%rem3A_1601, %add3A_1610] : memref<16x2600000xf32, #tpu.memory_space<hbm>> -> memref<1x50048xf32, #tpu.memory_space<hbm>>
    %dma_start3A_1612 = tpu.memref_squeeze %dma_start3A_1611 : memref<1x50048xf32, #tpu.memory_space<hbm>> -> memref<50048xf32, #tpu.memory_space<hbm>>
    %dma_start3A_1613 = tpu.memref_slice %arg3[%rem3A_1601, %add3A_1610] : memref<16x2600000xf32, #tpu.memory_space<hbm>> -> memref<1x50048xf32, #tpu.memory_space<hbm>>
    %dma_start3A_1614 = tpu.memref_squeeze %dma_start3A_1613 : memref<1x50048xf32, #tpu.memory_space<hbm>> -> memref<50048xf32, #tpu.memory_space<hbm>>
    tpu.enqueue_dma source(%dma_start3A_1614 : memref<50048xf32, #tpu.memory_space<hbm>>) target(%arg8 : memref<50048xf32, #tpu.memory_space<vmem>>) target_semaphore(%arg12 : memref<!tpu.dma_semaphore, #tpu.memory_space<semaphore_mem>>)
    %dma_wait3A_1615 = tpu.memref_slice %arg3[%rem3A_1493, %add3A_1502] : memref<16x2600000xf32, #tpu.memory_space<hbm>> -> memref<1x50048xf32, #tpu.memory_space<hbm>>
    %dma_wait3A_1616 = tpu.memref_squeeze %dma_wait3A_1615 : memref<1x50048xf32, #tpu.memory_space<hbm>> -> memref<50048xf32, #tpu.memory_space<hbm>>
    %dma_wait3A_1617 = tpu.memref_slice %arg3[%rem3A_1493, %add3A_1502] : memref<16x2600000xf32, #tpu.memory_space<hbm>> -> memref<1x50048xf32, #tpu.memory_space<hbm>>
    %dma_wait3A_1618 = tpu.memref_squeeze %dma_wait3A_1617 : memref<1x50048xf32, #tpu.memory_space<hbm>> -> memref<50048xf32, #tpu.memory_space<hbm>>
    tpu.wait_dma2 semaphore(%arg13 : memref<!tpu.dma_semaphore, #tpu.memory_space<semaphore_mem>>) src(%dma_wait3A_1618 : memref<50048xf32, #tpu.memory_space<hbm>>) dst(%arg9 : memref<50048xf32, #tpu.memory_space<vmem>>)
    %scan3A_1619 = arith.constant 0 : i32
    %scan3A_1620 = arith.constant 0 : i32
    %scan3A_1621 = arith.constant 256 : i32
    %scan3A_1622 = arith.addi %scan3A_1620, %scan3A_1621 : i32
    %scan3A_1623 = arith.constant 1 : i32
    %scan3A_1624 = scf.for %scan3A_2091 = %scan3A_1620 to %scan3A_1622 step %scan3A_1623 iter_args(%scan3A_2092 = %scan3A_1619) -> (i32)  : i32 {
      %mul3A_2093 = arith.constant 16 : i32
      %mul3A_2094 = arith.muli %scan3A_2091, %mul3A_2093 : i32
      %get3A = arith.index_cast %mul3A_2094 : i32 to index
      %get3A_2095 = tpu.vector_load %arg7[%get3A] {strides = array<i32>} : memref<4096xi32, #tpu.memory_space<vmem>>, vector<16xi32>,
      %add3A_2096 = vector.broadcast %sub3A_1549 : i32 to vector<16xi32>
      %add3A_2097 = arith.addi %get3A_2095, %add3A_2096 : vector<16xi32>
      %sub3A_2098 = arith.constant 50048 : i32
      %sub3A_2099 = vector.broadcast %sub3A_2098 : i32 to vector<16xi32>
      %sub3A_2100 = arith.subi %add3A_2097, %sub3A_2099 : vector<16xi32>
      %max3A = arith.constant 0 : i32
      %max3A_2101 = vector.broadcast %max3A : i32 to vector<16xi32>
      %max3A_2102 = arith.maxsi %sub3A_2100, %max3A_2101 : vector<16xi32>
      %gather3A = tpu.vector_load_idx %arg9[%max3A_2102] : memref<50048xf32, #tpu.memory_space<vmem>>[vector<16xi32>], vector<16xf32>,
      %ge3A = arith.constant 50048 : i32
      %ge3A_2103 = vector.broadcast %ge3A : i32 to vector<16xi32>
      %ge3A_2104 = arith.cmpi sge, %add3A_2097, %ge3A_2103 : vector<16xi32>
      %get3A_2105 = arith.index_cast %mul3A_2094 : i32 to index
      %get3A_2106 = tpu.vector_load %arg11[%get3A_2105] {strides = array<i32>} : memref<4096xf32, #tpu.memory_space<vmem>>, vector<16xf32>,
      %select_n3A_2107 = arith.select %ge3A_2104, %gather3A, %get3A_2106 : vector<16xi1>, vector<16xf32>
      %swap3A = arith.index_cast %mul3A_2094 : i32 to index
      %swap3A_2108 = tpu.vector_load %arg11[%swap3A] {strides = array<i32>} : memref<4096xf32, #tpu.memory_space<vmem>>, vector<16xf32>,
      tpu.vector_store %arg11[%swap3A], %select_n3A_2107 {strides = array<i32>} : memref<4096xf32, #tpu.memory_space<vmem>>, vector<16xf32>,
      %scan3A_2109 = arith.constant 0 : i32
      scf.yield %scan3A_2109 : i32
    }
    %scan3A_1625 = arith.constant 256 : i32
    %mul3A_1626 = arith.constant 13 : i32
    %mul3A_1627 = arith.muli %add3A, %mul3A_1626 : i32
    %add3A_1628 = arith.constant 10 : i32
    %add3A_1629 = arith.addi %mul3A_1627, %add3A_1628 : i32
    %jit3A_1630 = arith.constant 16 : i32
    %div3A_1631 = arith.divsi %add3A_1629, %jit3A_1630 : i32
    %sign3A_1632 = arith.constant 0 : i32
    %sign3A_1633 = arith.cmpi sgt, %add3A_1629, %sign3A_1632 : i32
    %sign3A_1634 = arith.extui %sign3A_1633 : i1 to i32
    %sign3A_1635 = arith.constant 0 : i32
    %sign3A_1636 = arith.cmpi slt, %add3A_1629, %sign3A_1635 : i32
    %sign3A_1637 = arith.extui %sign3A_1636 : i1 to i32
    %sign3A_1638 = arith.subi %sign3A_1634, %sign3A_1637 : i32
    %sign3A_1639 = arith.constant 0 : i32
    %sign3A_1640 = arith.cmpi sgt, %jit3A_1630, %sign3A_1639 : i32
    %sign3A_1641 = arith.extui %sign3A_1640 : i1 to i32
    %sign3A_1642 = arith.constant 0 : i32
    %sign3A_1643 = arith.cmpi slt, %jit3A_1630, %sign3A_1642 : i32
    %sign3A_1644 = arith.extui %sign3A_1643 : i1 to i32
    %sign3A_1645 = arith.subi %sign3A_1641, %sign3A_1644 : i32
    %ne3A_1646 = arith.cmpi ne, %sign3A_1638, %sign3A_1645 : i32
    %rem3A_1647 = arith.remsi %add3A_1629, %jit3A_1630 : i32
    %ne3A_1648 = arith.constant 0 : i32
    %ne3A_1649 = arith.cmpi ne, %rem3A_1647, %ne3A_1648 : i32
    %and3A_1650 = arith.andi %ne3A_1646, %ne3A_1649 : i1
    %sub3A_1651 = arith.constant 1 : i32
    %sub3A_1652 = arith.subi %div3A_1631, %sub3A_1651 : i32
    %select_n3A_1653 = arith.select %and3A_1650, %sub3A_1652, %div3A_1631 : i32
    %rem3A_1654 = arith.constant 16 : i32
    %rem3A_1655 = arith.remsi %add3A_1629, %rem3A_1654 : i32
    %mul3A_1656 = arith.constant 100000 : i32
    %mul3A_1657 = arith.muli %select_n3A_1653, %mul3A_1656 : i32
    %rem3A_1658 = arith.constant 128 : i32
    %rem3A_1659 = arith.remsi %mul3A_1657, %rem3A_1658 : i32
    %sub3A_1660 = arith.subi %mul3A_1657, %rem3A_1659 : i32
    %multiple_of3A_1661 = tpu.assume_multiple %sub3A_1660, 128 : i32
    %sub3A_1662 = arith.subi %mul3A_1657, %multiple_of3A_1661 : i32
    %add3A_1663 = arith.constant 50048 : i32
    %add3A_1664 = arith.addi %multiple_of3A_1661, %add3A_1663 : i32
    %dma_start3A_1665 = tpu.memref_slice %arg3[%rem3A_1655, %add3A_1664] : memref<16x2600000xf32, #tpu.memory_space<hbm>> -> memref<1x50048xf32, #tpu.memory_space<hbm>>
    %dma_start3A_1666 = tpu.memref_squeeze %dma_start3A_1665 : memref<1x50048xf32, #tpu.memory_space<hbm>> -> memref<50048xf32, #tpu.memory_space<hbm>>
    %dma_start3A_1667 = tpu.memref_slice %arg3[%rem3A_1655, %add3A_1664] : memref<16x2600000xf32, #tpu.memory_space<hbm>> -> memref<1x50048xf32, #tpu.memory_space<hbm>>
    %dma_start3A_1668 = tpu.memref_squeeze %dma_start3A_1667 : memref<1x50048xf32, #tpu.memory_space<hbm>> -> memref<50048xf32, #tpu.memory_space<hbm>>
    tpu.enqueue_dma source(%dma_start3A_1668 : memref<50048xf32, #tpu.memory_space<hbm>>) target(%arg9 : memref<50048xf32, #tpu.memory_space<vmem>>) target_semaphore(%arg13 : memref<!tpu.dma_semaphore, #tpu.memory_space<semaphore_mem>>)
    %dma_start3A_1669 = arith.constant 0 : i32
    %dma_start3A_1670 = tpu.memref_slice %arg5[%add3A_1516, %dma_start3A_1669] : memref<416x4096xf32, #tpu.memory_space<hbm>> -> memref<1x4096xf32, #tpu.memory_space<hbm>>
    %dma_start3A_1671 = tpu.memref_squeeze %dma_start3A_1670 : memref<1x4096xf32, #tpu.memory_space<hbm>> -> memref<4096xf32, #tpu.memory_space<hbm>>
    %dma_start3A_1672 = arith.constant 0 : i32
    %dma_start3A_1673 = tpu.memref_slice %arg5[%add3A_1516, %dma_start3A_1672] : memref<416x4096xf32, #tpu.memory_space<hbm>> -> memref<1x4096xf32, #tpu.memory_space<hbm>>
    %dma_start3A_1674 = tpu.memref_squeeze %dma_start3A_1673 : memref<1x4096xf32, #tpu.memory_space<hbm>> -> memref<4096xf32, #tpu.memory_space<hbm>>
    tpu.enqueue_dma source(%arg11 : memref<4096xf32, #tpu.memory_space<vmem>>) target(%dma_start3A_1674 : memref<4096xf32, #tpu.memory_space<hbm>>) target_semaphore(%arg15 : memref<!tpu.dma_semaphore, #tpu.memory_space<semaphore_mem>>)
    %mul3A_1675 = arith.constant 13 : i32
    %mul3A_1676 = arith.muli %add3A, %mul3A_1675 : i32
    %add3A_1677 = arith.constant 10 : i32
    %add3A_1678 = arith.addi %mul3A_1676, %add3A_1677 : i32
    %jit3A_1679 = arith.constant 16 : i32
    %div3A_1680 = arith.divsi %add3A_1678, %jit3A_1679 : i32
    %sign3A_1681 = arith.constant 0 : i32
    %sign3A_1682 = arith.cmpi sgt, %add3A_1678, %sign3A_1681 : i32
    %sign3A_1683 = arith.extui %sign3A_1682 : i1 to i32
    %sign3A_1684 = arith.constant 0 : i32
    %sign3A_1685 = arith.cmpi slt, %add3A_1678, %sign3A_1684 : i32
    %sign3A_1686 = arith.extui %sign3A_1685 : i1 to i32
    %sign3A_1687 = arith.subi %sign3A_1683, %sign3A_1686 : i32
    %sign3A_1688 = arith.constant 0 : i32
    %sign3A_1689 = arith.cmpi sgt, %jit3A_1679, %sign3A_1688 : i32
    %sign3A_1690 = arith.extui %sign3A_1689 : i1 to i32
    %sign3A_1691 = arith.constant 0 : i32
    %sign3A_1692 = arith.cmpi slt, %jit3A_1679, %sign3A_1691 : i32
    %sign3A_1693 = arith.extui %sign3A_1692 : i1 to i32
    %sign3A_1694 = arith.subi %sign3A_1690, %sign3A_1693 : i32
    %ne3A_1695 = arith.cmpi ne, %sign3A_1687, %sign3A_1694 : i32
    %rem3A_1696 = arith.remsi %add3A_1678, %jit3A_1679 : i32
    %ne3A_1697 = arith.constant 0 : i32
    %ne3A_1698 = arith.cmpi ne, %rem3A_1696, %ne3A_1697 : i32
    %and3A_1699 = arith.andi %ne3A_1695, %ne3A_1698 : i1
    %sub3A_1700 = arith.constant 1 : i32
    %sub3A_1701 = arith.subi %div3A_1680, %sub3A_1700 : i32
    %select_n3A_1702 = arith.select %and3A_1699, %sub3A_1701, %div3A_1680 : i32
    %rem3A_1703 = arith.constant 16 : i32
    %rem3A_1704 = arith.remsi %add3A_1678, %rem3A_1703 : i32
    %mul3A_1705 = arith.constant 100000 : i32
    %mul3A_1706 = arith.muli %select_n3A_1702, %mul3A_1705 : i32
    %rem3A_1707 = arith.constant 128 : i32
    %rem3A_1708 = arith.remsi %mul3A_1706, %rem3A_1707 : i32
    %sub3A_1709 = arith.subi %mul3A_1706, %rem3A_1708 : i32
    %multiple_of3A_1710 = tpu.assume_multiple %sub3A_1709, 128 : i32
    %sub3A_1711 = arith.subi %mul3A_1706, %multiple_of3A_1710 : i32
    %eq3A_1712 = arith.constant 0 : i32
    %eq3A_1713 = arith.cmpi eq, %rem3A_1704, %eq3A_1712 : i32
    %convert_element_type3A_1714 = arith.extui %eq3A_1713 : i1 to i32
    %cond3A_1715 = arith.constant 0 : i32
    %cond3A_1716 = arith.cmpi ne, %convert_element_type3A_1714, %cond3A_1715 : i32
    scf.if %cond3A_1716 {
      "tpu.region"() ({
        %run_scoped3A = tpu.sem_alloc : memref<!tpu.dma_semaphore, #tpu.memory_space<semaphore_mem>>
        %dma_start3A_2091 = arith.constant 0 : i32
        %dma_start3A_2092 = tpu.memref_slice %arg2[%select_n3A_1702, %dma_start3A_2091] : memref<26x4096xi32, #tpu.memory_space<hbm>> -> memref<1x4096xi32, #tpu.memory_space<hbm>>
        %dma_start3A_2093 = tpu.memref_squeeze %dma_start3A_2092 : memref<1x4096xi32, #tpu.memory_space<hbm>> -> memref<4096xi32, #tpu.memory_space<hbm>>
        %dma_start3A_2094 = arith.constant 0 : i32
        %dma_start3A_2095 = tpu.memref_slice %arg2[%select_n3A_1702, %dma_start3A_2094] : memref<26x4096xi32, #tpu.memory_space<hbm>> -> memref<1x4096xi32, #tpu.memory_space<hbm>>
        %dma_start3A_2096 = tpu.memref_squeeze %dma_start3A_2095 : memref<1x4096xi32, #tpu.memory_space<hbm>> -> memref<4096xi32, #tpu.memory_space<hbm>>
        tpu.enqueue_dma source(%dma_start3A_2096 : memref<4096xi32, #tpu.memory_space<hbm>>) target(%arg7 : memref<4096xi32, #tpu.memory_space<vmem>>) target_semaphore(%run_scoped3A : memref<!tpu.dma_semaphore, #tpu.memory_space<semaphore_mem>>)
        %dma_wait3A_2097 = arith.constant 0 : i32
        %dma_wait3A_2098 = tpu.memref_slice %arg2[%select_n3A_1702, %dma_wait3A_2097] : memref<26x4096xi32, #tpu.memory_space<hbm>> -> memref<1x4096xi32, #tpu.memory_space<hbm>>
        %dma_wait3A_2099 = tpu.memref_squeeze %dma_wait3A_2098 : memref<1x4096xi32, #tpu.memory_space<hbm>> -> memref<4096xi32, #tpu.memory_space<hbm>>
        %dma_wait3A_2100 = arith.constant 0 : i32
        %dma_wait3A_2101 = tpu.memref_slice %arg2[%select_n3A_1702, %dma_wait3A_2100] : memref<26x4096xi32, #tpu.memory_space<hbm>> -> memref<1x4096xi32, #tpu.memory_space<hbm>>
        %dma_wait3A_2102 = tpu.memref_squeeze %dma_wait3A_2101 : memref<1x4096xi32, #tpu.memory_space<hbm>> -> memref<4096xi32, #tpu.memory_space<hbm>>
        tpu.wait_dma2 semaphore(%run_scoped3A : memref<!tpu.dma_semaphore, #tpu.memory_space<semaphore_mem>>) src(%dma_wait3A_2102 : memref<4096xi32, #tpu.memory_space<hbm>>) dst(%arg7 : memref<4096xi32, #tpu.memory_space<vmem>>)
        tpu.yield
      }) : () -> ()
    } else {
    }
    %dma_wait3A_1717 = arith.constant 0 : i32
    %dma_wait3A_1718 = tpu.memref_slice %arg5[%add3A_1354, %dma_wait3A_1717] : memref<416x4096xf32, #tpu.memory_space<hbm>> -> memref<1x4096xf32, #tpu.memory_space<hbm>>
    %dma_wait3A_1719 = tpu.memref_squeeze %dma_wait3A_1718 : memref<1x4096xf32, #tpu.memory_space<hbm>> -> memref<4096xf32, #tpu.memory_space<hbm>>
    %dma_wait3A_1720 = arith.constant 0 : i32
    %dma_wait3A_1721 = tpu.memref_slice %arg5[%add3A_1354, %dma_wait3A_1720] : memref<416x4096xf32, #tpu.memory_space<hbm>> -> memref<1x4096xf32, #tpu.memory_space<hbm>>
    %dma_wait3A_1722 = tpu.memref_squeeze %dma_wait3A_1721 : memref<1x4096xf32, #tpu.memory_space<hbm>> -> memref<4096xf32, #tpu.memory_space<hbm>>
    tpu.wait_dma2 semaphore(%arg14 : memref<!tpu.dma_semaphore, #tpu.memory_space<semaphore_mem>>) src(%arg10 : memref<4096xf32, #tpu.memory_space<vmem>>) dst(%dma_wait3A_1722 : memref<4096xf32, #tpu.memory_space<hbm>>)
    %dma_wait3A_1723 = tpu.memref_slice %arg3[%rem3A_1601, %add3A_1610] : memref<16x2600000xf32, #tpu.memory_space<hbm>> -> memref<1x50048xf32, #tpu.memory_space<hbm>>
    %dma_wait3A_1724 = tpu.memref_squeeze %dma_wait3A_1723 : memref<1x50048xf32, #tpu.memory_space<hbm>> -> memref<50048xf32, #tpu.memory_space<hbm>>
    %dma_wait3A_1725 = tpu.memref_slice %arg3[%rem3A_1601, %add3A_1610] : memref<16x2600000xf32, #tpu.memory_space<hbm>> -> memref<1x50048xf32, #tpu.memory_space<hbm>>
    %dma_wait3A_1726 = tpu.memref_squeeze %dma_wait3A_1725 : memref<1x50048xf32, #tpu.memory_space<hbm>> -> memref<50048xf32, #tpu.memory_space<hbm>>
    tpu.wait_dma2 semaphore(%arg12 : memref<!tpu.dma_semaphore, #tpu.memory_space<semaphore_mem>>) src(%dma_wait3A_1726 : memref<50048xf32, #tpu.memory_space<hbm>>) dst(%arg8 : memref<50048xf32, #tpu.memory_space<vmem>>)
    %scan3A_1727 = arith.constant 0 : i32
    %scan3A_1728 = arith.constant 0 : i32
    %scan3A_1729 = arith.constant 256 : i32
    %scan3A_1730 = arith.addi %scan3A_1728, %scan3A_1729 : i32
    %scan3A_1731 = arith.constant 1 : i32
    %scan3A_1732 = scf.for %scan3A_2091 = %scan3A_1728 to %scan3A_1730 step %scan3A_1731 iter_args(%scan3A_2092 = %scan3A_1727) -> (i32)  : i32 {
      %mul3A_2093 = arith.constant 16 : i32
      %mul3A_2094 = arith.muli %scan3A_2091, %mul3A_2093 : i32
      %get3A = arith.index_cast %mul3A_2094 : i32 to index
      %get3A_2095 = tpu.vector_load %arg7[%get3A] {strides = array<i32>} : memref<4096xi32, #tpu.memory_space<vmem>>, vector<16xi32>,
      %add3A_2096 = vector.broadcast %sub3A_1711 : i32 to vector<16xi32>
      %add3A_2097 = arith.addi %get3A_2095, %add3A_2096 : vector<16xi32>
      %min3A = arith.constant 50047 : i32
      %min3A_2098 = vector.broadcast %min3A : i32 to vector<16xi32>
      %min3A_2099 = arith.minsi %add3A_2097, %min3A_2098 : vector<16xi32>
      %gather3A = tpu.vector_load_idx %arg8[%min3A_2099] : memref<50048xf32, #tpu.memory_space<vmem>>[vector<16xi32>], vector<16xf32>,
      %mul3A_2100 = arith.constant 16 : i32
      %mul3A_2101 = arith.muli %scan3A_2091, %mul3A_2100 : i32
      %swap3A = arith.index_cast %mul3A_2101 : i32 to index
      %swap3A_2102 = tpu.vector_load %arg10[%swap3A] {strides = array<i32>} : memref<4096xf32, #tpu.memory_space<vmem>>, vector<16xf32>,
      tpu.vector_store %arg10[%swap3A], %gather3A {strides = array<i32>} : memref<4096xf32, #tpu.memory_space<vmem>>, vector<16xf32>,
      %scan3A_2103 = arith.constant 0 : i32
      scf.yield %scan3A_2103 : i32
    }
    %scan3A_1733 = arith.constant 256 : i32
    %mul3A_1734 = arith.constant 13 : i32
    %mul3A_1735 = arith.muli %add3A, %mul3A_1734 : i32
    %add3A_1736 = arith.constant 11 : i32
    %add3A_1737 = arith.addi %mul3A_1735, %add3A_1736 : i32
    %jit3A_1738 = arith.constant 16 : i32
    %div3A_1739 = arith.divsi %add3A_1737, %jit3A_1738 : i32
    %sign3A_1740 = arith.constant 0 : i32
    %sign3A_1741 = arith.cmpi sgt, %add3A_1737, %sign3A_1740 : i32
    %sign3A_1742 = arith.extui %sign3A_1741 : i1 to i32
    %sign3A_1743 = arith.constant 0 : i32
    %sign3A_1744 = arith.cmpi slt, %add3A_1737, %sign3A_1743 : i32
    %sign3A_1745 = arith.extui %sign3A_1744 : i1 to i32
    %sign3A_1746 = arith.subi %sign3A_1742, %sign3A_1745 : i32
    %sign3A_1747 = arith.constant 0 : i32
    %sign3A_1748 = arith.cmpi sgt, %jit3A_1738, %sign3A_1747 : i32
    %sign3A_1749 = arith.extui %sign3A_1748 : i1 to i32
    %sign3A_1750 = arith.constant 0 : i32
    %sign3A_1751 = arith.cmpi slt, %jit3A_1738, %sign3A_1750 : i32
    %sign3A_1752 = arith.extui %sign3A_1751 : i1 to i32
    %sign3A_1753 = arith.subi %sign3A_1749, %sign3A_1752 : i32
    %ne3A_1754 = arith.cmpi ne, %sign3A_1746, %sign3A_1753 : i32
    %rem3A_1755 = arith.remsi %add3A_1737, %jit3A_1738 : i32
    %ne3A_1756 = arith.constant 0 : i32
    %ne3A_1757 = arith.cmpi ne, %rem3A_1755, %ne3A_1756 : i32
    %and3A_1758 = arith.andi %ne3A_1754, %ne3A_1757 : i1
    %sub3A_1759 = arith.constant 1 : i32
    %sub3A_1760 = arith.subi %div3A_1739, %sub3A_1759 : i32
    %select_n3A_1761 = arith.select %and3A_1758, %sub3A_1760, %div3A_1739 : i32
    %rem3A_1762 = arith.constant 16 : i32
    %rem3A_1763 = arith.remsi %add3A_1737, %rem3A_1762 : i32
    %mul3A_1764 = arith.constant 100000 : i32
    %mul3A_1765 = arith.muli %select_n3A_1761, %mul3A_1764 : i32
    %rem3A_1766 = arith.constant 128 : i32
    %rem3A_1767 = arith.remsi %mul3A_1765, %rem3A_1766 : i32
    %sub3A_1768 = arith.subi %mul3A_1765, %rem3A_1767 : i32
    %multiple_of3A_1769 = tpu.assume_multiple %sub3A_1768, 128 : i32
    %sub3A_1770 = arith.subi %mul3A_1765, %multiple_of3A_1769 : i32
    %add3A_1771 = arith.constant 0 : i32
    %add3A_1772 = arith.addi %multiple_of3A_1769, %add3A_1771 : i32
    %dma_start3A_1773 = tpu.memref_slice %arg3[%rem3A_1763, %add3A_1772] : memref<16x2600000xf32, #tpu.memory_space<hbm>> -> memref<1x50048xf32, #tpu.memory_space<hbm>>
    %dma_start3A_1774 = tpu.memref_squeeze %dma_start3A_1773 : memref<1x50048xf32, #tpu.memory_space<hbm>> -> memref<50048xf32, #tpu.memory_space<hbm>>
    %dma_start3A_1775 = tpu.memref_slice %arg3[%rem3A_1763, %add3A_1772] : memref<16x2600000xf32, #tpu.memory_space<hbm>> -> memref<1x50048xf32, #tpu.memory_space<hbm>>
    %dma_start3A_1776 = tpu.memref_squeeze %dma_start3A_1775 : memref<1x50048xf32, #tpu.memory_space<hbm>> -> memref<50048xf32, #tpu.memory_space<hbm>>
    tpu.enqueue_dma source(%dma_start3A_1776 : memref<50048xf32, #tpu.memory_space<hbm>>) target(%arg8 : memref<50048xf32, #tpu.memory_space<vmem>>) target_semaphore(%arg12 : memref<!tpu.dma_semaphore, #tpu.memory_space<semaphore_mem>>)
    %dma_wait3A_1777 = tpu.memref_slice %arg3[%rem3A_1655, %add3A_1664] : memref<16x2600000xf32, #tpu.memory_space<hbm>> -> memref<1x50048xf32, #tpu.memory_space<hbm>>
    %dma_wait3A_1778 = tpu.memref_squeeze %dma_wait3A_1777 : memref<1x50048xf32, #tpu.memory_space<hbm>> -> memref<50048xf32, #tpu.memory_space<hbm>>
    %dma_wait3A_1779 = tpu.memref_slice %arg3[%rem3A_1655, %add3A_1664] : memref<16x2600000xf32, #tpu.memory_space<hbm>> -> memref<1x50048xf32, #tpu.memory_space<hbm>>
    %dma_wait3A_1780 = tpu.memref_squeeze %dma_wait3A_1779 : memref<1x50048xf32, #tpu.memory_space<hbm>> -> memref<50048xf32, #tpu.memory_space<hbm>>
    tpu.wait_dma2 semaphore(%arg13 : memref<!tpu.dma_semaphore, #tpu.memory_space<semaphore_mem>>) src(%dma_wait3A_1780 : memref<50048xf32, #tpu.memory_space<hbm>>) dst(%arg9 : memref<50048xf32, #tpu.memory_space<vmem>>)
    %scan3A_1781 = arith.constant 0 : i32
    %scan3A_1782 = arith.constant 0 : i32
    %scan3A_1783 = arith.constant 256 : i32
    %scan3A_1784 = arith.addi %scan3A_1782, %scan3A_1783 : i32
    %scan3A_1785 = arith.constant 1 : i32
    %scan3A_1786 = scf.for %scan3A_2091 = %scan3A_1782 to %scan3A_1784 step %scan3A_1785 iter_args(%scan3A_2092 = %scan3A_1781) -> (i32)  : i32 {
      %mul3A_2093 = arith.constant 16 : i32
      %mul3A_2094 = arith.muli %scan3A_2091, %mul3A_2093 : i32
      %get3A = arith.index_cast %mul3A_2094 : i32 to index
      %get3A_2095 = tpu.vector_load %arg7[%get3A] {strides = array<i32>} : memref<4096xi32, #tpu.memory_space<vmem>>, vector<16xi32>,
      %add3A_2096 = vector.broadcast %sub3A_1711 : i32 to vector<16xi32>
      %add3A_2097 = arith.addi %get3A_2095, %add3A_2096 : vector<16xi32>
      %sub3A_2098 = arith.constant 50048 : i32
      %sub3A_2099 = vector.broadcast %sub3A_2098 : i32 to vector<16xi32>
      %sub3A_2100 = arith.subi %add3A_2097, %sub3A_2099 : vector<16xi32>
      %max3A = arith.constant 0 : i32
      %max3A_2101 = vector.broadcast %max3A : i32 to vector<16xi32>
      %max3A_2102 = arith.maxsi %sub3A_2100, %max3A_2101 : vector<16xi32>
      %gather3A = tpu.vector_load_idx %arg9[%max3A_2102] : memref<50048xf32, #tpu.memory_space<vmem>>[vector<16xi32>], vector<16xf32>,
      %ge3A = arith.constant 50048 : i32
      %ge3A_2103 = vector.broadcast %ge3A : i32 to vector<16xi32>
      %ge3A_2104 = arith.cmpi sge, %add3A_2097, %ge3A_2103 : vector<16xi32>
      %get3A_2105 = arith.index_cast %mul3A_2094 : i32 to index
      %get3A_2106 = tpu.vector_load %arg10[%get3A_2105] {strides = array<i32>} : memref<4096xf32, #tpu.memory_space<vmem>>, vector<16xf32>,
      %select_n3A_2107 = arith.select %ge3A_2104, %gather3A, %get3A_2106 : vector<16xi1>, vector<16xf32>
      %swap3A = arith.index_cast %mul3A_2094 : i32 to index
      %swap3A_2108 = tpu.vector_load %arg10[%swap3A] {strides = array<i32>} : memref<4096xf32, #tpu.memory_space<vmem>>, vector<16xf32>,
      tpu.vector_store %arg10[%swap3A], %select_n3A_2107 {strides = array<i32>} : memref<4096xf32, #tpu.memory_space<vmem>>, vector<16xf32>,
      %scan3A_2109 = arith.constant 0 : i32
      scf.yield %scan3A_2109 : i32
    }
    %scan3A_1787 = arith.constant 256 : i32
    %mul3A_1788 = arith.constant 13 : i32
    %mul3A_1789 = arith.muli %add3A, %mul3A_1788 : i32
    %add3A_1790 = arith.constant 11 : i32
    %add3A_1791 = arith.addi %mul3A_1789, %add3A_1790 : i32
    %jit3A_1792 = arith.constant 16 : i32
    %div3A_1793 = arith.divsi %add3A_1791, %jit3A_1792 : i32
    %sign3A_1794 = arith.constant 0 : i32
    %sign3A_1795 = arith.cmpi sgt, %add3A_1791, %sign3A_1794 : i32
    %sign3A_1796 = arith.extui %sign3A_1795 : i1 to i32
    %sign3A_1797 = arith.constant 0 : i32
    %sign3A_1798 = arith.cmpi slt, %add3A_1791, %sign3A_1797 : i32
    %sign3A_1799 = arith.extui %sign3A_1798 : i1 to i32
    %sign3A_1800 = arith.subi %sign3A_1796, %sign3A_1799 : i32
    %sign3A_1801 = arith.constant 0 : i32
    %sign3A_1802 = arith.cmpi sgt, %jit3A_1792, %sign3A_1801 : i32
    %sign3A_1803 = arith.extui %sign3A_1802 : i1 to i32
    %sign3A_1804 = arith.constant 0 : i32
    %sign3A_1805 = arith.cmpi slt, %jit3A_1792, %sign3A_1804 : i32
    %sign3A_1806 = arith.extui %sign3A_1805 : i1 to i32
    %sign3A_1807 = arith.subi %sign3A_1803, %sign3A_1806 : i32
    %ne3A_1808 = arith.cmpi ne, %sign3A_1800, %sign3A_1807 : i32
    %rem3A_1809 = arith.remsi %add3A_1791, %jit3A_1792 : i32
    %ne3A_1810 = arith.constant 0 : i32
    %ne3A_1811 = arith.cmpi ne, %rem3A_1809, %ne3A_1810 : i32
    %and3A_1812 = arith.andi %ne3A_1808, %ne3A_1811 : i1
    %sub3A_1813 = arith.constant 1 : i32
    %sub3A_1814 = arith.subi %div3A_1793, %sub3A_1813 : i32
    %select_n3A_1815 = arith.select %and3A_1812, %sub3A_1814, %div3A_1793 : i32
    %rem3A_1816 = arith.constant 16 : i32
    %rem3A_1817 = arith.remsi %add3A_1791, %rem3A_1816 : i32
    %mul3A_1818 = arith.constant 100000 : i32
    %mul3A_1819 = arith.muli %select_n3A_1815, %mul3A_1818 : i32
    %rem3A_1820 = arith.constant 128 : i32
    %rem3A_1821 = arith.remsi %mul3A_1819, %rem3A_1820 : i32
    %sub3A_1822 = arith.subi %mul3A_1819, %rem3A_1821 : i32
    %multiple_of3A_1823 = tpu.assume_multiple %sub3A_1822, 128 : i32
    %sub3A_1824 = arith.subi %mul3A_1819, %multiple_of3A_1823 : i32
    %add3A_1825 = arith.constant 50048 : i32
    %add3A_1826 = arith.addi %multiple_of3A_1823, %add3A_1825 : i32
    %dma_start3A_1827 = tpu.memref_slice %arg3[%rem3A_1817, %add3A_1826] : memref<16x2600000xf32, #tpu.memory_space<hbm>> -> memref<1x50048xf32, #tpu.memory_space<hbm>>
    %dma_start3A_1828 = tpu.memref_squeeze %dma_start3A_1827 : memref<1x50048xf32, #tpu.memory_space<hbm>> -> memref<50048xf32, #tpu.memory_space<hbm>>
    %dma_start3A_1829 = tpu.memref_slice %arg3[%rem3A_1817, %add3A_1826] : memref<16x2600000xf32, #tpu.memory_space<hbm>> -> memref<1x50048xf32, #tpu.memory_space<hbm>>
    %dma_start3A_1830 = tpu.memref_squeeze %dma_start3A_1829 : memref<1x50048xf32, #tpu.memory_space<hbm>> -> memref<50048xf32, #tpu.memory_space<hbm>>
    tpu.enqueue_dma source(%dma_start3A_1830 : memref<50048xf32, #tpu.memory_space<hbm>>) target(%arg9 : memref<50048xf32, #tpu.memory_space<vmem>>) target_semaphore(%arg13 : memref<!tpu.dma_semaphore, #tpu.memory_space<semaphore_mem>>)
    %dma_start3A_1831 = arith.constant 0 : i32
    %dma_start3A_1832 = tpu.memref_slice %arg5[%add3A_1678, %dma_start3A_1831] : memref<416x4096xf32, #tpu.memory_space<hbm>> -> memref<1x4096xf32, #tpu.memory_space<hbm>>
    %dma_start3A_1833 = tpu.memref_squeeze %dma_start3A_1832 : memref<1x4096xf32, #tpu.memory_space<hbm>> -> memref<4096xf32, #tpu.memory_space<hbm>>
    %dma_start3A_1834 = arith.constant 0 : i32
    %dma_start3A_1835 = tpu.memref_slice %arg5[%add3A_1678, %dma_start3A_1834] : memref<416x4096xf32, #tpu.memory_space<hbm>> -> memref<1x4096xf32, #tpu.memory_space<hbm>>
    %dma_start3A_1836 = tpu.memref_squeeze %dma_start3A_1835 : memref<1x4096xf32, #tpu.memory_space<hbm>> -> memref<4096xf32, #tpu.memory_space<hbm>>
    tpu.enqueue_dma source(%arg10 : memref<4096xf32, #tpu.memory_space<vmem>>) target(%dma_start3A_1836 : memref<4096xf32, #tpu.memory_space<hbm>>) target_semaphore(%arg14 : memref<!tpu.dma_semaphore, #tpu.memory_space<semaphore_mem>>)
    %mul3A_1837 = arith.constant 13 : i32
    %mul3A_1838 = arith.muli %add3A, %mul3A_1837 : i32
    %add3A_1839 = arith.constant 11 : i32
    %add3A_1840 = arith.addi %mul3A_1838, %add3A_1839 : i32
    %jit3A_1841 = arith.constant 16 : i32
    %div3A_1842 = arith.divsi %add3A_1840, %jit3A_1841 : i32
    %sign3A_1843 = arith.constant 0 : i32
    %sign3A_1844 = arith.cmpi sgt, %add3A_1840, %sign3A_1843 : i32
    %sign3A_1845 = arith.extui %sign3A_1844 : i1 to i32
    %sign3A_1846 = arith.constant 0 : i32
    %sign3A_1847 = arith.cmpi slt, %add3A_1840, %sign3A_1846 : i32
    %sign3A_1848 = arith.extui %sign3A_1847 : i1 to i32
    %sign3A_1849 = arith.subi %sign3A_1845, %sign3A_1848 : i32
    %sign3A_1850 = arith.constant 0 : i32
    %sign3A_1851 = arith.cmpi sgt, %jit3A_1841, %sign3A_1850 : i32
    %sign3A_1852 = arith.extui %sign3A_1851 : i1 to i32
    %sign3A_1853 = arith.constant 0 : i32
    %sign3A_1854 = arith.cmpi slt, %jit3A_1841, %sign3A_1853 : i32
    %sign3A_1855 = arith.extui %sign3A_1854 : i1 to i32
    %sign3A_1856 = arith.subi %sign3A_1852, %sign3A_1855 : i32
    %ne3A_1857 = arith.cmpi ne, %sign3A_1849, %sign3A_1856 : i32
    %rem3A_1858 = arith.remsi %add3A_1840, %jit3A_1841 : i32
    %ne3A_1859 = arith.constant 0 : i32
    %ne3A_1860 = arith.cmpi ne, %rem3A_1858, %ne3A_1859 : i32
    %and3A_1861 = arith.andi %ne3A_1857, %ne3A_1860 : i1
    %sub3A_1862 = arith.constant 1 : i32
    %sub3A_1863 = arith.subi %div3A_1842, %sub3A_1862 : i32
    %select_n3A_1864 = arith.select %and3A_1861, %sub3A_1863, %div3A_1842 : i32
    %rem3A_1865 = arith.constant 16 : i32
    %rem3A_1866 = arith.remsi %add3A_1840, %rem3A_1865 : i32
    %mul3A_1867 = arith.constant 100000 : i32
    %mul3A_1868 = arith.muli %select_n3A_1864, %mul3A_1867 : i32
    %rem3A_1869 = arith.constant 128 : i32
    %rem3A_1870 = arith.remsi %mul3A_1868, %rem3A_1869 : i32
    %sub3A_1871 = arith.subi %mul3A_1868, %rem3A_1870 : i32
    %multiple_of3A_1872 = tpu.assume_multiple %sub3A_1871, 128 : i32
    %sub3A_1873 = arith.subi %mul3A_1868, %multiple_of3A_1872 : i32
    %eq3A_1874 = arith.constant 0 : i32
    %eq3A_1875 = arith.cmpi eq, %rem3A_1866, %eq3A_1874 : i32
    %convert_element_type3A_1876 = arith.extui %eq3A_1875 : i1 to i32
    %cond3A_1877 = arith.constant 0 : i32
    %cond3A_1878 = arith.cmpi ne, %convert_element_type3A_1876, %cond3A_1877 : i32
    scf.if %cond3A_1878 {
      "tpu.region"() ({
        %run_scoped3A = tpu.sem_alloc : memref<!tpu.dma_semaphore, #tpu.memory_space<semaphore_mem>>
        %dma_start3A_2091 = arith.constant 0 : i32
        %dma_start3A_2092 = tpu.memref_slice %arg2[%select_n3A_1864, %dma_start3A_2091] : memref<26x4096xi32, #tpu.memory_space<hbm>> -> memref<1x4096xi32, #tpu.memory_space<hbm>>
        %dma_start3A_2093 = tpu.memref_squeeze %dma_start3A_2092 : memref<1x4096xi32, #tpu.memory_space<hbm>> -> memref<4096xi32, #tpu.memory_space<hbm>>
        %dma_start3A_2094 = arith.constant 0 : i32
        %dma_start3A_2095 = tpu.memref_slice %arg2[%select_n3A_1864, %dma_start3A_2094] : memref<26x4096xi32, #tpu.memory_space<hbm>> -> memref<1x4096xi32, #tpu.memory_space<hbm>>
        %dma_start3A_2096 = tpu.memref_squeeze %dma_start3A_2095 : memref<1x4096xi32, #tpu.memory_space<hbm>> -> memref<4096xi32, #tpu.memory_space<hbm>>
        tpu.enqueue_dma source(%dma_start3A_2096 : memref<4096xi32, #tpu.memory_space<hbm>>) target(%arg7 : memref<4096xi32, #tpu.memory_space<vmem>>) target_semaphore(%run_scoped3A : memref<!tpu.dma_semaphore, #tpu.memory_space<semaphore_mem>>)
        %dma_wait3A_2097 = arith.constant 0 : i32
        %dma_wait3A_2098 = tpu.memref_slice %arg2[%select_n3A_1864, %dma_wait3A_2097] : memref<26x4096xi32, #tpu.memory_space<hbm>> -> memref<1x4096xi32, #tpu.memory_space<hbm>>
        %dma_wait3A_2099 = tpu.memref_squeeze %dma_wait3A_2098 : memref<1x4096xi32, #tpu.memory_space<hbm>> -> memref<4096xi32, #tpu.memory_space<hbm>>
        %dma_wait3A_2100 = arith.constant 0 : i32
        %dma_wait3A_2101 = tpu.memref_slice %arg2[%select_n3A_1864, %dma_wait3A_2100] : memref<26x4096xi32, #tpu.memory_space<hbm>> -> memref<1x4096xi32, #tpu.memory_space<hbm>>
        %dma_wait3A_2102 = tpu.memref_squeeze %dma_wait3A_2101 : memref<1x4096xi32, #tpu.memory_space<hbm>> -> memref<4096xi32, #tpu.memory_space<hbm>>
        tpu.wait_dma2 semaphore(%run_scoped3A : memref<!tpu.dma_semaphore, #tpu.memory_space<semaphore_mem>>) src(%dma_wait3A_2102 : memref<4096xi32, #tpu.memory_space<hbm>>) dst(%arg7 : memref<4096xi32, #tpu.memory_space<vmem>>)
        tpu.yield
      }) : () -> ()
    } else {
    }
    %dma_wait3A_1879 = arith.constant 0 : i32
    %dma_wait3A_1880 = tpu.memref_slice %arg5[%add3A_1516, %dma_wait3A_1879] : memref<416x4096xf32, #tpu.memory_space<hbm>> -> memref<1x4096xf32, #tpu.memory_space<hbm>>
    %dma_wait3A_1881 = tpu.memref_squeeze %dma_wait3A_1880 : memref<1x4096xf32, #tpu.memory_space<hbm>> -> memref<4096xf32, #tpu.memory_space<hbm>>
    %dma_wait3A_1882 = arith.constant 0 : i32
    %dma_wait3A_1883 = tpu.memref_slice %arg5[%add3A_1516, %dma_wait3A_1882] : memref<416x4096xf32, #tpu.memory_space<hbm>> -> memref<1x4096xf32, #tpu.memory_space<hbm>>
    %dma_wait3A_1884 = tpu.memref_squeeze %dma_wait3A_1883 : memref<1x4096xf32, #tpu.memory_space<hbm>> -> memref<4096xf32, #tpu.memory_space<hbm>>
    tpu.wait_dma2 semaphore(%arg15 : memref<!tpu.dma_semaphore, #tpu.memory_space<semaphore_mem>>) src(%arg11 : memref<4096xf32, #tpu.memory_space<vmem>>) dst(%dma_wait3A_1884 : memref<4096xf32, #tpu.memory_space<hbm>>)
    %dma_wait3A_1885 = tpu.memref_slice %arg3[%rem3A_1763, %add3A_1772] : memref<16x2600000xf32, #tpu.memory_space<hbm>> -> memref<1x50048xf32, #tpu.memory_space<hbm>>
    %dma_wait3A_1886 = tpu.memref_squeeze %dma_wait3A_1885 : memref<1x50048xf32, #tpu.memory_space<hbm>> -> memref<50048xf32, #tpu.memory_space<hbm>>
    %dma_wait3A_1887 = tpu.memref_slice %arg3[%rem3A_1763, %add3A_1772] : memref<16x2600000xf32, #tpu.memory_space<hbm>> -> memref<1x50048xf32, #tpu.memory_space<hbm>>
    %dma_wait3A_1888 = tpu.memref_squeeze %dma_wait3A_1887 : memref<1x50048xf32, #tpu.memory_space<hbm>> -> memref<50048xf32, #tpu.memory_space<hbm>>
    tpu.wait_dma2 semaphore(%arg12 : memref<!tpu.dma_semaphore, #tpu.memory_space<semaphore_mem>>) src(%dma_wait3A_1888 : memref<50048xf32, #tpu.memory_space<hbm>>) dst(%arg8 : memref<50048xf32, #tpu.memory_space<vmem>>)
    %scan3A_1889 = arith.constant 0 : i32
    %scan3A_1890 = arith.constant 0 : i32
    %scan3A_1891 = arith.constant 256 : i32
    %scan3A_1892 = arith.addi %scan3A_1890, %scan3A_1891 : i32
    %scan3A_1893 = arith.constant 1 : i32
    %scan3A_1894 = scf.for %scan3A_2091 = %scan3A_1890 to %scan3A_1892 step %scan3A_1893 iter_args(%scan3A_2092 = %scan3A_1889) -> (i32)  : i32 {
      %mul3A_2093 = arith.constant 16 : i32
      %mul3A_2094 = arith.muli %scan3A_2091, %mul3A_2093 : i32
      %get3A = arith.index_cast %mul3A_2094 : i32 to index
      %get3A_2095 = tpu.vector_load %arg7[%get3A] {strides = array<i32>} : memref<4096xi32, #tpu.memory_space<vmem>>, vector<16xi32>,
      %add3A_2096 = vector.broadcast %sub3A_1873 : i32 to vector<16xi32>
      %add3A_2097 = arith.addi %get3A_2095, %add3A_2096 : vector<16xi32>
      %min3A = arith.constant 50047 : i32
      %min3A_2098 = vector.broadcast %min3A : i32 to vector<16xi32>
      %min3A_2099 = arith.minsi %add3A_2097, %min3A_2098 : vector<16xi32>
      %gather3A = tpu.vector_load_idx %arg8[%min3A_2099] : memref<50048xf32, #tpu.memory_space<vmem>>[vector<16xi32>], vector<16xf32>,
      %mul3A_2100 = arith.constant 16 : i32
      %mul3A_2101 = arith.muli %scan3A_2091, %mul3A_2100 : i32
      %swap3A = arith.index_cast %mul3A_2101 : i32 to index
      %swap3A_2102 = tpu.vector_load %arg11[%swap3A] {strides = array<i32>} : memref<4096xf32, #tpu.memory_space<vmem>>, vector<16xf32>,
      tpu.vector_store %arg11[%swap3A], %gather3A {strides = array<i32>} : memref<4096xf32, #tpu.memory_space<vmem>>, vector<16xf32>,
      %scan3A_2103 = arith.constant 0 : i32
      scf.yield %scan3A_2103 : i32
    }
    %scan3A_1895 = arith.constant 256 : i32
    %mul3A_1896 = arith.constant 13 : i32
    %mul3A_1897 = arith.muli %add3A, %mul3A_1896 : i32
    %add3A_1898 = arith.constant 12 : i32
    %add3A_1899 = arith.addi %mul3A_1897, %add3A_1898 : i32
    %jit3A_1900 = arith.constant 16 : i32
    %div3A_1901 = arith.divsi %add3A_1899, %jit3A_1900 : i32
    %sign3A_1902 = arith.constant 0 : i32
    %sign3A_1903 = arith.cmpi sgt, %add3A_1899, %sign3A_1902 : i32
    %sign3A_1904 = arith.extui %sign3A_1903 : i1 to i32
    %sign3A_1905 = arith.constant 0 : i32
    %sign3A_1906 = arith.cmpi slt, %add3A_1899, %sign3A_1905 : i32
    %sign3A_1907 = arith.extui %sign3A_1906 : i1 to i32
    %sign3A_1908 = arith.subi %sign3A_1904, %sign3A_1907 : i32
    %sign3A_1909 = arith.constant 0 : i32
    %sign3A_1910 = arith.cmpi sgt, %jit3A_1900, %sign3A_1909 : i32
    %sign3A_1911 = arith.extui %sign3A_1910 : i1 to i32
    %sign3A_1912 = arith.constant 0 : i32
    %sign3A_1913 = arith.cmpi slt, %jit3A_1900, %sign3A_1912 : i32
    %sign3A_1914 = arith.extui %sign3A_1913 : i1 to i32
    %sign3A_1915 = arith.subi %sign3A_1911, %sign3A_1914 : i32
    %ne3A_1916 = arith.cmpi ne, %sign3A_1908, %sign3A_1915 : i32
    %rem3A_1917 = arith.remsi %add3A_1899, %jit3A_1900 : i32
    %ne3A_1918 = arith.constant 0 : i32
    %ne3A_1919 = arith.cmpi ne, %rem3A_1917, %ne3A_1918 : i32
    %and3A_1920 = arith.andi %ne3A_1916, %ne3A_1919 : i1
    %sub3A_1921 = arith.constant 1 : i32
    %sub3A_1922 = arith.subi %div3A_1901, %sub3A_1921 : i32
    %select_n3A_1923 = arith.select %and3A_1920, %sub3A_1922, %div3A_1901 : i32
    %rem3A_1924 = arith.constant 16 : i32
    %rem3A_1925 = arith.remsi %add3A_1899, %rem3A_1924 : i32
    %mul3A_1926 = arith.constant 100000 : i32
    %mul3A_1927 = arith.muli %select_n3A_1923, %mul3A_1926 : i32
    %rem3A_1928 = arith.constant 128 : i32
    %rem3A_1929 = arith.remsi %mul3A_1927, %rem3A_1928 : i32
    %sub3A_1930 = arith.subi %mul3A_1927, %rem3A_1929 : i32
    %multiple_of3A_1931 = tpu.assume_multiple %sub3A_1930, 128 : i32
    %sub3A_1932 = arith.subi %mul3A_1927, %multiple_of3A_1931 : i32
    %add3A_1933 = arith.constant 0 : i32
    %add3A_1934 = arith.addi %multiple_of3A_1931, %add3A_1933 : i32
    %dma_start3A_1935 = tpu.memref_slice %arg3[%rem3A_1925, %add3A_1934] : memref<16x2600000xf32, #tpu.memory_space<hbm>> -> memref<1x50048xf32, #tpu.memory_space<hbm>>
    %dma_start3A_1936 = tpu.memref_squeeze %dma_start3A_1935 : memref<1x50048xf32, #tpu.memory_space<hbm>> -> memref<50048xf32, #tpu.memory_space<hbm>>
    %dma_start3A_1937 = tpu.memref_slice %arg3[%rem3A_1925, %add3A_1934] : memref<16x2600000xf32, #tpu.memory_space<hbm>> -> memref<1x50048xf32, #tpu.memory_space<hbm>>
    %dma_start3A_1938 = tpu.memref_squeeze %dma_start3A_1937 : memref<1x50048xf32, #tpu.memory_space<hbm>> -> memref<50048xf32, #tpu.memory_space<hbm>>
    tpu.enqueue_dma source(%dma_start3A_1938 : memref<50048xf32, #tpu.memory_space<hbm>>) target(%arg8 : memref<50048xf32, #tpu.memory_space<vmem>>) target_semaphore(%arg12 : memref<!tpu.dma_semaphore, #tpu.memory_space<semaphore_mem>>)
    %dma_wait3A_1939 = tpu.memref_slice %arg3[%rem3A_1817, %add3A_1826] : memref<16x2600000xf32, #tpu.memory_space<hbm>> -> memref<1x50048xf32, #tpu.memory_space<hbm>>
    %dma_wait3A_1940 = tpu.memref_squeeze %dma_wait3A_1939 : memref<1x50048xf32, #tpu.memory_space<hbm>> -> memref<50048xf32, #tpu.memory_space<hbm>>
    %dma_wait3A_1941 = tpu.memref_slice %arg3[%rem3A_1817, %add3A_1826] : memref<16x2600000xf32, #tpu.memory_space<hbm>> -> memref<1x50048xf32, #tpu.memory_space<hbm>>
    %dma_wait3A_1942 = tpu.memref_squeeze %dma_wait3A_1941 : memref<1x50048xf32, #tpu.memory_space<hbm>> -> memref<50048xf32, #tpu.memory_space<hbm>>
    tpu.wait_dma2 semaphore(%arg13 : memref<!tpu.dma_semaphore, #tpu.memory_space<semaphore_mem>>) src(%dma_wait3A_1942 : memref<50048xf32, #tpu.memory_space<hbm>>) dst(%arg9 : memref<50048xf32, #tpu.memory_space<vmem>>)
    %scan3A_1943 = arith.constant 0 : i32
    %scan3A_1944 = arith.constant 0 : i32
    %scan3A_1945 = arith.constant 256 : i32
    %scan3A_1946 = arith.addi %scan3A_1944, %scan3A_1945 : i32
    %scan3A_1947 = arith.constant 1 : i32
    %scan3A_1948 = scf.for %scan3A_2091 = %scan3A_1944 to %scan3A_1946 step %scan3A_1947 iter_args(%scan3A_2092 = %scan3A_1943) -> (i32)  : i32 {
      %mul3A_2093 = arith.constant 16 : i32
      %mul3A_2094 = arith.muli %scan3A_2091, %mul3A_2093 : i32
      %get3A = arith.index_cast %mul3A_2094 : i32 to index
      %get3A_2095 = tpu.vector_load %arg7[%get3A] {strides = array<i32>} : memref<4096xi32, #tpu.memory_space<vmem>>, vector<16xi32>,
      %add3A_2096 = vector.broadcast %sub3A_1873 : i32 to vector<16xi32>
      %add3A_2097 = arith.addi %get3A_2095, %add3A_2096 : vector<16xi32>
      %sub3A_2098 = arith.constant 50048 : i32
      %sub3A_2099 = vector.broadcast %sub3A_2098 : i32 to vector<16xi32>
      %sub3A_2100 = arith.subi %add3A_2097, %sub3A_2099 : vector<16xi32>
      %max3A = arith.constant 0 : i32
      %max3A_2101 = vector.broadcast %max3A : i32 to vector<16xi32>
      %max3A_2102 = arith.maxsi %sub3A_2100, %max3A_2101 : vector<16xi32>
      %gather3A = tpu.vector_load_idx %arg9[%max3A_2102] : memref<50048xf32, #tpu.memory_space<vmem>>[vector<16xi32>], vector<16xf32>,
      %ge3A = arith.constant 50048 : i32
      %ge3A_2103 = vector.broadcast %ge3A : i32 to vector<16xi32>
      %ge3A_2104 = arith.cmpi sge, %add3A_2097, %ge3A_2103 : vector<16xi32>
      %get3A_2105 = arith.index_cast %mul3A_2094 : i32 to index
      %get3A_2106 = tpu.vector_load %arg11[%get3A_2105] {strides = array<i32>} : memref<4096xf32, #tpu.memory_space<vmem>>, vector<16xf32>,
      %select_n3A_2107 = arith.select %ge3A_2104, %gather3A, %get3A_2106 : vector<16xi1>, vector<16xf32>
      %swap3A = arith.index_cast %mul3A_2094 : i32 to index
      %swap3A_2108 = tpu.vector_load %arg11[%swap3A] {strides = array<i32>} : memref<4096xf32, #tpu.memory_space<vmem>>, vector<16xf32>,
      tpu.vector_store %arg11[%swap3A], %select_n3A_2107 {strides = array<i32>} : memref<4096xf32, #tpu.memory_space<vmem>>, vector<16xf32>,
      %scan3A_2109 = arith.constant 0 : i32
      scf.yield %scan3A_2109 : i32
    }
    %scan3A_1949 = arith.constant 256 : i32
    %mul3A_1950 = arith.constant 13 : i32
    %mul3A_1951 = arith.muli %add3A, %mul3A_1950 : i32
    %add3A_1952 = arith.constant 12 : i32
    %add3A_1953 = arith.addi %mul3A_1951, %add3A_1952 : i32
    %jit3A_1954 = arith.constant 16 : i32
    %div3A_1955 = arith.divsi %add3A_1953, %jit3A_1954 : i32
    %sign3A_1956 = arith.constant 0 : i32
    %sign3A_1957 = arith.cmpi sgt, %add3A_1953, %sign3A_1956 : i32
    %sign3A_1958 = arith.extui %sign3A_1957 : i1 to i32
    %sign3A_1959 = arith.constant 0 : i32
    %sign3A_1960 = arith.cmpi slt, %add3A_1953, %sign3A_1959 : i32
    %sign3A_1961 = arith.extui %sign3A_1960 : i1 to i32
    %sign3A_1962 = arith.subi %sign3A_1958, %sign3A_1961 : i32
    %sign3A_1963 = arith.constant 0 : i32
    %sign3A_1964 = arith.cmpi sgt, %jit3A_1954, %sign3A_1963 : i32
    %sign3A_1965 = arith.extui %sign3A_1964 : i1 to i32
    %sign3A_1966 = arith.constant 0 : i32
    %sign3A_1967 = arith.cmpi slt, %jit3A_1954, %sign3A_1966 : i32
    %sign3A_1968 = arith.extui %sign3A_1967 : i1 to i32
    %sign3A_1969 = arith.subi %sign3A_1965, %sign3A_1968 : i32
    %ne3A_1970 = arith.cmpi ne, %sign3A_1962, %sign3A_1969 : i32
    %rem3A_1971 = arith.remsi %add3A_1953, %jit3A_1954 : i32
    %ne3A_1972 = arith.constant 0 : i32
    %ne3A_1973 = arith.cmpi ne, %rem3A_1971, %ne3A_1972 : i32
    %and3A_1974 = arith.andi %ne3A_1970, %ne3A_1973 : i1
    %sub3A_1975 = arith.constant 1 : i32
    %sub3A_1976 = arith.subi %div3A_1955, %sub3A_1975 : i32
    %select_n3A_1977 = arith.select %and3A_1974, %sub3A_1976, %div3A_1955 : i32
    %rem3A_1978 = arith.constant 16 : i32
    %rem3A_1979 = arith.remsi %add3A_1953, %rem3A_1978 : i32
    %mul3A_1980 = arith.constant 100000 : i32
    %mul3A_1981 = arith.muli %select_n3A_1977, %mul3A_1980 : i32
    %rem3A_1982 = arith.constant 128 : i32
    %rem3A_1983 = arith.remsi %mul3A_1981, %rem3A_1982 : i32
    %sub3A_1984 = arith.subi %mul3A_1981, %rem3A_1983 : i32
    %multiple_of3A_1985 = tpu.assume_multiple %sub3A_1984, 128 : i32
    %sub3A_1986 = arith.subi %mul3A_1981, %multiple_of3A_1985 : i32
    %add3A_1987 = arith.constant 50048 : i32
    %add3A_1988 = arith.addi %multiple_of3A_1985, %add3A_1987 : i32
    %dma_start3A_1989 = tpu.memref_slice %arg3[%rem3A_1979, %add3A_1988] : memref<16x2600000xf32, #tpu.memory_space<hbm>> -> memref<1x50048xf32, #tpu.memory_space<hbm>>
    %dma_start3A_1990 = tpu.memref_squeeze %dma_start3A_1989 : memref<1x50048xf32, #tpu.memory_space<hbm>> -> memref<50048xf32, #tpu.memory_space<hbm>>
    %dma_start3A_1991 = tpu.memref_slice %arg3[%rem3A_1979, %add3A_1988] : memref<16x2600000xf32, #tpu.memory_space<hbm>> -> memref<1x50048xf32, #tpu.memory_space<hbm>>
    %dma_start3A_1992 = tpu.memref_squeeze %dma_start3A_1991 : memref<1x50048xf32, #tpu.memory_space<hbm>> -> memref<50048xf32, #tpu.memory_space<hbm>>
    tpu.enqueue_dma source(%dma_start3A_1992 : memref<50048xf32, #tpu.memory_space<hbm>>) target(%arg9 : memref<50048xf32, #tpu.memory_space<vmem>>) target_semaphore(%arg13 : memref<!tpu.dma_semaphore, #tpu.memory_space<semaphore_mem>>)
    %dma_start3A_1993 = arith.constant 0 : i32
    %dma_start3A_1994 = tpu.memref_slice %arg5[%add3A_1840, %dma_start3A_1993] : memref<416x4096xf32, #tpu.memory_space<hbm>> -> memref<1x4096xf32, #tpu.memory_space<hbm>>
    %dma_start3A_1995 = tpu.memref_squeeze %dma_start3A_1994 : memref<1x4096xf32, #tpu.memory_space<hbm>> -> memref<4096xf32, #tpu.memory_space<hbm>>
    %dma_start3A_1996 = arith.constant 0 : i32
    %dma_start3A_1997 = tpu.memref_slice %arg5[%add3A_1840, %dma_start3A_1996] : memref<416x4096xf32, #tpu.memory_space<hbm>> -> memref<1x4096xf32, #tpu.memory_space<hbm>>
    %dma_start3A_1998 = tpu.memref_squeeze %dma_start3A_1997 : memref<1x4096xf32, #tpu.memory_space<hbm>> -> memref<4096xf32, #tpu.memory_space<hbm>>
    tpu.enqueue_dma source(%arg11 : memref<4096xf32, #tpu.memory_space<vmem>>) target(%dma_start3A_1998 : memref<4096xf32, #tpu.memory_space<hbm>>) target_semaphore(%arg15 : memref<!tpu.dma_semaphore, #tpu.memory_space<semaphore_mem>>)
    %mul3A_1999 = arith.constant 13 : i32
    %mul3A_2000 = arith.muli %add3A, %mul3A_1999 : i32
    %add3A_2001 = arith.constant 12 : i32
    %add3A_2002 = arith.addi %mul3A_2000, %add3A_2001 : i32
    %jit3A_2003 = arith.constant 16 : i32
    %div3A_2004 = arith.divsi %add3A_2002, %jit3A_2003 : i32
    %sign3A_2005 = arith.constant 0 : i32
    %sign3A_2006 = arith.cmpi sgt, %add3A_2002, %sign3A_2005 : i32
    %sign3A_2007 = arith.extui %sign3A_2006 : i1 to i32
    %sign3A_2008 = arith.constant 0 : i32
    %sign3A_2009 = arith.cmpi slt, %add3A_2002, %sign3A_2008 : i32
    %sign3A_2010 = arith.extui %sign3A_2009 : i1 to i32
    %sign3A_2011 = arith.subi %sign3A_2007, %sign3A_2010 : i32
    %sign3A_2012 = arith.constant 0 : i32
    %sign3A_2013 = arith.cmpi sgt, %jit3A_2003, %sign3A_2012 : i32
    %sign3A_2014 = arith.extui %sign3A_2013 : i1 to i32
    %sign3A_2015 = arith.constant 0 : i32
    %sign3A_2016 = arith.cmpi slt, %jit3A_2003, %sign3A_2015 : i32
    %sign3A_2017 = arith.extui %sign3A_2016 : i1 to i32
    %sign3A_2018 = arith.subi %sign3A_2014, %sign3A_2017 : i32
    %ne3A_2019 = arith.cmpi ne, %sign3A_2011, %sign3A_2018 : i32
    %rem3A_2020 = arith.remsi %add3A_2002, %jit3A_2003 : i32
    %ne3A_2021 = arith.constant 0 : i32
    %ne3A_2022 = arith.cmpi ne, %rem3A_2020, %ne3A_2021 : i32
    %and3A_2023 = arith.andi %ne3A_2019, %ne3A_2022 : i1
    %sub3A_2024 = arith.constant 1 : i32
    %sub3A_2025 = arith.subi %div3A_2004, %sub3A_2024 : i32
    %select_n3A_2026 = arith.select %and3A_2023, %sub3A_2025, %div3A_2004 : i32
    %rem3A_2027 = arith.constant 16 : i32
    %rem3A_2028 = arith.remsi %add3A_2002, %rem3A_2027 : i32
    %mul3A_2029 = arith.constant 100000 : i32
    %mul3A_2030 = arith.muli %select_n3A_2026, %mul3A_2029 : i32
    %rem3A_2031 = arith.constant 128 : i32
    %rem3A_2032 = arith.remsi %mul3A_2030, %rem3A_2031 : i32
    %sub3A_2033 = arith.subi %mul3A_2030, %rem3A_2032 : i32
    %multiple_of3A_2034 = tpu.assume_multiple %sub3A_2033, 128 : i32
    %sub3A_2035 = arith.subi %mul3A_2030, %multiple_of3A_2034 : i32
    %eq3A_2036 = arith.constant 0 : i32
    %eq3A_2037 = arith.cmpi eq, %rem3A_2028, %eq3A_2036 : i32
    %convert_element_type3A_2038 = arith.extui %eq3A_2037 : i1 to i32
    %cond3A_2039 = arith.constant 0 : i32
    %cond3A_2040 = arith.cmpi ne, %convert_element_type3A_2038, %cond3A_2039 : i32
    scf.if %cond3A_2040 {
      "tpu.region"() ({
        %run_scoped3A = tpu.sem_alloc : memref<!tpu.dma_semaphore, #tpu.memory_space<semaphore_mem>>
        %dma_start3A_2091 = arith.constant 0 : i32
        %dma_start3A_2092 = tpu.memref_slice %arg2[%select_n3A_2026, %dma_start3A_2091] : memref<26x4096xi32, #tpu.memory_space<hbm>> -> memref<1x4096xi32, #tpu.memory_space<hbm>>
        %dma_start3A_2093 = tpu.memref_squeeze %dma_start3A_2092 : memref<1x4096xi32, #tpu.memory_space<hbm>> -> memref<4096xi32, #tpu.memory_space<hbm>>
        %dma_start3A_2094 = arith.constant 0 : i32
        %dma_start3A_2095 = tpu.memref_slice %arg2[%select_n3A_2026, %dma_start3A_2094] : memref<26x4096xi32, #tpu.memory_space<hbm>> -> memref<1x4096xi32, #tpu.memory_space<hbm>>
        %dma_start3A_2096 = tpu.memref_squeeze %dma_start3A_2095 : memref<1x4096xi32, #tpu.memory_space<hbm>> -> memref<4096xi32, #tpu.memory_space<hbm>>
        tpu.enqueue_dma source(%dma_start3A_2096 : memref<4096xi32, #tpu.memory_space<hbm>>) target(%arg7 : memref<4096xi32, #tpu.memory_space<vmem>>) target_semaphore(%run_scoped3A : memref<!tpu.dma_semaphore, #tpu.memory_space<semaphore_mem>>)
        %dma_wait3A_2097 = arith.constant 0 : i32
        %dma_wait3A_2098 = tpu.memref_slice %arg2[%select_n3A_2026, %dma_wait3A_2097] : memref<26x4096xi32, #tpu.memory_space<hbm>> -> memref<1x4096xi32, #tpu.memory_space<hbm>>
        %dma_wait3A_2099 = tpu.memref_squeeze %dma_wait3A_2098 : memref<1x4096xi32, #tpu.memory_space<hbm>> -> memref<4096xi32, #tpu.memory_space<hbm>>
        %dma_wait3A_2100 = arith.constant 0 : i32
        %dma_wait3A_2101 = tpu.memref_slice %arg2[%select_n3A_2026, %dma_wait3A_2100] : memref<26x4096xi32, #tpu.memory_space<hbm>> -> memref<1x4096xi32, #tpu.memory_space<hbm>>
        %dma_wait3A_2102 = tpu.memref_squeeze %dma_wait3A_2101 : memref<1x4096xi32, #tpu.memory_space<hbm>> -> memref<4096xi32, #tpu.memory_space<hbm>>
        tpu.wait_dma2 semaphore(%run_scoped3A : memref<!tpu.dma_semaphore, #tpu.memory_space<semaphore_mem>>) src(%dma_wait3A_2102 : memref<4096xi32, #tpu.memory_space<hbm>>) dst(%arg7 : memref<4096xi32, #tpu.memory_space<vmem>>)
        tpu.yield
      }) : () -> ()
    } else {
    }
    %dma_wait3A_2041 = arith.constant 0 : i32
    %dma_wait3A_2042 = tpu.memref_slice %arg5[%add3A_1678, %dma_wait3A_2041] : memref<416x4096xf32, #tpu.memory_space<hbm>> -> memref<1x4096xf32, #tpu.memory_space<hbm>>
    %dma_wait3A_2043 = tpu.memref_squeeze %dma_wait3A_2042 : memref<1x4096xf32, #tpu.memory_space<hbm>> -> memref<4096xf32, #tpu.memory_space<hbm>>
    %dma_wait3A_2044 = arith.constant 0 : i32
    %dma_wait3A_2045 = tpu.memref_slice %arg5[%add3A_1678, %dma_wait3A_2044] : memref<416x4096xf32, #tpu.memory_space<hbm>> -> memref<1x4096xf32, #tpu.memory_space<hbm>>
    %dma_wait3A_2046 = tpu.memref_squeeze %dma_wait3A_2045 : memref<1x4096xf32, #tpu.memory_space<hbm>> -> memref<4096xf32, #tpu.memory_space<hbm>>
    tpu.wait_dma2 semaphore(%arg14 : memref<!tpu.dma_semaphore, #tpu.memory_space<semaphore_mem>>) src(%arg10 : memref<4096xf32, #tpu.memory_space<vmem>>) dst(%dma_wait3A_2046 : memref<4096xf32, #tpu.memory_space<hbm>>)
    %dma_wait3A_2047 = tpu.memref_slice %arg3[%rem3A_1925, %add3A_1934] : memref<16x2600000xf32, #tpu.memory_space<hbm>> -> memref<1x50048xf32, #tpu.memory_space<hbm>>
    %dma_wait3A_2048 = tpu.memref_squeeze %dma_wait3A_2047 : memref<1x50048xf32, #tpu.memory_space<hbm>> -> memref<50048xf32, #tpu.memory_space<hbm>>
    %dma_wait3A_2049 = tpu.memref_slice %arg3[%rem3A_1925, %add3A_1934] : memref<16x2600000xf32, #tpu.memory_space<hbm>> -> memref<1x50048xf32, #tpu.memory_space<hbm>>
    %dma_wait3A_2050 = tpu.memref_squeeze %dma_wait3A_2049 : memref<1x50048xf32, #tpu.memory_space<hbm>> -> memref<50048xf32, #tpu.memory_space<hbm>>
    tpu.wait_dma2 semaphore(%arg12 : memref<!tpu.dma_semaphore, #tpu.memory_space<semaphore_mem>>) src(%dma_wait3A_2050 : memref<50048xf32, #tpu.memory_space<hbm>>) dst(%arg8 : memref<50048xf32, #tpu.memory_space<vmem>>)
    %scan3A_2051 = arith.constant 0 : i32
    %scan3A_2052 = arith.constant 0 : i32
    %scan3A_2053 = arith.constant 256 : i32
    %scan3A_2054 = arith.addi %scan3A_2052, %scan3A_2053 : i32
    %scan3A_2055 = arith.constant 1 : i32
    %scan3A_2056 = scf.for %scan3A_2091 = %scan3A_2052 to %scan3A_2054 step %scan3A_2055 iter_args(%scan3A_2092 = %scan3A_2051) -> (i32)  : i32 {
      %mul3A_2093 = arith.constant 16 : i32
      %mul3A_2094 = arith.muli %scan3A_2091, %mul3A_2093 : i32
      %get3A = arith.index_cast %mul3A_2094 : i32 to index
      %get3A_2095 = tpu.vector_load %arg7[%get3A] {strides = array<i32>} : memref<4096xi32, #tpu.memory_space<vmem>>, vector<16xi32>,
      %add3A_2096 = vector.broadcast %sub3A_2035 : i32 to vector<16xi32>
      %add3A_2097 = arith.addi %get3A_2095, %add3A_2096 : vector<16xi32>
      %min3A = arith.constant 50047 : i32
      %min3A_2098 = vector.broadcast %min3A : i32 to vector<16xi32>
      %min3A_2099 = arith.minsi %add3A_2097, %min3A_2098 : vector<16xi32>
      %gather3A = tpu.vector_load_idx %arg8[%min3A_2099] : memref<50048xf32, #tpu.memory_space<vmem>>[vector<16xi32>], vector<16xf32>,
      %mul3A_2100 = arith.constant 16 : i32
      %mul3A_2101 = arith.muli %scan3A_2091, %mul3A_2100 : i32
      %swap3A = arith.index_cast %mul3A_2101 : i32 to index
      %swap3A_2102 = tpu.vector_load %arg10[%swap3A] {strides = array<i32>} : memref<4096xf32, #tpu.memory_space<vmem>>, vector<16xf32>,
      tpu.vector_store %arg10[%swap3A], %gather3A {strides = array<i32>} : memref<4096xf32, #tpu.memory_space<vmem>>, vector<16xf32>,
      %scan3A_2103 = arith.constant 0 : i32
      scf.yield %scan3A_2103 : i32
    }
    %scan3A_2057 = arith.constant 256 : i32
    %dma_wait3A_2058 = tpu.memref_slice %arg3[%rem3A_1979, %add3A_1988] : memref<16x2600000xf32, #tpu.memory_space<hbm>> -> memref<1x50048xf32, #tpu.memory_space<hbm>>
    %dma_wait3A_2059 = tpu.memref_squeeze %dma_wait3A_2058 : memref<1x50048xf32, #tpu.memory_space<hbm>> -> memref<50048xf32, #tpu.memory_space<hbm>>
    %dma_wait3A_2060 = tpu.memref_slice %arg3[%rem3A_1979, %add3A_1988] : memref<16x2600000xf32, #tpu.memory_space<hbm>> -> memref<1x50048xf32, #tpu.memory_space<hbm>>
    %dma_wait3A_2061 = tpu.memref_squeeze %dma_wait3A_2060 : memref<1x50048xf32, #tpu.memory_space<hbm>> -> memref<50048xf32, #tpu.memory_space<hbm>>
    tpu.wait_dma2 semaphore(%arg13 : memref<!tpu.dma_semaphore, #tpu.memory_space<semaphore_mem>>) src(%dma_wait3A_2061 : memref<50048xf32, #tpu.memory_space<hbm>>) dst(%arg9 : memref<50048xf32, #tpu.memory_space<vmem>>)
    %scan3A_2062 = arith.constant 0 : i32
    %scan3A_2063 = arith.constant 0 : i32
    %scan3A_2064 = arith.constant 256 : i32
    %scan3A_2065 = arith.addi %scan3A_2063, %scan3A_2064 : i32
    %scan3A_2066 = arith.constant 1 : i32
    %scan3A_2067 = scf.for %scan3A_2091 = %scan3A_2063 to %scan3A_2065 step %scan3A_2066 iter_args(%scan3A_2092 = %scan3A_2062) -> (i32)  : i32 {
      %mul3A_2093 = arith.constant 16 : i32
      %mul3A_2094 = arith.muli %scan3A_2091, %mul3A_2093 : i32
      %get3A = arith.index_cast %mul3A_2094 : i32 to index
      %get3A_2095 = tpu.vector_load %arg7[%get3A] {strides = array<i32>} : memref<4096xi32, #tpu.memory_space<vmem>>, vector<16xi32>,
      %add3A_2096 = vector.broadcast %sub3A_2035 : i32 to vector<16xi32>
      %add3A_2097 = arith.addi %get3A_2095, %add3A_2096 : vector<16xi32>
      %sub3A_2098 = arith.constant 50048 : i32
      %sub3A_2099 = vector.broadcast %sub3A_2098 : i32 to vector<16xi32>
      %sub3A_2100 = arith.subi %add3A_2097, %sub3A_2099 : vector<16xi32>
      %max3A = arith.constant 0 : i32
      %max3A_2101 = vector.broadcast %max3A : i32 to vector<16xi32>
      %max3A_2102 = arith.maxsi %sub3A_2100, %max3A_2101 : vector<16xi32>
      %gather3A = tpu.vector_load_idx %arg9[%max3A_2102] : memref<50048xf32, #tpu.memory_space<vmem>>[vector<16xi32>], vector<16xf32>,
      %ge3A = arith.constant 50048 : i32
      %ge3A_2103 = vector.broadcast %ge3A : i32 to vector<16xi32>
      %ge3A_2104 = arith.cmpi sge, %add3A_2097, %ge3A_2103 : vector<16xi32>
      %get3A_2105 = arith.index_cast %mul3A_2094 : i32 to index
      %get3A_2106 = tpu.vector_load %arg10[%get3A_2105] {strides = array<i32>} : memref<4096xf32, #tpu.memory_space<vmem>>, vector<16xf32>,
      %select_n3A_2107 = arith.select %ge3A_2104, %gather3A, %get3A_2106 : vector<16xi1>, vector<16xf32>
      %swap3A = arith.index_cast %mul3A_2094 : i32 to index
      %swap3A_2108 = tpu.vector_load %arg10[%swap3A] {strides = array<i32>} : memref<4096xf32, #tpu.memory_space<vmem>>, vector<16xf32>,
      tpu.vector_store %arg10[%swap3A], %select_n3A_2107 {strides = array<i32>} : memref<4096xf32, #tpu.memory_space<vmem>>, vector<16xf32>,
      %scan3A_2109 = arith.constant 0 : i32
      scf.yield %scan3A_2109 : i32
    }
    %scan3A_2068 = arith.constant 256 : i32
    %dma_start3A_2069 = arith.constant 0 : i32
    %dma_start3A_2070 = tpu.memref_slice %arg5[%add3A_2002, %dma_start3A_2069] : memref<416x4096xf32, #tpu.memory_space<hbm>> -> memref<1x4096xf32, #tpu.memory_space<hbm>>
    %dma_start3A_2071 = tpu.memref_squeeze %dma_start3A_2070 : memref<1x4096xf32, #tpu.memory_space<hbm>> -> memref<4096xf32, #tpu.memory_space<hbm>>
    %dma_start3A_2072 = arith.constant 0 : i32
    %dma_start3A_2073 = tpu.memref_slice %arg5[%add3A_2002, %dma_start3A_2072] : memref<416x4096xf32, #tpu.memory_space<hbm>> -> memref<1x4096xf32, #tpu.memory_space<hbm>>
    %dma_start3A_2074 = tpu.memref_squeeze %dma_start3A_2073 : memref<1x4096xf32, #tpu.memory_space<hbm>> -> memref<4096xf32, #tpu.memory_space<hbm>>
    tpu.enqueue_dma source(%arg10 : memref<4096xf32, #tpu.memory_space<vmem>>) target(%dma_start3A_2074 : memref<4096xf32, #tpu.memory_space<hbm>>) target_semaphore(%arg14 : memref<!tpu.dma_semaphore, #tpu.memory_space<semaphore_mem>>)
    %dma_wait3A_2075 = arith.constant 0 : i32
    %dma_wait3A_2076 = tpu.memref_slice %arg5[%add3A_2002, %dma_wait3A_2075] : memref<416x4096xf32, #tpu.memory_space<hbm>> -> memref<1x4096xf32, #tpu.memory_space<hbm>>
    %dma_wait3A_2077 = tpu.memref_squeeze %dma_wait3A_2076 : memref<1x4096xf32, #tpu.memory_space<hbm>> -> memref<4096xf32, #tpu.memory_space<hbm>>
    %dma_wait3A_2078 = arith.constant 0 : i32
    %dma_wait3A_2079 = tpu.memref_slice %arg5[%add3A_2002, %dma_wait3A_2078] : memref<416x4096xf32, #tpu.memory_space<hbm>> -> memref<1x4096xf32, #tpu.memory_space<hbm>>
    %dma_wait3A_2080 = tpu.memref_squeeze %dma_wait3A_2079 : memref<1x4096xf32, #tpu.memory_space<hbm>> -> memref<4096xf32, #tpu.memory_space<hbm>>
    tpu.wait_dma2 semaphore(%arg14 : memref<!tpu.dma_semaphore, #tpu.memory_space<semaphore_mem>>) src(%arg10 : memref<4096xf32, #tpu.memory_space<vmem>>) dst(%dma_wait3A_2080 : memref<4096xf32, #tpu.memory_space<hbm>>)
    %dma_wait3A_2081 = arith.constant 0 : i32
    %dma_wait3A_2082 = tpu.memref_slice %arg5[%add3A_1840, %dma_wait3A_2081] : memref<416x4096xf32, #tpu.memory_space<hbm>> -> memref<1x4096xf32, #tpu.memory_space<hbm>>
    %dma_wait3A_2083 = tpu.memref_squeeze %dma_wait3A_2082 : memref<1x4096xf32, #tpu.memory_space<hbm>> -> memref<4096xf32, #tpu.memory_space<hbm>>
    %dma_wait3A_2084 = arith.constant 0 : i32
    %dma_wait3A_2085 = tpu.memref_slice %arg5[%add3A_1840, %dma_wait3A_2084] : memref<416x4096xf32, #tpu.memory_space<hbm>> -> memref<1x4096xf32, #tpu.memory_space<hbm>>
    %dma_wait3A_2086 = tpu.memref_squeeze %dma_wait3A_2085 : memref<1x4096xf32, #tpu.memory_space<hbm>> -> memref<4096xf32, #tpu.memory_space<hbm>>
    tpu.wait_dma2 semaphore(%arg15 : memref<!tpu.dma_semaphore, #tpu.memory_space<semaphore_mem>>) src(%arg11 : memref<4096xf32, #tpu.memory_space<vmem>>) dst(%dma_wait3A_2086 : memref<4096xf32, #tpu.memory_space<hbm>>)
    %lt3A = arith.constant 26 : i32
    %lt3A_2087 = arith.cmpi slt, %add3A, %lt3A : i32
    %convert_element_type3A_2088 = arith.extui %lt3A_2087 : i1 to i32
    %cond3A_2089 = arith.constant 0 : i32
    %cond3A_2090 = arith.cmpi ne, %convert_element_type3A_2088, %cond3A_2089 : i32
    scf.if %cond3A_2090 {
      %mul3A_2091 = arith.constant 100000 : i32
      %mul3A_2092 = arith.muli %add3A, %mul3A_2091 : i32
      %rem3A_2093 = arith.constant 128 : i32
      %rem3A_2094 = arith.remsi %mul3A_2092, %rem3A_2093 : i32
      %sub3A_2095 = arith.subi %mul3A_2092, %rem3A_2094 : i32
      %multiple_of3A_2096 = tpu.assume_multiple %sub3A_2095, 128 : i32
      %sub3A_2097 = arith.subi %mul3A_2092, %multiple_of3A_2096 : i32
      "tpu.region"() ({
        %run_scoped3A_2115 = tpu.sem_alloc : memref<!tpu.dma_semaphore, #tpu.memory_space<semaphore_mem>>
        %dma_start3A_2116 = arith.constant 0 : i32
        %dma_start3A_2117 = tpu.memref_slice %arg2[%add3A, %dma_start3A_2116] : memref<26x4096xi32, #tpu.memory_space<hbm>> -> memref<1x4096xi32, #tpu.memory_space<hbm>>
        %dma_start3A_2118 = tpu.memref_squeeze %dma_start3A_2117 : memref<1x4096xi32, #tpu.memory_space<hbm>> -> memref<4096xi32, #tpu.memory_space<hbm>>
        %dma_start3A_2119 = arith.constant 0 : i32
        %dma_start3A_2120 = tpu.memref_slice %arg2[%add3A, %dma_start3A_2119] : memref<26x4096xi32, #tpu.memory_space<hbm>> -> memref<1x4096xi32, #tpu.memory_space<hbm>>
        %dma_start3A_2121 = tpu.memref_squeeze %dma_start3A_2120 : memref<1x4096xi32, #tpu.memory_space<hbm>> -> memref<4096xi32, #tpu.memory_space<hbm>>
        tpu.enqueue_dma source(%dma_start3A_2121 : memref<4096xi32, #tpu.memory_space<hbm>>) target(%arg7 : memref<4096xi32, #tpu.memory_space<vmem>>) target_semaphore(%run_scoped3A_2115 : memref<!tpu.dma_semaphore, #tpu.memory_space<semaphore_mem>>)
        %dma_wait3A_2122 = arith.constant 0 : i32
        %dma_wait3A_2123 = tpu.memref_slice %arg2[%add3A, %dma_wait3A_2122] : memref<26x4096xi32, #tpu.memory_space<hbm>> -> memref<1x4096xi32, #tpu.memory_space<hbm>>
        %dma_wait3A_2124 = tpu.memref_squeeze %dma_wait3A_2123 : memref<1x4096xi32, #tpu.memory_space<hbm>> -> memref<4096xi32, #tpu.memory_space<hbm>>
        %dma_wait3A_2125 = arith.constant 0 : i32
        %dma_wait3A_2126 = tpu.memref_slice %arg2[%add3A, %dma_wait3A_2125] : memref<26x4096xi32, #tpu.memory_space<hbm>> -> memref<1x4096xi32, #tpu.memory_space<hbm>>
        %dma_wait3A_2127 = tpu.memref_squeeze %dma_wait3A_2126 : memref<1x4096xi32, #tpu.memory_space<hbm>> -> memref<4096xi32, #tpu.memory_space<hbm>>
        tpu.wait_dma2 semaphore(%run_scoped3A_2115 : memref<!tpu.dma_semaphore, #tpu.memory_space<semaphore_mem>>) src(%dma_wait3A_2127 : memref<4096xi32, #tpu.memory_space<hbm>>) dst(%arg7 : memref<4096xi32, #tpu.memory_space<vmem>>)
        tpu.yield
      }) : () -> ()
      %run_scoped3A = arith.constant 0 : i32
      "tpu.region"() ({
        %run_scoped3A_2115 = tpu.sem_alloc : memref<!tpu.dma_semaphore, #tpu.memory_space<semaphore_mem>>
        %dma_start3A_2116 = tpu.memref_slice %arg4[%run_scoped3A, %multiple_of3A_2096] : memref<1x2600000xf32, #tpu.memory_space<hbm>> -> memref<1x50048xf32, #tpu.memory_space<hbm>>
        %dma_start3A_2117 = tpu.memref_squeeze %dma_start3A_2116 : memref<1x50048xf32, #tpu.memory_space<hbm>> -> memref<50048xf32, #tpu.memory_space<hbm>>
        %dma_start3A_2118 = tpu.memref_slice %arg4[%run_scoped3A, %multiple_of3A_2096] : memref<1x2600000xf32, #tpu.memory_space<hbm>> -> memref<1x50048xf32, #tpu.memory_space<hbm>>
        %dma_start3A_2119 = tpu.memref_squeeze %dma_start3A_2118 : memref<1x50048xf32, #tpu.memory_space<hbm>> -> memref<50048xf32, #tpu.memory_space<hbm>>
        tpu.enqueue_dma source(%dma_start3A_2119 : memref<50048xf32, #tpu.memory_space<hbm>>) target(%arg8 : memref<50048xf32, #tpu.memory_space<vmem>>) target_semaphore(%run_scoped3A_2115 : memref<!tpu.dma_semaphore, #tpu.memory_space<semaphore_mem>>)
        %dma_wait3A_2120 = tpu.memref_slice %arg4[%run_scoped3A, %multiple_of3A_2096] : memref<1x2600000xf32, #tpu.memory_space<hbm>> -> memref<1x50048xf32, #tpu.memory_space<hbm>>
        %dma_wait3A_2121 = tpu.memref_squeeze %dma_wait3A_2120 : memref<1x50048xf32, #tpu.memory_space<hbm>> -> memref<50048xf32, #tpu.memory_space<hbm>>
        %dma_wait3A_2122 = tpu.memref_slice %arg4[%run_scoped3A, %multiple_of3A_2096] : memref<1x2600000xf32, #tpu.memory_space<hbm>> -> memref<1x50048xf32, #tpu.memory_space<hbm>>
        %dma_wait3A_2123 = tpu.memref_squeeze %dma_wait3A_2122 : memref<1x50048xf32, #tpu.memory_space<hbm>> -> memref<50048xf32, #tpu.memory_space<hbm>>
        tpu.wait_dma2 semaphore(%run_scoped3A_2115 : memref<!tpu.dma_semaphore, #tpu.memory_space<semaphore_mem>>) src(%dma_wait3A_2123 : memref<50048xf32, #tpu.memory_space<hbm>>) dst(%arg8 : memref<50048xf32, #tpu.memory_space<vmem>>)
        tpu.yield
      }) : () -> ()
      %add3A_2098 = arith.constant 50048 : i32
      %add3A_2099 = arith.addi %multiple_of3A_2096, %add3A_2098 : i32
      %run_scoped3A_2100 = arith.constant 0 : i32
      "tpu.region"() ({
        %run_scoped3A_2115 = tpu.sem_alloc : memref<!tpu.dma_semaphore, #tpu.memory_space<semaphore_mem>>
        %dma_start3A_2116 = tpu.memref_slice %arg4[%run_scoped3A_2100, %add3A_2099] : memref<1x2600000xf32, #tpu.memory_space<hbm>> -> memref<1x50048xf32, #tpu.memory_space<hbm>>
        %dma_start3A_2117 = tpu.memref_squeeze %dma_start3A_2116 : memref<1x50048xf32, #tpu.memory_space<hbm>> -> memref<50048xf32, #tpu.memory_space<hbm>>
        %dma_start3A_2118 = tpu.memref_slice %arg4[%run_scoped3A_2100, %add3A_2099] : memref<1x2600000xf32, #tpu.memory_space<hbm>> -> memref<1x50048xf32, #tpu.memory_space<hbm>>
        %dma_start3A_2119 = tpu.memref_squeeze %dma_start3A_2118 : memref<1x50048xf32, #tpu.memory_space<hbm>> -> memref<50048xf32, #tpu.memory_space<hbm>>
        tpu.enqueue_dma source(%dma_start3A_2119 : memref<50048xf32, #tpu.memory_space<hbm>>) target(%arg9 : memref<50048xf32, #tpu.memory_space<vmem>>) target_semaphore(%run_scoped3A_2115 : memref<!tpu.dma_semaphore, #tpu.memory_space<semaphore_mem>>)
        %dma_wait3A_2120 = tpu.memref_slice %arg4[%run_scoped3A_2100, %add3A_2099] : memref<1x2600000xf32, #tpu.memory_space<hbm>> -> memref<1x50048xf32, #tpu.memory_space<hbm>>
        %dma_wait3A_2121 = tpu.memref_squeeze %dma_wait3A_2120 : memref<1x50048xf32, #tpu.memory_space<hbm>> -> memref<50048xf32, #tpu.memory_space<hbm>>
        %dma_wait3A_2122 = tpu.memref_slice %arg4[%run_scoped3A_2100, %add3A_2099] : memref<1x2600000xf32, #tpu.memory_space<hbm>> -> memref<1x50048xf32, #tpu.memory_space<hbm>>
        %dma_wait3A_2123 = tpu.memref_squeeze %dma_wait3A_2122 : memref<1x50048xf32, #tpu.memory_space<hbm>> -> memref<50048xf32, #tpu.memory_space<hbm>>
        tpu.wait_dma2 semaphore(%run_scoped3A_2115 : memref<!tpu.dma_semaphore, #tpu.memory_space<semaphore_mem>>) src(%dma_wait3A_2123 : memref<50048xf32, #tpu.memory_space<hbm>>) dst(%arg9 : memref<50048xf32, #tpu.memory_space<vmem>>)
        tpu.yield
      }) : () -> ()
      %scan3A_2101 = arith.constant 0 : i32
      %scan3A_2102 = arith.constant 0 : i32
      %scan3A_2103 = arith.constant 256 : i32
      %scan3A_2104 = arith.addi %scan3A_2102, %scan3A_2103 : i32
      %scan3A_2105 = arith.constant 1 : i32
      %scan3A_2106 = scf.for %scan3A_2115 = %scan3A_2102 to %scan3A_2104 step %scan3A_2105 iter_args(%scan3A_2116 = %scan3A_2101) -> (i32)  : i32 {
        %mul3A_2117 = arith.constant 16 : i32
        %mul3A_2118 = arith.muli %scan3A_2115, %mul3A_2117 : i32
        %get3A = arith.index_cast %mul3A_2118 : i32 to index
        %get3A_2119 = tpu.vector_load %arg7[%get3A] {strides = array<i32>} : memref<4096xi32, #tpu.memory_space<vmem>>, vector<16xi32>,
        %add3A_2120 = vector.broadcast %sub3A_2097 : i32 to vector<16xi32>
        %add3A_2121 = arith.addi %get3A_2119, %add3A_2120 : vector<16xi32>
        %min3A = arith.constant 50047 : i32
        %min3A_2122 = vector.broadcast %min3A : i32 to vector<16xi32>
        %min3A_2123 = arith.minsi %add3A_2121, %min3A_2122 : vector<16xi32>
        %gather3A = tpu.vector_load_idx %arg8[%min3A_2123] : memref<50048xf32, #tpu.memory_space<vmem>>[vector<16xi32>], vector<16xf32>,
        %mul3A_2124 = arith.constant 16 : i32
        %mul3A_2125 = arith.muli %scan3A_2115, %mul3A_2124 : i32
        %swap3A = arith.index_cast %mul3A_2125 : i32 to index
        %swap3A_2126 = tpu.vector_load %arg10[%swap3A] {strides = array<i32>} : memref<4096xf32, #tpu.memory_space<vmem>>, vector<16xf32>,
        tpu.vector_store %arg10[%swap3A], %gather3A {strides = array<i32>} : memref<4096xf32, #tpu.memory_space<vmem>>, vector<16xf32>,
        %scan3A_2127 = arith.constant 0 : i32
        scf.yield %scan3A_2127 : i32
      }
      %scan3A_2107 = arith.constant 256 : i32
      %scan3A_2108 = arith.constant 0 : i32
      %scan3A_2109 = arith.constant 0 : i32
      %scan3A_2110 = arith.constant 256 : i32
      %scan3A_2111 = arith.addi %scan3A_2109, %scan3A_2110 : i32
      %scan3A_2112 = arith.constant 1 : i32
      %scan3A_2113 = scf.for %scan3A_2115 = %scan3A_2109 to %scan3A_2111 step %scan3A_2112 iter_args(%scan3A_2116 = %scan3A_2108) -> (i32)  : i32 {
        %mul3A_2117 = arith.constant 16 : i32
        %mul3A_2118 = arith.muli %scan3A_2115, %mul3A_2117 : i32
        %get3A = arith.index_cast %mul3A_2118 : i32 to index
        %get3A_2119 = tpu.vector_load %arg7[%get3A] {strides = array<i32>} : memref<4096xi32, #tpu.memory_space<vmem>>, vector<16xi32>,
        %add3A_2120 = vector.broadcast %sub3A_2097 : i32 to vector<16xi32>
        %add3A_2121 = arith.addi %get3A_2119, %add3A_2120 : vector<16xi32>
        %sub3A_2122 = arith.constant 50048 : i32
        %sub3A_2123 = vector.broadcast %sub3A_2122 : i32 to vector<16xi32>
        %sub3A_2124 = arith.subi %add3A_2121, %sub3A_2123 : vector<16xi32>
        %max3A = arith.constant 0 : i32
        %max3A_2125 = vector.broadcast %max3A : i32 to vector<16xi32>
        %max3A_2126 = arith.maxsi %sub3A_2124, %max3A_2125 : vector<16xi32>
        %gather3A = tpu.vector_load_idx %arg9[%max3A_2126] : memref<50048xf32, #tpu.memory_space<vmem>>[vector<16xi32>], vector<16xf32>,
        %ge3A = arith.constant 50048 : i32
        %ge3A_2127 = vector.broadcast %ge3A : i32 to vector<16xi32>
        %ge3A_2128 = arith.cmpi sge, %add3A_2121, %ge3A_2127 : vector<16xi32>
        %get3A_2129 = arith.index_cast %mul3A_2118 : i32 to index
        %get3A_2130 = tpu.vector_load %arg10[%get3A_2129] {strides = array<i32>} : memref<4096xf32, #tpu.memory_space<vmem>>, vector<16xf32>,
        %select_n3A_2131 = arith.select %ge3A_2128, %gather3A, %get3A_2130 : vector<16xi1>, vector<16xf32>
        %swap3A = arith.index_cast %mul3A_2118 : i32 to index
        %swap3A_2132 = tpu.vector_load %arg10[%swap3A] {strides = array<i32>} : memref<4096xf32, #tpu.memory_space<vmem>>, vector<16xf32>,
        tpu.vector_store %arg10[%swap3A], %select_n3A_2131 {strides = array<i32>} : memref<4096xf32, #tpu.memory_space<vmem>>, vector<16xf32>,
        %scan3A_2133 = arith.constant 0 : i32
        scf.yield %scan3A_2133 : i32
      }
      %scan3A_2114 = arith.constant 256 : i32
      "tpu.region"() ({
        %run_scoped3A_2115 = tpu.sem_alloc : memref<!tpu.dma_semaphore, #tpu.memory_space<semaphore_mem>>
        %dma_start3A_2116 = arith.constant 0 : i32
        %dma_start3A_2117 = tpu.memref_slice %arg6[%add3A, %dma_start3A_2116] : memref<26x4096xf32, #tpu.memory_space<hbm>> -> memref<1x4096xf32, #tpu.memory_space<hbm>>
        %dma_start3A_2118 = tpu.memref_squeeze %dma_start3A_2117 : memref<1x4096xf32, #tpu.memory_space<hbm>> -> memref<4096xf32, #tpu.memory_space<hbm>>
        %dma_start3A_2119 = arith.constant 0 : i32
        %dma_start3A_2120 = tpu.memref_slice %arg6[%add3A, %dma_start3A_2119] : memref<26x4096xf32, #tpu.memory_space<hbm>> -> memref<1x4096xf32, #tpu.memory_space<hbm>>
        %dma_start3A_2121 = tpu.memref_squeeze %dma_start3A_2120 : memref<1x4096xf32, #tpu.memory_space<hbm>> -> memref<4096xf32, #tpu.memory_space<hbm>>
        tpu.enqueue_dma source(%arg10 : memref<4096xf32, #tpu.memory_space<vmem>>) target(%dma_start3A_2121 : memref<4096xf32, #tpu.memory_space<hbm>>) target_semaphore(%run_scoped3A_2115 : memref<!tpu.dma_semaphore, #tpu.memory_space<semaphore_mem>>)
        %dma_wait3A_2122 = arith.constant 0 : i32
        %dma_wait3A_2123 = tpu.memref_slice %arg6[%add3A, %dma_wait3A_2122] : memref<26x4096xf32, #tpu.memory_space<hbm>> -> memref<1x4096xf32, #tpu.memory_space<hbm>>
        %dma_wait3A_2124 = tpu.memref_squeeze %dma_wait3A_2123 : memref<1x4096xf32, #tpu.memory_space<hbm>> -> memref<4096xf32, #tpu.memory_space<hbm>>
        %dma_wait3A_2125 = arith.constant 0 : i32
        %dma_wait3A_2126 = tpu.memref_slice %arg6[%add3A, %dma_wait3A_2125] : memref<26x4096xf32, #tpu.memory_space<hbm>> -> memref<1x4096xf32, #tpu.memory_space<hbm>>
        %dma_wait3A_2127 = tpu.memref_squeeze %dma_wait3A_2126 : memref<1x4096xf32, #tpu.memory_space<hbm>> -> memref<4096xf32, #tpu.memory_space<hbm>>
        tpu.wait_dma2 semaphore(%run_scoped3A_2115 : memref<!tpu.dma_semaphore, #tpu.memory_space<semaphore_mem>>) src(%arg10 : memref<4096xf32, #tpu.memory_space<vmem>>) dst(%dma_wait3A_2127 : memref<4096xf32, #tpu.memory_space<hbm>>)
        tpu.yield
      }) : () -> ()
    } else {
    }
    return
  }
}

module attributes {stable_mosaic.version = 14 : i64} {
  func.func @_tc_body(%arg0: i32, %arg1: memref<416x2048xf32, #tpu.memory_space<vmem>>, %arg2: memref<26x2048xf32, #tpu.memory_space<vmem>>, %arg3: memref<416x256xf32, #tpu.memory_space<vmem>>, %arg4: memref<256x1xf32, #tpu.memory_space<vmem>>, %arg5: memref<256x1xf32, #tpu.memory_space<vmem>>, %arg6: memref<256x128xf32, #tpu.memory_space<vmem>>, %arg7: memref<128x1xf32, #tpu.memory_space<vmem>>, %arg8: memref<128x1xf32, #tpu.memory_space<vmem>>, %arg9: memref<128x1xf32, #tpu.memory_space<vmem>>, %arg10: memref<1x1xf32, #tpu.memory_space<vmem>>, %arg11: memref<1x2048xf32, #tpu.memory_space<vmem>>) attributes {dimension_semantics = [#tpu.dimension_semantics<arbitrary>], iteration_bounds = array<i64: 2>, scalar_prefetch = 0 : i64, scratch_operands = 0 : i64, tpu.core_type = #tpu.core_type<tc>, window_params = [{transform_indices = @transform_0, window_bounds = array<i64: 416, 2048>}, {transform_indices = @transform_1, window_bounds = array<i64: 26, 2048>}, {pipeline_mode = #tpu.pipeline_mode<synchronous>, transform_indices = @transform_2, window_bounds = array<i64: 416, 256>}, {pipeline_mode = #tpu.pipeline_mode<synchronous>, transform_indices = @transform_3, window_bounds = array<i64: 256, 1>}, {pipeline_mode = #tpu.pipeline_mode<synchronous>, transform_indices = @transform_4, window_bounds = array<i64: 256, 1>}, {pipeline_mode = #tpu.pipeline_mode<synchronous>, transform_indices = @transform_5, window_bounds = array<i64: 256, 128>}, {pipeline_mode = #tpu.pipeline_mode<synchronous>, transform_indices = @transform_6, window_bounds = array<i64: 128, 1>}, {pipeline_mode = #tpu.pipeline_mode<synchronous>, transform_indices = @transform_7, window_bounds = array<i64: 128, 1>}, {pipeline_mode = #tpu.pipeline_mode<synchronous>, transform_indices = @transform_8, window_bounds = array<i64: 128, 1>}, {pipeline_mode = #tpu.pipeline_mode<synchronous>, transform_indices = @transform_9, window_bounds = array<i64: 1, 1>}, {transform_indices = @transform_10, window_bounds = array<i64: 1, 2048>}]} {
    %get3A = arith.constant 0 : index
    %get3A_0 = arith.constant 0 : index
    %get3A_1 = vector.load %arg1[%get3A, %get3A_0] : memref<416x2048xf32, #tpu.memory_space<vmem>>, vector<416x2048xf32>
    %iota3A = tpu.iota {dimensions = array<i32: 1>} : vector<16x416xi32>
    %iota3A_2 = tpu.iota {dimensions = array<i32: 0>} : vector<16x416xi32>
    %jit3A = arith.constant 16 : i32
    %eq3A = arith.constant 0 : i32
    %eq3A_3 = arith.cmpi eq, %jit3A, %eq3A : i32
    %jit3A_4 = arith.constant 1 : i32
    %select_n3A = arith.select %eq3A_3, %jit3A_4, %jit3A : i32
    %rem3A = vector.broadcast %select_n3A : i32 to vector<16x416xi32>
    %rem3A_5 = arith.remsi %iota3A, %rem3A : vector<16x416xi32>
    %ne3A = arith.constant 0 : i32
    %ne3A_6 = vector.broadcast %ne3A : i32 to vector<16x416xi32>
    %ne3A_7 = arith.cmpi ne, %rem3A_5, %ne3A_6 : vector<16x416xi32>
    %lt3A = arith.constant 0 : i32
    %lt3A_8 = vector.broadcast %lt3A : i32 to vector<16x416xi32>
    %lt3A_9 = arith.cmpi slt, %rem3A_5, %lt3A_8 : vector<16x416xi32>
    %lt3A_10 = arith.constant 0 : i32
    %lt3A_11 = arith.cmpi slt, %select_n3A, %lt3A_10 : i32
    %ne3A_12 = vector.broadcast %lt3A_11 : i1 to vector<16x416xi1>
    %ne3A_13 = vector.broadcast %ne3A_12 : vector<16x416xi1> to vector<16x416xi1>
    %ne3A_14 = arith.xori %lt3A_9, %ne3A_13 : vector<16x416xi1>
    %and3A = arith.andi %ne3A_14, %ne3A_7 : vector<16x416xi1>
    %add3A = vector.broadcast %select_n3A : i32 to vector<16x416xi32>
    %add3A_15 = arith.addi %rem3A_5, %add3A : vector<16x416xi32>
    %select_n3A_16 = arith.select %and3A, %add3A_15, %rem3A_5 : vector<16x416xi1>, vector<16x416xi32>
    %eq3A_17 = arith.cmpi eq, %select_n3A_16, %iota3A_2 : vector<16x416xi32>
    %jit3A_18 = arith.constant 1.000000e+00 : f32
    %jit3A_19 = arith.constant 0.000000e+00 : f32
    %broadcast_in_dim3A = vector.broadcast %jit3A_18 : f32 to vector<16x416xf32>
    %broadcast_in_dim3A_20 = vector.broadcast %jit3A_19 : f32 to vector<16x416xf32>
    %select_n3A_21 = arith.select %eq3A_17, %broadcast_in_dim3A, %broadcast_in_dim3A_20 : vector<16x416xi1>, vector<16x416xf32>
    %dot_general3A = arith.constant dense<0.000000e+00> : vector<16x2048xf32>
    %dot_general3A_22 = tpu.matmul %select_n3A_21, %get3A_1, %dot_general3A {dimension_numbers = #tpu.dot_dimension_numbers<[1], [0], [0], [1], [0, 0, 1, 1], [], []>, transpose_lhs_hint = false} : vector<16x416xf32>, vector<416x2048xf32>, vector<16x2048xf32> -> vector<16x2048xf32>
    %mul3A = arith.mulf %dot_general3A_22, %dot_general3A_22 : vector<16x2048xf32>
    %reduce_sum3A = arith.constant dense<0.000000e+00> : vector<2048xf32>
    %reduce_sum3A_23 = vector.multi_reduction <add>, %mul3A, %reduce_sum3A [0] : vector<16x2048xf32> to vector<2048xf32>
    %broadcast_in_dim3A_24 = vector.shape_cast %reduce_sum3A_23 : vector<2048xf32> to vector<1x2048xf32>
    %mul3A_25 = arith.mulf %get3A_1, %get3A_1 : vector<416x2048xf32>
    %reduce_sum3A_26 = arith.constant dense<0.000000e+00> : vector<2048xf32>
    %reduce_sum3A_27 = vector.multi_reduction <add>, %mul3A_25, %reduce_sum3A_26 [0] : vector<416x2048xf32> to vector<2048xf32>
    %broadcast_in_dim3A_28 = vector.shape_cast %reduce_sum3A_27 : vector<2048xf32> to vector<1x2048xf32>
    %sub3A = arith.subf %broadcast_in_dim3A_24, %broadcast_in_dim3A_28 : vector<1x2048xf32>
    %mul3A_29 = arith.constant 5.000000e-01 : f32
    %mul3A_30 = vector.broadcast %mul3A_29 : f32 to vector<1x2048xf32>
    %mul3A_31 = arith.mulf %mul3A_30, %sub3A : vector<1x2048xf32>
    %get3A_32 = arith.constant 0 : index
    %get3A_33 = arith.constant 0 : index
    %get3A_34 = vector.load %arg2[%get3A_32, %get3A_33] : memref<26x2048xf32, #tpu.memory_space<vmem>>, vector<26x2048xf32>
    %reduce_sum3A_35 = arith.constant dense<0.000000e+00> : vector<2048xf32>
    %reduce_sum3A_36 = vector.multi_reduction <add>, %get3A_34, %reduce_sum3A_35 [0] : vector<26x2048xf32> to vector<2048xf32>
    %broadcast_in_dim3A_37 = vector.shape_cast %reduce_sum3A_36 : vector<2048xf32> to vector<1x2048xf32>
    %get3A_38 = arith.constant 0 : index
    %get3A_39 = arith.constant 0 : index
    %get3A_40 = vector.load %arg3[%get3A_38, %get3A_39] : memref<416x256xf32, #tpu.memory_space<vmem>>, vector<416x256xf32>
    %dot_general3A_41 = arith.constant dense<0.000000e+00> : vector<256x2048xf32>
    %dot_general3A_42 = tpu.matmul %get3A_40, %get3A_1, %dot_general3A_41 {dimension_numbers = #tpu.dot_dimension_numbers<[0], [0], [1], [1], [0, 1, 1, 1], [], []>, transpose_lhs_hint = false} : vector<416x256xf32>, vector<416x2048xf32>, vector<256x2048xf32> -> vector<256x2048xf32>
    %get3A_43 = arith.constant 0 : index
    %get3A_44 = arith.constant 0 : index
    %get3A_45 = vector.load %arg4[%get3A_43, %get3A_44] : memref<256x1xf32, #tpu.memory_space<vmem>>, vector<256x1xf32>
    %mul3A_46 = vector.broadcast %get3A_45 : vector<256x1xf32> to vector<256x2048xf32>
    %mul3A_47 = arith.mulf %dot_general3A_42, %mul3A_46 : vector<256x2048xf32>
    %get3A_48 = arith.constant 0 : index
    %get3A_49 = arith.constant 0 : index
    %get3A_50 = vector.load %arg5[%get3A_48, %get3A_49] : memref<256x1xf32, #tpu.memory_space<vmem>>, vector<256x1xf32>
    %add3A_51 = vector.broadcast %get3A_50 : vector<256x1xf32> to vector<256x2048xf32>
    %add3A_52 = arith.addf %mul3A_47, %add3A_51 : vector<256x2048xf32>
    %max3A = arith.constant 0.000000e+00 : f32
    %max3A_53 = vector.broadcast %max3A : f32 to vector<256x2048xf32>
    %max3A_54 = arith.maximumf %add3A_52, %max3A_53 : vector<256x2048xf32>
    %get3A_55 = arith.constant 0 : index
    %get3A_56 = arith.constant 0 : index
    %get3A_57 = vector.load %arg6[%get3A_55, %get3A_56] : memref<256x128xf32, #tpu.memory_space<vmem>>, vector<256x128xf32>
    %dot_general3A_58 = arith.constant dense<0.000000e+00> : vector<128x2048xf32>
    %dot_general3A_59 = tpu.matmul %get3A_57, %max3A_54, %dot_general3A_58 {dimension_numbers = #tpu.dot_dimension_numbers<[0], [0], [1], [1], [0, 1, 1, 1], [], []>, transpose_lhs_hint = false} : vector<256x128xf32>, vector<256x2048xf32>, vector<128x2048xf32> -> vector<128x2048xf32>
    %get3A_60 = arith.constant 0 : index
    %get3A_61 = arith.constant 0 : index
    %get3A_62 = vector.load %arg7[%get3A_60, %get3A_61] : memref<128x1xf32, #tpu.memory_space<vmem>>, vector<128x1xf32>
    %mul3A_63 = vector.broadcast %get3A_62 : vector<128x1xf32> to vector<128x2048xf32>
    %mul3A_64 = arith.mulf %dot_general3A_59, %mul3A_63 : vector<128x2048xf32>
    %get3A_65 = arith.constant 0 : index
    %get3A_66 = arith.constant 0 : index
    %get3A_67 = vector.load %arg8[%get3A_65, %get3A_66] : memref<128x1xf32, #tpu.memory_space<vmem>>, vector<128x1xf32>
    %add3A_68 = vector.broadcast %get3A_67 : vector<128x1xf32> to vector<128x2048xf32>
    %add3A_69 = arith.addf %mul3A_64, %add3A_68 : vector<128x2048xf32>
    %max3A_70 = arith.constant 0.000000e+00 : f32
    %max3A_71 = vector.broadcast %max3A_70 : f32 to vector<128x2048xf32>
    %max3A_72 = arith.maximumf %add3A_69, %max3A_71 : vector<128x2048xf32>
    %get3A_73 = arith.constant 0 : index
    %get3A_74 = arith.constant 0 : index
    %get3A_75 = vector.load %arg9[%get3A_73, %get3A_74] : memref<128x1xf32, #tpu.memory_space<vmem>>, vector<128x1xf32>
    %dot_general3A_76 = arith.constant dense<0.000000e+00> : vector<1x2048xf32>
    %dot_general3A_77 = tpu.matmul %get3A_75, %max3A_72, %dot_general3A_76 {dimension_numbers = #tpu.dot_dimension_numbers<[0], [0], [1], [1], [0, 1, 1, 1], [], []>, transpose_lhs_hint = false} : vector<128x1xf32>, vector<128x2048xf32>, vector<1x2048xf32> -> vector<1x2048xf32>
    %add3A_78 = arith.addf %broadcast_in_dim3A_37, %mul3A_31 : vector<1x2048xf32>
    %add3A_79 = arith.addf %add3A_78, %dot_general3A_77 : vector<1x2048xf32>
    %get3A_80 = arith.constant 0 : index
    %get3A_81 = arith.constant 0 : index
    %get3A_82 = vector.load %arg10[%get3A_80, %get3A_81] : memref<1x1xf32, #tpu.memory_space<vmem>>, vector<1x1xf32>
    %get3A_83 = vector.extract %get3A_82[0, 0] : f32 from vector<1x1xf32>
    %add3A_84 = vector.broadcast %get3A_83 : f32 to vector<1x2048xf32>
    %add3A_85 = arith.addf %add3A_79, %add3A_84 : vector<1x2048xf32>
    %swap3A = arith.constant 0 : index
    %swap3A_86 = arith.constant 0 : index
    %swap3A_87 = vector.load %arg11[%swap3A, %swap3A_86] : memref<1x2048xf32, #tpu.memory_space<vmem>>, vector<1x2048xf32>
    tpu.vector_store %arg11[%swap3A, %swap3A_86], %add3A_85 {strides = array<i32>} : memref<1x2048xf32, #tpu.memory_space<vmem>>, vector<1x2048xf32>,
    return
  }
  func.func @transform_0(%arg0: i32) -> (i32, i32) {
    %c0_i32 = arith.constant 0 : i32
    %c0_i32_0 = arith.constant 0 : i32
    return %c0_i32, %arg0 : i32, i32
  }
  func.func @transform_1(%arg0: i32) -> (i32, i32) {
    %c0_i32 = arith.constant 0 : i32
    %c0_i32_0 = arith.constant 0 : i32
    return %c0_i32, %arg0 : i32, i32
  }
  func.func @transform_2(%arg0: i32) -> (i32, i32) {
    %c0_i32 = arith.constant 0 : i32
    %c0_i32_0 = arith.constant 0 : i32
    %c0_i32_1 = arith.constant 0 : i32
    return %c0_i32, %c0_i32_0 : i32, i32
  }
  func.func @transform_3(%arg0: i32) -> (i32, i32) {
    %c0_i32 = arith.constant 0 : i32
    %c0_i32_0 = arith.constant 0 : i32
    %c0_i32_1 = arith.constant 0 : i32
    return %c0_i32, %c0_i32_0 : i32, i32
  }
  func.func @transform_4(%arg0: i32) -> (i32, i32) {
    %c0_i32 = arith.constant 0 : i32
    %c0_i32_0 = arith.constant 0 : i32
    %c0_i32_1 = arith.constant 0 : i32
    return %c0_i32, %c0_i32_0 : i32, i32
  }
  func.func @transform_5(%arg0: i32) -> (i32, i32) {
    %c0_i32 = arith.constant 0 : i32
    %c0_i32_0 = arith.constant 0 : i32
    %c0_i32_1 = arith.constant 0 : i32
    return %c0_i32, %c0_i32_0 : i32, i32
  }
  func.func @transform_6(%arg0: i32) -> (i32, i32) {
    %c0_i32 = arith.constant 0 : i32
    %c0_i32_0 = arith.constant 0 : i32
    %c0_i32_1 = arith.constant 0 : i32
    return %c0_i32, %c0_i32_0 : i32, i32
  }
  func.func @transform_7(%arg0: i32) -> (i32, i32) {
    %c0_i32 = arith.constant 0 : i32
    %c0_i32_0 = arith.constant 0 : i32
    %c0_i32_1 = arith.constant 0 : i32
    return %c0_i32, %c0_i32_0 : i32, i32
  }
  func.func @transform_8(%arg0: i32) -> (i32, i32) {
    %c0_i32 = arith.constant 0 : i32
    %c0_i32_0 = arith.constant 0 : i32
    %c0_i32_1 = arith.constant 0 : i32
    return %c0_i32, %c0_i32_0 : i32, i32
  }
  func.func @transform_9(%arg0: i32) -> (i32, i32) {
    %c0_i32 = arith.constant 0 : i32
    %c0_i32_0 = arith.constant 0 : i32
    %c0_i32_1 = arith.constant 0 : i32
    return %c0_i32, %c0_i32_0 : i32, i32
  }
  func.func @transform_10(%arg0: i32) -> (i32, i32) {
    %c0_i32 = arith.constant 0 : i32
    %c0_i32_0 = arith.constant 0 : i32
    return %c0_i32, %arg0 : i32, i32
  }
}

</mosaic_0001>

<sc_bundles>
// kernel: kernel.4.cloned.1.call-start
scs
__scs_entry_jumppad:
0x0: {  	(pc) =	sbr.rel $0x88, $3  }
0x1: {  	(tag) =	ssettag $0x0;
	lr =	simm.s32 $0x1  }
0x2: {  	[smem:$0x3F93] =	sst lr;
	_ =	strace $0xD0000000  }
0x3: {  	_ = 	snop  }
0x4: {  	_ = 	snop  }
0x5: {  	_ = 	snop  }
0x6: {  	_ = 	snop  }
0x7: {  	_ = 	snop  }
__scs_overlays_trampoline_lowered:
0x8: {  	[smem:$0x3FA2] =	sst s0  }
0x9: {  	[smem:$0x3FA3] =	sst s1  }
0xa: {  	[smem:$0x3FA4] =	sst s2  }
0xb: {  	[smem:$0x3FA5] =	sst s3  }
0xc: {  	[smem:$0x3FA6] =	sst s4  }
0xd: {  	[smem:$0x3FA7] =	sst s5  }
0xe: {  	[smem:$0x3FA8] =	sst s6  }
0xf: {  	[smem:$0x3FA9] =	sst s7  }
0x10: {  	[smem:$0x3FAA] =	sst s8  }
0x11: {  	[smem:$0x3FAB] =	sst s9;
	s0 =	simm.s32 @!p0 $0x0  }
0x12: {  	s1 =	sld [smem:$0x3F91];
	s0 =	simm.s32 @p0 $0x1  }
0x13: {  	[smem:$0x3FAC] =	sst s0;
	s0 =	simm.s32 @!p1 $0x0  }
0x14: {  	s2 =	sld [smem:$0x3F90];
	s0 =	simm.s32 @p1 $0x1  }
0x15: {  	[smem:$0x3FAD] =	sst s0;
	s0 =	simm.s32 @!p2 $0x0  }
0x16: {  	s3 =	sld [smem:$0x3FDB];
	s0 =	simm.s32 @p2 $0x1  }
0x17: {  	s4 =	simm.s32 $0x1BF5;
	[smem:$0x3FAF] =	sst s0  }
0x18: {  	s0 =	sld [smem:$0x3F92];
	_ =	swait.ge [sflag:s4], $0x0  }
0x19: {  	s7 =	sld [smem:$0x3F93]  }
0x1a: {  	s8 =	sadd.s32 $0xFFFFE003, lr  }
0x1b: {  	s9 =	sadd.s32 $0xFFFFFEF7, lr;
	s5 =	simm.s32 $0xFFFFFFFF;
	p2 =	slt.u32 s8, $0xFFFFF086  }
0x1c: {  	p1 =	slt.u32 s9, $0xF7A;
	s5 =	simm.s32 @!p2 $0x0  }
0x1d: {  	s5 =	simm.s32 @p1 $0x1;
	p0 =	seq.s32 s7, s2  }
0x1e: {  	s7 =	smul.u32 @!p0 $0xF7A, s2;
	p2 =	seq.s32 @!p0 s5, $0x0  }
0x1f: {  	s9 =	smul.u32 $0xF7A, s1;
	s8 =	simm.s32 @!p0 $0x1BF5;
	p2 =	por !p2, p0  }
0x20: {  	[sflag:s8] =	ssyncset.s32 @!p0 $0xFFFFF086;
	s6 =	sadd.s32 @!p0 s3, s7;
	s7 =	simm.s32 @!p0 $0x108  }
0x21: {  	s3 =	sadd.s32 s3, s9;
	s6 =	sadd.s32 @!p0 $0x88, s6;
	s7 =	simm.s32 @p2 $0x1082  }
0x22: {  	[simem:s7], [sflag:s8] =	dma.local @!p0 [hbm:s6], $0xF7A  }
0x23: {  	s9 =	sor.u32 $0xD0000000, s2;
	s6 =	simm.s32 $0x108;
	_ =	swait.ge @!p0 [sflag:s8], $0x0  }
0x24: {  	s3 =	sadd.s32 $0x88, s3;
	s6 =	simm.s32 @!p1 $0x1082;
	[sflag:s4] =	ssyncset.s32 $0xFFFFF086  }
0x25: {  	[simem:s6], [sflag:s4] =	dma.local [hbm:s3], $0xF7A  }
0x26: {  	[smem:$0x3F93] =	sst s1;
	(tag) =	ssettag s2;
	_ =	strace s9  }
0x27: {  	s1 =	sld [smem:$0x3FA3]  }
0x28: {  	s2 =	sld [smem:$0x3FA4]  }
0x29: {  	s4 =	sld [smem:$0x3FA6]  }
0x2a: {  	p0 =	seq.s32 s5, $0x0;
	s5 =	sld [smem:$0x3FA7]  }
0x2b: {  	s6 =	sld [smem:$0x3FA8]  }
0x2c: {  	s7 =	sld [smem:$0x3FA9]  }
0x2d: {  	s3 =	simm.s32 $0x108;
	s8 =	sld [smem:$0x3FAA]  }
0x2e: {  	s3 =	simm.s32 @!p0 $0x1082;
	s9 =	sld [smem:$0x3FAB]  }
0x2f: {  	lr =	sadd.s32 s0, s3;
	s0 =	sld [smem:$0x3FA2]  }
0x30: {  	s3 =	sld [smem:$0x3FA5]  }
0x31: {  	[smem:$0x3FAE] =	sst s10  }
0x32: {  	s10 =	sld [smem:$0x3FAC];
	_ =	sdelay $0x3  }
0x33: {  	p0 =	seq.s32 s10, $0x1;
	s10 =	sld [smem:$0x3FAE];
	_ =	sdelay $0x3  }
0x34: {  	[smem:$0x3FAE] =	sst s10  }
0x35: {  	s10 =	sld [smem:$0x3FAD];
	_ =	sdelay $0x3  }
0x36: {  	p1 =	seq.s32 s10, $0x1;
	s10 =	sld [smem:$0x3FAE];
	_ =	sdelay $0x3  }
0x37: {  	[smem:$0x3FAE] =	sst s10  }
0x38: {  	s10 =	sld [smem:$0x3FAF]  }
0x39: {  	_ = 	snop;
	(pc) =	sbr.ind lr, $3  }
0x3a: {  	_ = 	snop  }
0x3b: {  	_ = 	snop  }
0x3c: {  	p2 =	seq.s32 s10, $0x1;
	s10 =	sld [smem:$0x3FAE]  }
0x3d: {  	_ =	shalt  }
0x3e: {  	_ =	shalt  }
0x3f: {  	_ =	shalt  }
0x40: {  	_ =	shalt  }
0x41: {  	_ =	shalt  }
0x42: {  	_ =	shalt  }
0x43: {  	_ =	shalt  }
0x44: {  	_ =	shalt  }
0x45: {  	_ =	shalt  }
0x46: {  	_ =	shalt  }
0x47: {  	_ =	shalt  }
0x48: {  	_ =	shalt  }
0x49: {  	_ =	shalt  }
0x4a: {  	_ =	shalt  }
0x4b: {  	_ =	shalt  }
0x4c: {  	_ =	shalt  }
0x4d: {  	_ =	shalt  }
0x4e: {  	_ =	shalt  }
0x4f: {  	_ =	shalt  }
0x50: {  	_ =	shalt  }
0x51: {  	_ =	shalt  }
0x52: {  	_ =	shalt  }
0x53: {  	_ =	shalt  }
0x54: {  	_ =	shalt  }
0x55: {  	_ =	shalt  }
0x56: {  	_ =	shalt  }
0x57: {  	_ =	shalt  }
0x58: {  	_ =	shalt  }
0x59: {  	_ =	shalt  }
0x5a: {  	_ =	shalt  }
0x5b: {  	_ =	shalt  }
0x5c: {  	_ =	shalt  }
0x5d: {  	_ =	shalt  }
0x5e: {  	_ =	shalt  }
0x5f: {  	_ =	shalt  }
0x60: {  	_ =	shalt  }
0x61: {  	_ =	shalt  }
0x62: {  	_ =	shalt  }
0x63: {  	_ =	shalt  }
0x64: {  	_ =	shalt  }
0x65: {  	_ =	shalt  }
0x66: {  	_ =	shalt  }
0x67: {  	_ =	shalt  }
0x68: {  	_ =	shalt  }
0x69: {  	_ =	shalt  }
0x6a: {  	_ =	shalt  }
0x6b: {  	_ =	shalt  }
0x6c: {  	_ =	shalt  }
0x6d: {  	_ =	shalt  }
0x6e: {  	_ =	shalt  }
0x6f: {  	_ =	shalt  }
0x70: {  	_ =	shalt  }
0x71: {  	_ =	shalt  }
0x72: {  	_ =	shalt  }
0x73: {  	_ =	shalt  }
0x74: {  	_ =	shalt  }
0x75: {  	_ =	shalt  }
0x76: {  	_ =	shalt  }
0x77: {  	_ =	shalt  }
0x78: {  	_ =	shalt  }
0x79: {  	_ =	shalt  }
0x7a: {  	_ =	shalt  }
0x7b: {  	_ =	shalt  }
0x7c: {  	_ =	shalt  }
0x7d: {  	_ =	shalt  }
0x7e: {  	_ =	shalt  }
0x7f: {  	_ =	shalt  }
0x80: {  	_ =	shalt  }
0x81: {  	_ =	shalt  }
0x82: {  	_ =	shalt  }
0x83: {  	_ =	shalt  }
0x84: {  	_ =	shalt  }
0x85: {  	_ =	shalt  }
0x86: {  	_ =	shalt  }
0x87: {  	_ =	shalt  }
.Lfunc_end0:
.L_simem_size_0:
called_computation_lowered:
.L_overlay_start_0:
0x88: {  	s2 =	sld [smem:$0x3FD9]  }
0x89: {  	s3 =	sld [smem:$0x3FFE];
	_ =	sdelay $0x1  }
0x8a: {  	s1 =	srdreg.scid  }
0x8b: {  	s0 =	sand.u32 $0x1, s1  }
0x8c: {  	s17 =	sshll.u32 s0, $0xA;
	s2 =	sadd.s32 s3, s2  }
0x8d: {  	s2 =	sadd.s32 s2, s17  }
0x8e: {  	[smem:$0x3FBA] =	sst s2  }
0x8f: {  	_ = 	snop  }
0x90: {  	s2 =	sld [smem:$0x3FC9]  }
0x91: {  	s18 =	sld [smem:$0x3FC8]  }
0x92: {  	s4 =	sld [smem:$0x3FC6];
	(tm) =	ssettm $0x1  }
0x93: {  	s5 =	sld [smem:$0x3FFB];
	_ =	sdelay $0x3  }
0x94: {  	_ =	strace s5  }
0x95: {  	s5 =	sld [smem:$0x3FFC];
	_ =	sdelay $0x3  }
0x96: {  	_ =	strace s5  }
0x97: {  	s5 =	sld [smem:$0x3FFD];
	_ =	sdelay $0x3  }
0x98: {  	_ =	strace s5  }
0x99: {  	_ =	strace $0x8FFFFFFF  }
0x9a: {  	s19 =	sld [smem:$0x3FDB];
	_ =	sdelay $0x1  }
0x9b: {  	s6 =	simm.s32 $_scs_section_size  }
0x9c: {  	s7 =	simm.s32 $_size__tile_overlayer_lowered;
	s8 =	simm.s32 $_tile_overlayer_lowered  }
0x9d: {  	s22 =	simm.s32 $0x1BFF;
	s21 =	sshll.u32 s8, $0x1;
	s5 =	sadd.s32 s6, s19  }
0x9e: {  	s9 =	simm.s32 $0x0;
	s20 =	sshll.u32 s7, $0x1;
	s7 =	sadd.s32 s21, s5  }
0x9f: {  	[timem:s9], [sflag:s22] =	dma.local [hbm:s7], s20  }
0xa0: {  	_ =	swait.ge [sflag:s22], s20  }
0xa1: {  	s6 =	ssub.s32 $0x0, s20;
	[sflag:s22] =	ssyncset.done $0x0  }
0xa2: {  	[sflag:s22] =	ssyncadd.s32 s6;
	_ =	sdelay $0x1  }
0xa3: {  	s23 =	simm.s32 $0x1B8B  }
0xa4: {  	_ =	swait.ge [sflag:s23], $0x1  }
0xa5: {  	[sflag:s23] =	ssyncset.done $0x0  }
0xa6: {  	s25 =	simm.s32 $0x1B8E;
	s24 =	sld [smem:$0x3FFE];
	[sflag:s23] =	ssyncadd.s32 $0xFFFFFFFF  }
0xa7: {  	s26 =	simm.s32 $execute0_lowered;
	[smem:$0x3FD2] =	sst s25  }
0xa8: {  	s7 =	sshll.u32 s26, $0x1;
	_ =	strace $0x80000046;
	[dreg:$0x1] =	wrdreg $0xFFFFFFFF  }
0xa9: {  	s28 =	simm.s32 $_size_execute0_lowered;
	s5 =	sadd.s32 s5, s7;
	[dreg:$0x0] =	wrdreg $0x0  }
0xaa: {  	s7 =	sshll.u32 s28, $0x1;
	[dreg:$0x2] =	wrdreg s5  }
0xab: {  	[dreg:$0x3] =	wrdreg s7  }
0xac: {  	[dreg:$0x4] =	wrdreg $0xC0  }
0xad: {  	_ =	task [dreg:s9], $0x5FFFF  }
0xae: {  	[dreg:$0x1] =	wrdreg $0xFFFFFFFF  }
0xaf: {  	[dreg:$0x0] =	wrdreg $0x60  }
0xb0: {  	[dreg:$0x2] =	wrdreg s2  }
0xb1: {  	[dreg:$0x3] =	wrdreg s4  }
0xb2: {  	[dreg:$0x4] =	wrdreg s18  }
0xb3: {  	[dreg:$0x5] =	wrdreg s24  }
0xb4: {  	[dreg:$0x6] =	wrdreg $0x9  }
0xb5: {  	_ =	task.clear_ibuf [dreg:s9], $0x7FFFF;
	_ =	strace $0x90000046  }
0xb6: {  	s29 =	simm.s32 $0x9;
	_ =	strace $0x80000048  }
0xb7: {  	_ =	swait.ge [sflag:s29], $0x1  }
0xb8: {  	[sflag:s29] =	ssyncadd.s32 $0xFFFFFFFF  }
0xb9: {  	_ =	strace $0x90000048  }
0xba: {  	_ =	sfence  }
0xbb: {  	s30 =	sld [smem:$0x0];
	_ =	sdelay $0x2  }
0xbc: {  	s31 =	sshll.u32 s1, $0xD;
	s1 =	sshrl.u32 s1, $0x2  }
0xbd: {  	s3 =	sand.u32 $0x4000, s31;
	s1 =	sadd.s32 s1, s30  }
0xbe: {  	s0 =	sor.u32 s3, s0;
	s1 =	sshll.u32 s1, $0x11  }
0xbf: {  	s0 =	sor.u32 s1, s0  }
0xc0: {  	s0 =	sadd.s32 $0x8F2B, s0  }
0xc1: {  	[sflag:s0] =	ssyncadd.remote.s32 $0x1  }
0xc2: {  	_ =	sfence.sel $0xFFFF  }
0xc3: {  	[dreg:$0x0] =	wrdreg $0xFFFFFFFF;
	(pc) =	sbr.abs _section_cstart, $3  }
0xc4: {  	[dreg:$0x1] =	wrdreg $0xFFFFFFFF  }
0xc5: {  	_ =	task.clear_ibuf [dreg:s9], $0x2FFFF;
	_ =	strace $0x9FFFFFFF  }
0xc6: {  	(tm) =	ssettm $0x7FFFFFFF  }
0xc7: {  	_ =	shalt  }
tec
execute0_lowered:
.L_overlay_start_1:
0x0: {  	(tag) =	ssettag $0x1  }
0x1: {  	s0 =	srdreg.scid  }
0x2: {  	s2 =	stileid.u32;
	s13 =	rddreg [dreg:$0x3]  }
0x3: {  	s21 =	rddreg [dreg:$0x0];
	s0 =	sand.u32 $0x1, s0;
	s1 =	sshll.u32 s2, $0x1  }
0x4: {  	s2 =	sshll.u32 s2, $0xA;
	s28 =	sor.u32 s0, s1;
	s0 =	ssub.s32 $0x2, s0  }
0x5: {  	s7 =	smul.u32 $0xD, s28;
	s5 =	sshll.u32 s28, $0x4;
	s6 =	sshrl.u32 s0, $0x1  }
0x6: {  	s23 =	sadd.s32 $0x2200, s13;
	s14 =	sor.u32 s2, s5;
	s0 =	ssub.s32 s0, s6  }
0x7: {  	s3 =	sshrl.u32 s7, $0x4;
	s4 =	sand.u32 $0x8, s7;
	[smem:$0x7E1] =	sst s14  }
0x8: {  	[smem:$0x7FC] =	sst s0;
	s16 =	sshll.u32 s7, $0x7;
	s18 =	sadd.s32 $0x1, s7  }
0x9: {  	s20 =	sshll.u32 s7, $0x5;
	s26 =	sand.u32 $0x70, s7;
	s29 =	sadd.s32 $0x3, s7  }
0xa: {  	s30 =	sadd.s32 $0x4, s7;
	s4 =	sshrl.u32 s4, $0x3;
	s3 =	smul.u32 $0xC3500, s3  }
0xb: {  	s2 =	sand.u32 $0x380, s16;
	s17 =	sshrl.u32 s18, $0x4;
	s19 =	sand.u32 $0xF, s18  }
0xc: {  	s24 =	sand.u32 $0x3000, s20;
	s1 =	sshll.u32 s18, $0x7;
	s6 =	sshll.u32 s18, $0x5  }
0xd: {  	s10 =	sand.u32 $0x70, s18;
	s13 =	sshll.u32 s18, $0x4;
	s14 =	sshll.u32 s18, $0x9  }
0xe: {  	s20 =	sshrl.u32 s29, $0x4;
	s4 =	smul.u32 $0x13D6400, s4;
	[smem:$0x7E5] =	sst s19  }
0xf: {  	s22 =	sshrl.u32 s19, $0x3;
	s15 =	sand.u32 $0x1FFFC00, s3;
	s3 =	smul.u32 $0xC3500, s17  }
0x10: {  	s5 =	sand.u32 $0x380, s1;
	s1 =	sshll.u32 s29, $0x7;
	s25 =	smul.u32 $0x13D6400, s22  }
0x11: {  	s22 =	sand.u32 $0xF, s29;
	s0 =	sadd.s32 s15, s4;
	s4 =	sadd.s32 s21, s26  }
0x12: {  	s15 =	sand.u32 $0x70, s13;
	[smem:$0x7E9] =	sst s22;
	s0 =	sor.u32 s2, s0  }
0x13: {  	s13 =	sand.u32 $0x70, s29;
	s3 =	sand.u32 $0x7FFFFC00, s3;
	[smem:$0x7CB] =	sst s0  }
0x14: {  	s2 =	sadd.s32 s3, s25;
	s0 =	sadd.s32 s24, s4;
	s24 =	sadd.s32 $0x2, s7  }
0x15: {  	s3 =	sadd.s32 s21, s10;
	s25 =	sshrl.u32 s22, $0x3;
	[smem:$0x7F6] =	sst s0  }
0x16: {  	s5 =	sor.u32 s5, s2;
	s8 =	sshrl.u32 s24, $0x4;
	s9 =	sand.u32 $0xF, s24  }
0x17: {  	s0 =	sand.u32 $0x7000, s6;
	s12 =	sshll.u32 s24, $0x7;
	s16 =	sshll.u32 s24, $0x5  }
0x18: {  	s19 =	sand.u32 $0x70, s24;
	s26 =	smul.u32 $0x13D6400, s25;
	[smem:$0x7CC] =	sst s5  }
0x19: {  	s6 =	sshll.u32 s24, $0x4;
	s25 =	sshll.u32 s30, $0x5;
	[smem:$0x7E7] =	sst s9  }
0x1a: {  	s11 =	sshrl.u32 s9, $0x3;
	s2 =	smul.u32 $0xC3500, s8;
	s0 =	sadd.s32 s0, s3  }
0x1b: {  	s17 =	sand.u32 $0x7000, s16;
	s3 =	smul.u32 $0xC3500, s20;
	s5 =	sand.u32 $0xF, s30  }
0x1c: {  	s9 =	sshll.u32 s24, $0x9;
	s16 =	sshll.u32 s29, $0x4;
	s4 =	smul.u32 $0x13D6400, s11  }
0x1d: {  	[smem:$0x7F5] =	sst s0;
	s0 =	sand.u32 $0x380, s12;
	s2 =	sand.u32 $0x7FFFFC00, s2  }
0x1e: {  	[smem:$0x7EB] =	sst s5;
	s8 =	sshrl.u32 s5, $0x3;
	s2 =	sadd.s32 s2, s4  }
0x1f: {  	s12 =	sshll.u32 s29, $0x5;
	s3 =	sand.u32 $0x7FFFFC00, s3;
	s0 =	sor.u32 s0, s2  }
0x20: {  	s2 =	sadd.s32 s23, s15;
	[smem:$0x7CD] =	sst s0;
	s0 =	sand.u32 $0x7F000, s14  }
0x21: {  	s5 =	smul.u32 $0x13D6400, s8;
	s4 =	sshrl.u32 s30, $0x4;
	s0 =	sadd.s32 s0, s2  }
0x22: {  	s14 =	sshll.u32 s30, $0x7;
	s2 =	sadd.s32 s21, s19;
	[smem:$0x7F9] =	sst s0  }
0x23: {  	s0 =	sadd.s32 s17, s2;
	s2 =	sand.u32 $0x380, s1;
	s17 =	sshll.u32 s29, $0x9  }
0x24: {  	[smem:$0x7F8] =	sst s0;
	s0 =	sadd.s32 s3, s26;
	s3 =	smul.u32 $0xC3500, s4  }
0x25: {  	s4 =	sand.u32 $0x70, s6;
	s6 =	sand.u32 $0x7F000, s9;
	s26 =	sand.u32 $0x70, s30  }
0x26: {  	s9 =	sshll.u32 s30, $0x9;
	s4 =	sadd.s32 s23, s4;
	s0 =	sor.u32 s2, s0  }
0x27: {  	s2 =	sand.u32 $0x7000, s12;
	s3 =	sand.u32 $0x7FFFFC00, s3;
	[smem:$0x7CE] =	sst s0  }
0x28: {  	s10 =	sadd.s32 s6, s4;
	s4 =	sand.u32 $0x380, s14;
	s6 =	sshll.u32 s30, $0x4  }
0x29: {  	s14 =	sadd.s32 $0x6, s7;
	[smem:$0x7F7] =	sst s10;
	s11 =	sadd.s32 s3, s5  }
0x2a: {  	s3 =	sadd.s32 s21, s13;
	s8 =	sand.u32 $0x70, s6;
	s10 =	sshrl.u32 s14, $0x4  }
0x2b: {  	s15 =	sadd.s32 s2, s3;
	s0 =	sor.u32 s4, s11;
	s2 =	sand.u32 $0x7F000, s17  }
0x2c: {  	s3 =	sadd.s32 s21, s26;
	s11 =	sand.u32 $0xF, s14;
	[smem:$0x7F4] =	sst s15  }
0x2d: {  	s17 =	sshll.u32 s14, $0x7;
	[smem:$0x7CF] =	sst s0;
	s0 =	sand.u32 $0x70, s16  }
0x2e: {  	s15 =	sadd.s32 $0x5, s7;
	[smem:$0x7EF] =	sst s11;
	s13 =	sshrl.u32 s11, $0x3  }
0x2f: {  	s11 =	sadd.s32 $0x7, s7;
	s0 =	sadd.s32 s23, s0;
	s19 =	sshrl.u32 s15, $0x4  }
0x30: {  	s22 =	sand.u32 $0xF, s15;
	s5 =	sshll.u32 s15, $0x7;
	s12 =	sshll.u32 s15, $0x5  }
0x31: {  	s16 =	sand.u32 $0x70, s15;
	s0 =	sadd.s32 s2, s0;
	s20 =	smul.u32 $0xC3500, s19  }
0x32: {  	[smem:$0x7ED] =	sst s22;
	s1 =	sshrl.u32 s22, $0x3;
	s2 =	sand.u32 $0x7000, s25  }
0x33: {  	s22 =	sshll.u32 s15, $0x9;
	s25 =	sshll.u32 s15, $0x4;
	[smem:$0x7E3] =	sst s0  }
0x34: {  	s4 =	smul.u32 $0x13D6400, s1;
	s3 =	sadd.s32 s2, s3;
	s2 =	sand.u32 $0x380, s5  }
0x35: {  	s5 =	sadd.s32 s21, s16;
	s1 =	sshrl.u32 s11, $0x4;
	s16 =	sshll.u32 s14, $0x9  }
0x36: {  	[dreg:$0x5] =	wrdreg s3;
	s0 =	sand.u32 $0x7FFFFC00, s20;
	s3 =	smul.u32 $0x13D6400, s13  }
0x37: {  	s20 =	sand.u32 $0x380, s17;
	s0 =	sadd.s32 s0, s4;
	s4 =	sand.u32 $0xF, s11  }
0x38: {  	s13 =	sshll.u32 s11, $0x7;
	s0 =	sor.u32 s2, s0;
	[smem:$0x7F1] =	sst s4  }
0x39: {  	s2 =	sand.u32 $0x7F000, s9;
	[smem:$0x7D0] =	sst s0;
	s0 =	sadd.s32 s23, s8  }
0x3a: {  	s6 =	sshrl.u32 s4, $0x3;
	s9 =	sand.u32 $0x70, s14;
	s0 =	sadd.s32 s2, s0  }
0x3b: {  	s2 =	sand.u32 $0x7000, s12;
	[dreg:$0x6] =	wrdreg s0;
	s0 =	smul.u32 $0xC3500, s10  }
0x3c: {  	s8 =	sshll.u32 s14, $0x5;
	s12 =	sshll.u32 s14, $0x4;
	s19 =	sadd.s32 s2, s5  }
0x3d: {  	s2 =	sand.u32 $0x70, s25;
	s5 =	smul.u32 $0xC3500, s1;
	s0 =	sand.u32 $0x7FFFFC00, s0  }
0x3e: {  	[dreg:$0x7] =	wrdreg s19;
	s2 =	sadd.s32 s23, s2;
	s0 =	sadd.s32 s0, s3  }
0x3f: {  	s19 =	sshll.u32 s11, $0x5;
	s26 =	sor.u32 s20, s0;
	s0 =	sand.u32 $0x7F000, s22  }
0x40: {  	s3 =	sand.u32 $0x7000, s8;
	s20 =	sand.u32 $0x70, s11;
	s0 =	sadd.s32 s0, s2  }
0x41: {  	s2 =	smul.u32 $0x13D6400, s6;
	s6 =	sadd.s32 s21, s9;
	[dreg:$0x8] =	wrdreg s0  }
0x42: {  	s0 =	sand.u32 $0x7FFFFC00, s5;
	s10 =	sadd.s32 s3, s6;
	s3 =	sand.u32 $0x380, s13  }
0x43: {  	s6 =	sand.u32 $0x7F000, s16;
	s13 =	sadd.s32 $0x8, s7;
	s16 =	sshll.u32 s11, $0x4  }
0x44: {  	[dreg:$0x9] =	wrdreg s10;
	s0 =	sadd.s32 s0, s2;
	s2 =	sand.u32 $0x70, s12  }
0x45: {  	s25 =	sand.u32 $0xF, s13;
	s8 =	sshrl.u32 s13, $0x4;
	s10 =	sshll.u32 s13, $0x7  }
0x46: {  	s2 =	sadd.s32 s23, s2;
	s22 =	sor.u32 s3, s0;
	[smem:$0x7F2] =	sst s25  }
0x47: {  	s0 =	sand.u32 $0x7000, s19;
	s1 =	sshrl.u32 s25, $0x3;
	s8 =	smul.u32 $0xC3500, s8  }
0x48: {  	s12 =	sand.u32 $0x380, s10;
	s19 =	sshll.u32 s13, $0x5;
	s25 =	smul.u32 $0xD000, s28  }
0x49: {  	s10 =	sand.u32 $0x70, s13;
	s17 =	sadd.s32 s6, s2;
	s2 =	sadd.s32 s21, s20  }
0x4a: {  	s3 =	smul.u32 $0x13D6400, s1;
	s6 =	sadd.s32 $0x9, s7;
	s10 =	sadd.s32 s21, s10  }
0x4b: {  	[dreg:$0xa] =	wrdreg s17;
	s9 =	sshrl.u32 s6, $0x4;
	s4 =	sand.u32 $0xF, s6  }
0x4c: {  	s0 =	sadd.s32 s0, s2;
	s8 =	sand.u32 $0x7FFFFC00, s8;
	[smem:$0x7F3] =	sst s4  }
0x4d: {  	s17 =	sshll.u32 s11, $0x9;
	[dreg:$0xb] =	wrdreg s0;
	s5 =	smul.u32 $0xC3500, s9  }
0x4e: {  	s9 =	sshrl.u32 s4, $0x3;
	s3 =	sadd.s32 s8, s3;
	s8 =	sand.u32 $0x7000, s19  }
0x4f: {  	s2 =	smul.u32 $0x13D6400, s9;
	s20 =	sor.u32 s12, s3;
	s3 =	sand.u32 $0x7F000, s17  }
0x50: {  	s12 =	sshll.u32 s6, $0x7;
	s17 =	smul.u32 $0x280, s28;
	s0 =	sand.u32 $0x7FFFFC00, s5  }
0x51: {  	s12 =	sand.u32 $0x380, s12;
	s0 =	sadd.s32 s0, s2;
	s2 =	sand.u32 $0x70, s16  }
0x52: {  	s5 =	sshll.u32 s13, $0xC;
	s4 =	sor.u32 s17, s25;
	s2 =	sadd.s32 s23, s2  }
0x53: {  	s19 =	sor.u32 s12, s0;
	[smem:$0x7DF] =	sst s4;
	s0 =	sor.u32 s17, s5  }
0x54: {  	s16 =	sand.u32 $0x70, s6;
	s2 =	sadd.s32 s3, s2;
	[smem:$0x7E0] =	sst s0  }
0x55: {  	s3 =	sadd.s32 s8, s10;
	s8 =	sadd.s32 $0xA, s7;
	[dreg:$0xc] =	wrdreg s2  }
0x56: {  	s10 =	sshll.u32 s6, $0x5;
	[dreg:$0xd] =	wrdreg s3;
	s9 =	sshrl.u32 s8, $0x4  }
0x57: {  	s31 =	sand.u32 $0xF, s8;
	s2 =	sand.u32 $0x7000, s10;
	s17 =	sshll.u32 s8, $0x7  }
0x58: {  	s0 =	smul.u32 $0xC3500, s9;
	s12 =	sshrl.u32 s31, $0x3;
	s9 =	sadd.s32 s21, s16  }
0x59: {  	s1 =	sand.u32 $0x380, s17;
	s17 =	sshll.u32 s8, $0x5;
	s3 =	smul.u32 $0x13D6400, s12  }
0x5a: {  	s25 =	sadd.s32 s2, s9;
	s2 =	sshll.u32 s6, $0x9;
	s9 =	sadd.s32 $0xB, s7  }
0x5b: {  	s0 =	sand.u32 $0x7FFFFC00, s0;
	[dreg:$0xe] =	wrdreg s25;
	s4 =	sshrl.u32 s9, $0x4  }
0x5c: {  	s25 =	sand.u32 $0xF, s9;
	s0 =	sadd.s32 s0, s3;
	s3 =	sshll.u32 s6, $0x4  }
0x5d: {  	s5 =	smul.u32 $0xC3500, s4;
	s12 =	sshrl.u32 s25, $0x3;
	s16 =	sor.u32 s1, s0  }
0x5e: {  	s0 =	sand.u32 $0x7F000, s2;
	s2 =	sand.u32 $0x70, s3;
	s1 =	sand.u32 $0x70, s8  }
0x5f: {  	s3 =	sand.u32 $0x7000, s17;
	s2 =	sadd.s32 s23, s2;
	s10 =	sadd.s32 s21, s1  }
0x60: {  	s1 =	sshll.u32 s8, $0x4;
	s0 =	sadd.s32 s0, s2;
	s2 =	smul.u32 $0x13D6400, s12  }
0x61: {  	s4 =	sadd.s32 s3, s10;
	s10 =	sadd.s32 $0xC, s7;
	[dreg:$0xf] =	wrdreg s0  }
0x62: {  	s12 =	sshll.u32 s9, $0x7;
	s0 =	sand.u32 $0x7FFFFC00, s5;
	[dreg:$0x10] =	wrdreg s4  }
0x63: {  	s17 =	sand.u32 $0xF, s10;
	s5 =	sadd.s32 s0, s2;
	s0 =	sshrl.u32 s10, $0x4  }
0x64: {  	s2 =	sand.u32 $0x380, s12;
	s4 =	sshrl.u32 s17, $0x3;
	s0 =	smul.u32 $0xC3500, s0  }
0x65: {  	s3 =	sand.u32 $0x70, s1;
	s12 =	sor.u32 s2, s5;
	s5 =	smul.u32 $0x13D6400, s4  }
0x66: {  	s4 =	sshll.u32 s8, $0x9;
	s2 =	sadd.s32 s23, s3;
	s0 =	sand.u32 $0x7FFFFC00, s0  }
0x67: {  	s3 =	sshll.u32 s9, $0x5;
	s5 =	sadd.s32 s0, s5;
	s0 =	sand.u32 $0x70, s9  }
0x68: {  	s4 =	sand.u32 $0x7F000, s4;
	s3 =	sand.u32 $0x7000, s3;
	s0 =	sadd.s32 s21, s0  }
0x69: {  	s2 =	sadd.s32 s4, s2;
	s0 =	sadd.s32 s3, s0;
	s3 =	sld [smem:$0x7CB]  }
0x6a: {  	[dreg:$0x11] =	wrdreg s2  }
0x6b: {  	s1 =	sshll.u32 s10, $0x7;
	[dreg:$0x12] =	wrdreg s0  }
0x6c: {  	s1 =	sand.u32 $0x380, s1;
	s0 =	rddreg [dreg:$0x1];
	s4 =	sshrl.u32 s3, $0x3  }
0x6d: {  	s2 =	sor.u32 s1, s5;
	s1 =	sadd.s32 s0, s4;
	s4 =	sld [smem:$0x7CC]  }
0x6e: {  	_ = 	snop  }
0x6f: {  	s5 =	sadd.s32 $0x61C00, s3  }
0x70: {  	s3 =	sshrl.u32 s5, $0x3;
	s5 =	sshrl.u32 s4, $0x3  }
0x71: {  	[dreg:$0x13] =	wrdreg s1;
	s1 =	sadd.s32 s0, s3;
	s3 =	sadd.s32 s0, s5  }
0x72: {  	[dreg:$0x15] =	wrdreg s3  }
0x73: {  	s3 =	sld [smem:$0x7CD]  }
0x74: {  	s15 =	sshll.u32 s15, $0x1;
	s5 =	sadd.s32 $0x61C00, s4  }
0x75: {  	s15 =	sand.u32 $0x60, s15;
	[dreg:$0x14] =	wrdreg s1;
	s1 =	sshrl.u32 s5, $0x3  }
0x76: {  	v5 =	vmov s15;
	s15 =	sld [smem:$0x7F8];
	s1 =	sadd.s32 s0, s1;
	s4 =	sadd.s32 $0x61C00, s3  }
0x77: {  	s5 =	sshrl.u32 s3, $0x3;
	s3 =	sshrl.u32 s4, $0x3;
	s4 =	sld [smem:$0x7CE]  }
0x78: {  	s14 =	sshll.u32 s14, $0x1;
	[dreg:$0x16] =	wrdreg s1;
	s5 =	sadd.s32 s0, s5  }
0x79: {  	s14 =	sand.u32 $0x60, s14;
	[dreg:$0x17] =	wrdreg s5;
	s1 =	sadd.s32 s0, s3  }
0x7a: {  	s5 =	sshrl.u32 s4, $0x3;
	s3 =	sadd.s32 $0x61C00, s4;
	s4 =	sld [smem:$0x7CF]  }
0x7b: {  	v6 =	vmov s14;
	s14 =	sld [smem:$0x7F9]  }
0x7c: {  	[dreg:$0x18] =	wrdreg s1  }
0x7d: {  	s1 =	sadd.s32 s0, s5;
	s3 =	sshrl.u32 s3, $0x3;
	s5 =	sshrl.u32 s4, $0x3  }
0x7e: {  	[dreg:$0x19] =	wrdreg s1;
	s1 =	sadd.s32 s0, s3;
	s3 =	sadd.s32 s0, s5  }
0x7f: {  	s11 =	sshll.u32 s11, $0x1;
	p2 =	sne.s32 s31, $0x0;
	[dreg:$0x1b] =	wrdreg s3  }
0x80: {  	p3 =	sne.s32 s25, $0x0;
	s25 =	sand.u32 $0x60, s11;
	s3 =	sld [smem:$0x7D0]  }
0x81: {  	s11 =	sld [smem:$0x7F6];
	p4 =	sne.s32 s17, $0x0;
	s5 =	sadd.s32 $0x61C00, s4  }
0x82: {  	s17 =	sshll.u32 s18, $0x1;
	[dreg:$0x1a] =	wrdreg s1;
	s1 =	sshrl.u32 s5, $0x3  }
0x83: {  	s18 =	sld [smem:$0x7F4];
	s1 =	sadd.s32 s0, s1;
	s5 =	sshrl.u32 s3, $0x3  }
0x84: {  	[dreg:$0x1c] =	wrdreg s1;
	s4 =	sadd.s32 $0x61C00, s3;
	s3 =	sadd.s32 s0, s5  }
0x85: {  	s5 =	sshrl.u32 s4, $0x3;
	s4 =	sadd.s32 $0x61C00, s26;
	[dreg:$0x1d] =	wrdreg s3  }
0x86: {  	s1 =	sadd.s32 s0, s5;
	s3 =	sshrl.u32 s26, $0x3;
	s5 =	sshrl.u32 s4, $0x3  }
0x87: {  	s26 =	sshrl.u32 s22, $0x3;
	[dreg:$0x1e] =	wrdreg s1;
	s1 =	sadd.s32 s0, s3  }
0x88: {  	s4 =	sadd.s32 s0, s26;
	s26 =	sadd.s32 $0x61C00, s20;
	[dreg:$0x1f] =	wrdreg s1  }
0x89: {  	s1 =	sadd.s32 s0, s5;
	[smem:$0x7D2] =	sst s4;
	s5 =	sadd.s32 $0x61C00, s22  }
0x8a: {  	s22 =	sshrl.u32 s20, $0x3;
	s4 =	sshrl.u32 s26, $0x3;
	[smem:$0x7D1] =	sst s1  }
0x8b: {  	s1 =	sshrl.u32 s5, $0x3;
	s3 =	sadd.s32 s0, s22;
	s5 =	sshrl.u32 s19, $0x3  }
0x8c: {  	s19 =	sadd.s32 $0x61C00, s19;
	s22 =	sshrl.u32 s16, $0x3;
	s1 =	sadd.s32 s0, s1  }
0x8d: {  	[smem:$0x7D4] =	sst s3;
	s20 =	sshrl.u32 s19, $0x3;
	s26 =	sadd.s32 s0, s22  }
0x8e: {  	s3 =	sadd.s32 $0x61C00, s16;
	s22 =	sshll.u32 s9, $0x9;
	[smem:$0x7D3] =	sst s1  }
0x8f: {  	s1 =	sadd.s32 s0, s4;
	[smem:$0x7D8] =	sst s26;
	s4 =	sshrl.u32 s12, $0x3  }
0x90: {  	[smem:$0x7D5] =	sst s1;
	s1 =	sadd.s32 s0, s5;
	s5 =	sadd.s32 $0x61C00, s12  }
0x91: {  	s12 =	sadd.s32 s0, s4;
	s4 =	sand.u32 $0x7F000, s22;
	[smem:$0x7D6] =	sst s1  }
0x92: {  	s1 =	sadd.s32 s0, s20;
	s16 =	sshrl.u32 s5, $0x3;
	s5 =	sld [smem:$0x7E0]  }
0x93: {  	s20 =	sshll.u32 s9, $0x4;
	[smem:$0x7D7] =	sst s1;
	s1 =	sshrl.u32 s3, $0x3  }
0x94: {  	[smem:$0x7DA] =	sst s12;
	s3 =	sand.u32 $0x70, s20;
	s1 =	sadd.s32 s0, s1  }
0x95: {  	s3 =	sadd.s32 s23, s3;
	[smem:$0x7D9] =	sst s1;
	s1 =	sadd.s32 s0, s16  }
0x96: {  	s26 =	sadd.s32 s4, s3;
	s3 =	sand.u32 $0x7FFF8380, s5;
	s5 =	rddreg [dreg:$0x3]  }
0x97: {  	s31 =	simm.s32 $0x19700;
	s19 =	sshrl.u32 s2, $0x3;
	[smem:$0x7DB] =	sst s1  }
0x98: {  	s2 =	sadd.s32 $0x61C00, s2;
	s1 =	sadd.s32 s0, s19;
	[smem:$0x7DE] =	sst s26  }
0x99: {  	s6 =	sshll.u32 s6, $0x1;
	s2 =	sshrl.u32 s2, $0x3;
	[smem:$0x7DC] =	sst s1  }
0x9a: {  	s4 =	sand.u32 $0x70, s10;
	s0 =	sadd.s32 s0, s2;
	s1 =	sld [smem:$0x7DF]  }
0x9b: {  	s2 =	sshll.u32 s10, $0x5;
	s12 =	sshrl.u32 s3, $0x3;
	s19 =	sshll.u32 s10, $0x4  }
0x9c: {  	s26 =	sshll.u32 s10, $0x9;
	[smem:$0x7DD] =	sst s0;
	s12 =	sadd.s32 s23, s12  }
0x9d: {  	s0 =	sand.u32 $0x1F8380, s1;
	s1 =	sand.u32 $0x7000, s2;
	s2 =	sadd.s32 s21, s4  }
0x9e: {  	s22 =	sand.u32 $0x70, s19;
	s4 =	sld [smem:$0x7E1];
	s20 =	sadd.s32 s1, s2  }
0x9f: {  	s0 =	sshrl.u32 s0, $0x3;
	s1 =	sadd.s32 s23, s22;
	s2 =	sand.u32 $0x7F000, s26  }
0xa0: {  	s16 =	sadd.s32 s23, s0;
	s0 =	smul.u32 $0x186A0, s28;
	s23 =	rddreg [dreg:$0x2]  }
0xa1: {  	s19 =	sadd.s32 s2, s1;
	s3 =	sand.u32 $0x3070, s4;
	s4 =	sld [smem:$0x7EB]  }
0xa2: {  	s2 =	sadd.s32 s3, s5;
	s3 =	sadd.s32 s21, s3;
	s21 =	sld [smem:$0x7E3]  }
0xa3: {  	s8 =	sshll.u32 s8, $0x1;
	s22 =	sshrl.u32 s0, $0x3;
	[smem:$0x7E2] =	sst s3  }
0xa4: {  	s26 =	sand.u32 $0x3FFF80, s0;
	s1 =	sand.u32 $0x7FFF0, s22;
	s22 =	sld [smem:$0x7E5]  }
0xa5: {  	s5 =	sshrl.u32 s26, $0x3;
	s26 =	sld [smem:$0x7E9];
	s1 =	sadd.s32 s23, s1  }
0xa6: {  	s9 =	sshll.u32 s9, $0x1;
	s28 =	simm.s32 $0x5;
	[smem:$0x7E4] =	sst s1  }
0xa7: {  	s0 =	sand.u32 $0x60, s0;
	s1 =	sadd.s32 s23, s5;
	s23 =	sld [smem:$0x7E7]  }
0xa8: {  	v7 =	vmov s25;
	s25 =	sadd.s32 $0x36200, s2;
	s5 =	sld [smem:$0x7ED];
	p0 =	sne.s32 s22, $0x0  }
0xa9: {  	s2 =	simm.s32 $0x4;
	s22 =	sld [smem:$0x7EF];
	s3 =	simm.s32 @!p0 $0x0  }
0xaa: {  	s3 =	simm.s32 @p0 $0x1;
	p0 =	sne.s32 s23, $0x0;
	s23 =	sld [smem:$0x7F1]  }
0xab: {  	s1 =	sadd.s32 $0x1870, s1;
	[smem:$0x7E6] =	sst s3;
	s3 =	simm.s32 @!p0 $0x0  }
0xac: {  	s3 =	simm.s32 @p0 $0x1;
	p0 =	sne.s32 s26, $0x0;
	s26 =	sld [smem:$0x7F2]  }
0xad: {  	[smem:$0x7E8] =	sst s3;
	s3 =	simm.s32 @!p0 $0x0;
	p6 =	sne.s32 s23, $0x0  }
0xae: {  	s3 =	simm.s32 @p0 $0x1;
	p0 =	sne.s32 s4, $0x0;
	s4 =	sld [smem:$0x7F3]  }
0xaf: {  	s23 =	sshll.u32 s29, $0x1;
	[smem:$0x7EA] =	sst s3;
	s3 =	simm.s32 @!p0 $0x0  }
0xb0: {  	s29 =	simm.s32 $0x1;
	s3 =	simm.s32 @p0 $0x1;
	p0 =	sne.s32 s5, $0x0  }
0xb1: {  	s5 =	sshll.u32 s7, $0x1;
	s7 =	simm.s32 $0x0;
	[smem:$0x7EC] =	sst s3  }
0xb2: {  	s3 =	simm.s32 @!p0 $0x0;
	p1 =	sne.s32 s4, $0x0;
	[smem:$0x7FF] =	sst s7  }
0xb3: {  	s4 =	sand.u32 $0x60, s17;
	s7 =	sand.u32 $0x60, s23;
	s23 =	sand.u32 $0x60, s9  }
0xb4: {  	s3 =	simm.s32 @p0 $0x1;
	p0 =	sne.s32 s22, $0x0;
	s22 =	sshll.u32 s24, $0x1  }
0xb5: {  	s24 =	sshll.u32 s30, $0x1;
	[smem:$0x7EE] =	sst s3;
	s3 =	simm.s32 @!p0 $0x0  }
0xb6: {  	v3 =	vmov s7;
	s7 =	sand.u32 $0x60, s6;
	s17 =	sand.u32 $0x60, s24;
	s3 =	simm.s32 @p0 $0x1  }
0xb7: {  	p0 =	sne.s32 s26, $0x0;
	s26 =	sshll.u32 s13, $0x1;
	s13 =	sld [smem:$0x7F5]  }
0xb8: {  	s6 =	sand.u32 $0x60, s8;
	v11 =	vmov s23;
	s23 =	simm.s32 $0x80;
	v4 =	vmov s17;
	s17 =	sld [smem:$0x7F7]  }
0xb9: {  	v19 =	vor.u32 $0xFFFF3C80, v5;
	s30 =	simm.s32 $0x2;
	[smem:$0x7F0] =	sst s3;
	s3 =	sand.u32 $0x60, s5  }
0xba: {  	v20 =	vor.u32 $0xFFFF3C80, v6;
	v21 =	vor.u32 $0xFFFF3C80, v7;
	v13 =	vmov s0;
	s5 =	sand.u32 $0x60, s22;
	s22 =	sshll.u32 s10, $0x1;
	s10 =	stileid.u32  }
0xbb: {  	v27 =	vor.u32 $0xFFFF3C80, v13;
	v1 =	vmov s4;
	v2 =	vmov s5;
	s5 =	sand.u32 $0x60, s26;
	_ =	strace $0x80000047;
	[smem:$0x7FA] =	sst s1  }
.Ltmp0:
0xbc: {  	v9 =	vmov s7;
	v10 =	vmov s6;
	v15 =	vor.u32 $0xFFFF3C80, v1;
	[smem:$0x7FB] =	sst s25;
	p5 =	sgt.u32 s10, $0xC;
	(pc) =	sbr.rel .LBB2_1-.Ltmp0, $4  }
0xbd: {  	v17 =	vor.u32 $0xFFFF3C80, v3;
	v25 =	vor.u32 $0xFFFF3C80, v11;
	v23 =	vor.u32 $0xFFFF3C80, v9;
	s24 =	sand.u32 $0x60, s22;
	s26 =	sld [smem:$0x7FC];
	s0 =	simm.s32 @!p5 $0x0  }
0xbe: {  	v24 =	vor.u32 $0xFFFF3C80, v10;
	v18 =	vor.u32 $0xFFFF3C80, v4;
	v0 =	vmov s3;
	s25 =	simm.s32 $0x1000;
	s1 =	simm.s32 $0x3;
	s0 =	simm.s32 @p5 $0x1  }
0xbf: {  	s3 =	simm.s32 $0x0;
	v8 =	vmov s5;
	v12 =	vmov s24;
	v14 =	vor.u32 $0xFFFF3C80, v0;
	s24 =	simm.s32 $0x400;
	[smem:$0x7FD] =	sst s0  }
0xc0: {  	v16 =	vor.u32 $0xFFFF3C80, v2;
	v22 =	vor.u32 $0xFFFF3C80, v8;
	v26 =	vor.u32 $0xFFFF3C80, v12;
	s0 =	simm.s32 $0x1A700;
	s22 =	smax.u32 s26, $0x1;
	s26 =	simm.s32 $0xD380  }
.LBB2_58:
0xc1: {  	v29 =	vadd.s32 v13, v29  }
0xc2: {  	v33 =	vld [tilespmem:s6+$0x0];
	vm0 =	vgt.s32 v29, $0xC37F  }
0xc3: {  	v29 =	vsel vm0, v30, v31  }
0xc4: {  	[tilespmem:s5+$0x19700] =	vst v29  }
0xc5: {  	v29 =	vld.idx.msk [tilespmem:v32+s26+$0x0], $0xffff  }
0xc6: {  	v62 =	vld [tilespmem:s4+$0x19700]  }
0xc7: {  	v61 =	vadd.s32 v27, v33  }
0xc8: {  	vm13 =	vgt.s32 v61, $0x0  }
0xc9: {  	v28 =	vadd.s32 v13, v28;
	v30 =	vnsel vm13, $0x0, v61  }
0xca: {  	vm14 =	vgt.s32 v28, $0xC37F  }
0xcb: {  	v28 =	vsel vm14, v29, v62  }
0xcc: {  	[tilespmem:s4+$0x19700] =	vst v28  }
0xcd: {  	v29 =	vld [tilespmem:s6+$0x19700]  }
0xce: {  	v28 =	vld.idx.msk [tilespmem:v30+s26+$0x0], $0xffff;
	_ =	sdelay $0x2  }
0xcf: {  	v63 =	vadd.s32 v13, v33  }
0xd0: {  	s9 =	sld [smem:$0x7FB];
	vm15 =	vgt.s32 v63, $0xC37F  }
0xd1: {  	v28 =	vsel vm15, v28, v29  }
0xd2: {  	[tilespmem:s6+$0x19700] =	vst v28  }
0xd3: {  	[hbm4b:s9+s23] =	stream.strided.scatter [tilespmem:s31], [sflag:$0x5], $0x1000, s24, s23, $0x38;
	[tilespmem:$0x1B700] =	vst v63  }
0xd4: {  	_ =	swait.ge [sflag:s28], $0x1000  }
0xd5: {  	[sflag:s28] =	ssyncset.done $0x0  }
0xd6: {  	[sflag:s28] =	ssyncadd.s32 $0xFFFFF000  }
.LBB2_59:
0xd7: {  	s3 =	sadd.s32 $0x1, s3  }
0xd8: {  	p5 =	sne.s32 s3, s22  }
.Ltmp1:
0xd9: {  	_ = 	snop;
	(pc) =	sbr.rel @!p5 .LBB2_60-.Ltmp1, $1  }
0xda: {  	_ =	sdelay $0x3  }
.LBB2_1:
0xdb: {  	s4 =	rddreg [dreg:$0x13]  }
0xdc: {  	[tilespmem:s25], [sflag:$0x1] =	stream.strided.gather [hbm4b:s4+s23], $0xC380, s24, s23, $0x38;
	[tilespmem:$0x1B700] =	vst v63  }
0xdd: {  	s8 =	rddreg [dreg:$0x14]  }
0xde: {  	[tilespmem:s26], [sflag:$0x2] =	stream.strided.gather [hbm4b:s8+s23], $0xC380, s24, s23, $0x38;
	[tilespmem:$0x1B700] =	vst v63  }
0xdf: {  	s9 =	simm.s32 $0x0  }
0xe0: {  	[tilespmem:s9], [sflag:$0x5] =	stream.strided.gather [hbm4b:s11+s23], $0x1000, s24, s23, $0x38;
	[tilespmem:$0x1B700] =	vst v63  }
0xe1: {  	_ =	swait.ge [sflag:s28], $0x1000  }
0xe2: {  	[sflag:s28] =	ssyncset.done $0x0  }
0xe3: {  	[sflag:s28] =	ssyncadd.s32 $0xFFFFF000  }
0xe4: {  	_ =	swait.ge [sflag:s29], $0xC380  }
0xe5: {  	[sflag:s29] =	ssyncset.done $0x0  }
0xe6: {  	s5 =	simm.s32 $0x0;
	[sflag:s29] =	ssyncadd.s32 $0xFFFF3C80  }
0xe7: {  	v28 =	vld [tilespmem:s5+$0x0];
	_ =	sdelay $0x4  }
0xe8: {  	s4 =	simm.s32 $0x10;
	v28 =	vadd.s32 v0, v28  }
0xe9: {  	v29 =	vld [tilespmem:s4+$0x0];
	vm0 =	vlt.s32 v28, $0xC37F  }
0xea: {  	v28 =	vnsel vm0, $0xC37F, v28;
	_ =	sdelay $0x3  }
0xeb: {  	v29 =	vadd.s32 v0, v29  }
0xec: {  	s6 =	simm.s32 $0x20;
	s7 =	simm.s32 $0xC0;
	vm0 =	vlt.s32 v29, $0xC37F;
	v28 =	vld.idx.msk [tilespmem:v28+s25+$0x0], $0xffff  }
.LBB2_2:
0xed: {  	p5 =	sne.s32 s7, $0x3FC0;
	v30 =	vld [tilespmem:s6+$0x0];
	v31 =	vnsel vm0, $0xC37F, v29;
	_ =	sdelay $0x1  }
.Ltmp2:
0xee: {  	(pc) =	sbr.rel @p5 .LBB2_2-.Ltmp2, $4  }
0xef: {  	_ = 	snop  }
0xf0: {  	[tilespmem:s5+$0x19700] =	vst v28;
	s5 =	smov.u32 s4;
	s4 =	smov.u32 s6  }
0xf1: {  	v29 =	vadd.s32 v0, v30;
	v28 =	vld.idx.msk [tilespmem:v31+s25+$0x0], $0xffff  }
0xf2: {  	s6 =	sshra.s32 s7, $0x2;
	s7 =	sadd.s32 $0x40, s7;
	vm0 =	vlt.s32 v29, $0xC37F  }
0xf3: {  	v30 =	vld [tilespmem:s6+$0x0]  }
0xf4: {  	v29 =	vnsel vm0, $0xC37F, v29;
	_ =	sdelay $0x3  }
0xf5: {  	[tilespmem:s5+$0x19700] =	vst v28;
	v28 =	vadd.s32 v0, v30  }
0xf6: {  	v29 =	vld.idx.msk [tilespmem:v29+s25+$0x0], $0xffff;
	vm13 =	vlt.s32 v28, $0xC37F  }
0xf7: {  	v28 =	vnsel vm13, $0xC37F, v28;
	_ =	sdelay $0x3  }
0xf8: {  	[tilespmem:s4+$0x19700] =	vst v29  }
0xf9: {  	v28 =	vld.idx.msk [tilespmem:v28+s25+$0x0], $0xffff;
	_ =	sdelay $0x4  }
0xfa: {  	s9 =	rddreg [dreg:$0x15];
	[tilespmem:s6+$0x19700] =	vst v28  }
0xfb: {  	[tilespmem:s25], [sflag:$0x1] =	stream.strided.gather [hbm4b:s9+s23], $0xC380, s24, s23, $0x38;
	[tilespmem:$0x1B700] =	vst v63  }
0xfc: {  	_ =	swait.ge [sflag:s30], $0xC380  }
0xfd: {  	[sflag:s30] =	ssyncset.done $0x0  }
0xfe: {  	s5 =	simm.s32 $0x0;
	[sflag:s30] =	ssyncadd.s32 $0xFFFF3C80  }
0xff: {  	v29 =	vld [tilespmem:s5+$0x0];
	_ =	sdelay $0x4  }
0x100: {  	v30 =	vadd.s32 v14, v29  }
0x101: {  	s4 =	simm.s32 $0x10;
	vm14 =	vgt.s32 v30, $0x0  }
0x102: {  	v28 =	vld [tilespmem:s4+$0x0];
	v30 =	vnsel vm14, $0x0, v30;
	_ =	sdelay $0x3  }
0x103: {  	v31 =	vld [tilespmem:s5+$0x19700]  }
0x104: {  	v32 =	vadd.s32 v14, v28;
	v30 =	vld.idx.msk [tilespmem:v30+s26+$0x0], $0xffff  }
0x105: {  	vm15 =	vgt.s32 v32, $0x0  }
0x106: {  	s7 =	simm.s32 $0xC0;
	s6 =	simm.s32 $0x20;
	v32 =	vnsel vm15, $0x0, v32  }
.LBB2_4:
0x107: {  	p5 =	sne.s32 s7, $0x3FC0;
	v33 =	vadd.s32 v0, v29;
	v29 =	vmov v28;
	v28 =	vld [tilespmem:s6+$0x0]  }
0x108: {  	vm0 =	vgt.s32 v33, $0xC37F  }
0x109: {  	v30 =	vsel vm0, v30, v31  }
.Ltmp3:
0x10a: {  	[tilespmem:s5+$0x19700] =	vst v30;
	s5 =	smov.u32 s4;
	s4 =	smov.u32 s6;
	(pc) =	sbr.rel @p5 .LBB2_4-.Ltmp3, $4  }
0x10b: {  	v30 =	vld.idx.msk [tilespmem:v32+s26+$0x0], $0xffff  }
0x10c: {  	v32 =	vadd.s32 v14, v28;
	v31 =	vld [tilespmem:s5+$0x19700]  }
0x10d: {  	vm0 =	vgt.s32 v32, $0x0  }
0x10e: {  	s6 =	sshra.s32 s7, $0x2;
	s7 =	sadd.s32 $0x40, s7;
	v32 =	vnsel vm0, $0x0, v32  }
0x10f: {  	v29 =	vadd.s32 v0, v29  }
0x110: {  	v33 =	vld [tilespmem:s6+$0x0];
	vm0 =	vgt.s32 v29, $0xC37F  }
0x111: {  	v29 =	vsel vm0, v30, v31  }
0x112: {  	[tilespmem:s5+$0x19700] =	vst v29  }
0x113: {  	v29 =	vld.idx.msk [tilespmem:v32+s26+$0x0], $0xffff  }
0x114: {  	v31 =	vld [tilespmem:s4+$0x19700]  }
0x115: {  	v30 =	vadd.s32 v14, v33  }
0x116: {  	vm0 =	vgt.s32 v30, $0x0  }
0x117: {  	v28 =	vadd.s32 v0, v28;
	v30 =	vnsel vm0, $0x0, v30  }
0x118: {  	vm0 =	vgt.s32 v28, $0xC37F  }
0x119: {  	v28 =	vsel vm0, v29, v31  }
0x11a: {  	[tilespmem:s4+$0x19700] =	vst v28  }
0x11b: {  	v29 =	vld [tilespmem:s6+$0x19700]  }
0x11c: {  	v28 =	vld.idx.msk [tilespmem:v30+s26+$0x0], $0xffff;
	_ =	sdelay $0x2  }
0x11d: {  	v30 =	vadd.s32 v0, v33  }
0x11e: {  	vm0 =	vgt.s32 v30, $0xC37F  }
0x11f: {  	s9 =	sld [smem:$0x7E6];
	v28 =	vsel vm0, v28, v29  }
0x120: {  	s8 =	rddreg [dreg:$0x16];
	[tilespmem:s6+$0x19700] =	vst v28  }
0x121: {  	[tilespmem:s26], [sflag:$0x2] =	stream.strided.gather [hbm4b:s8+s23], $0xC380, s24, s23, $0x38;
	[tilespmem:$0x1B700] =	vst v63  }
0x122: {  	p5 =	seq.s32 s9, $0x1  }
0x123: {  	[hbm4b:s16+s23] =	stream.strided.scatter [tilespmem:s31], [sflag:$0x3], $0x1000, s24, s23, $0x38;
	[tilespmem:$0x1B700] =	vst v63  }
0x124: {  	s5 =	simm.s32 @!p5 $0x400;
	s4 =	simm.s32 @!p5 $0x80;
	s6 =	simm.s32 @!p5 $0x0  }
0x125: {  	[tilespmem:s6], [sflag:$0x5] =	stream.strided.gather @!p5 [hbm4b:s13+s4], $0x1000, s5, s4, $0x38;
	[tilespmem:$0x1B700] =	vst v63  }
0x126: {  	s4 =	simm.s32 @!p5 $0x5  }
0x127: {  	_ =	swait.ge @!p5 [sflag:s4], $0x1000  }
0x128: {  	[sflag:s4] =	ssyncset.done @!p5 $0x0  }
0x129: {  	[sflag:s4] =	ssyncadd.s32 @!p5 $0xFFFFF000  }
0x12a: {  	_ =	swait.ge [sflag:s29], $0xC380  }
0x12b: {  	[sflag:s29] =	ssyncset.done $0x0  }
0x12c: {  	s5 =	simm.s32 $0x0;
	[sflag:s29] =	ssyncadd.s32 $0xFFFF3C80  }
0x12d: {  	v28 =	vld [tilespmem:s5+$0x0];
	_ =	sdelay $0x4  }
0x12e: {  	s4 =	simm.s32 $0x10;
	v28 =	vadd.s32 v1, v28  }
0x12f: {  	v29 =	vld [tilespmem:s4+$0x0];
	vm0 =	vlt.s32 v28, $0xC37F  }
0x130: {  	v28 =	vnsel vm0, $0xC37F, v28;
	_ =	sdelay $0x3  }
0x131: {  	v29 =	vadd.s32 v1, v29  }
0x132: {  	s7 =	simm.s32 $0xC0;
	s6 =	simm.s32 $0x20;
	vm0 =	vlt.s32 v29, $0xC37F;
	v28 =	vld.idx.msk [tilespmem:v28+s25+$0x0], $0xffff  }
.LBB2_6:
0x133: {  	p5 =	sne.s32 s7, $0x3FC0;
	v30 =	vld [tilespmem:s6+$0x0];
	v31 =	vnsel vm0, $0xC37F, v29;
	_ =	sdelay $0x1  }
.Ltmp4:
0x134: {  	(pc) =	sbr.rel @p5 .LBB2_6-.Ltmp4, $4  }
0x135: {  	_ = 	snop  }
0x136: {  	[tilespmem:s5+$0x1A700] =	vst v28;
	s5 =	smov.u32 s4;
	s4 =	smov.u32 s6  }
0x137: {  	v29 =	vadd.s32 v1, v30;
	v28 =	vld.idx.msk [tilespmem:v31+s25+$0x0], $0xffff  }
0x138: {  	s6 =	sshra.s32 s7, $0x2;
	s7 =	sadd.s32 $0x40, s7;
	vm0 =	vlt.s32 v29, $0xC37F  }
0x139: {  	v30 =	vld [tilespmem:s6+$0x0]  }
0x13a: {  	v29 =	vnsel vm0, $0xC37F, v29;
	_ =	sdelay $0x3  }
0x13b: {  	[tilespmem:s5+$0x1A700] =	vst v28;
	v28 =	vadd.s32 v1, v30  }
0x13c: {  	v29 =	vld.idx.msk [tilespmem:v29+s25+$0x0], $0xffff;
	vm13 =	vlt.s32 v28, $0xC37F  }
0x13d: {  	v28 =	vnsel vm13, $0xC37F, v28;
	_ =	sdelay $0x3  }
0x13e: {  	[tilespmem:s4+$0x1A700] =	vst v29  }
0x13f: {  	v28 =	vld.idx.msk [tilespmem:v28+s25+$0x0], $0xffff;
	_ =	sdelay $0x4  }
0x140: {  	s9 =	rddreg [dreg:$0x17];
	[tilespmem:s6+$0x1A700] =	vst v28  }
0x141: {  	[tilespmem:s25], [sflag:$0x1] =	stream.strided.gather [hbm4b:s9+s23], $0xC380, s24, s23, $0x38;
	[tilespmem:$0x1B700] =	vst v63  }
0x142: {  	_ =	swait.ge [sflag:s30], $0xC380  }
0x143: {  	[sflag:s30] =	ssyncset.done $0x0  }
0x144: {  	s5 =	simm.s32 $0x0;
	[sflag:s30] =	ssyncadd.s32 $0xFFFF3C80  }
0x145: {  	v29 =	vld [tilespmem:s5+$0x0];
	_ =	sdelay $0x4  }
0x146: {  	v30 =	vadd.s32 v15, v29  }
0x147: {  	s4 =	simm.s32 $0x10;
	vm14 =	vgt.s32 v30, $0x0  }
0x148: {  	v28 =	vld [tilespmem:s4+$0x0];
	v30 =	vnsel vm14, $0x0, v30;
	_ =	sdelay $0x3  }
0x149: {  	v31 =	vld [tilespmem:s5+$0x1A700]  }
0x14a: {  	v32 =	vadd.s32 v15, v28;
	v30 =	vld.idx.msk [tilespmem:v30+s26+$0x0], $0xffff  }
0x14b: {  	vm15 =	vgt.s32 v32, $0x0  }
0x14c: {  	s7 =	simm.s32 $0xC0;
	s6 =	simm.s32 $0x20;
	v32 =	vnsel vm15, $0x0, v32  }
.LBB2_8:
0x14d: {  	p5 =	sne.s32 s7, $0x3FC0;
	v33 =	vadd.s32 v1, v29;
	v29 =	vmov v28;
	v28 =	vld [tilespmem:s6+$0x0]  }
0x14e: {  	vm0 =	vgt.s32 v33, $0xC37F  }
0x14f: {  	v30 =	vsel vm0, v30, v31  }
.Ltmp5:
0x150: {  	[tilespmem:s5+$0x1A700] =	vst v30;
	s5 =	smov.u32 s4;
	s4 =	smov.u32 s6;
	(pc) =	sbr.rel @p5 .LBB2_8-.Ltmp5, $4  }
0x151: {  	v30 =	vld.idx.msk [tilespmem:v32+s26+$0x0], $0xffff  }
0x152: {  	v32 =	vadd.s32 v15, v28;
	v31 =	vld [tilespmem:s5+$0x1A700]  }
0x153: {  	vm0 =	vgt.s32 v32, $0x0  }
0x154: {  	s6 =	sshra.s32 s7, $0x2;
	s7 =	sadd.s32 $0x40, s7;
	v32 =	vnsel vm0, $0x0, v32  }
0x155: {  	v29 =	vadd.s32 v1, v29  }
0x156: {  	v33 =	vld [tilespmem:s6+$0x0];
	vm0 =	vgt.s32 v29, $0xC37F  }
0x157: {  	v29 =	vsel vm0, v30, v31  }
0x158: {  	[tilespmem:s5+$0x1A700] =	vst v29  }
0x159: {  	v29 =	vld.idx.msk [tilespmem:v32+s26+$0x0], $0xffff  }
0x15a: {  	v31 =	vld [tilespmem:s4+$0x1A700]  }
0x15b: {  	v30 =	vadd.s32 v15, v33  }
0x15c: {  	vm0 =	vgt.s32 v30, $0x0  }
0x15d: {  	v28 =	vadd.s32 v1, v28;
	v30 =	vnsel vm0, $0x0, v30  }
0x15e: {  	vm0 =	vgt.s32 v28, $0xC37F  }
0x15f: {  	v28 =	vsel vm0, v29, v31  }
0x160: {  	[tilespmem:s4+$0x1A700] =	vst v28  }
0x161: {  	v29 =	vld [tilespmem:s6+$0x1A700]  }
0x162: {  	v28 =	vld.idx.msk [tilespmem:v30+s26+$0x0], $0xffff;
	_ =	sdelay $0x2  }
0x163: {  	v30 =	vadd.s32 v1, v33  }
0x164: {  	vm0 =	vgt.s32 v30, $0xC37F  }
0x165: {  	s9 =	sld [smem:$0x7E8];
	v28 =	vsel vm0, v28, v29  }
0x166: {  	s8 =	rddreg [dreg:$0x18];
	[tilespmem:s6+$0x1A700] =	vst v28  }
0x167: {  	[tilespmem:s26], [sflag:$0x2] =	stream.strided.gather [hbm4b:s8+s23], $0xC380, s24, s23, $0x38;
	[tilespmem:$0x1B700] =	vst v63  }
0x168: {  	p5 =	seq.s32 s9, $0x1  }
0x169: {  	[hbm4b:s14+s23] =	stream.strided.scatter [tilespmem:s0], [sflag:$0x4], $0x1000, s24, s23, $0x38;
	[tilespmem:$0x1B700] =	vst v63  }
0x16a: {  	s5 =	simm.s32 @!p5 $0x400;
	s4 =	simm.s32 @!p5 $0x80;
	s6 =	simm.s32 @!p5 $0x0  }
0x16b: {  	[tilespmem:s6], [sflag:$0x5] =	stream.strided.gather @!p5 [hbm4b:s15+s4], $0x1000, s5, s4, $0x38;
	[tilespmem:$0x1B700] =	vst v63  }
0x16c: {  	s4 =	simm.s32 @!p5 $0x5  }
0x16d: {  	_ =	swait.ge @!p5 [sflag:s4], $0x1000  }
0x16e: {  	[sflag:s4] =	ssyncset.done @!p5 $0x0  }
0x16f: {  	[sflag:s4] =	ssyncadd.s32 @!p5 $0xFFFFF000  }
0x170: {  	_ =	swait.ge [sflag:s1], $0x1000  }
0x171: {  	[sflag:s1] =	ssyncset.done $0x0  }
0x172: {  	[sflag:s1] =	ssyncadd.s32 $0xFFFFF000  }
0x173: {  	_ =	swait.ge [sflag:s29], $0xC380  }
0x174: {  	[sflag:s29] =	ssyncset.done $0x0  }
0x175: {  	s5 =	simm.s32 $0x0;
	[sflag:s29] =	ssyncadd.s32 $0xFFFF3C80  }
0x176: {  	v28 =	vld [tilespmem:s5+$0x0];
	_ =	sdelay $0x4  }
0x177: {  	s4 =	simm.s32 $0x10;
	v28 =	vadd.s32 v2, v28  }
0x178: {  	v29 =	vld [tilespmem:s4+$0x0];
	vm0 =	vlt.s32 v28, $0xC37F  }
0x179: {  	v28 =	vnsel vm0, $0xC37F, v28;
	_ =	sdelay $0x3  }
0x17a: {  	v29 =	vadd.s32 v2, v29  }
0x17b: {  	s7 =	simm.s32 $0xC0;
	s6 =	simm.s32 $0x20;
	vm0 =	vlt.s32 v29, $0xC37F;
	v28 =	vld.idx.msk [tilespmem:v28+s25+$0x0], $0xffff  }
.LBB2_10:
0x17c: {  	p5 =	sne.s32 s7, $0x3FC0;
	v30 =	vld [tilespmem:s6+$0x0];
	v31 =	vnsel vm0, $0xC37F, v29;
	_ =	sdelay $0x1  }
.Ltmp6:
0x17d: {  	(pc) =	sbr.rel @p5 .LBB2_10-.Ltmp6, $4  }
0x17e: {  	_ = 	snop  }
0x17f: {  	[tilespmem:s5+$0x19700] =	vst v28;
	s5 =	smov.u32 s4;
	s4 =	smov.u32 s6  }
0x180: {  	v29 =	vadd.s32 v2, v30;
	v28 =	vld.idx.msk [tilespmem:v31+s25+$0x0], $0xffff  }
0x181: {  	s6 =	sshra.s32 s7, $0x2;
	s7 =	sadd.s32 $0x40, s7;
	vm0 =	vlt.s32 v29, $0xC37F  }
0x182: {  	v30 =	vld [tilespmem:s6+$0x0]  }
0x183: {  	v29 =	vnsel vm0, $0xC37F, v29;
	_ =	sdelay $0x3  }
0x184: {  	[tilespmem:s5+$0x19700] =	vst v28;
	v28 =	vadd.s32 v2, v30  }
0x185: {  	v29 =	vld.idx.msk [tilespmem:v29+s25+$0x0], $0xffff;
	vm13 =	vlt.s32 v28, $0xC37F  }
0x186: {  	v28 =	vnsel vm13, $0xC37F, v28;
	_ =	sdelay $0x3  }
0x187: {  	[tilespmem:s4+$0x19700] =	vst v29  }
0x188: {  	v28 =	vld.idx.msk [tilespmem:v28+s25+$0x0], $0xffff;
	_ =	sdelay $0x4  }
0x189: {  	s9 =	rddreg [dreg:$0x19];
	[tilespmem:s6+$0x19700] =	vst v28  }
0x18a: {  	[tilespmem:s25], [sflag:$0x1] =	stream.strided.gather [hbm4b:s9+s23], $0xC380, s24, s23, $0x38;
	[tilespmem:$0x1B700] =	vst v63  }
0x18b: {  	_ =	swait.ge [sflag:s30], $0xC380  }
0x18c: {  	[sflag:s30] =	ssyncset.done $0x0  }
0x18d: {  	s5 =	simm.s32 $0x0;
	[sflag:s30] =	ssyncadd.s32 $0xFFFF3C80  }
0x18e: {  	v29 =	vld [tilespmem:s5+$0x0];
	_ =	sdelay $0x4  }
0x18f: {  	v30 =	vadd.s32 v16, v29  }
0x190: {  	s4 =	simm.s32 $0x10;
	vm14 =	vgt.s32 v30, $0x0  }
0x191: {  	v28 =	vld [tilespmem:s4+$0x0];
	v30 =	vnsel vm14, $0x0, v30;
	_ =	sdelay $0x3  }
0x192: {  	v31 =	vld [tilespmem:s5+$0x19700]  }
0x193: {  	v32 =	vadd.s32 v16, v28;
	v30 =	vld.idx.msk [tilespmem:v30+s26+$0x0], $0xffff  }
0x194: {  	vm15 =	vgt.s32 v32, $0x0  }
0x195: {  	s7 =	simm.s32 $0xC0;
	s6 =	simm.s32 $0x20;
	v32 =	vnsel vm15, $0x0, v32  }
.LBB2_12:
0x196: {  	p5 =	sne.s32 s7, $0x3FC0;
	v33 =	vadd.s32 v2, v29;
	v29 =	vmov v28;
	v28 =	vld [tilespmem:s6+$0x0]  }
0x197: {  	vm0 =	vgt.s32 v33, $0xC37F  }
0x198: {  	v30 =	vsel vm0, v30, v31  }
.Ltmp7:
0x199: {  	[tilespmem:s5+$0x19700] =	vst v30;
	s5 =	smov.u32 s4;
	s4 =	smov.u32 s6;
	(pc) =	sbr.rel @p5 .LBB2_12-.Ltmp7, $4  }
0x19a: {  	v30 =	vld.idx.msk [tilespmem:v32+s26+$0x0], $0xffff  }
0x19b: {  	v32 =	vadd.s32 v16, v28;
	v31 =	vld [tilespmem:s5+$0x19700]  }
0x19c: {  	vm0 =	vgt.s32 v32, $0x0  }
0x19d: {  	s6 =	sshra.s32 s7, $0x2;
	s7 =	sadd.s32 $0x40, s7;
	v32 =	vnsel vm0, $0x0, v32  }
0x19e: {  	v29 =	vadd.s32 v2, v29  }
0x19f: {  	v33 =	vld [tilespmem:s6+$0x0];
	vm0 =	vgt.s32 v29, $0xC37F  }
0x1a0: {  	v29 =	vsel vm0, v30, v31  }
0x1a1: {  	[tilespmem:s5+$0x19700] =	vst v29  }
0x1a2: {  	v29 =	vld.idx.msk [tilespmem:v32+s26+$0x0], $0xffff  }
0x1a3: {  	v31 =	vld [tilespmem:s4+$0x19700]  }
0x1a4: {  	v30 =	vadd.s32 v16, v33  }
0x1a5: {  	vm0 =	vgt.s32 v30, $0x0  }
0x1a6: {  	v28 =	vadd.s32 v2, v28;
	v30 =	vnsel vm0, $0x0, v30  }
0x1a7: {  	vm0 =	vgt.s32 v28, $0xC37F  }
0x1a8: {  	v28 =	vsel vm0, v29, v31  }
0x1a9: {  	[tilespmem:s4+$0x19700] =	vst v28  }
0x1aa: {  	v29 =	vld [tilespmem:s6+$0x19700]  }
0x1ab: {  	v28 =	vld.idx.msk [tilespmem:v30+s26+$0x0], $0xffff;
	_ =	sdelay $0x2  }
0x1ac: {  	v30 =	vadd.s32 v2, v33  }
0x1ad: {  	vm0 =	vgt.s32 v30, $0xC37F  }
0x1ae: {  	s9 =	sld [smem:$0x7EA];
	v28 =	vsel vm0, v28, v29  }
0x1af: {  	s8 =	rddreg [dreg:$0x1a];
	[tilespmem:s6+$0x19700] =	vst v28  }
0x1b0: {  	[tilespmem:s26], [sflag:$0x2] =	stream.strided.gather [hbm4b:s8+s23], $0xC380, s24, s23, $0x38;
	[tilespmem:$0x1B700] =	vst v63  }
0x1b1: {  	p5 =	seq.s32 s9, $0x1  }
0x1b2: {  	[hbm4b:s17+s23] =	stream.strided.scatter [tilespmem:s31], [sflag:$0x3], $0x1000, s24, s23, $0x38;
	[tilespmem:$0x1B700] =	vst v63  }
0x1b3: {  	s5 =	simm.s32 @!p5 $0x400;
	s4 =	simm.s32 @!p5 $0x80;
	s6 =	simm.s32 @!p5 $0x0  }
0x1b4: {  	[tilespmem:s6], [sflag:$0x5] =	stream.strided.gather @!p5 [hbm4b:s18+s4], $0x1000, s5, s4, $0x38;
	[tilespmem:$0x1B700] =	vst v63  }
0x1b5: {  	s4 =	simm.s32 @!p5 $0x5  }
0x1b6: {  	_ =	swait.ge @!p5 [sflag:s4], $0x1000  }
0x1b7: {  	[sflag:s4] =	ssyncset.done @!p5 $0x0  }
0x1b8: {  	[sflag:s4] =	ssyncadd.s32 @!p5 $0xFFFFF000  }
0x1b9: {  	_ =	swait.ge [sflag:s2], $0x1000  }
0x1ba: {  	[sflag:s2] =	ssyncset.done $0x0  }
0x1bb: {  	[sflag:s2] =	ssyncadd.s32 $0xFFFFF000  }
0x1bc: {  	_ =	swait.ge [sflag:s29], $0xC380  }
0x1bd: {  	[sflag:s29] =	ssyncset.done $0x0  }
0x1be: {  	s5 =	simm.s32 $0x0;
	[sflag:s29] =	ssyncadd.s32 $0xFFFF3C80  }
0x1bf: {  	v28 =	vld [tilespmem:s5+$0x0];
	_ =	sdelay $0x4  }
0x1c0: {  	s4 =	simm.s32 $0x10;
	v28 =	vadd.s32 v3, v28  }
0x1c1: {  	v29 =	vld [tilespmem:s4+$0x0];
	vm0 =	vlt.s32 v28, $0xC37F  }
0x1c2: {  	v28 =	vnsel vm0, $0xC37F, v28;
	_ =	sdelay $0x3  }
0x1c3: {  	v29 =	vadd.s32 v3, v29  }
0x1c4: {  	s7 =	simm.s32 $0xC0;
	s6 =	simm.s32 $0x20;
	vm0 =	vlt.s32 v29, $0xC37F;
	v28 =	vld.idx.msk [tilespmem:v28+s25+$0x0], $0xffff  }
.LBB2_14:
0x1c5: {  	p5 =	sne.s32 s7, $0x3FC0;
	v30 =	vld [tilespmem:s6+$0x0];
	v31 =	vnsel vm0, $0xC37F, v29;
	_ =	sdelay $0x1  }
.Ltmp8:
0x1c6: {  	(pc) =	sbr.rel @p5 .LBB2_14-.Ltmp8, $4  }
0x1c7: {  	_ = 	snop  }
0x1c8: {  	[tilespmem:s5+$0x1A700] =	vst v28;
	s5 =	smov.u32 s4;
	s4 =	smov.u32 s6  }
0x1c9: {  	v29 =	vadd.s32 v3, v30;
	v28 =	vld.idx.msk [tilespmem:v31+s25+$0x0], $0xffff  }
0x1ca: {  	s6 =	sshra.s32 s7, $0x2;
	s7 =	sadd.s32 $0x40, s7;
	vm0 =	vlt.s32 v29, $0xC37F  }
0x1cb: {  	v30 =	vld [tilespmem:s6+$0x0]  }
0x1cc: {  	v29 =	vnsel vm0, $0xC37F, v29;
	_ =	sdelay $0x3  }
0x1cd: {  	[tilespmem:s5+$0x1A700] =	vst v28;
	v28 =	vadd.s32 v3, v30  }
0x1ce: {  	v29 =	vld.idx.msk [tilespmem:v29+s25+$0x0], $0xffff;
	vm13 =	vlt.s32 v28, $0xC37F  }
0x1cf: {  	v28 =	vnsel vm13, $0xC37F, v28;
	_ =	sdelay $0x3  }
0x1d0: {  	[tilespmem:s4+$0x1A700] =	vst v29  }
0x1d1: {  	v28 =	vld.idx.msk [tilespmem:v28+s25+$0x0], $0xffff;
	_ =	sdelay $0x4  }
0x1d2: {  	s9 =	rddreg [dreg:$0x1b];
	[tilespmem:s6+$0x1A700] =	vst v28  }
0x1d3: {  	[tilespmem:s25], [sflag:$0x1] =	stream.strided.gather [hbm4b:s9+s23], $0xC380, s24, s23, $0x38;
	[tilespmem:$0x1B700] =	vst v63  }
0x1d4: {  	_ =	swait.ge [sflag:s30], $0xC380  }
0x1d5: {  	[sflag:s30] =	ssyncset.done $0x0  }
0x1d6: {  	s5 =	simm.s32 $0x0;
	[sflag:s30] =	ssyncadd.s32 $0xFFFF3C80  }
0x1d7: {  	v29 =	vld [tilespmem:s5+$0x0];
	_ =	sdelay $0x4  }
0x1d8: {  	v30 =	vadd.s32 v17, v29  }
0x1d9: {  	s4 =	simm.s32 $0x10;
	vm14 =	vgt.s32 v30, $0x0  }
0x1da: {  	v28 =	vld [tilespmem:s4+$0x0];
	v30 =	vnsel vm14, $0x0, v30;
	_ =	sdelay $0x3  }
0x1db: {  	v31 =	vld [tilespmem:s5+$0x1A700]  }
0x1dc: {  	v32 =	vadd.s32 v17, v28;
	v30 =	vld.idx.msk [tilespmem:v30+s26+$0x0], $0xffff  }
0x1dd: {  	vm15 =	vgt.s32 v32, $0x0  }
0x1de: {  	s7 =	simm.s32 $0xC0;
	s6 =	simm.s32 $0x20;
	v32 =	vnsel vm15, $0x0, v32  }
.LBB2_16:
0x1df: {  	p5 =	sne.s32 s7, $0x3FC0;
	v33 =	vadd.s32 v3, v29;
	v29 =	vmov v28;
	v28 =	vld [tilespmem:s6+$0x0]  }
0x1e0: {  	vm0 =	vgt.s32 v33, $0xC37F  }
0x1e1: {  	v30 =	vsel vm0, v30, v31  }
.Ltmp9:
0x1e2: {  	[tilespmem:s5+$0x1A700] =	vst v30;
	s5 =	smov.u32 s4;
	s4 =	smov.u32 s6;
	(pc) =	sbr.rel @p5 .LBB2_16-.Ltmp9, $4  }
0x1e3: {  	v30 =	vld.idx.msk [tilespmem:v32+s26+$0x0], $0xffff  }
0x1e4: {  	v32 =	vadd.s32 v17, v28;
	v31 =	vld [tilespmem:s5+$0x1A700]  }
0x1e5: {  	vm0 =	vgt.s32 v32, $0x0  }
0x1e6: {  	s6 =	sshra.s32 s7, $0x2;
	s7 =	sadd.s32 $0x40, s7;
	v32 =	vnsel vm0, $0x0, v32  }
0x1e7: {  	v29 =	vadd.s32 v3, v29  }
0x1e8: {  	v33 =	vld [tilespmem:s6+$0x0];
	vm0 =	vgt.s32 v29, $0xC37F  }
0x1e9: {  	v29 =	vsel vm0, v30, v31  }
0x1ea: {  	[tilespmem:s5+$0x1A700] =	vst v29  }
0x1eb: {  	v29 =	vld.idx.msk [tilespmem:v32+s26+$0x0], $0xffff  }
0x1ec: {  	v31 =	vld [tilespmem:s4+$0x1A700]  }
0x1ed: {  	v30 =	vadd.s32 v17, v33  }
0x1ee: {  	vm0 =	vgt.s32 v30, $0x0  }
0x1ef: {  	v28 =	vadd.s32 v3, v28;
	v30 =	vnsel vm0, $0x0, v30  }
0x1f0: {  	vm0 =	vgt.s32 v28, $0xC37F  }
0x1f1: {  	v28 =	vsel vm0, v29, v31  }
0x1f2: {  	[tilespmem:s4+$0x1A700] =	vst v28  }
0x1f3: {  	v29 =	vld [tilespmem:s6+$0x1A700]  }
0x1f4: {  	v28 =	vld.idx.msk [tilespmem:v30+s26+$0x0], $0xffff;
	_ =	sdelay $0x2  }
0x1f5: {  	v30 =	vadd.s32 v3, v33  }
0x1f6: {  	vm0 =	vgt.s32 v30, $0xC37F  }
0x1f7: {  	s9 =	sld [smem:$0x7EC];
	v28 =	vsel vm0, v28, v29  }
0x1f8: {  	s8 =	rddreg [dreg:$0x1c];
	[tilespmem:s6+$0x1A700] =	vst v28  }
0x1f9: {  	[tilespmem:s26], [sflag:$0x2] =	stream.strided.gather [hbm4b:s8+s23], $0xC380, s24, s23, $0x38;
	[tilespmem:$0x1B700] =	vst v63  }
0x1fa: {  	s7 =	rddreg [dreg:$0x5];
	p5 =	seq.s32 s9, $0x1  }
0x1fb: {  	[hbm4b:s21+s23] =	stream.strided.scatter [tilespmem:s0], [sflag:$0x4], $0x1000, s24, s23, $0x38;
	[tilespmem:$0x1B700] =	vst v63  }
0x1fc: {  	s5 =	simm.s32 @!p5 $0x400;
	s4 =	simm.s32 @!p5 $0x80;
	s6 =	simm.s32 @!p5 $0x0  }
0x1fd: {  	[tilespmem:s6], [sflag:$0x5] =	stream.strided.gather @!p5 [hbm4b:s7+s4], $0x1000, s5, s4, $0x38;
	[tilespmem:$0x1B700] =	vst v63  }
0x1fe: {  	s4 =	simm.s32 @!p5 $0x5  }
0x1ff: {  	_ =	swait.ge @!p5 [sflag:s4], $0x1000  }
0x200: {  	[sflag:s4] =	ssyncset.done @!p5 $0x0  }
0x201: {  	[sflag:s4] =	ssyncadd.s32 @!p5 $0xFFFFF000  }
0x202: {  	_ =	swait.ge [sflag:s1], $0x1000  }
0x203: {  	[sflag:s1] =	ssyncset.done $0x0  }
0x204: {  	[sflag:s1] =	ssyncadd.s32 $0xFFFFF000  }
0x205: {  	_ =	swait.ge [sflag:s29], $0xC380  }
0x206: {  	[sflag:s29] =	ssyncset.done $0x0  }
0x207: {  	s5 =	simm.s32 $0x0;
	[sflag:s29] =	ssyncadd.s32 $0xFFFF3C80  }
0x208: {  	v28 =	vld [tilespmem:s5+$0x0];
	_ =	sdelay $0x4  }
0x209: {  	s4 =	simm.s32 $0x10;
	v28 =	vadd.s32 v4, v28  }
0x20a: {  	v29 =	vld [tilespmem:s4+$0x0];
	vm0 =	vlt.s32 v28, $0xC37F  }
0x20b: {  	v28 =	vnsel vm0, $0xC37F, v28;
	_ =	sdelay $0x3  }
0x20c: {  	v29 =	vadd.s32 v4, v29  }
0x20d: {  	s6 =	simm.s32 $0x20;
	s7 =	simm.s32 $0xC0;
	vm0 =	vlt.s32 v29, $0xC37F;
	v28 =	vld.idx.msk [tilespmem:v28+s25+$0x0], $0xffff  }
.LBB2_18:
0x20e: {  	p5 =	sne.s32 s7, $0x3FC0;
	v30 =	vld [tilespmem:s6+$0x0];
	v31 =	vnsel vm0, $0xC37F, v29;
	_ =	sdelay $0x1  }
.Ltmp10:
0x20f: {  	(pc) =	sbr.rel @p5 .LBB2_18-.Ltmp10, $4  }
0x210: {  	_ = 	snop  }
0x211: {  	[tilespmem:s5+$0x19700] =	vst v28;
	s5 =	smov.u32 s4;
	s4 =	smov.u32 s6  }
0x212: {  	v29 =	vadd.s32 v4, v30;
	v28 =	vld.idx.msk [tilespmem:v31+s25+$0x0], $0xffff  }
0x213: {  	s6 =	sshra.s32 s7, $0x2;
	s7 =	sadd.s32 $0x40, s7;
	vm0 =	vlt.s32 v29, $0xC37F  }
0x214: {  	v30 =	vld [tilespmem:s6+$0x0]  }
0x215: {  	v29 =	vnsel vm0, $0xC37F, v29;
	_ =	sdelay $0x3  }
0x216: {  	[tilespmem:s5+$0x19700] =	vst v28;
	v28 =	vadd.s32 v4, v30  }
0x217: {  	v29 =	vld.idx.msk [tilespmem:v29+s25+$0x0], $0xffff;
	vm13 =	vlt.s32 v28, $0xC37F  }
0x218: {  	v28 =	vnsel vm13, $0xC37F, v28;
	_ =	sdelay $0x3  }
0x219: {  	[tilespmem:s4+$0x19700] =	vst v29  }
0x21a: {  	v28 =	vld.idx.msk [tilespmem:v28+s25+$0x0], $0xffff;
	_ =	sdelay $0x4  }
0x21b: {  	s9 =	rddreg [dreg:$0x1d];
	[tilespmem:s6+$0x19700] =	vst v28  }
0x21c: {  	[tilespmem:s25], [sflag:$0x1] =	stream.strided.gather [hbm4b:s9+s23], $0xC380, s24, s23, $0x38;
	[tilespmem:$0x1B700] =	vst v63  }
0x21d: {  	_ =	swait.ge [sflag:s30], $0xC380  }
0x21e: {  	[sflag:s30] =	ssyncset.done $0x0  }
0x21f: {  	s5 =	simm.s32 $0x0;
	[sflag:s30] =	ssyncadd.s32 $0xFFFF3C80  }
0x220: {  	v29 =	vld [tilespmem:s5+$0x0];
	_ =	sdelay $0x4  }
0x221: {  	v30 =	vadd.s32 v18, v29  }
0x222: {  	s4 =	simm.s32 $0x10;
	vm14 =	vgt.s32 v30, $0x0  }
0x223: {  	v28 =	vld [tilespmem:s4+$0x0];
	v30 =	vnsel vm14, $0x0, v30;
	_ =	sdelay $0x3  }
0x224: {  	v31 =	vld [tilespmem:s5+$0x19700]  }
0x225: {  	v32 =	vadd.s32 v18, v28;
	v30 =	vld.idx.msk [tilespmem:v30+s26+$0x0], $0xffff  }
0x226: {  	vm15 =	vgt.s32 v32, $0x0  }
0x227: {  	s7 =	simm.s32 $0xC0;
	s6 =	simm.s32 $0x20;
	v32 =	vnsel vm15, $0x0, v32  }
.LBB2_20:
0x228: {  	p5 =	sne.s32 s7, $0x3FC0;
	v33 =	vadd.s32 v4, v29;
	v29 =	vmov v28;
	v28 =	vld [tilespmem:s6+$0x0]  }
0x229: {  	vm0 =	vgt.s32 v33, $0xC37F  }
0x22a: {  	v30 =	vsel vm0, v30, v31  }
.Ltmp11:
0x22b: {  	[tilespmem:s5+$0x19700] =	vst v30;
	s5 =	smov.u32 s4;
	s4 =	smov.u32 s6;
	(pc) =	sbr.rel @p5 .LBB2_20-.Ltmp11, $4  }
0x22c: {  	v30 =	vld.idx.msk [tilespmem:v32+s26+$0x0], $0xffff  }
0x22d: {  	v32 =	vadd.s32 v18, v28;
	v31 =	vld [tilespmem:s5+$0x19700]  }
0x22e: {  	vm0 =	vgt.s32 v32, $0x0  }
0x22f: {  	s6 =	sshra.s32 s7, $0x2;
	s7 =	sadd.s32 $0x40, s7;
	v32 =	vnsel vm0, $0x0, v32  }
0x230: {  	v29 =	vadd.s32 v4, v29  }
0x231: {  	v33 =	vld [tilespmem:s6+$0x0];
	vm0 =	vgt.s32 v29, $0xC37F  }
0x232: {  	v29 =	vsel vm0, v30, v31  }
0x233: {  	[tilespmem:s5+$0x19700] =	vst v29  }
0x234: {  	v29 =	vld.idx.msk [tilespmem:v32+s26+$0x0], $0xffff  }
0x235: {  	v31 =	vld [tilespmem:s4+$0x19700]  }
0x236: {  	v30 =	vadd.s32 v18, v33  }
0x237: {  	vm0 =	vgt.s32 v30, $0x0  }
0x238: {  	v28 =	vadd.s32 v4, v28;
	v30 =	vnsel vm0, $0x0, v30  }
0x239: {  	vm0 =	vgt.s32 v28, $0xC37F  }
0x23a: {  	v28 =	vsel vm0, v29, v31  }
0x23b: {  	[tilespmem:s4+$0x19700] =	vst v28  }
0x23c: {  	v29 =	vld [tilespmem:s6+$0x19700]  }
0x23d: {  	v28 =	vld.idx.msk [tilespmem:v30+s26+$0x0], $0xffff;
	_ =	sdelay $0x2  }
0x23e: {  	s9 =	sld [smem:$0x7EE];
	v30 =	vadd.s32 v4, v33  }
0x23f: {  	vm0 =	vgt.s32 v30, $0xC37F  }
0x240: {  	v28 =	vsel vm0, v28, v29  }
0x241: {  	s7 =	rddreg [dreg:$0x1e];
	p5 =	seq.s32 s9, $0x1;
	[tilespmem:s6+$0x19700] =	vst v28  }
0x242: {  	[tilespmem:s26], [sflag:$0x2] =	stream.strided.gather [hbm4b:s7+s23], $0xC380, s24, s23, $0x38;
	[tilespmem:$0x1B700] =	vst v63  }
0x243: {  	s8 =	rddreg [dreg:$0x6];
	s5 =	simm.s32 @!p5 $0x400  }
0x244: {  	[hbm4b:s8+s23] =	stream.strided.scatter [tilespmem:s31], [sflag:$0x3], $0x1000, s24, s23, $0x38;
	[tilespmem:$0x1B700] =	vst v63  }
0x245: {  	s4 =	simm.s32 @!p5 $0x80;
	s6 =	simm.s32 @!p5 $0x0;
	s7 =	rddreg [dreg:$0x7]  }
0x246: {  	[tilespmem:s6], [sflag:$0x5] =	stream.strided.gather @!p5 [hbm4b:s7+s4], $0x1000, s5, s4, $0x38;
	[tilespmem:$0x1B700] =	vst v63  }
0x247: {  	s4 =	simm.s32 @!p5 $0x5  }
0x248: {  	_ =	swait.ge @!p5 [sflag:s4], $0x1000  }
0x249: {  	[sflag:s4] =	ssyncset.done @!p5 $0x0  }
0x24a: {  	[sflag:s4] =	ssyncadd.s32 @!p5 $0xFFFFF000  }
0x24b: {  	_ =	swait.ge [sflag:s2], $0x1000  }
0x24c: {  	[sflag:s2] =	ssyncset.done $0x0  }
0x24d: {  	[sflag:s2] =	ssyncadd.s32 $0xFFFFF000  }
0x24e: {  	_ =	swait.ge [sflag:s29], $0xC380  }
0x24f: {  	[sflag:s29] =	ssyncset.done $0x0  }
0x250: {  	s5 =	simm.s32 $0x0;
	[sflag:s29] =	ssyncadd.s32 $0xFFFF3C80  }
0x251: {  	v28 =	vld [tilespmem:s5+$0x0];
	_ =	sdelay $0x4  }
0x252: {  	s4 =	simm.s32 $0x10;
	v28 =	vadd.s32 v5, v28  }
0x253: {  	v29 =	vld [tilespmem:s4+$0x0];
	vm0 =	vlt.s32 v28, $0xC37F  }
0x254: {  	v28 =	vnsel vm0, $0xC37F, v28;
	_ =	sdelay $0x3  }
0x255: {  	v29 =	vadd.s32 v5, v29  }
0x256: {  	s6 =	simm.s32 $0x20;
	s7 =	simm.s32 $0xC0;
	vm0 =	vlt.s32 v29, $0xC37F;
	v28 =	vld.idx.msk [tilespmem:v28+s25+$0x0], $0xffff  }
.LBB2_22:
0x257: {  	p5 =	sne.s32 s7, $0x3FC0;
	v30 =	vld [tilespmem:s6+$0x0];
	v31 =	vnsel vm0, $0xC37F, v29;
	_ =	sdelay $0x1  }
.Ltmp12:
0x258: {  	(pc) =	sbr.rel @p5 .LBB2_22-.Ltmp12, $4  }
0x259: {  	_ = 	snop  }
0x25a: {  	[tilespmem:s5+$0x1A700] =	vst v28;
	s5 =	smov.u32 s4;
	s4 =	smov.u32 s6  }
0x25b: {  	v29 =	vadd.s32 v5, v30;
	v28 =	vld.idx.msk [tilespmem:v31+s25+$0x0], $0xffff  }
0x25c: {  	s6 =	sshra.s32 s7, $0x2;
	s7 =	sadd.s32 $0x40, s7;
	vm0 =	vlt.s32 v29, $0xC37F  }
0x25d: {  	v30 =	vld [tilespmem:s6+$0x0]  }
0x25e: {  	v29 =	vnsel vm0, $0xC37F, v29;
	_ =	sdelay $0x3  }
0x25f: {  	[tilespmem:s5+$0x1A700] =	vst v28;
	v28 =	vadd.s32 v5, v30  }
0x260: {  	v29 =	vld.idx.msk [tilespmem:v29+s25+$0x0], $0xffff;
	vm13 =	vlt.s32 v28, $0xC37F  }
0x261: {  	v28 =	vnsel vm13, $0xC37F, v28;
	_ =	sdelay $0x3  }
0x262: {  	[tilespmem:s4+$0x1A700] =	vst v29  }
0x263: {  	v28 =	vld.idx.msk [tilespmem:v28+s25+$0x0], $0xffff;
	_ =	sdelay $0x4  }
0x264: {  	s9 =	rddreg [dreg:$0x1f];
	[tilespmem:s6+$0x1A700] =	vst v28  }
0x265: {  	[tilespmem:s25], [sflag:$0x1] =	stream.strided.gather [hbm4b:s9+s23], $0xC380, s24, s23, $0x38;
	[tilespmem:$0x1B700] =	vst v63  }
0x266: {  	_ =	swait.ge [sflag:s30], $0xC380  }
0x267: {  	[sflag:s30] =	ssyncset.done $0x0  }
0x268: {  	s5 =	simm.s32 $0x0;
	[sflag:s30] =	ssyncadd.s32 $0xFFFF3C80  }
0x269: {  	v29 =	vld [tilespmem:s5+$0x0];
	_ =	sdelay $0x4  }
0x26a: {  	v30 =	vadd.s32 v19, v29  }
0x26b: {  	s4 =	simm.s32 $0x10;
	vm14 =	vgt.s32 v30, $0x0  }
0x26c: {  	v28 =	vld [tilespmem:s4+$0x0];
	v30 =	vnsel vm14, $0x0, v30;
	_ =	sdelay $0x3  }
0x26d: {  	v31 =	vld [tilespmem:s5+$0x1A700]  }
0x26e: {  	v32 =	vadd.s32 v19, v28;
	v30 =	vld.idx.msk [tilespmem:v30+s26+$0x0], $0xffff  }
0x26f: {  	vm15 =	vgt.s32 v32, $0x0  }
0x270: {  	s7 =	simm.s32 $0xC0;
	s6 =	simm.s32 $0x20;
	v32 =	vnsel vm15, $0x0, v32  }
.LBB2_24:
0x271: {  	p5 =	sne.s32 s7, $0x3FC0;
	v33 =	vadd.s32 v5, v29;
	v29 =	vmov v28;
	v28 =	vld [tilespmem:s6+$0x0]  }
0x272: {  	vm0 =	vgt.s32 v33, $0xC37F  }
0x273: {  	v30 =	vsel vm0, v30, v31  }
.Ltmp13:
0x274: {  	[tilespmem:s5+$0x1A700] =	vst v30;
	s5 =	smov.u32 s4;
	s4 =	smov.u32 s6;
	(pc) =	sbr.rel @p5 .LBB2_24-.Ltmp13, $4  }
0x275: {  	v30 =	vld.idx.msk [tilespmem:v32+s26+$0x0], $0xffff  }
0x276: {  	v32 =	vadd.s32 v19, v28;
	v31 =	vld [tilespmem:s5+$0x1A700]  }
0x277: {  	vm0 =	vgt.s32 v32, $0x0  }
0x278: {  	s6 =	sshra.s32 s7, $0x2;
	s7 =	sadd.s32 $0x40, s7;
	v32 =	vnsel vm0, $0x0, v32  }
0x279: {  	v29 =	vadd.s32 v5, v29  }
0x27a: {  	v33 =	vld [tilespmem:s6+$0x0];
	vm0 =	vgt.s32 v29, $0xC37F  }
0x27b: {  	v29 =	vsel vm0, v30, v31  }
0x27c: {  	[tilespmem:s5+$0x1A700] =	vst v29  }
0x27d: {  	v29 =	vld.idx.msk [tilespmem:v32+s26+$0x0], $0xffff  }
0x27e: {  	v31 =	vld [tilespmem:s4+$0x1A700]  }
0x27f: {  	v30 =	vadd.s32 v19, v33  }
0x280: {  	vm0 =	vgt.s32 v30, $0x0  }
0x281: {  	v28 =	vadd.s32 v5, v28;
	v30 =	vnsel vm0, $0x0, v30  }
0x282: {  	vm0 =	vgt.s32 v28, $0xC37F  }
0x283: {  	v28 =	vsel vm0, v29, v31  }
0x284: {  	[tilespmem:s4+$0x1A700] =	vst v28  }
0x285: {  	v29 =	vld [tilespmem:s6+$0x1A700]  }
0x286: {  	v28 =	vld.idx.msk [tilespmem:v30+s26+$0x0], $0xffff;
	_ =	sdelay $0x2  }
0x287: {  	s9 =	sld [smem:$0x7F0];
	v30 =	vadd.s32 v5, v33  }
0x288: {  	s7 =	sld [smem:$0x7D1];
	vm0 =	vgt.s32 v30, $0xC37F  }
0x289: {  	v28 =	vsel vm0, v28, v29  }
0x28a: {  	p5 =	seq.s32 s9, $0x1;
	[tilespmem:s6+$0x1A700] =	vst v28  }
0x28b: {  	[tilespmem:s26], [sflag:$0x2] =	stream.strided.gather [hbm4b:s7+s23], $0xC380, s24, s23, $0x38;
	[tilespmem:$0x1B700] =	vst v63  }
0x28c: {  	s8 =	rddreg [dreg:$0x8];
	s5 =	simm.s32 @!p5 $0x400  }
0x28d: {  	[hbm4b:s8+s23] =	stream.strided.scatter [tilespmem:s0], [sflag:$0x4], $0x1000, s24, s23, $0x38;
	[tilespmem:$0x1B700] =	vst v63  }
0x28e: {  	s4 =	simm.s32 @!p5 $0x80;
	s6 =	simm.s32 @!p5 $0x0;
	s7 =	rddreg [dreg:$0x9]  }
0x28f: {  	[tilespmem:s6], [sflag:$0x5] =	stream.strided.gather @!p5 [hbm4b:s7+s4], $0x1000, s5, s4, $0x38;
	[tilespmem:$0x1B700] =	vst v63  }
0x290: {  	s4 =	simm.s32 @!p5 $0x5  }
0x291: {  	_ =	swait.ge @!p5 [sflag:s4], $0x1000  }
0x292: {  	[sflag:s4] =	ssyncset.done @!p5 $0x0  }
0x293: {  	[sflag:s4] =	ssyncadd.s32 @!p5 $0xFFFFF000  }
0x294: {  	_ =	swait.ge [sflag:s1], $0x1000  }
0x295: {  	[sflag:s1] =	ssyncset.done $0x0  }
0x296: {  	[sflag:s1] =	ssyncadd.s32 $0xFFFFF000  }
0x297: {  	_ =	swait.ge [sflag:s29], $0xC380  }
0x298: {  	[sflag:s29] =	ssyncset.done $0x0  }
0x299: {  	s5 =	simm.s32 $0x0;
	[sflag:s29] =	ssyncadd.s32 $0xFFFF3C80  }
0x29a: {  	v28 =	vld [tilespmem:s5+$0x0];
	_ =	sdelay $0x4  }
0x29b: {  	s4 =	simm.s32 $0x10;
	v28 =	vadd.s32 v6, v28  }
0x29c: {  	v29 =	vld [tilespmem:s4+$0x0];
	vm0 =	vlt.s32 v28, $0xC37F  }
0x29d: {  	v28 =	vnsel vm0, $0xC37F, v28;
	_ =	sdelay $0x3  }
0x29e: {  	v29 =	vadd.s32 v6, v29  }
0x29f: {  	s6 =	simm.s32 $0x20;
	s7 =	simm.s32 $0xC0;
	vm0 =	vlt.s32 v29, $0xC37F;
	v28 =	vld.idx.msk [tilespmem:v28+s25+$0x0], $0xffff  }
.LBB2_26:
0x2a0: {  	p5 =	sne.s32 s7, $0x3FC0;
	v30 =	vld [tilespmem:s6+$0x0];
	v31 =	vnsel vm0, $0xC37F, v29;
	_ =	sdelay $0x1  }
.Ltmp14:
0x2a1: {  	(pc) =	sbr.rel @p5 .LBB2_26-.Ltmp14, $4  }
0x2a2: {  	_ = 	snop  }
0x2a3: {  	[tilespmem:s5+$0x19700] =	vst v28;
	s5 =	smov.u32 s4;
	s4 =	smov.u32 s6  }
0x2a4: {  	v29 =	vadd.s32 v6, v30;
	v28 =	vld.idx.msk [tilespmem:v31+s25+$0x0], $0xffff  }
0x2a5: {  	s6 =	sshra.s32 s7, $0x2;
	s7 =	sadd.s32 $0x40, s7;
	vm0 =	vlt.s32 v29, $0xC37F  }
0x2a6: {  	v30 =	vld [tilespmem:s6+$0x0]  }
0x2a7: {  	v29 =	vnsel vm0, $0xC37F, v29;
	_ =	sdelay $0x3  }
0x2a8: {  	[tilespmem:s5+$0x19700] =	vst v28;
	v28 =	vadd.s32 v6, v30  }
0x2a9: {  	v29 =	vld.idx.msk [tilespmem:v29+s25+$0x0], $0xffff;
	vm13 =	vlt.s32 v28, $0xC37F  }
0x2aa: {  	v28 =	vnsel vm13, $0xC37F, v28;
	_ =	sdelay $0x3  }
0x2ab: {  	[tilespmem:s4+$0x19700] =	vst v29  }
0x2ac: {  	v28 =	vld.idx.msk [tilespmem:v28+s25+$0x0], $0xffff;
	_ =	sdelay $0x2  }
0x2ad: {  	s9 =	sld [smem:$0x7D2];
	_ =	sdelay $0x1  }
0x2ae: {  	[tilespmem:s6+$0x19700] =	vst v28  }
0x2af: {  	[tilespmem:s25], [sflag:$0x1] =	stream.strided.gather [hbm4b:s9+s23], $0xC380, s24, s23, $0x38;
	[tilespmem:$0x1B700] =	vst v63  }
0x2b0: {  	_ =	swait.ge [sflag:s30], $0xC380  }
0x2b1: {  	[sflag:s30] =	ssyncset.done $0x0  }
0x2b2: {  	s5 =	simm.s32 $0x0;
	[sflag:s30] =	ssyncadd.s32 $0xFFFF3C80  }
0x2b3: {  	v29 =	vld [tilespmem:s5+$0x0];
	_ =	sdelay $0x4  }
0x2b4: {  	v30 =	vadd.s32 v20, v29  }
0x2b5: {  	s4 =	simm.s32 $0x10;
	vm14 =	vgt.s32 v30, $0x0  }
0x2b6: {  	v28 =	vld [tilespmem:s4+$0x0];
	v30 =	vnsel vm14, $0x0, v30;
	_ =	sdelay $0x3  }
0x2b7: {  	v31 =	vld [tilespmem:s5+$0x19700]  }
0x2b8: {  	v32 =	vadd.s32 v20, v28;
	v30 =	vld.idx.msk [tilespmem:v30+s26+$0x0], $0xffff  }
0x2b9: {  	vm15 =	vgt.s32 v32, $0x0  }
0x2ba: {  	s7 =	simm.s32 $0xC0;
	s6 =	simm.s32 $0x20;
	v32 =	vnsel vm15, $0x0, v32  }
.LBB2_28:
0x2bb: {  	p5 =	sne.s32 s7, $0x3FC0;
	v33 =	vadd.s32 v6, v29;
	v29 =	vmov v28;
	v28 =	vld [tilespmem:s6+$0x0]  }
0x2bc: {  	vm0 =	vgt.s32 v33, $0xC37F  }
0x2bd: {  	v30 =	vsel vm0, v30, v31  }
.Ltmp15:
0x2be: {  	[tilespmem:s5+$0x19700] =	vst v30;
	s5 =	smov.u32 s4;
	s4 =	smov.u32 s6;
	(pc) =	sbr.rel @p5 .LBB2_28-.Ltmp15, $4  }
0x2bf: {  	v30 =	vld.idx.msk [tilespmem:v32+s26+$0x0], $0xffff  }
0x2c0: {  	v32 =	vadd.s32 v20, v28;
	v31 =	vld [tilespmem:s5+$0x19700]  }
0x2c1: {  	vm0 =	vgt.s32 v32, $0x0  }
0x2c2: {  	s6 =	sshra.s32 s7, $0x2;
	s7 =	sadd.s32 $0x40, s7;
	v32 =	vnsel vm0, $0x0, v32  }
0x2c3: {  	v29 =	vadd.s32 v6, v29  }
0x2c4: {  	v33 =	vld [tilespmem:s6+$0x0];
	vm0 =	vgt.s32 v29, $0xC37F  }
0x2c5: {  	v29 =	vsel vm0, v30, v31  }
0x2c6: {  	[tilespmem:s5+$0x19700] =	vst v29  }
0x2c7: {  	v29 =	vld.idx.msk [tilespmem:v32+s26+$0x0], $0xffff  }
0x2c8: {  	v31 =	vld [tilespmem:s4+$0x19700]  }
0x2c9: {  	v30 =	vadd.s32 v20, v33  }
0x2ca: {  	vm0 =	vgt.s32 v30, $0x0  }
0x2cb: {  	v28 =	vadd.s32 v6, v28;
	v30 =	vnsel vm0, $0x0, v30  }
0x2cc: {  	vm0 =	vgt.s32 v28, $0xC37F  }
0x2cd: {  	v28 =	vsel vm0, v29, v31  }
0x2ce: {  	[tilespmem:s4+$0x19700] =	vst v28  }
0x2cf: {  	v29 =	vld [tilespmem:s6+$0x19700]  }
0x2d0: {  	v28 =	vld.idx.msk [tilespmem:v30+s26+$0x0], $0xffff;
	_ =	sdelay $0x2  }
0x2d1: {  	v30 =	vadd.s32 v6, v33  }
0x2d2: {  	s8 =	sld [smem:$0x7D3];
	vm0 =	vgt.s32 v30, $0xC37F  }
0x2d3: {  	v28 =	vsel vm0, v28, v29  }
0x2d4: {  	s9 =	rddreg [dreg:$0xa];
	[tilespmem:s6+$0x19700] =	vst v28  }
0x2d5: {  	[tilespmem:s26], [sflag:$0x2] =	stream.strided.gather [hbm4b:s8+s23], $0xC380, s24, s23, $0x38;
	[tilespmem:$0x1B700] =	vst v63  }
0x2d6: {  	s7 =	rddreg [dreg:$0xb]  }
0x2d7: {  	[hbm4b:s9+s23] =	stream.strided.scatter [tilespmem:s31], [sflag:$0x3], $0x1000, s24, s23, $0x38;
	[tilespmem:$0x1B700] =	vst v63  }
0x2d8: {  	s5 =	simm.s32 @!p6 $0x400;
	s4 =	simm.s32 @!p6 $0x80;
	s6 =	simm.s32 @!p6 $0x0  }
0x2d9: {  	[tilespmem:s6], [sflag:$0x5] =	stream.strided.gather @!p6 [hbm4b:s7+s4], $0x1000, s5, s4, $0x38;
	[tilespmem:$0x1B700] =	vst v63  }
0x2da: {  	s4 =	simm.s32 @!p6 $0x5  }
0x2db: {  	_ =	swait.ge @!p6 [sflag:s4], $0x1000  }
0x2dc: {  	[sflag:s4] =	ssyncset.done @!p6 $0x0  }
0x2dd: {  	[sflag:s4] =	ssyncadd.s32 @!p6 $0xFFFFF000  }
0x2de: {  	_ =	swait.ge [sflag:s2], $0x1000  }
0x2df: {  	[sflag:s2] =	ssyncset.done $0x0  }
0x2e0: {  	[sflag:s2] =	ssyncadd.s32 $0xFFFFF000  }
0x2e1: {  	_ =	swait.ge [sflag:s29], $0xC380  }
0x2e2: {  	[sflag:s29] =	ssyncset.done $0x0  }
0x2e3: {  	s5 =	simm.s32 $0x0;
	[sflag:s29] =	ssyncadd.s32 $0xFFFF3C80  }
0x2e4: {  	v28 =	vld [tilespmem:s5+$0x0];
	_ =	sdelay $0x4  }
0x2e5: {  	s4 =	simm.s32 $0x10;
	v28 =	vadd.s32 v7, v28  }
0x2e6: {  	v29 =	vld [tilespmem:s4+$0x0];
	vm0 =	vlt.s32 v28, $0xC37F  }
0x2e7: {  	v28 =	vnsel vm0, $0xC37F, v28;
	_ =	sdelay $0x3  }
0x2e8: {  	v29 =	vadd.s32 v7, v29  }
0x2e9: {  	s6 =	simm.s32 $0x20;
	s7 =	simm.s32 $0xC0;
	vm0 =	vlt.s32 v29, $0xC37F;
	v28 =	vld.idx.msk [tilespmem:v28+s25+$0x0], $0xffff  }
.LBB2_30:
0x2ea: {  	p5 =	sne.s32 s7, $0x3FC0;
	v30 =	vld [tilespmem:s6+$0x0];
	v31 =	vnsel vm0, $0xC37F, v29;
	_ =	sdelay $0x1  }
.Ltmp16:
0x2eb: {  	(pc) =	sbr.rel @p5 .LBB2_30-.Ltmp16, $4  }
0x2ec: {  	_ = 	snop  }
0x2ed: {  	[tilespmem:s5+$0x1A700] =	vst v28;
	s5 =	smov.u32 s4;
	s4 =	smov.u32 s6  }
0x2ee: {  	v29 =	vadd.s32 v7, v30;
	v28 =	vld.idx.msk [tilespmem:v31+s25+$0x0], $0xffff  }
0x2ef: {  	s6 =	sshra.s32 s7, $0x2;
	s7 =	sadd.s32 $0x40, s7;
	vm0 =	vlt.s32 v29, $0xC37F  }
0x2f0: {  	v30 =	vld [tilespmem:s6+$0x0]  }
0x2f1: {  	v29 =	vnsel vm0, $0xC37F, v29;
	_ =	sdelay $0x3  }
0x2f2: {  	[tilespmem:s5+$0x1A700] =	vst v28;
	v28 =	vadd.s32 v7, v30  }
0x2f3: {  	v29 =	vld.idx.msk [tilespmem:v29+s25+$0x0], $0xffff;
	vm13 =	vlt.s32 v28, $0xC37F  }
0x2f4: {  	v28 =	vnsel vm13, $0xC37F, v28;
	_ =	sdelay $0x3  }
0x2f5: {  	[tilespmem:s4+$0x1A700] =	vst v29  }
0x2f6: {  	v28 =	vld.idx.msk [tilespmem:v28+s25+$0x0], $0xffff;
	_ =	sdelay $0x2  }
0x2f7: {  	s9 =	sld [smem:$0x7D4];
	_ =	sdelay $0x1  }
0x2f8: {  	[tilespmem:s6+$0x1A700] =	vst v28  }
0x2f9: {  	[tilespmem:s25], [sflag:$0x1] =	stream.strided.gather [hbm4b:s9+s23], $0xC380, s24, s23, $0x38;
	[tilespmem:$0x1B700] =	vst v63  }
0x2fa: {  	_ =	swait.ge [sflag:s30], $0xC380  }
0x2fb: {  	[sflag:s30] =	ssyncset.done $0x0  }
0x2fc: {  	s5 =	simm.s32 $0x0;
	[sflag:s30] =	ssyncadd.s32 $0xFFFF3C80  }
0x2fd: {  	v29 =	vld [tilespmem:s5+$0x0];
	_ =	sdelay $0x4  }
0x2fe: {  	v30 =	vadd.s32 v21, v29  }
0x2ff: {  	s4 =	simm.s32 $0x10;
	vm14 =	vgt.s32 v30, $0x0  }
0x300: {  	v28 =	vld [tilespmem:s4+$0x0];
	v30 =	vnsel vm14, $0x0, v30;
	_ =	sdelay $0x3  }
0x301: {  	v31 =	vld [tilespmem:s5+$0x1A700]  }
0x302: {  	v32 =	vadd.s32 v21, v28;
	v30 =	vld.idx.msk [tilespmem:v30+s26+$0x0], $0xffff  }
0x303: {  	vm15 =	vgt.s32 v32, $0x0  }
0x304: {  	s7 =	simm.s32 $0xC0;
	s6 =	simm.s32 $0x20;
	v32 =	vnsel vm15, $0x0, v32  }
.LBB2_32:
0x305: {  	p5 =	sne.s32 s7, $0x3FC0;
	v33 =	vadd.s32 v7, v29;
	v29 =	vmov v28;
	v28 =	vld [tilespmem:s6+$0x0]  }
0x306: {  	vm0 =	vgt.s32 v33, $0xC37F  }
0x307: {  	v30 =	vsel vm0, v30, v31  }
.Ltmp17:
0x308: {  	[tilespmem:s5+$0x1A700] =	vst v30;
	s5 =	smov.u32 s4;
	s4 =	smov.u32 s6;
	(pc) =	sbr.rel @p5 .LBB2_32-.Ltmp17, $4  }
0x309: {  	v30 =	vld.idx.msk [tilespmem:v32+s26+$0x0], $0xffff  }
0x30a: {  	v32 =	vadd.s32 v21, v28;
	v31 =	vld [tilespmem:s5+$0x1A700]  }
0x30b: {  	vm0 =	vgt.s32 v32, $0x0  }
0x30c: {  	s6 =	sshra.s32 s7, $0x2;
	s7 =	sadd.s32 $0x40, s7;
	v32 =	vnsel vm0, $0x0, v32  }
0x30d: {  	v29 =	vadd.s32 v7, v29  }
0x30e: {  	v33 =	vld [tilespmem:s6+$0x0];
	vm0 =	vgt.s32 v29, $0xC37F  }
0x30f: {  	v29 =	vsel vm0, v30, v31  }
0x310: {  	[tilespmem:s5+$0x1A700] =	vst v29  }
0x311: {  	v29 =	vld.idx.msk [tilespmem:v32+s26+$0x0], $0xffff  }
0x312: {  	v31 =	vld [tilespmem:s4+$0x1A700]  }
0x313: {  	v30 =	vadd.s32 v21, v33  }
0x314: {  	vm0 =	vgt.s32 v30, $0x0  }
0x315: {  	v28 =	vadd.s32 v7, v28;
	v30 =	vnsel vm0, $0x0, v30  }
0x316: {  	vm0 =	vgt.s32 v28, $0xC37F  }
0x317: {  	v28 =	vsel vm0, v29, v31  }
0x318: {  	[tilespmem:s4+$0x1A700] =	vst v28  }
0x319: {  	v29 =	vld [tilespmem:s6+$0x1A700]  }
0x31a: {  	v28 =	vld.idx.msk [tilespmem:v30+s26+$0x0], $0xffff;
	_ =	sdelay $0x2  }
0x31b: {  	v30 =	vadd.s32 v7, v33  }
0x31c: {  	s8 =	sld [smem:$0x7D5];
	vm0 =	vgt.s32 v30, $0xC37F  }
0x31d: {  	v28 =	vsel vm0, v28, v29  }
0x31e: {  	s9 =	rddreg [dreg:$0xc];
	[tilespmem:s6+$0x1A700] =	vst v28  }
0x31f: {  	[tilespmem:s26], [sflag:$0x2] =	stream.strided.gather [hbm4b:s8+s23], $0xC380, s24, s23, $0x38;
	[tilespmem:$0x1B700] =	vst v63  }
0x320: {  	s7 =	rddreg [dreg:$0xd]  }
0x321: {  	[hbm4b:s9+s23] =	stream.strided.scatter [tilespmem:s0], [sflag:$0x4], $0x1000, s24, s23, $0x38;
	[tilespmem:$0x1B700] =	vst v63  }
0x322: {  	s5 =	simm.s32 @!p0 $0x400;
	s4 =	simm.s32 @!p0 $0x80;
	s6 =	simm.s32 @!p0 $0x0  }
0x323: {  	[tilespmem:s6], [sflag:$0x5] =	stream.strided.gather @!p0 [hbm4b:s7+s4], $0x1000, s5, s4, $0x38;
	[tilespmem:$0x1B700] =	vst v63  }
0x324: {  	s4 =	simm.s32 @!p0 $0x5  }
0x325: {  	_ =	swait.ge @!p0 [sflag:s4], $0x1000  }
0x326: {  	[sflag:s4] =	ssyncset.done @!p0 $0x0  }
0x327: {  	[sflag:s4] =	ssyncadd.s32 @!p0 $0xFFFFF000  }
0x328: {  	_ =	swait.ge [sflag:s1], $0x1000  }
0x329: {  	[sflag:s1] =	ssyncset.done $0x0  }
0x32a: {  	[sflag:s1] =	ssyncadd.s32 $0xFFFFF000  }
0x32b: {  	_ =	swait.ge [sflag:s29], $0xC380  }
0x32c: {  	[sflag:s29] =	ssyncset.done $0x0  }
0x32d: {  	s5 =	simm.s32 $0x0;
	[sflag:s29] =	ssyncadd.s32 $0xFFFF3C80  }
0x32e: {  	v28 =	vld [tilespmem:s5+$0x0];
	_ =	sdelay $0x4  }
0x32f: {  	s4 =	simm.s32 $0x10;
	v28 =	vadd.s32 v8, v28  }
0x330: {  	v29 =	vld [tilespmem:s4+$0x0];
	vm0 =	vlt.s32 v28, $0xC37F  }
0x331: {  	v28 =	vnsel vm0, $0xC37F, v28;
	_ =	sdelay $0x3  }
0x332: {  	v29 =	vadd.s32 v8, v29  }
0x333: {  	s6 =	simm.s32 $0x20;
	s7 =	simm.s32 $0xC0;
	vm0 =	vlt.s32 v29, $0xC37F;
	v28 =	vld.idx.msk [tilespmem:v28+s25+$0x0], $0xffff  }
.LBB2_34:
0x334: {  	p5 =	sne.s32 s7, $0x3FC0;
	v30 =	vld [tilespmem:s6+$0x0];
	v31 =	vnsel vm0, $0xC37F, v29;
	_ =	sdelay $0x1  }
.Ltmp18:
0x335: {  	(pc) =	sbr.rel @p5 .LBB2_34-.Ltmp18, $4  }
0x336: {  	_ = 	snop  }
0x337: {  	[tilespmem:s5+$0x19700] =	vst v28;
	s5 =	smov.u32 s4;
	s4 =	smov.u32 s6  }
0x338: {  	v29 =	vadd.s32 v8, v30;
	v28 =	vld.idx.msk [tilespmem:v31+s25+$0x0], $0xffff  }
0x339: {  	s6 =	sshra.s32 s7, $0x2;
	s7 =	sadd.s32 $0x40, s7;
	vm0 =	vlt.s32 v29, $0xC37F  }
0x33a: {  	v30 =	vld [tilespmem:s6+$0x0]  }
0x33b: {  	v29 =	vnsel vm0, $0xC37F, v29;
	_ =	sdelay $0x3  }
0x33c: {  	[tilespmem:s5+$0x19700] =	vst v28;
	v28 =	vadd.s32 v8, v30  }
0x33d: {  	v29 =	vld.idx.msk [tilespmem:v29+s25+$0x0], $0xffff;
	vm13 =	vlt.s32 v28, $0xC37F  }
0x33e: {  	v28 =	vnsel vm13, $0xC37F, v28;
	_ =	sdelay $0x3  }
0x33f: {  	[tilespmem:s4+$0x19700] =	vst v29  }
0x340: {  	v28 =	vld.idx.msk [tilespmem:v28+s25+$0x0], $0xffff;
	_ =	sdelay $0x2  }
0x341: {  	s9 =	sld [smem:$0x7D6];
	_ =	sdelay $0x1  }
0x342: {  	[tilespmem:s6+$0x19700] =	vst v28  }
0x343: {  	[tilespmem:s25], [sflag:$0x1] =	stream.strided.gather [hbm4b:s9+s23], $0xC380, s24, s23, $0x38;
	[tilespmem:$0x1B700] =	vst v63  }
0x344: {  	_ =	swait.ge [sflag:s30], $0xC380  }
0x345: {  	[sflag:s30] =	ssyncset.done $0x0  }
0x346: {  	s5 =	simm.s32 $0x0;
	[sflag:s30] =	ssyncadd.s32 $0xFFFF3C80  }
0x347: {  	v29 =	vld [tilespmem:s5+$0x0];
	_ =	sdelay $0x4  }
0x348: {  	v30 =	vadd.s32 v22, v29  }
0x349: {  	s4 =	simm.s32 $0x10;
	vm14 =	vgt.s32 v30, $0x0  }
0x34a: {  	v28 =	vld [tilespmem:s4+$0x0];
	v30 =	vnsel vm14, $0x0, v30;
	_ =	sdelay $0x3  }
0x34b: {  	v31 =	vld [tilespmem:s5+$0x19700]  }
0x34c: {  	v32 =	vadd.s32 v22, v28;
	v30 =	vld.idx.msk [tilespmem:v30+s26+$0x0], $0xffff  }
0x34d: {  	vm15 =	vgt.s32 v32, $0x0  }
0x34e: {  	s7 =	simm.s32 $0xC0;
	s6 =	simm.s32 $0x20;
	v32 =	vnsel vm15, $0x0, v32  }
.LBB2_36:
0x34f: {  	p5 =	sne.s32 s7, $0x3FC0;
	v33 =	vadd.s32 v8, v29;
	v29 =	vmov v28;
	v28 =	vld [tilespmem:s6+$0x0]  }
0x350: {  	vm0 =	vgt.s32 v33, $0xC37F  }
0x351: {  	v30 =	vsel vm0, v30, v31  }
.Ltmp19:
0x352: {  	[tilespmem:s5+$0x19700] =	vst v30;
	s5 =	smov.u32 s4;
	s4 =	smov.u32 s6;
	(pc) =	sbr.rel @p5 .LBB2_36-.Ltmp19, $4  }
0x353: {  	v30 =	vld.idx.msk [tilespmem:v32+s26+$0x0], $0xffff  }
0x354: {  	v32 =	vadd.s32 v22, v28;
	v31 =	vld [tilespmem:s5+$0x19700]  }
0x355: {  	vm0 =	vgt.s32 v32, $0x0  }
0x356: {  	s6 =	sshra.s32 s7, $0x2;
	s7 =	sadd.s32 $0x40, s7;
	v32 =	vnsel vm0, $0x0, v32  }
0x357: {  	v29 =	vadd.s32 v8, v29  }
0x358: {  	v33 =	vld [tilespmem:s6+$0x0];
	vm0 =	vgt.s32 v29, $0xC37F  }
0x359: {  	v29 =	vsel vm0, v30, v31  }
0x35a: {  	[tilespmem:s5+$0x19700] =	vst v29  }
0x35b: {  	v29 =	vld.idx.msk [tilespmem:v32+s26+$0x0], $0xffff  }
0x35c: {  	v31 =	vld [tilespmem:s4+$0x19700]  }
0x35d: {  	v30 =	vadd.s32 v22, v33  }
0x35e: {  	vm0 =	vgt.s32 v30, $0x0  }
0x35f: {  	v28 =	vadd.s32 v8, v28;
	v30 =	vnsel vm0, $0x0, v30  }
0x360: {  	vm0 =	vgt.s32 v28, $0xC37F  }
0x361: {  	v28 =	vsel vm0, v29, v31  }
0x362: {  	[tilespmem:s4+$0x19700] =	vst v28  }
0x363: {  	v29 =	vld [tilespmem:s6+$0x19700]  }
0x364: {  	v28 =	vld.idx.msk [tilespmem:v30+s26+$0x0], $0xffff;
	_ =	sdelay $0x2  }
0x365: {  	v30 =	vadd.s32 v8, v33  }
0x366: {  	s9 =	sld [smem:$0x7D7];
	vm0 =	vgt.s32 v30, $0xC37F  }
0x367: {  	v28 =	vsel vm0, v28, v29  }
0x368: {  	[tilespmem:s6+$0x19700] =	vst v28  }
0x369: {  	[tilespmem:s26], [sflag:$0x2] =	stream.strided.gather [hbm4b:s9+s23], $0xC380, s24, s23, $0x38;
	[tilespmem:$0x1B700] =	vst v63  }
0x36a: {  	s7 =	rddreg [dreg:$0xe]  }
0x36b: {  	[hbm4b:s12+s23] =	stream.strided.scatter [tilespmem:s31], [sflag:$0x3], $0x1000, s24, s23, $0x38;
	[tilespmem:$0x1B700] =	vst v63  }
0x36c: {  	s5 =	simm.s32 @!p1 $0x400;
	s4 =	simm.s32 @!p1 $0x80;
	s6 =	simm.s32 @!p1 $0x0  }
0x36d: {  	[tilespmem:s6], [sflag:$0x5] =	stream.strided.gather @!p1 [hbm4b:s7+s4], $0x1000, s5, s4, $0x38;
	[tilespmem:$0x1B700] =	vst v63  }
0x36e: {  	s4 =	simm.s32 @!p1 $0x5  }
0x36f: {  	_ =	swait.ge @!p1 [sflag:s4], $0x1000  }
0x370: {  	[sflag:s4] =	ssyncset.done @!p1 $0x0  }
0x371: {  	[sflag:s4] =	ssyncadd.s32 @!p1 $0xFFFFF000  }
0x372: {  	_ =	swait.ge [sflag:s2], $0x1000  }
0x373: {  	[sflag:s2] =	ssyncset.done $0x0  }
0x374: {  	[sflag:s2] =	ssyncadd.s32 $0xFFFFF000  }
0x375: {  	_ =	swait.ge [sflag:s29], $0xC380  }
0x376: {  	[sflag:s29] =	ssyncset.done $0x0  }
0x377: {  	s5 =	simm.s32 $0x0;
	[sflag:s29] =	ssyncadd.s32 $0xFFFF3C80  }
0x378: {  	v28 =	vld [tilespmem:s5+$0x0];
	_ =	sdelay $0x4  }
0x379: {  	s4 =	simm.s32 $0x10;
	v28 =	vadd.s32 v9, v28  }
0x37a: {  	v29 =	vld [tilespmem:s4+$0x0];
	vm0 =	vlt.s32 v28, $0xC37F  }
0x37b: {  	v28 =	vnsel vm0, $0xC37F, v28;
	_ =	sdelay $0x3  }
0x37c: {  	v29 =	vadd.s32 v9, v29  }
0x37d: {  	s6 =	simm.s32 $0x20;
	s7 =	simm.s32 $0xC0;
	vm0 =	vlt.s32 v29, $0xC37F;
	v28 =	vld.idx.msk [tilespmem:v28+s25+$0x0], $0xffff  }
.LBB2_38:
0x37e: {  	p5 =	sne.s32 s7, $0x3FC0;
	v30 =	vld [tilespmem:s6+$0x0];
	v31 =	vnsel vm0, $0xC37F, v29;
	_ =	sdelay $0x1  }
.Ltmp20:
0x37f: {  	(pc) =	sbr.rel @p5 .LBB2_38-.Ltmp20, $4  }
0x380: {  	_ = 	snop  }
0x381: {  	[tilespmem:s5+$0x1A700] =	vst v28;
	s5 =	smov.u32 s4;
	s4 =	smov.u32 s6  }
0x382: {  	v29 =	vadd.s32 v9, v30;
	v28 =	vld.idx.msk [tilespmem:v31+s25+$0x0], $0xffff  }
0x383: {  	s6 =	sshra.s32 s7, $0x2;
	s7 =	sadd.s32 $0x40, s7;
	vm0 =	vlt.s32 v29, $0xC37F  }
0x384: {  	v30 =	vld [tilespmem:s6+$0x0]  }
0x385: {  	v29 =	vnsel vm0, $0xC37F, v29;
	_ =	sdelay $0x3  }
0x386: {  	[tilespmem:s5+$0x1A700] =	vst v28;
	v28 =	vadd.s32 v9, v30  }
0x387: {  	v29 =	vld.idx.msk [tilespmem:v29+s25+$0x0], $0xffff;
	vm13 =	vlt.s32 v28, $0xC37F  }
0x388: {  	v28 =	vnsel vm13, $0xC37F, v28;
	_ =	sdelay $0x3  }
0x389: {  	[tilespmem:s4+$0x1A700] =	vst v29  }
0x38a: {  	v28 =	vld.idx.msk [tilespmem:v28+s25+$0x0], $0xffff;
	_ =	sdelay $0x2  }
0x38b: {  	s9 =	sld [smem:$0x7D8];
	_ =	sdelay $0x1  }
0x38c: {  	[tilespmem:s6+$0x1A700] =	vst v28  }
0x38d: {  	[tilespmem:s25], [sflag:$0x1] =	stream.strided.gather [hbm4b:s9+s23], $0xC380, s24, s23, $0x38;
	[tilespmem:$0x1B700] =	vst v63  }
0x38e: {  	_ =	swait.ge [sflag:s30], $0xC380  }
0x38f: {  	[sflag:s30] =	ssyncset.done $0x0  }
0x390: {  	s5 =	simm.s32 $0x0;
	[sflag:s30] =	ssyncadd.s32 $0xFFFF3C80  }
0x391: {  	v29 =	vld [tilespmem:s5+$0x0];
	_ =	sdelay $0x4  }
0x392: {  	v30 =	vadd.s32 v23, v29  }
0x393: {  	s4 =	simm.s32 $0x10;
	vm14 =	vgt.s32 v30, $0x0  }
0x394: {  	v28 =	vld [tilespmem:s4+$0x0];
	v30 =	vnsel vm14, $0x0, v30;
	_ =	sdelay $0x3  }
0x395: {  	v31 =	vld [tilespmem:s5+$0x1A700]  }
0x396: {  	v32 =	vadd.s32 v23, v28;
	v30 =	vld.idx.msk [tilespmem:v30+s26+$0x0], $0xffff  }
0x397: {  	vm15 =	vgt.s32 v32, $0x0  }
0x398: {  	s7 =	simm.s32 $0xC0;
	s6 =	simm.s32 $0x20;
	v32 =	vnsel vm15, $0x0, v32  }
.LBB2_40:
0x399: {  	p5 =	sne.s32 s7, $0x3FC0;
	v33 =	vadd.s32 v9, v29;
	v29 =	vmov v28;
	v28 =	vld [tilespmem:s6+$0x0]  }
0x39a: {  	vm0 =	vgt.s32 v33, $0xC37F  }
0x39b: {  	v30 =	vsel vm0, v30, v31  }
.Ltmp21:
0x39c: {  	[tilespmem:s5+$0x1A700] =	vst v30;
	s5 =	smov.u32 s4;
	s4 =	smov.u32 s6;
	(pc) =	sbr.rel @p5 .LBB2_40-.Ltmp21, $4  }
0x39d: {  	v30 =	vld.idx.msk [tilespmem:v32+s26+$0x0], $0xffff  }
0x39e: {  	v32 =	vadd.s32 v23, v28;
	v31 =	vld [tilespmem:s5+$0x1A700]  }
0x39f: {  	vm0 =	vgt.s32 v32, $0x0  }
0x3a0: {  	s6 =	sshra.s32 s7, $0x2;
	s7 =	sadd.s32 $0x40, s7;
	v32 =	vnsel vm0, $0x0, v32  }
0x3a1: {  	v29 =	vadd.s32 v9, v29  }
0x3a2: {  	v33 =	vld [tilespmem:s6+$0x0];
	vm0 =	vgt.s32 v29, $0xC37F  }
0x3a3: {  	v29 =	vsel vm0, v30, v31  }
0x3a4: {  	[tilespmem:s5+$0x1A700] =	vst v29  }
0x3a5: {  	v29 =	vld.idx.msk [tilespmem:v32+s26+$0x0], $0xffff  }
0x3a6: {  	v31 =	vld [tilespmem:s4+$0x1A700]  }
0x3a7: {  	v30 =	vadd.s32 v23, v33  }
0x3a8: {  	vm0 =	vgt.s32 v30, $0x0  }
0x3a9: {  	v28 =	vadd.s32 v9, v28;
	v30 =	vnsel vm0, $0x0, v30  }
0x3aa: {  	vm0 =	vgt.s32 v28, $0xC37F  }
0x3ab: {  	v28 =	vsel vm0, v29, v31  }
0x3ac: {  	[tilespmem:s4+$0x1A700] =	vst v28  }
0x3ad: {  	v29 =	vld [tilespmem:s6+$0x1A700]  }
0x3ae: {  	v28 =	vld.idx.msk [tilespmem:v30+s26+$0x0], $0xffff;
	_ =	sdelay $0x2  }
0x3af: {  	v30 =	vadd.s32 v9, v33  }
0x3b0: {  	s8 =	sld [smem:$0x7D9];
	vm0 =	vgt.s32 v30, $0xC37F  }
0x3b1: {  	v28 =	vsel vm0, v28, v29  }
0x3b2: {  	s9 =	rddreg [dreg:$0xf];
	[tilespmem:s6+$0x1A700] =	vst v28  }
0x3b3: {  	[tilespmem:s26], [sflag:$0x2] =	stream.strided.gather [hbm4b:s8+s23], $0xC380, s24, s23, $0x38;
	[tilespmem:$0x1B700] =	vst v63  }
0x3b4: {  	s7 =	rddreg [dreg:$0x10]  }
0x3b5: {  	[hbm4b:s9+s23] =	stream.strided.scatter [tilespmem:s0], [sflag:$0x4], $0x1000, s24, s23, $0x38;
	[tilespmem:$0x1B700] =	vst v63  }
0x3b6: {  	s5 =	simm.s32 @!p2 $0x400;
	s4 =	simm.s32 @!p2 $0x80;
	s6 =	simm.s32 @!p2 $0x0  }
0x3b7: {  	[tilespmem:s6], [sflag:$0x5] =	stream.strided.gather @!p2 [hbm4b:s7+s4], $0x1000, s5, s4, $0x38;
	[tilespmem:$0x1B700] =	vst v63  }
0x3b8: {  	s4 =	simm.s32 @!p2 $0x5  }
0x3b9: {  	_ =	swait.ge @!p2 [sflag:s4], $0x1000  }
0x3ba: {  	[sflag:s4] =	ssyncset.done @!p2 $0x0  }
0x3bb: {  	[sflag:s4] =	ssyncadd.s32 @!p2 $0xFFFFF000  }
0x3bc: {  	_ =	swait.ge [sflag:s1], $0x1000  }
0x3bd: {  	[sflag:s1] =	ssyncset.done $0x0  }
0x3be: {  	[sflag:s1] =	ssyncadd.s32 $0xFFFFF000  }
0x3bf: {  	_ =	swait.ge [sflag:s29], $0xC380  }
0x3c0: {  	[sflag:s29] =	ssyncset.done $0x0  }
0x3c1: {  	s5 =	simm.s32 $0x0;
	[sflag:s29] =	ssyncadd.s32 $0xFFFF3C80  }
0x3c2: {  	v28 =	vld [tilespmem:s5+$0x0];
	_ =	sdelay $0x4  }
0x3c3: {  	s4 =	simm.s32 $0x10;
	v28 =	vadd.s32 v10, v28  }
0x3c4: {  	v29 =	vld [tilespmem:s4+$0x0];
	vm0 =	vlt.s32 v28, $0xC37F  }
0x3c5: {  	v28 =	vnsel vm0, $0xC37F, v28;
	_ =	sdelay $0x3  }
0x3c6: {  	v29 =	vadd.s32 v10, v29  }
0x3c7: {  	s6 =	simm.s32 $0x20;
	s7 =	simm.s32 $0xC0;
	vm0 =	vlt.s32 v29, $0xC37F;
	v28 =	vld.idx.msk [tilespmem:v28+s25+$0x0], $0xffff  }
.LBB2_42:
0x3c8: {  	p5 =	sne.s32 s7, $0x3FC0;
	v30 =	vld [tilespmem:s6+$0x0];
	v31 =	vnsel vm0, $0xC37F, v29;
	_ =	sdelay $0x1  }
.Ltmp22:
0x3c9: {  	(pc) =	sbr.rel @p5 .LBB2_42-.Ltmp22, $4  }
0x3ca: {  	_ = 	snop  }
0x3cb: {  	[tilespmem:s5+$0x19700] =	vst v28;
	s5 =	smov.u32 s4;
	s4 =	smov.u32 s6  }
0x3cc: {  	v29 =	vadd.s32 v10, v30;
	v28 =	vld.idx.msk [tilespmem:v31+s25+$0x0], $0xffff  }
0x3cd: {  	s6 =	sshra.s32 s7, $0x2;
	s7 =	sadd.s32 $0x40, s7;
	vm0 =	vlt.s32 v29, $0xC37F  }
0x3ce: {  	v30 =	vld [tilespmem:s6+$0x0]  }
0x3cf: {  	v29 =	vnsel vm0, $0xC37F, v29;
	_ =	sdelay $0x3  }
0x3d0: {  	[tilespmem:s5+$0x19700] =	vst v28;
	v28 =	vadd.s32 v10, v30  }
0x3d1: {  	v29 =	vld.idx.msk [tilespmem:v29+s25+$0x0], $0xffff;
	vm13 =	vlt.s32 v28, $0xC37F  }
0x3d2: {  	v28 =	vnsel vm13, $0xC37F, v28;
	_ =	sdelay $0x3  }
0x3d3: {  	[tilespmem:s4+$0x19700] =	vst v29  }
0x3d4: {  	v28 =	vld.idx.msk [tilespmem:v28+s25+$0x0], $0xffff;
	_ =	sdelay $0x2  }
0x3d5: {  	s9 =	sld [smem:$0x7DA];
	_ =	sdelay $0x1  }
0x3d6: {  	[tilespmem:s6+$0x19700] =	vst v28  }
0x3d7: {  	[tilespmem:s25], [sflag:$0x1] =	stream.strided.gather [hbm4b:s9+s23], $0xC380, s24, s23, $0x38;
	[tilespmem:$0x1B700] =	vst v63  }
0x3d8: {  	_ =	swait.ge [sflag:s30], $0xC380  }
0x3d9: {  	[sflag:s30] =	ssyncset.done $0x0  }
0x3da: {  	s5 =	simm.s32 $0x0;
	[sflag:s30] =	ssyncadd.s32 $0xFFFF3C80  }
0x3db: {  	v29 =	vld [tilespmem:s5+$0x0];
	_ =	sdelay $0x4  }
0x3dc: {  	v30 =	vadd.s32 v24, v29  }
0x3dd: {  	s4 =	simm.s32 $0x10;
	vm14 =	vgt.s32 v30, $0x0  }
0x3de: {  	v28 =	vld [tilespmem:s4+$0x0];
	v30 =	vnsel vm14, $0x0, v30;
	_ =	sdelay $0x3  }
0x3df: {  	v31 =	vld [tilespmem:s5+$0x19700]  }
0x3e0: {  	v32 =	vadd.s32 v24, v28;
	v30 =	vld.idx.msk [tilespmem:v30+s26+$0x0], $0xffff  }
0x3e1: {  	vm15 =	vgt.s32 v32, $0x0  }
0x3e2: {  	s7 =	simm.s32 $0xC0;
	s6 =	simm.s32 $0x20;
	v32 =	vnsel vm15, $0x0, v32  }
.LBB2_44:
0x3e3: {  	p5 =	sne.s32 s7, $0x3FC0;
	v33 =	vadd.s32 v10, v29;
	v29 =	vmov v28;
	v28 =	vld [tilespmem:s6+$0x0]  }
0x3e4: {  	vm0 =	vgt.s32 v33, $0xC37F  }
0x3e5: {  	v30 =	vsel vm0, v30, v31  }
.Ltmp23:
0x3e6: {  	[tilespmem:s5+$0x19700] =	vst v30;
	s5 =	smov.u32 s4;
	s4 =	smov.u32 s6;
	(pc) =	sbr.rel @p5 .LBB2_44-.Ltmp23, $4  }
0x3e7: {  	v30 =	vld.idx.msk [tilespmem:v32+s26+$0x0], $0xffff  }
0x3e8: {  	v32 =	vadd.s32 v24, v28;
	v31 =	vld [tilespmem:s5+$0x19700]  }
0x3e9: {  	vm0 =	vgt.s32 v32, $0x0  }
0x3ea: {  	s6 =	sshra.s32 s7, $0x2;
	s7 =	sadd.s32 $0x40, s7;
	v32 =	vnsel vm0, $0x0, v32  }
0x3eb: {  	v29 =	vadd.s32 v10, v29  }
0x3ec: {  	v33 =	vld [tilespmem:s6+$0x0];
	vm0 =	vgt.s32 v29, $0xC37F  }
0x3ed: {  	v29 =	vsel vm0, v30, v31  }
0x3ee: {  	[tilespmem:s5+$0x19700] =	vst v29  }
0x3ef: {  	v29 =	vld.idx.msk [tilespmem:v32+s26+$0x0], $0xffff  }
0x3f0: {  	v31 =	vld [tilespmem:s4+$0x19700]  }
0x3f1: {  	v30 =	vadd.s32 v24, v33  }
0x3f2: {  	vm0 =	vgt.s32 v30, $0x0  }
0x3f3: {  	v28 =	vadd.s32 v10, v28;
	v30 =	vnsel vm0, $0x0, v30  }
0x3f4: {  	vm0 =	vgt.s32 v28, $0xC37F  }
0x3f5: {  	v28 =	vsel vm0, v29, v31  }
0x3f6: {  	[tilespmem:s4+$0x19700] =	vst v28  }
0x3f7: {  	v29 =	vld [tilespmem:s6+$0x19700]  }
0x3f8: {  	v28 =	vld.idx.msk [tilespmem:v30+s26+$0x0], $0xffff;
	_ =	sdelay $0x2  }
0x3f9: {  	v30 =	vadd.s32 v10, v33  }
0x3fa: {  	s8 =	sld [smem:$0x7DB];
	vm0 =	vgt.s32 v30, $0xC37F  }
0x3fb: {  	v28 =	vsel vm0, v28, v29  }
0x3fc: {  	s9 =	rddreg [dreg:$0x11];
	[tilespmem:s6+$0x19700] =	vst v28  }
0x3fd: {  	[tilespmem:s26], [sflag:$0x2] =	stream.strided.gather [hbm4b:s8+s23], $0xC380, s24, s23, $0x38;
	[tilespmem:$0x1B700] =	vst v63  }
0x3fe: {  	s7 =	rddreg [dreg:$0x12]  }
0x3ff: {  	[hbm4b:s9+s23] =	stream.strided.scatter [tilespmem:s31], [sflag:$0x3], $0x1000, s24, s23, $0x38;
	[tilespmem:$0x1B700] =	vst v63  }
0x400: {  	s5 =	simm.s32 @!p3 $0x400;
	s4 =	simm.s32 @!p3 $0x80;
	s6 =	simm.s32 @!p3 $0x0  }
0x401: {  	[tilespmem:s6], [sflag:$0x5] =	stream.strided.gather @!p3 [hbm4b:s7+s4], $0x1000, s5, s4, $0x38;
	[tilespmem:$0x1B700] =	vst v63  }
0x402: {  	s4 =	simm.s32 @!p3 $0x5  }
0x403: {  	_ =	swait.ge @!p3 [sflag:s4], $0x1000  }
0x404: {  	[sflag:s4] =	ssyncset.done @!p3 $0x0  }
0x405: {  	[sflag:s4] =	ssyncadd.s32 @!p3 $0xFFFFF000  }
0x406: {  	_ =	swait.ge [sflag:s2], $0x1000  }
0x407: {  	[sflag:s2] =	ssyncset.done $0x0  }
0x408: {  	[sflag:s2] =	ssyncadd.s32 $0xFFFFF000  }
0x409: {  	_ =	swait.ge [sflag:s29], $0xC380  }
0x40a: {  	[sflag:s29] =	ssyncset.done $0x0  }
0x40b: {  	s5 =	simm.s32 $0x0;
	[sflag:s29] =	ssyncadd.s32 $0xFFFF3C80  }
0x40c: {  	v28 =	vld [tilespmem:s5+$0x0];
	_ =	sdelay $0x4  }
0x40d: {  	s4 =	simm.s32 $0x10;
	v28 =	vadd.s32 v11, v28  }
0x40e: {  	v29 =	vld [tilespmem:s4+$0x0];
	vm0 =	vlt.s32 v28, $0xC37F  }
0x40f: {  	v28 =	vnsel vm0, $0xC37F, v28;
	_ =	sdelay $0x3  }
0x410: {  	v29 =	vadd.s32 v11, v29  }
0x411: {  	s6 =	simm.s32 $0x20;
	s7 =	simm.s32 $0xC0;
	vm0 =	vlt.s32 v29, $0xC37F;
	v28 =	vld.idx.msk [tilespmem:v28+s25+$0x0], $0xffff  }
.LBB2_46:
0x412: {  	p5 =	sne.s32 s7, $0x3FC0;
	v30 =	vld [tilespmem:s6+$0x0];
	v31 =	vnsel vm0, $0xC37F, v29;
	_ =	sdelay $0x1  }
.Ltmp24:
0x413: {  	(pc) =	sbr.rel @p5 .LBB2_46-.Ltmp24, $4  }
0x414: {  	_ = 	snop  }
0x415: {  	[tilespmem:s5+$0x1A700] =	vst v28;
	s5 =	smov.u32 s4;
	s4 =	smov.u32 s6  }
0x416: {  	v29 =	vadd.s32 v11, v30;
	v28 =	vld.idx.msk [tilespmem:v31+s25+$0x0], $0xffff  }
0x417: {  	s6 =	sshra.s32 s7, $0x2;
	s7 =	sadd.s32 $0x40, s7;
	vm0 =	vlt.s32 v29, $0xC37F  }
0x418: {  	v30 =	vld [tilespmem:s6+$0x0]  }
0x419: {  	v29 =	vnsel vm0, $0xC37F, v29;
	_ =	sdelay $0x3  }
0x41a: {  	[tilespmem:s5+$0x1A700] =	vst v28;
	v28 =	vadd.s32 v11, v30  }
0x41b: {  	v29 =	vld.idx.msk [tilespmem:v29+s25+$0x0], $0xffff;
	vm13 =	vlt.s32 v28, $0xC37F  }
0x41c: {  	v28 =	vnsel vm13, $0xC37F, v28;
	_ =	sdelay $0x3  }
0x41d: {  	[tilespmem:s4+$0x1A700] =	vst v29  }
0x41e: {  	v28 =	vld.idx.msk [tilespmem:v28+s25+$0x0], $0xffff;
	_ =	sdelay $0x2  }
0x41f: {  	s9 =	sld [smem:$0x7DC];
	_ =	sdelay $0x1  }
0x420: {  	[tilespmem:s6+$0x1A700] =	vst v28  }
0x421: {  	[tilespmem:s25], [sflag:$0x1] =	stream.strided.gather [hbm4b:s9+s23], $0xC380, s24, s23, $0x38;
	[tilespmem:$0x1B700] =	vst v63  }
0x422: {  	_ =	swait.ge [sflag:s30], $0xC380  }
0x423: {  	[sflag:s30] =	ssyncset.done $0x0  }
0x424: {  	s5 =	simm.s32 $0x0;
	[sflag:s30] =	ssyncadd.s32 $0xFFFF3C80  }
0x425: {  	v29 =	vld [tilespmem:s5+$0x0];
	_ =	sdelay $0x4  }
0x426: {  	v30 =	vadd.s32 v25, v29  }
0x427: {  	s4 =	simm.s32 $0x10;
	vm14 =	vgt.s32 v30, $0x0  }
0x428: {  	v28 =	vld [tilespmem:s4+$0x0];
	v30 =	vnsel vm14, $0x0, v30;
	_ =	sdelay $0x3  }
0x429: {  	v31 =	vld [tilespmem:s5+$0x1A700]  }
0x42a: {  	v32 =	vadd.s32 v25, v28;
	v30 =	vld.idx.msk [tilespmem:v30+s26+$0x0], $0xffff  }
0x42b: {  	vm15 =	vgt.s32 v32, $0x0  }
0x42c: {  	s7 =	simm.s32 $0xC0;
	s6 =	simm.s32 $0x20;
	v32 =	vnsel vm15, $0x0, v32  }
.LBB2_48:
0x42d: {  	p5 =	sne.s32 s7, $0x3FC0;
	v33 =	vadd.s32 v11, v29;
	v29 =	vmov v28;
	v28 =	vld [tilespmem:s6+$0x0]  }
0x42e: {  	vm0 =	vgt.s32 v33, $0xC37F  }
0x42f: {  	v30 =	vsel vm0, v30, v31  }
.Ltmp25:
0x430: {  	[tilespmem:s5+$0x1A700] =	vst v30;
	s5 =	smov.u32 s4;
	s4 =	smov.u32 s6;
	(pc) =	sbr.rel @p5 .LBB2_48-.Ltmp25, $4  }
0x431: {  	v30 =	vld.idx.msk [tilespmem:v32+s26+$0x0], $0xffff  }
0x432: {  	v32 =	vadd.s32 v25, v28;
	v31 =	vld [tilespmem:s5+$0x1A700]  }
0x433: {  	vm0 =	vgt.s32 v32, $0x0  }
0x434: {  	s6 =	sshra.s32 s7, $0x2;
	s7 =	sadd.s32 $0x40, s7;
	v32 =	vnsel vm0, $0x0, v32  }
0x435: {  	v29 =	vadd.s32 v11, v29  }
0x436: {  	v33 =	vld [tilespmem:s6+$0x0];
	vm0 =	vgt.s32 v29, $0xC37F  }
0x437: {  	v29 =	vsel vm0, v30, v31  }
0x438: {  	[tilespmem:s5+$0x1A700] =	vst v29  }
0x439: {  	v29 =	vld.idx.msk [tilespmem:v32+s26+$0x0], $0xffff  }
0x43a: {  	v31 =	vld [tilespmem:s4+$0x1A700]  }
0x43b: {  	v30 =	vadd.s32 v25, v33  }
0x43c: {  	vm0 =	vgt.s32 v30, $0x0  }
0x43d: {  	v28 =	vadd.s32 v11, v28;
	v30 =	vnsel vm0, $0x0, v30  }
0x43e: {  	vm0 =	vgt.s32 v28, $0xC37F  }
0x43f: {  	v28 =	vsel vm0, v29, v31  }
0x440: {  	[tilespmem:s4+$0x1A700] =	vst v28  }
0x441: {  	v29 =	vld [tilespmem:s6+$0x1A700]  }
0x442: {  	v28 =	vld.idx.msk [tilespmem:v30+s26+$0x0], $0xffff;
	_ =	sdelay $0x2  }
0x443: {  	v30 =	vadd.s32 v11, v33  }
0x444: {  	s8 =	sld [smem:$0x7DD];
	vm0 =	vgt.s32 v30, $0xC37F  }
0x445: {  	v28 =	vsel vm0, v28, v29  }
0x446: {  	s9 =	sld [smem:$0x7DE];
	[tilespmem:s6+$0x1A700] =	vst v28  }
0x447: {  	[tilespmem:s26], [sflag:$0x2] =	stream.strided.gather [hbm4b:s8+s23], $0xC380, s24, s23, $0x38;
	[tilespmem:$0x1B700] =	vst v63  }
0x448: {  	_ = 	snop  }
0x449: {  	[hbm4b:s9+s23] =	stream.strided.scatter [tilespmem:s0], [sflag:$0x4], $0x1000, s24, s23, $0x38;
	[tilespmem:$0x1B700] =	vst v63  }
0x44a: {  	s5 =	simm.s32 @!p4 $0x400;
	s4 =	simm.s32 @!p4 $0x80;
	s6 =	simm.s32 @!p4 $0x0  }
0x44b: {  	[tilespmem:s6], [sflag:$0x5] =	stream.strided.gather @!p4 [hbm4b:s20+s4], $0x1000, s5, s4, $0x38;
	[tilespmem:$0x1B700] =	vst v63  }
0x44c: {  	s4 =	simm.s32 @!p4 $0x5  }
0x44d: {  	_ =	swait.ge @!p4 [sflag:s4], $0x1000  }
0x44e: {  	[sflag:s4] =	ssyncset.done @!p4 $0x0  }
0x44f: {  	[sflag:s4] =	ssyncadd.s32 @!p4 $0xFFFFF000  }
0x450: {  	_ =	swait.ge [sflag:s1], $0x1000  }
0x451: {  	[sflag:s1] =	ssyncset.done $0x0  }
0x452: {  	[sflag:s1] =	ssyncadd.s32 $0xFFFFF000  }
0x453: {  	_ =	swait.ge [sflag:s29], $0xC380  }
0x454: {  	[sflag:s29] =	ssyncset.done $0x0  }
0x455: {  	s5 =	simm.s32 $0x0;
	[sflag:s29] =	ssyncadd.s32 $0xFFFF3C80  }
0x456: {  	v28 =	vld [tilespmem:s5+$0x0];
	_ =	sdelay $0x4  }
0x457: {  	s4 =	simm.s32 $0x10;
	v28 =	vadd.s32 v12, v28  }
0x458: {  	v29 =	vld [tilespmem:s4+$0x0];
	vm0 =	vlt.s32 v28, $0xC37F  }
0x459: {  	v28 =	vnsel vm0, $0xC37F, v28;
	_ =	sdelay $0x3  }
0x45a: {  	v29 =	vadd.s32 v12, v29  }
0x45b: {  	s7 =	simm.s32 $0xC0;
	s6 =	simm.s32 $0x20;
	vm0 =	vlt.s32 v29, $0xC37F;
	v28 =	vld.idx.msk [tilespmem:v28+s25+$0x0], $0xffff  }
.LBB2_50:
0x45c: {  	p5 =	sne.s32 s7, $0x3FC0;
	v30 =	vld [tilespmem:s6+$0x0];
	v31 =	vnsel vm0, $0xC37F, v29;
	_ =	sdelay $0x1  }
.Ltmp26:
0x45d: {  	(pc) =	sbr.rel @p5 .LBB2_50-.Ltmp26, $4  }
0x45e: {  	_ = 	snop  }
0x45f: {  	[tilespmem:s5+$0x19700] =	vst v28;
	s5 =	smov.u32 s4;
	s4 =	smov.u32 s6  }
0x460: {  	v29 =	vadd.s32 v12, v30;
	v28 =	vld.idx.msk [tilespmem:v31+s25+$0x0], $0xffff  }
0x461: {  	s6 =	sshra.s32 s7, $0x2;
	s7 =	sadd.s32 $0x40, s7;
	vm0 =	vlt.s32 v29, $0xC37F  }
0x462: {  	v30 =	vld [tilespmem:s6+$0x0]  }
0x463: {  	v29 =	vnsel vm0, $0xC37F, v29;
	_ =	sdelay $0x3  }
0x464: {  	[tilespmem:s5+$0x19700] =	vst v28;
	v28 =	vadd.s32 v12, v30  }
0x465: {  	v29 =	vld.idx.msk [tilespmem:v29+s25+$0x0], $0xffff;
	vm13 =	vlt.s32 v28, $0xC37F  }
0x466: {  	v28 =	vnsel vm13, $0xC37F, v28;
	_ =	sdelay $0x3  }
0x467: {  	[tilespmem:s4+$0x19700] =	vst v29  }
0x468: {  	v28 =	vld.idx.msk [tilespmem:v28+s25+$0x0], $0xffff;
	_ =	sdelay $0x4  }
0x469: {  	[tilespmem:s6+$0x19700] =	vst v28  }
0x46a: {  	_ =	swait.ge [sflag:s30], $0xC380  }
0x46b: {  	[sflag:s30] =	ssyncset.done $0x0  }
0x46c: {  	s5 =	simm.s32 $0x0;
	[sflag:s30] =	ssyncadd.s32 $0xFFFF3C80  }
0x46d: {  	v29 =	vld [tilespmem:s5+$0x0];
	_ =	sdelay $0x4  }
0x46e: {  	v30 =	vadd.s32 v26, v29  }
0x46f: {  	s4 =	simm.s32 $0x10;
	vm14 =	vgt.s32 v30, $0x0  }
0x470: {  	v28 =	vld [tilespmem:s4+$0x0];
	v30 =	vnsel vm14, $0x0, v30;
	_ =	sdelay $0x3  }
0x471: {  	v31 =	vld [tilespmem:s5+$0x19700]  }
0x472: {  	v32 =	vadd.s32 v26, v28;
	v30 =	vld.idx.msk [tilespmem:v30+s26+$0x0], $0xffff  }
0x473: {  	vm15 =	vgt.s32 v32, $0x0  }
0x474: {  	s7 =	simm.s32 $0xC0;
	s6 =	simm.s32 $0x20;
	v32 =	vnsel vm15, $0x0, v32  }
.LBB2_52:
0x475: {  	p5 =	sne.s32 s7, $0x3FC0;
	v33 =	vadd.s32 v12, v29;
	v29 =	vmov v28;
	v28 =	vld [tilespmem:s6+$0x0]  }
0x476: {  	vm0 =	vgt.s32 v33, $0xC37F  }
0x477: {  	v30 =	vsel vm0, v30, v31  }
.Ltmp27:
0x478: {  	[tilespmem:s5+$0x19700] =	vst v30;
	s5 =	smov.u32 s4;
	s4 =	smov.u32 s6;
	(pc) =	sbr.rel @p5 .LBB2_52-.Ltmp27, $4  }
0x479: {  	v30 =	vld.idx.msk [tilespmem:v32+s26+$0x0], $0xffff  }
0x47a: {  	v32 =	vadd.s32 v26, v28;
	v31 =	vld [tilespmem:s5+$0x19700]  }
0x47b: {  	vm0 =	vgt.s32 v32, $0x0  }
0x47c: {  	s6 =	sshra.s32 s7, $0x2;
	s7 =	sadd.s32 $0x40, s7;
	v32 =	vnsel vm0, $0x0, v32  }
0x47d: {  	v29 =	vadd.s32 v12, v29  }
0x47e: {  	v33 =	vld [tilespmem:s6+$0x0];
	vm0 =	vgt.s32 v29, $0xC37F  }
0x47f: {  	v29 =	vsel vm0, v30, v31  }
0x480: {  	[tilespmem:s5+$0x19700] =	vst v29  }
0x481: {  	v29 =	vld.idx.msk [tilespmem:v32+s26+$0x0], $0xffff  }
0x482: {  	v62 =	vld [tilespmem:s4+$0x19700]  }
0x483: {  	v61 =	vadd.s32 v26, v33  }
0x484: {  	vm13 =	vgt.s32 v61, $0x0  }
0x485: {  	v28 =	vadd.s32 v12, v28;
	v30 =	vnsel vm13, $0x0, v61  }
0x486: {  	vm14 =	vgt.s32 v28, $0xC37F  }
0x487: {  	v28 =	vsel vm14, v29, v62  }
0x488: {  	[tilespmem:s4+$0x19700] =	vst v28  }
0x489: {  	v29 =	vld [tilespmem:s6+$0x19700]  }
0x48a: {  	v28 =	vld.idx.msk [tilespmem:v30+s26+$0x0], $0xffff;
	_ =	sdelay $0x2  }
0x48b: {  	v63 =	vadd.s32 v12, v33  }
0x48c: {  	vm15 =	vgt.s32 v63, $0xC37F  }
0x48d: {  	v28 =	vsel vm15, v28, v29  }
0x48e: {  	[tilespmem:s6+$0x19700] =	vst v28  }
0x48f: {  	[hbm4b:s19+s23] =	stream.strided.scatter [tilespmem:s31], [sflag:$0x3], $0x1000, s24, s23, $0x38;
	[tilespmem:$0x1B700] =	vst v63  }
0x490: {  	_ =	swait.ge [sflag:s1], $0x1000  }
0x491: {  	[sflag:s1] =	ssyncset.done $0x0  }
0x492: {  	[sflag:s1] =	ssyncadd.s32 $0xFFFFF000  }
0x493: {  	_ =	swait.ge [sflag:s2], $0x1000  }
0x494: {  	s9 =	sld [smem:$0x7FD];
	_ =	sdelay $0x2  }
0x495: {  	p5 =	seq.s32 s9, $0x1  }
.Ltmp28:
0x496: {  	_ = 	snop;
	(pc) =	sbr.rel @p5 .LBB2_59-.Ltmp28, $3  }
0x497: {  	_ =	sdelay $0x1  }
0x498: {  	[sflag:s2] =	ssyncset.done $0x0  }
0x499: {  	[sflag:s2] =	ssyncadd.s32 $0xFFFFF000  }
0x49a: {  	s5 =	sld [smem:$0x7E2];
	_ =	sdelay $0x1  }
0x49b: {  	s4 =	simm.s32 $0x0  }
0x49c: {  	[tilespmem:s4], [sflag:$0x5] =	stream.strided.gather [hbm4b:s5+s23], $0x1000, s24, s23, $0x38;
	[tilespmem:$0x1B700] =	vst v63  }
0x49d: {  	_ =	swait.ge [sflag:s28], $0x1000  }
0x49e: {  	s8 =	sld [smem:$0x7E4]  }
0x49f: {  	[sflag:s28] =	ssyncset.done $0x0  }
0x4a0: {  	[sflag:s28] =	ssyncadd.s32 $0xFFFFF000  }
0x4a1: {  	[tilespmem:s25], [sflag:$0x5] =	stream.linear.gather [hbm4b:s8+s4], $0xC380, $0x38;
	[tilespmem:$0x1B700] =	vst v63  }
0x4a2: {  	_ =	swait.ge [sflag:s28], $0xC380  }
0x4a3: {  	s9 =	sld [smem:$0x7FA]  }
0x4a4: {  	[sflag:s28] =	ssyncset.done $0x0  }
0x4a5: {  	[sflag:s28] =	ssyncadd.s32 $0xFFFF3C80  }
0x4a6: {  	[tilespmem:s26], [sflag:$0x5] =	stream.linear.gather [hbm4b:s9+s4], $0xC380, $0x38;
	[tilespmem:$0x1B700] =	vst v63  }
0x4a7: {  	_ =	swait.ge [sflag:s28], $0xC380  }
0x4a8: {  	[sflag:s28] =	ssyncset.done $0x0  }
0x4a9: {  	s5 =	simm.s32 $0x0;
	[sflag:s28] =	ssyncadd.s32 $0xFFFF3C80  }
0x4aa: {  	v28 =	vld [tilespmem:s5+$0x0];
	_ =	sdelay $0x4  }
0x4ab: {  	s4 =	simm.s32 $0x10;
	v28 =	vadd.s32 v13, v28  }
0x4ac: {  	v29 =	vld [tilespmem:s4+$0x0];
	vm0 =	vlt.s32 v28, $0xC37F  }
0x4ad: {  	v28 =	vnsel vm0, $0xC37F, v28;
	_ =	sdelay $0x3  }
0x4ae: {  	s6 =	simm.s32 $0x20;
	v29 =	vadd.s32 v13, v29  }
0x4af: {  	s7 =	simm.s32 $0x10;
	s8 =	simm.s32 $0x0;
	s9 =	simm.s32 $0xC0;
	vm0 =	vlt.s32 v29, $0xC37F;
	v28 =	vld.idx.msk [tilespmem:v28+s25+$0x0], $0xffff  }
.LBB2_55:
0x4b0: {  	p5 =	sne.s32 s9, $0x3FC0;
	v30 =	vld [tilespmem:s6+$0x0];
	v31 =	vnsel vm0, $0xC37F, v29;
	_ =	sdelay $0x1  }
.Ltmp29:
0x4b1: {  	(pc) =	sbr.rel @p5 .LBB2_55-.Ltmp29, $4  }
0x4b2: {  	_ = 	snop  }
0x4b3: {  	[tilespmem:s8+$0x19700] =	vst v28;
	s8 =	smov.u32 s7;
	s7 =	smov.u32 s6  }
0x4b4: {  	v29 =	vadd.s32 v13, v30;
	v28 =	vld.idx.msk [tilespmem:v31+s25+$0x0], $0xffff  }
0x4b5: {  	s6 =	sshra.s32 s9, $0x2;
	s9 =	sadd.s32 $0x40, s9;
	vm0 =	vlt.s32 v29, $0xC37F  }
0x4b6: {  	v30 =	vld [tilespmem:s6+$0x0]  }
0x4b7: {  	v29 =	vnsel vm0, $0xC37F, v29;
	_ =	sdelay $0x3  }
0x4b8: {  	[tilespmem:s8+$0x19700] =	vst v28;
	v28 =	vadd.s32 v13, v30  }
0x4b9: {  	v29 =	vld.idx.msk [tilespmem:v29+s25+$0x0], $0xffff;
	vm13 =	vlt.s32 v28, $0xC37F  }
0x4ba: {  	v28 =	vnsel vm13, $0xC37F, v28;
	_ =	sdelay $0x3  }
0x4bb: {  	[tilespmem:s7+$0x19700] =	vst v29  }
0x4bc: {  	v28 =	vld.idx.msk [tilespmem:v28+s25+$0x0], $0xffff;
	_ =	sdelay $0x4  }
0x4bd: {  	[tilespmem:s6+$0x19700] =	vst v28  }
0x4be: {  	v29 =	vld [tilespmem:s5+$0x0];
	_ =	sdelay $0x4  }
0x4bf: {  	v30 =	vadd.s32 v27, v29  }
0x4c0: {  	vm14 =	vgt.s32 v30, $0x0  }
0x4c1: {  	v28 =	vld [tilespmem:s4+$0x0];
	v30 =	vnsel vm14, $0x0, v30;
	_ =	sdelay $0x3  }
0x4c2: {  	v31 =	vld [tilespmem:s5+$0x19700]  }
0x4c3: {  	v32 =	vadd.s32 v27, v28;
	v30 =	vld.idx.msk [tilespmem:v30+s26+$0x0], $0xffff  }
0x4c4: {  	vm15 =	vgt.s32 v32, $0x0  }
0x4c5: {  	s7 =	simm.s32 $0xC0;
	s6 =	simm.s32 $0x20;
	v32 =	vnsel vm15, $0x0, v32  }
.LBB2_57:
0x4c6: {  	p5 =	sne.s32 s7, $0x3FC0;
	v33 =	vadd.s32 v13, v29;
	v29 =	vmov v28;
	v28 =	vld [tilespmem:s6+$0x0]  }
0x4c7: {  	vm0 =	vgt.s32 v33, $0xC37F  }
0x4c8: {  	v30 =	vsel vm0, v30, v31  }
.Ltmp30:
0x4c9: {  	[tilespmem:s5+$0x19700] =	vst v30;
	s5 =	smov.u32 s4;
	s4 =	smov.u32 s6;
	(pc) =	sbr.rel @p5 .LBB2_57-.Ltmp30, $4  }
0x4ca: {  	v30 =	vld.idx.msk [tilespmem:v32+s26+$0x0], $0xffff  }
0x4cb: {  	v32 =	vadd.s32 v27, v28;
	v31 =	vld [tilespmem:s5+$0x19700]  }
0x4cc: {  	vm0 =	vgt.s32 v32, $0x0  }
0x4cd: {  	s6 =	sshra.s32 s7, $0x2;
	s7 =	sadd.s32 $0x40, s7;
	v32 =	vnsel vm0, $0x0, v32  }
.Ltmp31:
0x4ce: {  	_ = 	snop;
	(pc) =	sbr.rel .LBB2_58-.Ltmp31, $1  }
0x4cf: {  	_ =	sdelay $0x3  }
.LBB2_60:
0x4d0: {  	_ =	sfence.sel $0x180000  }
0x4d1: {  	[bflag:$0x0] =	sbarrier.arrive $0xFFFF  }
0x4d2: {  	_ =	strace $0x90000047  }
0x4d3: {  	[bflag:$0x2] =	sbarrier.arrive $0xFFFF  }
0x4d4: {  	p0 =	sne.s32 s10, $0x0;
	s0 =	rddreg [dreg:$0x4]  }
0x4d5: {  	s0 =	sadd.s32 @!p0 $0x100000, s0  }
0x4d6: {  	[sflag:s0] =	ssyncadd.tile.s32 @!p0 $0x1;
	_ =	shalt  }
.Lfunc_end2:
_tile_overlayer_lowered:
.L_overlay_start_2:
0x4d7: {  	(tag) =	ssettag $0x2  }
0x4d8: {  	s0 =	rddreg [dreg:$0x0];
	s2 =	stileid.u32  }
0x4d9: {  	s1 =	rddreg [dreg:$0x1];
	p0 =	sne.s32 s2, $0x0  }
0x4da: {  	s3 =	rddreg [dreg:$0x2];
	[bflag:$0x3] =	sbarrier.arrive $0xFFFF;
	s2 =	simm.s32 @!p0 $0x1C05  }
0x4db: {  	[timem:s3], [sflag:s2] =	dma.local @!p0 [hbm:s0], s1  }
0x4dc: {  	s0 =	simm.s32 @!p0 $0x5  }
0x4dd: {  	_ =	swait.ge @!p0 [sflag:s0], s1  }
0x4de: {  	s1 =	ssub.s32 @!p0 $0x0, s1;
	[sflag:s0] =	ssyncset.done @!p0 $0x0  }
0x4df: {  	[sflag:s0] =	ssyncadd.s32 @!p0 s1  }
0x4e0: {  	[bflag:$0x3] =	sbarrier.arrive $0xFFFF  }
0x4e1: {  	_ =	shalt  }

</sc_bundles>
